<compile_context>
chip_gen: v7x
topology: tpu7x:2x2x1
jax: 0.10.2.dev20260603
libtpu: 0.0.44.dev20260713+nightly
codegen_flags: <defaults>
</compile_context>

<pallas_src>
import functools

import jax
import jax.numpy as jnp
from jax import lax
from jax.experimental import pallas as pl
from jax.experimental.pallas import tpu as pltpu
from jax.experimental.pallas import tpu_sc as plsc

NC, NS, LANES = 2, 16, 16
NW = NC * NS

N1, N2 = 2500, 1000
E1, E2 = 160000, 40000
G1, G2 = E1 // 16, E2 // 16
DE = 16

A1_ROWS, A2_ROWS = 2560, 1024
A1_SLOT_ROWS = 640
A2_SLOT_ROWS = 512
REG1 = A1_SLOT_ROWS * N1
REG2 = A2_SLOT_ROWS * N2
ASH = REG1 + 2560
ZSTRIPE = ASH // 80
ECH = 2000
EPT1 = E1 // NS
E2_PAD = 64000
EPT2 = E2_PAD // NS
DST_PAD_VAL = 800000
SE1_GCAP = 157
SE2_GCAP = 79
SE1_ROWS = 2560
SE1_W = SE1_ROWS * DE
SE2_W = 1024 * DE
EA_OFF = 41024

_MESH = plsc.VectorSubcoreMesh(core_axis_name="c", subcore_axis_name="s")


@functools.partial(
    pl.kernel,
    out_type=(
        jax.ShapeDtypeStruct((A1_ROWS * N1,), jnp.float32),
        jax.ShapeDtypeStruct((A2_ROWS * N2,), jnp.float32),
    ),
    mesh=_MESH,
    scratch_types=[
        pltpu.VMEM((20160,), jnp.float32),
        pltpu.VMEM((ECH,), jnp.int32),
        pltpu.VMEM((ECH,), jnp.int32),
        pltpu.VMEM((ECH,), jnp.int32),
        pltpu.VMEM((ECH,), jnp.float32),
        pltpu.VMEM_SHARED((ASH,), jnp.float32),
    ],
    compiler_params=pltpu.CompilerParams(needs_layout_passes=False),
)
def _sc_adj(src1, dst1, src2, dst2, a1_out, a2_out,
            buf, idx_s, idx_d, idx_w, ones_v, ash):
    core = lax.axis_index("c")
    tid = lax.axis_index("s")
    zeros16 = jnp.zeros((16,), jnp.float32)
    ones16 = jnp.ones((16,), jnp.float32)

    def zero_buf(nwords):
        def body(i, _):
            for u in range(10):
                buf[pl.ds(i * 160 + u * 16, 16)] = zeros16
            return 0
        lax.fori_loop(0, nwords // 160, body, 0)

    zero_buf(20160)

    def fill_ones(i, _):
        ones_v[pl.ds(i * 16, 16)] = ones16
        return 0
    lax.fori_loop(0, ECH // 16, fill_ones, 0)

    def adj_round(src, dst, ept, ncols, region, slot, iw, out_ref):
        lo = slot * region
        ureg = jnp.uint32(region)
        for z in range(5):
            pltpu.sync_copy(buf.at[pl.ds(0, ZSTRIPE)],
                            ash.at[pl.ds((tid * 5 + z) * ZSTRIPE, ZSTRIPE)])
        plsc.subcore_barrier()

        def chunk_body(c, _):
            tbase = tid * ept + c * ECH
            pltpu.sync_copy(src.at[pl.ds(tbase, ECH)], idx_s)
            pltpu.sync_copy(dst.at[pl.ds(tbase, ECH)], idx_d)

            def vec_body(k, _):
                s = idx_s[pl.ds(k * 16, 16)]
                d = idx_d[pl.ds(k * 16, 16)]
                local = d * ncols + s - lo
                valid = plsc.bitcast(local, jnp.uint32) < ureg
                iw[pl.ds(k * 16, 16)] = jnp.where(valid, local, region + s)
                return 0
            lax.fori_loop(0, ECH // 16, vec_body, 0)
            pltpu.sync_copy(ones_v, ash.at[iw], add=True)
            return 0
        lax.fori_loop(0, ept // ECH, chunk_body, 0)
        plsc.subcore_barrier()
        ostripe = region // 16
        sub = region // 80
        for z in range(5):
            off = tid * ostripe + z * sub
            pltpu.sync_copy(ash.at[pl.ds(off, sub)],
                            buf.at[pl.ds(0, sub)])
            pltpu.sync_copy(buf.at[pl.ds(0, sub)],
                            out_ref.at[pl.ds(lo + off, sub)])
        zero_buf(20160)
        plsc.subcore_barrier()

    def a1_round(r, _):
        adj_round(src1, dst1, EPT1, N1, REG1, r * NC + core, idx_w, a1_out)
        return 0
    lax.fori_loop(0, 2, a1_round, 0)
    adj_round(src2, dst2, EPT2, N2, REG2, core, idx_w, a2_out)


@functools.partial(
    pl.kernel,
    out_type=(
        jax.ShapeDtypeStruct((NW * SE1_W,), jnp.float32),
        jax.ShapeDtypeStruct((NW * SE2_W,), jnp.float32),
    ),
    mesh=_MESH,
    scratch_types=[
        pltpu.VMEM((81280,), jnp.float32),
        pltpu.VMEM((2512,), jnp.int32),
    ],
    compiler_params=pltpu.CompilerParams(needs_layout_passes=False),
)
def _sc_se(dst1, ea1, dst2, ea2, se1_out, se2_out, buf, idx_d):
    core = lax.axis_index("c")
    tid = lax.axis_index("s")
    wid = tid * NC + core
    zeros16 = jnp.zeros((16,), jnp.float32)
    lane = lax.iota(jnp.int32, 16)

    def zero_buf(nwords):
        def body(i, _):
            for u in range(10):
                buf[pl.ds(i * 160 + u * 16, 16)] = zeros16
            return 0
        lax.fori_loop(0, nwords // 160, body, 0)

    def se_phase(dst, ea, groups, gcap, nchunk, nrows, out_ref):
        g0 = (wid * groups) // NW
        g1 = ((wid + 1) * groups) // NW
        priv_w = nrows * DE
        zero_buf(priv_w)
        priv = buf.at[pl.ds(0, priv_w)]
        ea_stage = buf.at[pl.ds(EA_OFF, gcap * 256)]
        for c in range(nchunk):
            start = g0 + c * gcap
            gb = jnp.minimum(start, groups - gcap)
            pltpu.sync_copy(dst.at[pl.ds(gb * 16, gcap * 16)],
                            idx_d.at[pl.ds(0, gcap * 16)])
            pltpu.sync_copy(ea.at[pl.ds(gb * 256, gcap * 256)], ea_stage)

            def g_body(k, _):
                d = idx_d[pl.ds(k * 16, 16)]
                g = gb + k
                scale = jnp.where((g >= start) & (g < g1),
                                  jnp.float32(1.0), jnp.float32(0.0))
                dm = jnp.minimum(d, nrows - 1)
                for e in range(16):
                    d_e = jnp.sum(jnp.where(lane == e, dm, 0))
                    vals = ea_stage[pl.ds((k * 16 + e) * 16, 16)]
                    plsc.addupdate(priv.at[pl.ds(d_e * DE, DE)],
                                   vals * scale)
                return 0
            lax.fori_loop(0, gcap, g_body, 0)
        pltpu.sync_copy(priv, out_ref.at[pl.ds(wid * priv_w, priv_w)])

    se_phase(dst1, ea1, G1, SE1_GCAP, 2, SE1_ROWS, se1_out)
    se_phase(dst2, ea2, G2, SE2_GCAP, 1, 1024, se2_out)



_TC1_BLK = 512
_TC1_GRID = A1_ROWS // _TC1_BLK


def _bdot(a, b):
    return jnp.dot(a.astype(jnp.bfloat16), b.astype(jnp.bfloat16),
                   preferred_element_type=jnp.float32)


def _make_sered(width):
    def body(p_ref, o_ref):
        v = p_ref[...]
        acc = v[0:width]
        for w in range(1, NW):
            acc = acc + v[w * width:(w + 1) * width]
        o_ref[...] = acc

    return pl.pallas_call(
        body,
        out_shape=jax.ShapeDtypeStruct((width,), jnp.float32),
    )


_sered1 = _make_sered(SE1_W)
_sered2 = _make_sered(SE2_W)


def _tc1a_body(a1, x_full, x_blk, wself, b1, sinv_out, inv_out, t0_out):
    A = a1[...]
    S = _bdot(A, x_full[...])
    cnt = jnp.sum(A, axis=1, keepdims=True)
    inv = 1.0 / jnp.maximum(cnt, 1.0)
    sinv_out[...] = S * inv
    inv_out[...] = jnp.broadcast_to(inv, inv_out.shape)
    t0_out[...] = _bdot(x_blk[...], wself[...]) + b1[...]


_tc1a = pl.pallas_call(
    _tc1a_body,
    grid=(_TC1_GRID,),
    in_specs=[
        pl.BlockSpec((_TC1_BLK, N1), lambda i: (i, 0)),
        pl.BlockSpec((N1, 256), lambda i: (0, 0)),
        pl.BlockSpec((_TC1_BLK, 256), lambda i: (i, 0)),
        pl.BlockSpec((256, 1500), lambda i: (0, 0)),
        pl.BlockSpec((1, 1500), lambda i: (0, 0)),
    ],
    out_specs=[
        pl.BlockSpec((_TC1_BLK, 256), lambda i: (i, 0)),
        pl.BlockSpec((_TC1_BLK, 128), lambda i: (i, 0)),
        pl.BlockSpec((_TC1_BLK, 1500), lambda i: (i, 0)),
    ],
    out_shape=[
        jax.ShapeDtypeStruct((A1_ROWS, 256), jnp.float32),
        jax.ShapeDtypeStruct((A1_ROWS, 128), jnp.float32),
        jax.ShapeDtypeStruct((A1_ROWS, 1500), jnp.float32),
    ],
    compiler_params=pltpu.CompilerParams(dimension_semantics=("parallel",)),
)


def _tc1b_body(sinv, invb, se1, t0, wn1x, wn1e, gsc, beta, h_out):
    inv = invb[...][:, :1]
    t = _bdot(sinv[...], wn1x[...])
    t = t + jnp.dot(se1[...] * inv, wn1e[...],
                    preferred_element_type=jnp.float32)
    t = t + t0[...]
    h_out[...] = (jnp.maximum(t, 0.0) * gsc[...] + beta[...]).astype(
        jnp.bfloat16)


_tc1b = pl.pallas_call(
    _tc1b_body,
    grid=(_TC1_GRID,),
    in_specs=[
        pl.BlockSpec((_TC1_BLK, 256), lambda i: (i, 0)),
        pl.BlockSpec((_TC1_BLK, 128), lambda i: (i, 0)),
        pl.BlockSpec((_TC1_BLK, DE), lambda i: (i, 0)),
        pl.BlockSpec((_TC1_BLK, 1500), lambda i: (i, 0)),
        pl.BlockSpec((256, 1500), lambda i: (0, 0)),
        pl.BlockSpec((DE, 1500), lambda i: (0, 0)),
        pl.BlockSpec((1, 1500), lambda i: (0, 0)),
        pl.BlockSpec((1, 1500), lambda i: (0, 0)),
    ],
    out_specs=pl.BlockSpec((_TC1_BLK, 1500), lambda i: (i, 0)),
    out_shape=jax.ShapeDtypeStruct((A1_ROWS, 1500), jnp.bfloat16),
    compiler_params=pltpu.CompilerParams(dimension_semantics=("parallel",)),
)


def _tc2_body(a2, h1k, se2, wn2h, wn2e, wself2, b2, out):
    A = a2[...]
    H = h1k[...]
    P = _bdot(H, wn2h[...])
    G = _bdot(A, P)
    cnt = jnp.sum(A, axis=1, keepdims=True)
    inv = 1.0 / jnp.maximum(cnt, 1.0)
    o = (G * inv
         + jnp.dot(se2[...] * inv, wn2e[...],
                   preferred_element_type=jnp.float32)
         + _bdot(H, wself2[...])
         + b2[...])
    m = jnp.max(o, axis=1, keepdims=True)
    e = jnp.exp(o - m)
    out[...] = (o - m) - jnp.log(jnp.sum(e, axis=1, keepdims=True))


_tc2 = pl.pallas_call(
    _tc2_body,
    grid=(1,),
    in_specs=[
        pl.BlockSpec((N2, N2), lambda i: (0, 0)),
        pl.BlockSpec((N2, 1500), lambda i: (0, 0)),
        pl.BlockSpec((N2, DE), lambda i: (0, 0)),
        pl.BlockSpec((1500, 128), lambda i: (0, 0)),
        pl.BlockSpec((DE, 128), lambda i: (0, 0)),
        pl.BlockSpec((1500, 128), lambda i: (0, 0)),
        pl.BlockSpec((1, 128), lambda i: (0, 0)),
    ],
    out_specs=pl.BlockSpec((N2, 128), lambda i: (0, 0)),
    out_shape=jax.ShapeDtypeStruct((N2, 128), jnp.float32),
)


def kernel(x, res_size1, edge_index1, edge_attr1, res_size2, edge_index2,
           edge_attr2, W_nbr1, W_self1, b1, gamma, beta, W_nbr2, W_self2, b2):
    src1 = edge_index1[0].astype(jnp.int32)
    dst1 = edge_index1[1].astype(jnp.int32)
    src2 = jnp.concatenate([edge_index2[0].astype(jnp.int32),
                            jnp.arange(E2_PAD - E2, dtype=jnp.int32) % N2])
    dst2 = jnp.pad(edge_index2[1].astype(jnp.int32), (0, E2_PAD - E2),
                   constant_values=DST_PAD_VAL)
    ea1 = edge_attr1.reshape(-1)
    ea2 = edge_attr2.reshape(-1)

    a1f, a2f = _sc_adj(src1, dst1, src2, dst2)
    se1f, se2f = _sc_se(dst1, ea1, dst2, ea2)
    A1 = a1f.reshape(A1_ROWS, N1)
    A2 = a2f.reshape(A2_ROWS, N2)
    SE1 = _sered1(se1f).reshape(SE1_ROWS, DE)
    SE2 = _sered2(se2f).reshape(1024, DE)

    x25 = jnp.pad(x[:N1], ((0, A1_ROWS - N1), (0, 0)))
    gscale = (gamma * (1.0 / jnp.sqrt(jnp.float32(1.0 + 1e-5))))[None]

    sinv, invb, t0 = _tc1a(A1, x25[:N1], x25, W_self1, b1[None])
    h = _tc1b(sinv, invb, SE1, t0, W_nbr1[:256], W_nbr1[256:], gscale,
              beta[None])
    out = _tc2(A2, h, SE2, W_nbr2[:1500], W_nbr2[1500:], W_self2,
               b2[None])
    return out

# --- scband reference (transcript-rebuilt; emitter-appended) ---
"""Pipeline reference for scband-sagenet-with-edges-33509334843590 (READ-ONLY COPY).

The authoritative reference and input builder live on the scoring server;
editing this copy changes nothing except your own understanding.
"""

import jax, jax.numpy as jnp
import numpy as np


def _sage_conv(x, res_size, static_size, edge_index, edge_attr, W_nbr, W_self, b):
    src = edge_index[0]
    dst = edge_index[1] + (res_size - static_size)
    msg = jnp.concatenate([x[src], edge_attr], axis=1)
    summed = jax.ops.segment_sum(msg, dst, num_segments=static_size)
    cnt = jax.ops.segment_sum(jnp.ones((edge_index.shape[1],), dtype=x.dtype), dst, num_segments=static_size)
    mean = summed / jnp.clip(cnt, 1.0, None)[:, None]
    return mean @ W_nbr + x[:static_size] @ W_self + b


def setup_inputs(seed: int = 0):
    key = jax.random.key(seed)
    ks = jax.random.split(key, 12)
    N = 10000; D = 256; DE = 16; H = 1500; C = 128
    E1 = 160000; E2 = 40000; R1 = 2500; R2 = 1000
    x = jax.random.normal(ks[0], (N, D), jnp.float32)
    edge_index1 = jax.random.randint(ks[1], (2, E1), 0, R1)
    edge_attr1 = jax.random.normal(ks[2], (E1, DE), jnp.float32)
    edge_index2 = jax.random.randint(ks[3], (2, E2), 0, R2)
    edge_attr2 = jax.random.normal(ks[4], (E2, DE), jnp.float32)
    s1 = 1.0 / np.sqrt(D + DE); s2 = 1.0 / np.sqrt(D)
    s3 = 1.0 / np.sqrt(H + DE); s4 = 1.0 / np.sqrt(H)
    W_nbr1 = jax.random.uniform(ks[5], (D + DE, H), jnp.float32, -s1, s1)
    W_self1 = jax.random.uniform(ks[6], (D, H), jnp.float32, -s2, s2)
    b1 = jax.random.uniform(ks[7], (H,), jnp.float32, -s1, s1)
    gamma = jnp.ones((H,), jnp.float32)
    beta = jnp.zeros((H,), jnp.float32)
    W_nbr2 = jax.random.uniform(ks[8], (H + DE, C), jnp.float32, -s3, s3)
    W_self2 = jax.random.uniform(ks[9], (H, C), jnp.float32, -s4, s4)
    b2 = jax.random.uniform(ks[10], (C,), jnp.float32, -s3, s3)
    return {"x": x, "res_size1": R1, "edge_index1": edge_index1, "edge_attr1": edge_attr1,
            "res_size2": R2, "edge_index2": edge_index2, "edge_attr2": edge_attr2,
            "W_nbr1": W_nbr1, "W_self1": W_self1, "b1": b1, "gamma": gamma, "beta": beta,
            "W_nbr2": W_nbr2, "W_self2": W_self2, "b2": b2}


def reference(x, res_size1, edge_index1, edge_attr1, res_size2, edge_index2, edge_attr2,
              W_nbr1, W_self1, b1, gamma, beta, W_nbr2, W_self2, b2):
    h = _sage_conv(x, res_size1, 2500, edge_index1, edge_attr1, W_nbr1, W_self1, b1)
    h = jax.nn.relu(h)
    # dropout disabled (eval); BatchNorm1d in eval mode with running_mean=0, running_var=1
    h = h / jnp.sqrt(1.0 + 1e-5) * gamma + beta
    out = _sage_conv(h, res_size2, 1000, edge_index2, edge_attr2, W_nbr2, W_self2, b2)
    return jax.nn.log_softmax(out, axis=1)

if __name__ == "__main__":
    import jax
    _d = setup_inputs()
    print(jax.jit(kernel)(*tuple(_d.values())))

</pallas_src>

<mosaic_0001>
#map = affine_map<(d0, d1) -> (0)>
module attributes {stable_mosaic.version = 14 : i64} {
  func.func @_sc_se(%arg0: i32, %arg1: i32, %arg2: memref<160000xi32, #tpu.memory_space<hbm>>, %arg3: memref<2560000xf32, #tpu.memory_space<hbm>>, %arg4: memref<64000xi32, #tpu.memory_space<hbm>>, %arg5: memref<640000xf32, #tpu.memory_space<hbm>>, %arg6: memref<1310720xf32, #tpu.memory_space<hbm>>, %arg7: memref<524288xf32, #tpu.memory_space<hbm>>, %arg8: memref<81280xf32, #tpu.memory_space<vmem>>, %arg9: memref<2512xi32, #tpu.memory_space<vmem>>) attributes {dimension_semantics = [#tpu.dimension_semantics<core_parallel>, #tpu.dimension_semantics<subcore_parallel>], iteration_bounds = array<i64: 2, 16>, scalar_prefetch = 0 : i64, scratch_operands = 2 : i64, tpu.core_type = #tpu.core_type<sc_vector_subcore>, window_params = [{transform_indices = #map}, {transform_indices = #map}, {transform_indices = #map}, {transform_indices = #map}, {transform_indices = #map}, {transform_indices = #map}]} {
    %mul3A = arith.constant 2 : i32
    %mul3A_0 = arith.muli %arg1, %mul3A : i32
    %add3A = arith.addi %mul3A_0, %arg0 : i32
    %broadcast_in_dim3A = arith.constant 0.000000e+00 : f32
    %broadcast_in_dim3A_1 = vector.broadcast %broadcast_in_dim3A : f32 to vector<16xf32>
    %iota3A = tpu.iota {dimensions = array<i32: 0>} : vector<16xi32>
    %mul3A_2 = arith.constant 10000 : i32
    %mul3A_3 = arith.muli %add3A, %mul3A_2 : i32
    %jit3A = arith.constant 32 : i32
    %div3A = arith.divsi %mul3A_3, %jit3A : i32
    %sign3A = arith.constant 0 : i32
    %sign3A_4 = arith.cmpi sgt, %mul3A_3, %sign3A : i32
    %sign3A_5 = arith.extui %sign3A_4 : i1 to i32
    %sign3A_6 = arith.constant 0 : i32
    %sign3A_7 = arith.cmpi slt, %mul3A_3, %sign3A_6 : i32
    %sign3A_8 = arith.extui %sign3A_7 : i1 to i32
    %sign3A_9 = arith.subi %sign3A_5, %sign3A_8 : i32
    %sign3A_10 = arith.constant 0 : i32
    %sign3A_11 = arith.cmpi sgt, %jit3A, %sign3A_10 : i32
    %sign3A_12 = arith.extui %sign3A_11 : i1 to i32
    %sign3A_13 = arith.constant 0 : i32
    %sign3A_14 = arith.cmpi slt, %jit3A, %sign3A_13 : i32
    %sign3A_15 = arith.extui %sign3A_14 : i1 to i32
    %sign3A_16 = arith.subi %sign3A_12, %sign3A_15 : i32
    %ne3A = arith.cmpi ne, %sign3A_9, %sign3A_16 : i32
    %rem3A = arith.remsi %mul3A_3, %jit3A : i32
    %ne3A_17 = arith.constant 0 : i32
    %ne3A_18 = arith.cmpi ne, %rem3A, %ne3A_17 : i32
    %and3A = arith.andi %ne3A, %ne3A_18 : i1
    %sub3A = arith.constant 1 : i32
    %sub3A_19 = arith.subi %div3A, %sub3A : i32
    %select_n3A = arith.select %and3A, %sub3A_19, %div3A : i32
    %add3A_20 = arith.constant 1 : i32
    %add3A_21 = arith.addi %add3A, %add3A_20 : i32
    %mul3A_22 = arith.constant 10000 : i32
    %mul3A_23 = arith.muli %add3A_21, %mul3A_22 : i32
    %jit3A_24 = arith.constant 32 : i32
    %div3A_25 = arith.divsi %mul3A_23, %jit3A_24 : i32
    %sign3A_26 = arith.constant 0 : i32
    %sign3A_27 = arith.cmpi sgt, %mul3A_23, %sign3A_26 : i32
    %sign3A_28 = arith.extui %sign3A_27 : i1 to i32
    %sign3A_29 = arith.constant 0 : i32
    %sign3A_30 = arith.cmpi slt, %mul3A_23, %sign3A_29 : i32
    %sign3A_31 = arith.extui %sign3A_30 : i1 to i32
    %sign3A_32 = arith.subi %sign3A_28, %sign3A_31 : i32
    %sign3A_33 = arith.constant 0 : i32
    %sign3A_34 = arith.cmpi sgt, %jit3A_24, %sign3A_33 : i32
    %sign3A_35 = arith.extui %sign3A_34 : i1 to i32
    %sign3A_36 = arith.constant 0 : i32
    %sign3A_37 = arith.cmpi slt, %jit3A_24, %sign3A_36 : i32
    %sign3A_38 = arith.extui %sign3A_37 : i1 to i32
    %sign3A_39 = arith.subi %sign3A_35, %sign3A_38 : i32
    %ne3A_40 = arith.cmpi ne, %sign3A_32, %sign3A_39 : i32
    %rem3A_41 = arith.remsi %mul3A_23, %jit3A_24 : i32
    %ne3A_42 = arith.constant 0 : i32
    %ne3A_43 = arith.cmpi ne, %rem3A_41, %ne3A_42 : i32
    %and3A_44 = arith.andi %ne3A_40, %ne3A_43 : i1
    %sub3A_45 = arith.constant 1 : i32
    %sub3A_46 = arith.subi %div3A_25, %sub3A_45 : i32
    %select_n3A_47 = arith.select %and3A_44, %sub3A_46, %div3A_25 : i32
    %scan3A = arith.constant 0 : i32
    %scan3A_48 = arith.constant 0 : i32
    %scan3A_49 = arith.constant 256 : i32
    %scan3A_50 = arith.addi %scan3A_48, %scan3A_49 : i32
    %scan3A_51 = arith.constant 1 : i32
    %scan3A_52 = scf.for %scan3A_163 = %scan3A_48 to %scan3A_50 step %scan3A_51 iter_args(%scan3A_164 = %scan3A) -> (i32)  : i32 {
      %mul3A_165 = arith.constant 160 : i32
      %mul3A_166 = arith.muli %scan3A_163, %mul3A_165 : i32
      %add3A_167 = arith.constant 0 : i32
      %add3A_168 = arith.addi %mul3A_166, %add3A_167 : i32
      %swap3A = arith.index_cast %add3A_168 : i32 to index
      %swap3A_169 = tpu.vector_load %arg8[%swap3A] {strides = array<i32>} : memref<81280xf32, #tpu.memory_space<vmem>>, vector<16xf32>,
      tpu.vector_store %arg8[%swap3A], %broadcast_in_dim3A_1 {strides = array<i32>} : memref<81280xf32, #tpu.memory_space<vmem>>, vector<16xf32>,
      %mul3A_170 = arith.constant 160 : i32
      %mul3A_171 = arith.muli %scan3A_163, %mul3A_170 : i32
      %add3A_172 = arith.constant 16 : i32
      %add3A_173 = arith.addi %mul3A_171, %add3A_172 : i32
      %swap3A_174 = arith.index_cast %add3A_173 : i32 to index
      %swap3A_175 = tpu.vector_load %arg8[%swap3A_174] {strides = array<i32>} : memref<81280xf32, #tpu.memory_space<vmem>>, vector<16xf32>,
      tpu.vector_store %arg8[%swap3A_174], %broadcast_in_dim3A_1 {strides = array<i32>} : memref<81280xf32, #tpu.memory_space<vmem>>, vector<16xf32>,
      %mul3A_176 = arith.constant 160 : i32
      %mul3A_177 = arith.muli %scan3A_163, %mul3A_176 : i32
      %add3A_178 = arith.constant 32 : i32
      %add3A_179 = arith.addi %mul3A_177, %add3A_178 : i32
      %swap3A_180 = arith.index_cast %add3A_179 : i32 to index
      %swap3A_181 = tpu.vector_load %arg8[%swap3A_180] {strides = array<i32>} : memref<81280xf32, #tpu.memory_space<vmem>>, vector<16xf32>,
      tpu.vector_store %arg8[%swap3A_180], %broadcast_in_dim3A_1 {strides = array<i32>} : memref<81280xf32, #tpu.memory_space<vmem>>, vector<16xf32>,
      %mul3A_182 = arith.constant 160 : i32
      %mul3A_183 = arith.muli %scan3A_163, %mul3A_182 : i32
      %add3A_184 = arith.constant 48 : i32
      %add3A_185 = arith.addi %mul3A_183, %add3A_184 : i32
      %swap3A_186 = arith.index_cast %add3A_185 : i32 to index
      %swap3A_187 = tpu.vector_load %arg8[%swap3A_186] {strides = array<i32>} : memref<81280xf32, #tpu.memory_space<vmem>>, vector<16xf32>,
      tpu.vector_store %arg8[%swap3A_186], %broadcast_in_dim3A_1 {strides = array<i32>} : memref<81280xf32, #tpu.memory_space<vmem>>, vector<16xf32>,
      %mul3A_188 = arith.constant 160 : i32
      %mul3A_189 = arith.muli %scan3A_163, %mul3A_188 : i32
      %add3A_190 = arith.constant 64 : i32
      %add3A_191 = arith.addi %mul3A_189, %add3A_190 : i32
      %swap3A_192 = arith.index_cast %add3A_191 : i32 to index
      %swap3A_193 = tpu.vector_load %arg8[%swap3A_192] {strides = array<i32>} : memref<81280xf32, #tpu.memory_space<vmem>>, vector<16xf32>,
      tpu.vector_store %arg8[%swap3A_192], %broadcast_in_dim3A_1 {strides = array<i32>} : memref<81280xf32, #tpu.memory_space<vmem>>, vector<16xf32>,
      %mul3A_194 = arith.constant 160 : i32
      %mul3A_195 = arith.muli %scan3A_163, %mul3A_194 : i32
      %add3A_196 = arith.constant 80 : i32
      %add3A_197 = arith.addi %mul3A_195, %add3A_196 : i32
      %swap3A_198 = arith.index_cast %add3A_197 : i32 to index
      %swap3A_199 = tpu.vector_load %arg8[%swap3A_198] {strides = array<i32>} : memref<81280xf32, #tpu.memory_space<vmem>>, vector<16xf32>,
      tpu.vector_store %arg8[%swap3A_198], %broadcast_in_dim3A_1 {strides = array<i32>} : memref<81280xf32, #tpu.memory_space<vmem>>, vector<16xf32>,
      %mul3A_200 = arith.constant 160 : i32
      %mul3A_201 = arith.muli %scan3A_163, %mul3A_200 : i32
      %add3A_202 = arith.constant 96 : i32
      %add3A_203 = arith.addi %mul3A_201, %add3A_202 : i32
      %swap3A_204 = arith.index_cast %add3A_203 : i32 to index
      %swap3A_205 = tpu.vector_load %arg8[%swap3A_204] {strides = array<i32>} : memref<81280xf32, #tpu.memory_space<vmem>>, vector<16xf32>,
      tpu.vector_store %arg8[%swap3A_204], %broadcast_in_dim3A_1 {strides = array<i32>} : memref<81280xf32, #tpu.memory_space<vmem>>, vector<16xf32>,
      %mul3A_206 = arith.constant 160 : i32
      %mul3A_207 = arith.muli %scan3A_163, %mul3A_206 : i32
      %add3A_208 = arith.constant 112 : i32
      %add3A_209 = arith.addi %mul3A_207, %add3A_208 : i32
      %swap3A_210 = arith.index_cast %add3A_209 : i32 to index
      %swap3A_211 = tpu.vector_load %arg8[%swap3A_210] {strides = array<i32>} : memref<81280xf32, #tpu.memory_space<vmem>>, vector<16xf32>,
      tpu.vector_store %arg8[%swap3A_210], %broadcast_in_dim3A_1 {strides = array<i32>} : memref<81280xf32, #tpu.memory_space<vmem>>, vector<16xf32>,
      %mul3A_212 = arith.constant 160 : i32
      %mul3A_213 = arith.muli %scan3A_163, %mul3A_212 : i32
      %add3A_214 = arith.constant 128 : i32
      %add3A_215 = arith.addi %mul3A_213, %add3A_214 : i32
      %swap3A_216 = arith.index_cast %add3A_215 : i32 to index
      %swap3A_217 = tpu.vector_load %arg8[%swap3A_216] {strides = array<i32>} : memref<81280xf32, #tpu.memory_space<vmem>>, vector<16xf32>,
      tpu.vector_store %arg8[%swap3A_216], %broadcast_in_dim3A_1 {strides = array<i32>} : memref<81280xf32, #tpu.memory_space<vmem>>, vector<16xf32>,
      %mul3A_218 = arith.constant 160 : i32
      %mul3A_219 = arith.muli %scan3A_163, %mul3A_218 : i32
      %add3A_220 = arith.constant 144 : i32
      %add3A_221 = arith.addi %mul3A_219, %add3A_220 : i32
      %swap3A_222 = arith.index_cast %add3A_221 : i32 to index
      %swap3A_223 = tpu.vector_load %arg8[%swap3A_222] {strides = array<i32>} : memref<81280xf32, #tpu.memory_space<vmem>>, vector<16xf32>,
      tpu.vector_store %arg8[%swap3A_222], %broadcast_in_dim3A_1 {strides = array<i32>} : memref<81280xf32, #tpu.memory_space<vmem>>, vector<16xf32>,
      %scan3A_224 = arith.constant 0 : i32
      scf.yield %scan3A_224 : i32
    }
    %scan3A_53 = arith.constant 256 : i32
    %add3A_54 = arith.constant 0 : i32
    %add3A_55 = arith.addi %select_n3A, %add3A_54 : i32
    %min3A = arith.constant 9843 : i32
    %min3A_56 = arith.minsi %add3A_55, %min3A : i32
    %mul3A_57 = arith.constant 16 : i32
    %mul3A_58 = arith.muli %min3A_56, %mul3A_57 : i32
    "tpu.region"() ({
      %run_scoped3A = tpu.sem_alloc : memref<!tpu.dma_semaphore, #tpu.memory_space<semaphore_mem>>
      %dma_start3A = arith.constant 0 : i32
      %dma_start3A_163 = tpu.memref_slice %arg9[%dma_start3A] : memref<2512xi32, #tpu.memory_space<vmem>> -> memref<2512xi32, #tpu.memory_space<vmem>>
      %dma_start3A_164 = tpu.memref_slice %arg2[%mul3A_58] : memref<160000xi32, #tpu.memory_space<hbm>> -> memref<2512xi32, #tpu.memory_space<hbm>>
      %dma_start3A_165 = arith.constant 0 : i32
      %dma_start3A_166 = tpu.memref_slice %arg9[%dma_start3A_165] : memref<2512xi32, #tpu.memory_space<vmem>> -> memref<2512xi32, #tpu.memory_space<vmem>>
      %dma_start3A_167 = tpu.memref_slice %arg2[%mul3A_58] : memref<160000xi32, #tpu.memory_space<hbm>> -> memref<2512xi32, #tpu.memory_space<hbm>>
      tpu.enqueue_dma source(%dma_start3A_167 : memref<2512xi32, #tpu.memory_space<hbm>>) target(%dma_start3A_166 : memref<2512xi32, #tpu.memory_space<vmem>>) target_semaphore(%run_scoped3A : memref<!tpu.dma_semaphore, #tpu.memory_space<semaphore_mem>>)
      %dma_wait3A = arith.constant 0 : i32
      %dma_wait3A_168 = tpu.memref_slice %arg9[%dma_wait3A] : memref<2512xi32, #tpu.memory_space<vmem>> -> memref<2512xi32, #tpu.memory_space<vmem>>
      %dma_wait3A_169 = tpu.memref_slice %arg2[%mul3A_58] : memref<160000xi32, #tpu.memory_space<hbm>> -> memref<2512xi32, #tpu.memory_space<hbm>>
      %dma_wait3A_170 = arith.constant 0 : i32
      %dma_wait3A_171 = tpu.memref_slice %arg9[%dma_wait3A_170] : memref<2512xi32, #tpu.memory_space<vmem>> -> memref<2512xi32, #tpu.memory_space<vmem>>
      %dma_wait3A_172 = tpu.memref_slice %arg2[%mul3A_58] : memref<160000xi32, #tpu.memory_space<hbm>> -> memref<2512xi32, #tpu.memory_space<hbm>>
      tpu.wait_dma2 semaphore(%run_scoped3A : memref<!tpu.dma_semaphore, #tpu.memory_space<semaphore_mem>>) src(%dma_wait3A_172 : memref<2512xi32, #tpu.memory_space<hbm>>) dst(%dma_wait3A_171 : memref<2512xi32, #tpu.memory_space<vmem>>)
      tpu.yield
    }) : () -> ()
    %mul3A_59 = arith.constant 256 : i32
    %mul3A_60 = arith.muli %min3A_56, %mul3A_59 : i32
    "tpu.region"() ({
      %run_scoped3A = tpu.sem_alloc : memref<!tpu.dma_semaphore, #tpu.memory_space<semaphore_mem>>
      %dma_start3A = arith.constant 41024 : i32
      %dma_start3A_163 = tpu.memref_slice %arg8[%dma_start3A] : memref<81280xf32, #tpu.memory_space<vmem>> -> memref<40192xf32, #tpu.memory_space<vmem>>
      %dma_start3A_164 = tpu.memref_slice %arg3[%mul3A_60] : memref<2560000xf32, #tpu.memory_space<hbm>> -> memref<40192xf32, #tpu.memory_space<hbm>>
      %dma_start3A_165 = arith.constant 41024 : i32
      %dma_start3A_166 = tpu.memref_slice %arg8[%dma_start3A_165] : memref<81280xf32, #tpu.memory_space<vmem>> -> memref<40192xf32, #tpu.memory_space<vmem>>
      %dma_start3A_167 = tpu.memref_slice %arg3[%mul3A_60] : memref<2560000xf32, #tpu.memory_space<hbm>> -> memref<40192xf32, #tpu.memory_space<hbm>>
      tpu.enqueue_dma source(%dma_start3A_167 : memref<40192xf32, #tpu.memory_space<hbm>>) target(%dma_start3A_166 : memref<40192xf32, #tpu.memory_space<vmem>>) target_semaphore(%run_scoped3A : memref<!tpu.dma_semaphore, #tpu.memory_space<semaphore_mem>>)
      %dma_wait3A = arith.constant 41024 : i32
      %dma_wait3A_168 = tpu.memref_slice %arg8[%dma_wait3A] : memref<81280xf32, #tpu.memory_space<vmem>> -> memref<40192xf32, #tpu.memory_space<vmem>>
      %dma_wait3A_169 = tpu.memref_slice %arg3[%mul3A_60] : memref<2560000xf32, #tpu.memory_space<hbm>> -> memref<40192xf32, #tpu.memory_space<hbm>>
      %dma_wait3A_170 = arith.constant 41024 : i32
      %dma_wait3A_171 = tpu.memref_slice %arg8[%dma_wait3A_170] : memref<81280xf32, #tpu.memory_space<vmem>> -> memref<40192xf32, #tpu.memory_space<vmem>>
      %dma_wait3A_172 = tpu.memref_slice %arg3[%mul3A_60] : memref<2560000xf32, #tpu.memory_space<hbm>> -> memref<40192xf32, #tpu.memory_space<hbm>>
      tpu.wait_dma2 semaphore(%run_scoped3A : memref<!tpu.dma_semaphore, #tpu.memory_space<semaphore_mem>>) src(%dma_wait3A_172 : memref<40192xf32, #tpu.memory_space<hbm>>) dst(%dma_wait3A_171 : memref<40192xf32, #tpu.memory_space<vmem>>)
      tpu.yield
    }) : () -> ()
    %scan3A_61 = arith.constant 0 : i32
    %scan3A_62 = arith.constant 0 : i32
    %scan3A_63 = arith.constant 157 : i32
    %scan3A_64 = arith.addi %scan3A_62, %scan3A_63 : i32
    %scan3A_65 = arith.constant 1 : i32
    %scan3A_66 = scf.for %scan3A_163 = %scan3A_62 to %scan3A_64 step %scan3A_65 iter_args(%scan3A_164 = %scan3A_61) -> (i32)  : i32 {
      %mul3A_165 = arith.constant 16 : i32
      %mul3A_166 = arith.muli %scan3A_163, %mul3A_165 : i32
      %get3A = arith.index_cast %mul3A_166 : i32 to index
      %get3A_167 = tpu.vector_load %arg9[%get3A] {strides = array<i32>} : memref<2512xi32, #tpu.memory_space<vmem>>, vector<16xi32>,
      %add3A_168 = arith.addi %min3A_56, %scan3A_163 : i32
      %ge3A = arith.cmpi sge, %add3A_168, %add3A_55 : i32
      %lt3A = arith.cmpi slt, %add3A_168, %select_n3A_47 : i32
      %and3A_169 = arith.andi %ge3A, %lt3A : i1
      %jit3A_170 = arith.constant 1.000000e+00 : f32
      %jit3A_171 = arith.constant 0.000000e+00 : f32
      %select_n3A_172 = arith.select %and3A_169, %jit3A_170, %jit3A_171 : f32
      %min3A_173 = arith.constant 2559 : i32
      %min3A_174 = vector.broadcast %min3A_173 : i32 to vector<16xi32>
      %min3A_175 = arith.minsi %get3A_167, %min3A_174 : vector<16xi32>
      %eq3A = arith.constant 0 : i32
      %eq3A_176 = vector.broadcast %eq3A : i32 to vector<16xi32>
      %eq3A_177 = arith.cmpi eq, %iota3A, %eq3A_176 : vector<16xi32>
      %jit3A_178 = arith.constant 0 : i32
      %broadcast_in_dim3A_179 = vector.broadcast %jit3A_178 : i32 to vector<16xi32>
      %select_n3A_180 = arith.select %eq3A_177, %min3A_175, %broadcast_in_dim3A_179 : vector<16xi1>, vector<16xi32>
      %reduce_sum3A = arith.constant true
      %reduce_sum3A_181 = vector.broadcast %reduce_sum3A : i1 to vector<16xi1>
      %reduce_sum3A_182 = tpu.scan <sum>, %select_n3A_180 masked %reduce_sum3A_181 : vector<16xi32>, vector<16xi1> -> vector<16xi32>
      %reduce_sum3A_183 = vector.extract %reduce_sum3A_182[15] : i32 from vector<16xi32>
      %mul3A_184 = arith.constant 16 : i32
      %mul3A_185 = arith.muli %scan3A_163, %mul3A_184 : i32
      %add3A_186 = arith.constant 0 : i32
      %add3A_187 = arith.addi %mul3A_185, %add3A_186 : i32
      %mul3A_188 = arith.constant 16 : i32
      %mul3A_189 = arith.muli %add3A_187, %mul3A_188 : i32
      %get3A_190 = arith.constant 41024 : i32
      %get3A_191 = tpu.memref_slice %arg8[%get3A_190] : memref<81280xf32, #tpu.memory_space<vmem>> -> memref<40192xf32, #tpu.memory_space<vmem>>
      %get3A_192 = arith.index_cast %mul3A_189 : i32 to index
      %get3A_193 = tpu.vector_load %get3A_191[%get3A_192] {strides = array<i32>} : memref<40192xf32, #tpu.memory_space<vmem>>, vector<16xf32>,
      %mul3A_194 = arith.constant 16 : i32
      %mul3A_195 = arith.muli %reduce_sum3A_183, %mul3A_194 : i32
      %mul3A_196 = vector.broadcast %select_n3A_172 : f32 to vector<16xf32>
      %mul3A_197 = arith.mulf %get3A_193, %mul3A_196 : vector<16xf32>
      %swap3A = arith.constant 0 : i32
      %swap3A_198 = tpu.memref_slice %arg8[%swap3A] : memref<81280xf32, #tpu.memory_space<vmem>> -> memref<40960xf32, #tpu.memory_space<vmem>>
      %swap3A_199 = arith.index_cast %mul3A_195 : i32 to index
      %swap3A_200 = tpu.vector_load %swap3A_198[%swap3A_199] {strides = array<i32>} : memref<40960xf32, #tpu.memory_space<vmem>>, vector<16xf32>,
      tpu.vector_store %swap3A_198[%swap3A_199], %mul3A_197 {add = true, strides = array<i32>} : memref<40960xf32, #tpu.memory_space<vmem>>, vector<16xf32>,
      %eq3A_201 = arith.constant 1 : i32
      %eq3A_202 = vector.broadcast %eq3A_201 : i32 to vector<16xi32>
      %eq3A_203 = arith.cmpi eq, %iota3A, %eq3A_202 : vector<16xi32>
      %jit3A_204 = arith.constant 0 : i32
      %broadcast_in_dim3A_205 = vector.broadcast %jit3A_204 : i32 to vector<16xi32>
      %select_n3A_206 = arith.select %eq3A_203, %min3A_175, %broadcast_in_dim3A_205 : vector<16xi1>, vector<16xi32>
      %reduce_sum3A_207 = arith.constant true
      %reduce_sum3A_208 = vector.broadcast %reduce_sum3A_207 : i1 to vector<16xi1>
      %reduce_sum3A_209 = tpu.scan <sum>, %select_n3A_206 masked %reduce_sum3A_208 : vector<16xi32>, vector<16xi1> -> vector<16xi32>
      %reduce_sum3A_210 = vector.extract %reduce_sum3A_209[15] : i32 from vector<16xi32>
      %mul3A_211 = arith.constant 16 : i32
      %mul3A_212 = arith.muli %scan3A_163, %mul3A_211 : i32
      %add3A_213 = arith.constant 1 : i32
      %add3A_214 = arith.addi %mul3A_212, %add3A_213 : i32
      %mul3A_215 = arith.constant 16 : i32
      %mul3A_216 = arith.muli %add3A_214, %mul3A_215 : i32
      %get3A_217 = arith.constant 41024 : i32
      %get3A_218 = tpu.memref_slice %arg8[%get3A_217] : memref<81280xf32, #tpu.memory_space<vmem>> -> memref<40192xf32, #tpu.memory_space<vmem>>
      %get3A_219 = arith.index_cast %mul3A_216 : i32 to index
      %get3A_220 = tpu.vector_load %get3A_218[%get3A_219] {strides = array<i32>} : memref<40192xf32, #tpu.memory_space<vmem>>, vector<16xf32>,
      %mul3A_221 = arith.constant 16 : i32
      %mul3A_222 = arith.muli %reduce_sum3A_210, %mul3A_221 : i32
      %mul3A_223 = vector.broadcast %select_n3A_172 : f32 to vector<16xf32>
      %mul3A_224 = arith.mulf %get3A_220, %mul3A_223 : vector<16xf32>
      %swap3A_225 = arith.constant 0 : i32
      %swap3A_226 = tpu.memref_slice %arg8[%swap3A_225] : memref<81280xf32, #tpu.memory_space<vmem>> -> memref<40960xf32, #tpu.memory_space<vmem>>
      %swap3A_227 = arith.index_cast %mul3A_222 : i32 to index
      %swap3A_228 = tpu.vector_load %swap3A_226[%swap3A_227] {strides = array<i32>} : memref<40960xf32, #tpu.memory_space<vmem>>, vector<16xf32>,
      tpu.vector_store %swap3A_226[%swap3A_227], %mul3A_224 {add = true, strides = array<i32>} : memref<40960xf32, #tpu.memory_space<vmem>>, vector<16xf32>,
      %eq3A_229 = arith.constant 2 : i32
      %eq3A_230 = vector.broadcast %eq3A_229 : i32 to vector<16xi32>
      %eq3A_231 = arith.cmpi eq, %iota3A, %eq3A_230 : vector<16xi32>
      %jit3A_232 = arith.constant 0 : i32
      %broadcast_in_dim3A_233 = vector.broadcast %jit3A_232 : i32 to vector<16xi32>
      %select_n3A_234 = arith.select %eq3A_231, %min3A_175, %broadcast_in_dim3A_233 : vector<16xi1>, vector<16xi32>
      %reduce_sum3A_235 = arith.constant true
      %reduce_sum3A_236 = vector.broadcast %reduce_sum3A_235 : i1 to vector<16xi1>
      %reduce_sum3A_237 = tpu.scan <sum>, %select_n3A_234 masked %reduce_sum3A_236 : vector<16xi32>, vector<16xi1> -> vector<16xi32>
      %reduce_sum3A_238 = vector.extract %reduce_sum3A_237[15] : i32 from vector<16xi32>
      %mul3A_239 = arith.constant 16 : i32
      %mul3A_240 = arith.muli %scan3A_163, %mul3A_239 : i32
      %add3A_241 = arith.constant 2 : i32
      %add3A_242 = arith.addi %mul3A_240, %add3A_241 : i32
      %mul3A_243 = arith.constant 16 : i32
      %mul3A_244 = arith.muli %add3A_242, %mul3A_243 : i32
      %get3A_245 = arith.constant 41024 : i32
      %get3A_246 = tpu.memref_slice %arg8[%get3A_245] : memref<81280xf32, #tpu.memory_space<vmem>> -> memref<40192xf32, #tpu.memory_space<vmem>>
      %get3A_247 = arith.index_cast %mul3A_244 : i32 to index
      %get3A_248 = tpu.vector_load %get3A_246[%get3A_247] {strides = array<i32>} : memref<40192xf32, #tpu.memory_space<vmem>>, vector<16xf32>,
      %mul3A_249 = arith.constant 16 : i32
      %mul3A_250 = arith.muli %reduce_sum3A_238, %mul3A_249 : i32
      %mul3A_251 = vector.broadcast %select_n3A_172 : f32 to vector<16xf32>
      %mul3A_252 = arith.mulf %get3A_248, %mul3A_251 : vector<16xf32>
      %swap3A_253 = arith.constant 0 : i32
      %swap3A_254 = tpu.memref_slice %arg8[%swap3A_253] : memref<81280xf32, #tpu.memory_space<vmem>> -> memref<40960xf32, #tpu.memory_space<vmem>>
      %swap3A_255 = arith.index_cast %mul3A_250 : i32 to index
      %swap3A_256 = tpu.vector_load %swap3A_254[%swap3A_255] {strides = array<i32>} : memref<40960xf32, #tpu.memory_space<vmem>>, vector<16xf32>,
      tpu.vector_store %swap3A_254[%swap3A_255], %mul3A_252 {add = true, strides = array<i32>} : memref<40960xf32, #tpu.memory_space<vmem>>, vector<16xf32>,
      %eq3A_257 = arith.constant 3 : i32
      %eq3A_258 = vector.broadcast %eq3A_257 : i32 to vector<16xi32>
      %eq3A_259 = arith.cmpi eq, %iota3A, %eq3A_258 : vector<16xi32>
      %jit3A_260 = arith.constant 0 : i32
      %broadcast_in_dim3A_261 = vector.broadcast %jit3A_260 : i32 to vector<16xi32>
      %select_n3A_262 = arith.select %eq3A_259, %min3A_175, %broadcast_in_dim3A_261 : vector<16xi1>, vector<16xi32>
      %reduce_sum3A_263 = arith.constant true
      %reduce_sum3A_264 = vector.broadcast %reduce_sum3A_263 : i1 to vector<16xi1>
      %reduce_sum3A_265 = tpu.scan <sum>, %select_n3A_262 masked %reduce_sum3A_264 : vector<16xi32>, vector<16xi1> -> vector<16xi32>
      %reduce_sum3A_266 = vector.extract %reduce_sum3A_265[15] : i32 from vector<16xi32>
      %mul3A_267 = arith.constant 16 : i32
      %mul3A_268 = arith.muli %scan3A_163, %mul3A_267 : i32
      %add3A_269 = arith.constant 3 : i32
      %add3A_270 = arith.addi %mul3A_268, %add3A_269 : i32
      %mul3A_271 = arith.constant 16 : i32
      %mul3A_272 = arith.muli %add3A_270, %mul3A_271 : i32
      %get3A_273 = arith.constant 41024 : i32
      %get3A_274 = tpu.memref_slice %arg8[%get3A_273] : memref<81280xf32, #tpu.memory_space<vmem>> -> memref<40192xf32, #tpu.memory_space<vmem>>
      %get3A_275 = arith.index_cast %mul3A_272 : i32 to index
      %get3A_276 = tpu.vector_load %get3A_274[%get3A_275] {strides = array<i32>} : memref<40192xf32, #tpu.memory_space<vmem>>, vector<16xf32>,
      %mul3A_277 = arith.constant 16 : i32
      %mul3A_278 = arith.muli %reduce_sum3A_266, %mul3A_277 : i32
      %mul3A_279 = vector.broadcast %select_n3A_172 : f32 to vector<16xf32>
      %mul3A_280 = arith.mulf %get3A_276, %mul3A_279 : vector<16xf32>
      %swap3A_281 = arith.constant 0 : i32
      %swap3A_282 = tpu.memref_slice %arg8[%swap3A_281] : memref<81280xf32, #tpu.memory_space<vmem>> -> memref<40960xf32, #tpu.memory_space<vmem>>
      %swap3A_283 = arith.index_cast %mul3A_278 : i32 to index
      %swap3A_284 = tpu.vector_load %swap3A_282[%swap3A_283] {strides = array<i32>} : memref<40960xf32, #tpu.memory_space<vmem>>, vector<16xf32>,
      tpu.vector_store %swap3A_282[%swap3A_283], %mul3A_280 {add = true, strides = array<i32>} : memref<40960xf32, #tpu.memory_space<vmem>>, vector<16xf32>,
      %eq3A_285 = arith.constant 4 : i32
      %eq3A_286 = vector.broadcast %eq3A_285 : i32 to vector<16xi32>
      %eq3A_287 = arith.cmpi eq, %iota3A, %eq3A_286 : vector<16xi32>
      %jit3A_288 = arith.constant 0 : i32
      %broadcast_in_dim3A_289 = vector.broadcast %jit3A_288 : i32 to vector<16xi32>
      %select_n3A_290 = arith.select %eq3A_287, %min3A_175, %broadcast_in_dim3A_289 : vector<16xi1>, vector<16xi32>
      %reduce_sum3A_291 = arith.constant true
      %reduce_sum3A_292 = vector.broadcast %reduce_sum3A_291 : i1 to vector<16xi1>
      %reduce_sum3A_293 = tpu.scan <sum>, %select_n3A_290 masked %reduce_sum3A_292 : vector<16xi32>, vector<16xi1> -> vector<16xi32>
      %reduce_sum3A_294 = vector.extract %reduce_sum3A_293[15] : i32 from vector<16xi32>
      %mul3A_295 = arith.constant 16 : i32
      %mul3A_296 = arith.muli %scan3A_163, %mul3A_295 : i32
      %add3A_297 = arith.constant 4 : i32
      %add3A_298 = arith.addi %mul3A_296, %add3A_297 : i32
      %mul3A_299 = arith.constant 16 : i32
      %mul3A_300 = arith.muli %add3A_298, %mul3A_299 : i32
      %get3A_301 = arith.constant 41024 : i32
      %get3A_302 = tpu.memref_slice %arg8[%get3A_301] : memref<81280xf32, #tpu.memory_space<vmem>> -> memref<40192xf32, #tpu.memory_space<vmem>>
      %get3A_303 = arith.index_cast %mul3A_300 : i32 to index
      %get3A_304 = tpu.vector_load %get3A_302[%get3A_303] {strides = array<i32>} : memref<40192xf32, #tpu.memory_space<vmem>>, vector<16xf32>,
      %mul3A_305 = arith.constant 16 : i32
      %mul3A_306 = arith.muli %reduce_sum3A_294, %mul3A_305 : i32
      %mul3A_307 = vector.broadcast %select_n3A_172 : f32 to vector<16xf32>
      %mul3A_308 = arith.mulf %get3A_304, %mul3A_307 : vector<16xf32>
      %swap3A_309 = arith.constant 0 : i32
      %swap3A_310 = tpu.memref_slice %arg8[%swap3A_309] : memref<81280xf32, #tpu.memory_space<vmem>> -> memref<40960xf32, #tpu.memory_space<vmem>>
      %swap3A_311 = arith.index_cast %mul3A_306 : i32 to index
      %swap3A_312 = tpu.vector_load %swap3A_310[%swap3A_311] {strides = array<i32>} : memref<40960xf32, #tpu.memory_space<vmem>>, vector<16xf32>,
      tpu.vector_store %swap3A_310[%swap3A_311], %mul3A_308 {add = true, strides = array<i32>} : memref<40960xf32, #tpu.memory_space<vmem>>, vector<16xf32>,
      %eq3A_313 = arith.constant 5 : i32
      %eq3A_314 = vector.broadcast %eq3A_313 : i32 to vector<16xi32>
      %eq3A_315 = arith.cmpi eq, %iota3A, %eq3A_314 : vector<16xi32>
      %jit3A_316 = arith.constant 0 : i32
      %broadcast_in_dim3A_317 = vector.broadcast %jit3A_316 : i32 to vector<16xi32>
      %select_n3A_318 = arith.select %eq3A_315, %min3A_175, %broadcast_in_dim3A_317 : vector<16xi1>, vector<16xi32>
      %reduce_sum3A_319 = arith.constant true
      %reduce_sum3A_320 = vector.broadcast %reduce_sum3A_319 : i1 to vector<16xi1>
      %reduce_sum3A_321 = tpu.scan <sum>, %select_n3A_318 masked %reduce_sum3A_320 : vector<16xi32>, vector<16xi1> -> vector<16xi32>
      %reduce_sum3A_322 = vector.extract %reduce_sum3A_321[15] : i32 from vector<16xi32>
      %mul3A_323 = arith.constant 16 : i32
      %mul3A_324 = arith.muli %scan3A_163, %mul3A_323 : i32
      %add3A_325 = arith.constant 5 : i32
      %add3A_326 = arith.addi %mul3A_324, %add3A_325 : i32
      %mul3A_327 = arith.constant 16 : i32
      %mul3A_328 = arith.muli %add3A_326, %mul3A_327 : i32
      %get3A_329 = arith.constant 41024 : i32
      %get3A_330 = tpu.memref_slice %arg8[%get3A_329] : memref<81280xf32, #tpu.memory_space<vmem>> -> memref<40192xf32, #tpu.memory_space<vmem>>
      %get3A_331 = arith.index_cast %mul3A_328 : i32 to index
      %get3A_332 = tpu.vector_load %get3A_330[%get3A_331] {strides = array<i32>} : memref<40192xf32, #tpu.memory_space<vmem>>, vector<16xf32>,
      %mul3A_333 = arith.constant 16 : i32
      %mul3A_334 = arith.muli %reduce_sum3A_322, %mul3A_333 : i32
      %mul3A_335 = vector.broadcast %select_n3A_172 : f32 to vector<16xf32>
      %mul3A_336 = arith.mulf %get3A_332, %mul3A_335 : vector<16xf32>
      %swap3A_337 = arith.constant 0 : i32
      %swap3A_338 = tpu.memref_slice %arg8[%swap3A_337] : memref<81280xf32, #tpu.memory_space<vmem>> -> memref<40960xf32, #tpu.memory_space<vmem>>
      %swap3A_339 = arith.index_cast %mul3A_334 : i32 to index
      %swap3A_340 = tpu.vector_load %swap3A_338[%swap3A_339] {strides = array<i32>} : memref<40960xf32, #tpu.memory_space<vmem>>, vector<16xf32>,
      tpu.vector_store %swap3A_338[%swap3A_339], %mul3A_336 {add = true, strides = array<i32>} : memref<40960xf32, #tpu.memory_space<vmem>>, vector<16xf32>,
      %eq3A_341 = arith.constant 6 : i32
      %eq3A_342 = vector.broadcast %eq3A_341 : i32 to vector<16xi32>
      %eq3A_343 = arith.cmpi eq, %iota3A, %eq3A_342 : vector<16xi32>
      %jit3A_344 = arith.constant 0 : i32
      %broadcast_in_dim3A_345 = vector.broadcast %jit3A_344 : i32 to vector<16xi32>
      %select_n3A_346 = arith.select %eq3A_343, %min3A_175, %broadcast_in_dim3A_345 : vector<16xi1>, vector<16xi32>
      %reduce_sum3A_347 = arith.constant true
      %reduce_sum3A_348 = vector.broadcast %reduce_sum3A_347 : i1 to vector<16xi1>
      %reduce_sum3A_349 = tpu.scan <sum>, %select_n3A_346 masked %reduce_sum3A_348 : vector<16xi32>, vector<16xi1> -> vector<16xi32>
      %reduce_sum3A_350 = vector.extract %reduce_sum3A_349[15] : i32 from vector<16xi32>
      %mul3A_351 = arith.constant 16 : i32
      %mul3A_352 = arith.muli %scan3A_163, %mul3A_351 : i32
      %add3A_353 = arith.constant 6 : i32
      %add3A_354 = arith.addi %mul3A_352, %add3A_353 : i32
      %mul3A_355 = arith.constant 16 : i32
      %mul3A_356 = arith.muli %add3A_354, %mul3A_355 : i32
      %get3A_357 = arith.constant 41024 : i32
      %get3A_358 = tpu.memref_slice %arg8[%get3A_357] : memref<81280xf32, #tpu.memory_space<vmem>> -> memref<40192xf32, #tpu.memory_space<vmem>>
      %get3A_359 = arith.index_cast %mul3A_356 : i32 to index
      %get3A_360 = tpu.vector_load %get3A_358[%get3A_359] {strides = array<i32>} : memref<40192xf32, #tpu.memory_space<vmem>>, vector<16xf32>,
      %mul3A_361 = arith.constant 16 : i32
      %mul3A_362 = arith.muli %reduce_sum3A_350, %mul3A_361 : i32
      %mul3A_363 = vector.broadcast %select_n3A_172 : f32 to vector<16xf32>
      %mul3A_364 = arith.mulf %get3A_360, %mul3A_363 : vector<16xf32>
      %swap3A_365 = arith.constant 0 : i32
      %swap3A_366 = tpu.memref_slice %arg8[%swap3A_365] : memref<81280xf32, #tpu.memory_space<vmem>> -> memref<40960xf32, #tpu.memory_space<vmem>>
      %swap3A_367 = arith.index_cast %mul3A_362 : i32 to index
      %swap3A_368 = tpu.vector_load %swap3A_366[%swap3A_367] {strides = array<i32>} : memref<40960xf32, #tpu.memory_space<vmem>>, vector<16xf32>,
      tpu.vector_store %swap3A_366[%swap3A_367], %mul3A_364 {add = true, strides = array<i32>} : memref<40960xf32, #tpu.memory_space<vmem>>, vector<16xf32>,
      %eq3A_369 = arith.constant 7 : i32
      %eq3A_370 = vector.broadcast %eq3A_369 : i32 to vector<16xi32>
      %eq3A_371 = arith.cmpi eq, %iota3A, %eq3A_370 : vector<16xi32>
      %jit3A_372 = arith.constant 0 : i32
      %broadcast_in_dim3A_373 = vector.broadcast %jit3A_372 : i32 to vector<16xi32>
      %select_n3A_374 = arith.select %eq3A_371, %min3A_175, %broadcast_in_dim3A_373 : vector<16xi1>, vector<16xi32>
      %reduce_sum3A_375 = arith.constant true
      %reduce_sum3A_376 = vector.broadcast %reduce_sum3A_375 : i1 to vector<16xi1>
      %reduce_sum3A_377 = tpu.scan <sum>, %select_n3A_374 masked %reduce_sum3A_376 : vector<16xi32>, vector<16xi1> -> vector<16xi32>
      %reduce_sum3A_378 = vector.extract %reduce_sum3A_377[15] : i32 from vector<16xi32>
      %mul3A_379 = arith.constant 16 : i32
      %mul3A_380 = arith.muli %scan3A_163, %mul3A_379 : i32
      %add3A_381 = arith.constant 7 : i32
      %add3A_382 = arith.addi %mul3A_380, %add3A_381 : i32
      %mul3A_383 = arith.constant 16 : i32
      %mul3A_384 = arith.muli %add3A_382, %mul3A_383 : i32
      %get3A_385 = arith.constant 41024 : i32
      %get3A_386 = tpu.memref_slice %arg8[%get3A_385] : memref<81280xf32, #tpu.memory_space<vmem>> -> memref<40192xf32, #tpu.memory_space<vmem>>
      %get3A_387 = arith.index_cast %mul3A_384 : i32 to index
      %get3A_388 = tpu.vector_load %get3A_386[%get3A_387] {strides = array<i32>} : memref<40192xf32, #tpu.memory_space<vmem>>, vector<16xf32>,
      %mul3A_389 = arith.constant 16 : i32
      %mul3A_390 = arith.muli %reduce_sum3A_378, %mul3A_389 : i32
      %mul3A_391 = vector.broadcast %select_n3A_172 : f32 to vector<16xf32>
      %mul3A_392 = arith.mulf %get3A_388, %mul3A_391 : vector<16xf32>
      %swap3A_393 = arith.constant 0 : i32
      %swap3A_394 = tpu.memref_slice %arg8[%swap3A_393] : memref<81280xf32, #tpu.memory_space<vmem>> -> memref<40960xf32, #tpu.memory_space<vmem>>
      %swap3A_395 = arith.index_cast %mul3A_390 : i32 to index
      %swap3A_396 = tpu.vector_load %swap3A_394[%swap3A_395] {strides = array<i32>} : memref<40960xf32, #tpu.memory_space<vmem>>, vector<16xf32>,
      tpu.vector_store %swap3A_394[%swap3A_395], %mul3A_392 {add = true, strides = array<i32>} : memref<40960xf32, #tpu.memory_space<vmem>>, vector<16xf32>,
      %eq3A_397 = arith.constant 8 : i32
      %eq3A_398 = vector.broadcast %eq3A_397 : i32 to vector<16xi32>
      %eq3A_399 = arith.cmpi eq, %iota3A, %eq3A_398 : vector<16xi32>
      %jit3A_400 = arith.constant 0 : i32
      %broadcast_in_dim3A_401 = vector.broadcast %jit3A_400 : i32 to vector<16xi32>
      %select_n3A_402 = arith.select %eq3A_399, %min3A_175, %broadcast_in_dim3A_401 : vector<16xi1>, vector<16xi32>
      %reduce_sum3A_403 = arith.constant true
      %reduce_sum3A_404 = vector.broadcast %reduce_sum3A_403 : i1 to vector<16xi1>
      %reduce_sum3A_405 = tpu.scan <sum>, %select_n3A_402 masked %reduce_sum3A_404 : vector<16xi32>, vector<16xi1> -> vector<16xi32>
      %reduce_sum3A_406 = vector.extract %reduce_sum3A_405[15] : i32 from vector<16xi32>
      %mul3A_407 = arith.constant 16 : i32
      %mul3A_408 = arith.muli %scan3A_163, %mul3A_407 : i32
      %add3A_409 = arith.constant 8 : i32
      %add3A_410 = arith.addi %mul3A_408, %add3A_409 : i32
      %mul3A_411 = arith.constant 16 : i32
      %mul3A_412 = arith.muli %add3A_410, %mul3A_411 : i32
      %get3A_413 = arith.constant 41024 : i32
      %get3A_414 = tpu.memref_slice %arg8[%get3A_413] : memref<81280xf32, #tpu.memory_space<vmem>> -> memref<40192xf32, #tpu.memory_space<vmem>>
      %get3A_415 = arith.index_cast %mul3A_412 : i32 to index
      %get3A_416 = tpu.vector_load %get3A_414[%get3A_415] {strides = array<i32>} : memref<40192xf32, #tpu.memory_space<vmem>>, vector<16xf32>,
      %mul3A_417 = arith.constant 16 : i32
      %mul3A_418 = arith.muli %reduce_sum3A_406, %mul3A_417 : i32
      %mul3A_419 = vector.broadcast %select_n3A_172 : f32 to vector<16xf32>
      %mul3A_420 = arith.mulf %get3A_416, %mul3A_419 : vector<16xf32>
      %swap3A_421 = arith.constant 0 : i32
      %swap3A_422 = tpu.memref_slice %arg8[%swap3A_421] : memref<81280xf32, #tpu.memory_space<vmem>> -> memref<40960xf32, #tpu.memory_space<vmem>>
      %swap3A_423 = arith.index_cast %mul3A_418 : i32 to index
      %swap3A_424 = tpu.vector_load %swap3A_422[%swap3A_423] {strides = array<i32>} : memref<40960xf32, #tpu.memory_space<vmem>>, vector<16xf32>,
      tpu.vector_store %swap3A_422[%swap3A_423], %mul3A_420 {add = true, strides = array<i32>} : memref<40960xf32, #tpu.memory_space<vmem>>, vector<16xf32>,
      %eq3A_425 = arith.constant 9 : i32
      %eq3A_426 = vector.broadcast %eq3A_425 : i32 to vector<16xi32>
      %eq3A_427 = arith.cmpi eq, %iota3A, %eq3A_426 : vector<16xi32>
      %jit3A_428 = arith.constant 0 : i32
      %broadcast_in_dim3A_429 = vector.broadcast %jit3A_428 : i32 to vector<16xi32>
      %select_n3A_430 = arith.select %eq3A_427, %min3A_175, %broadcast_in_dim3A_429 : vector<16xi1>, vector<16xi32>
      %reduce_sum3A_431 = arith.constant true
      %reduce_sum3A_432 = vector.broadcast %reduce_sum3A_431 : i1 to vector<16xi1>
      %reduce_sum3A_433 = tpu.scan <sum>, %select_n3A_430 masked %reduce_sum3A_432 : vector<16xi32>, vector<16xi1> -> vector<16xi32>
      %reduce_sum3A_434 = vector.extract %reduce_sum3A_433[15] : i32 from vector<16xi32>
      %mul3A_435 = arith.constant 16 : i32
      %mul3A_436 = arith.muli %scan3A_163, %mul3A_435 : i32
      %add3A_437 = arith.constant 9 : i32
      %add3A_438 = arith.addi %mul3A_436, %add3A_437 : i32
      %mul3A_439 = arith.constant 16 : i32
      %mul3A_440 = arith.muli %add3A_438, %mul3A_439 : i32
      %get3A_441 = arith.constant 41024 : i32
      %get3A_442 = tpu.memref_slice %arg8[%get3A_441] : memref<81280xf32, #tpu.memory_space<vmem>> -> memref<40192xf32, #tpu.memory_space<vmem>>
      %get3A_443 = arith.index_cast %mul3A_440 : i32 to index
      %get3A_444 = tpu.vector_load %get3A_442[%get3A_443] {strides = array<i32>} : memref<40192xf32, #tpu.memory_space<vmem>>, vector<16xf32>,
      %mul3A_445 = arith.constant 16 : i32
      %mul3A_446 = arith.muli %reduce_sum3A_434, %mul3A_445 : i32
      %mul3A_447 = vector.broadcast %select_n3A_172 : f32 to vector<16xf32>
      %mul3A_448 = arith.mulf %get3A_444, %mul3A_447 : vector<16xf32>
      %swap3A_449 = arith.constant 0 : i32
      %swap3A_450 = tpu.memref_slice %arg8[%swap3A_449] : memref<81280xf32, #tpu.memory_space<vmem>> -> memref<40960xf32, #tpu.memory_space<vmem>>
      %swap3A_451 = arith.index_cast %mul3A_446 : i32 to index
      %swap3A_452 = tpu.vector_load %swap3A_450[%swap3A_451] {strides = array<i32>} : memref<40960xf32, #tpu.memory_space<vmem>>, vector<16xf32>,
      tpu.vector_store %swap3A_450[%swap3A_451], %mul3A_448 {add = true, strides = array<i32>} : memref<40960xf32, #tpu.memory_space<vmem>>, vector<16xf32>,
      %eq3A_453 = arith.constant 10 : i32
      %eq3A_454 = vector.broadcast %eq3A_453 : i32 to vector<16xi32>
      %eq3A_455 = arith.cmpi eq, %iota3A, %eq3A_454 : vector<16xi32>
      %jit3A_456 = arith.constant 0 : i32
      %broadcast_in_dim3A_457 = vector.broadcast %jit3A_456 : i32 to vector<16xi32>
      %select_n3A_458 = arith.select %eq3A_455, %min3A_175, %broadcast_in_dim3A_457 : vector<16xi1>, vector<16xi32>
      %reduce_sum3A_459 = arith.constant true
      %reduce_sum3A_460 = vector.broadcast %reduce_sum3A_459 : i1 to vector<16xi1>
      %reduce_sum3A_461 = tpu.scan <sum>, %select_n3A_458 masked %reduce_sum3A_460 : vector<16xi32>, vector<16xi1> -> vector<16xi32>
      %reduce_sum3A_462 = vector.extract %reduce_sum3A_461[15] : i32 from vector<16xi32>
      %mul3A_463 = arith.constant 16 : i32
      %mul3A_464 = arith.muli %scan3A_163, %mul3A_463 : i32
      %add3A_465 = arith.constant 10 : i32
      %add3A_466 = arith.addi %mul3A_464, %add3A_465 : i32
      %mul3A_467 = arith.constant 16 : i32
      %mul3A_468 = arith.muli %add3A_466, %mul3A_467 : i32
      %get3A_469 = arith.constant 41024 : i32
      %get3A_470 = tpu.memref_slice %arg8[%get3A_469] : memref<81280xf32, #tpu.memory_space<vmem>> -> memref<40192xf32, #tpu.memory_space<vmem>>
      %get3A_471 = arith.index_cast %mul3A_468 : i32 to index
      %get3A_472 = tpu.vector_load %get3A_470[%get3A_471] {strides = array<i32>} : memref<40192xf32, #tpu.memory_space<vmem>>, vector<16xf32>,
      %mul3A_473 = arith.constant 16 : i32
      %mul3A_474 = arith.muli %reduce_sum3A_462, %mul3A_473 : i32
      %mul3A_475 = vector.broadcast %select_n3A_172 : f32 to vector<16xf32>
      %mul3A_476 = arith.mulf %get3A_472, %mul3A_475 : vector<16xf32>
      %swap3A_477 = arith.constant 0 : i32
      %swap3A_478 = tpu.memref_slice %arg8[%swap3A_477] : memref<81280xf32, #tpu.memory_space<vmem>> -> memref<40960xf32, #tpu.memory_space<vmem>>
      %swap3A_479 = arith.index_cast %mul3A_474 : i32 to index
      %swap3A_480 = tpu.vector_load %swap3A_478[%swap3A_479] {strides = array<i32>} : memref<40960xf32, #tpu.memory_space<vmem>>, vector<16xf32>,
      tpu.vector_store %swap3A_478[%swap3A_479], %mul3A_476 {add = true, strides = array<i32>} : memref<40960xf32, #tpu.memory_space<vmem>>, vector<16xf32>,
      %eq3A_481 = arith.constant 11 : i32
      %eq3A_482 = vector.broadcast %eq3A_481 : i32 to vector<16xi32>
      %eq3A_483 = arith.cmpi eq, %iota3A, %eq3A_482 : vector<16xi32>
      %jit3A_484 = arith.constant 0 : i32
      %broadcast_in_dim3A_485 = vector.broadcast %jit3A_484 : i32 to vector<16xi32>
      %select_n3A_486 = arith.select %eq3A_483, %min3A_175, %broadcast_in_dim3A_485 : vector<16xi1>, vector<16xi32>
      %reduce_sum3A_487 = arith.constant true
      %reduce_sum3A_488 = vector.broadcast %reduce_sum3A_487 : i1 to vector<16xi1>
      %reduce_sum3A_489 = tpu.scan <sum>, %select_n3A_486 masked %reduce_sum3A_488 : vector<16xi32>, vector<16xi1> -> vector<16xi32>
      %reduce_sum3A_490 = vector.extract %reduce_sum3A_489[15] : i32 from vector<16xi32>
      %mul3A_491 = arith.constant 16 : i32
      %mul3A_492 = arith.muli %scan3A_163, %mul3A_491 : i32
      %add3A_493 = arith.constant 11 : i32
      %add3A_494 = arith.addi %mul3A_492, %add3A_493 : i32
      %mul3A_495 = arith.constant 16 : i32
      %mul3A_496 = arith.muli %add3A_494, %mul3A_495 : i32
      %get3A_497 = arith.constant 41024 : i32
      %get3A_498 = tpu.memref_slice %arg8[%get3A_497] : memref<81280xf32, #tpu.memory_space<vmem>> -> memref<40192xf32, #tpu.memory_space<vmem>>
      %get3A_499 = arith.index_cast %mul3A_496 : i32 to index
      %get3A_500 = tpu.vector_load %get3A_498[%get3A_499] {strides = array<i32>} : memref<40192xf32, #tpu.memory_space<vmem>>, vector<16xf32>,
      %mul3A_501 = arith.constant 16 : i32
      %mul3A_502 = arith.muli %reduce_sum3A_490, %mul3A_501 : i32
      %mul3A_503 = vector.broadcast %select_n3A_172 : f32 to vector<16xf32>
      %mul3A_504 = arith.mulf %get3A_500, %mul3A_503 : vector<16xf32>
      %swap3A_505 = arith.constant 0 : i32
      %swap3A_506 = tpu.memref_slice %arg8[%swap3A_505] : memref<81280xf32, #tpu.memory_space<vmem>> -> memref<40960xf32, #tpu.memory_space<vmem>>
      %swap3A_507 = arith.index_cast %mul3A_502 : i32 to index
      %swap3A_508 = tpu.vector_load %swap3A_506[%swap3A_507] {strides = array<i32>} : memref<40960xf32, #tpu.memory_space<vmem>>, vector<16xf32>,
      tpu.vector_store %swap3A_506[%swap3A_507], %mul3A_504 {add = true, strides = array<i32>} : memref<40960xf32, #tpu.memory_space<vmem>>, vector<16xf32>,
      %eq3A_509 = arith.constant 12 : i32
      %eq3A_510 = vector.broadcast %eq3A_509 : i32 to vector<16xi32>
      %eq3A_511 = arith.cmpi eq, %iota3A, %eq3A_510 : vector<16xi32>
      %jit3A_512 = arith.constant 0 : i32
      %broadcast_in_dim3A_513 = vector.broadcast %jit3A_512 : i32 to vector<16xi32>
      %select_n3A_514 = arith.select %eq3A_511, %min3A_175, %broadcast_in_dim3A_513 : vector<16xi1>, vector<16xi32>
      %reduce_sum3A_515 = arith.constant true
      %reduce_sum3A_516 = vector.broadcast %reduce_sum3A_515 : i1 to vector<16xi1>
      %reduce_sum3A_517 = tpu.scan <sum>, %select_n3A_514 masked %reduce_sum3A_516 : vector<16xi32>, vector<16xi1> -> vector<16xi32>
      %reduce_sum3A_518 = vector.extract %reduce_sum3A_517[15] : i32 from vector<16xi32>
      %mul3A_519 = arith.constant 16 : i32
      %mul3A_520 = arith.muli %scan3A_163, %mul3A_519 : i32
      %add3A_521 = arith.constant 12 : i32
      %add3A_522 = arith.addi %mul3A_520, %add3A_521 : i32
      %mul3A_523 = arith.constant 16 : i32
      %mul3A_524 = arith.muli %add3A_522, %mul3A_523 : i32
      %get3A_525 = arith.constant 41024 : i32
      %get3A_526 = tpu.memref_slice %arg8[%get3A_525] : memref<81280xf32, #tpu.memory_space<vmem>> -> memref<40192xf32, #tpu.memory_space<vmem>>
      %get3A_527 = arith.index_cast %mul3A_524 : i32 to index
      %get3A_528 = tpu.vector_load %get3A_526[%get3A_527] {strides = array<i32>} : memref<40192xf32, #tpu.memory_space<vmem>>, vector<16xf32>,
      %mul3A_529 = arith.constant 16 : i32
      %mul3A_530 = arith.muli %reduce_sum3A_518, %mul3A_529 : i32
      %mul3A_531 = vector.broadcast %select_n3A_172 : f32 to vector<16xf32>
      %mul3A_532 = arith.mulf %get3A_528, %mul3A_531 : vector<16xf32>
      %swap3A_533 = arith.constant 0 : i32
      %swap3A_534 = tpu.memref_slice %arg8[%swap3A_533] : memref<81280xf32, #tpu.memory_space<vmem>> -> memref<40960xf32, #tpu.memory_space<vmem>>
      %swap3A_535 = arith.index_cast %mul3A_530 : i32 to index
      %swap3A_536 = tpu.vector_load %swap3A_534[%swap3A_535] {strides = array<i32>} : memref<40960xf32, #tpu.memory_space<vmem>>, vector<16xf32>,
      tpu.vector_store %swap3A_534[%swap3A_535], %mul3A_532 {add = true, strides = array<i32>} : memref<40960xf32, #tpu.memory_space<vmem>>, vector<16xf32>,
      %eq3A_537 = arith.constant 13 : i32
      %eq3A_538 = vector.broadcast %eq3A_537 : i32 to vector<16xi32>
      %eq3A_539 = arith.cmpi eq, %iota3A, %eq3A_538 : vector<16xi32>
      %jit3A_540 = arith.constant 0 : i32
      %broadcast_in_dim3A_541 = vector.broadcast %jit3A_540 : i32 to vector<16xi32>
      %select_n3A_542 = arith.select %eq3A_539, %min3A_175, %broadcast_in_dim3A_541 : vector<16xi1>, vector<16xi32>
      %reduce_sum3A_543 = arith.constant true
      %reduce_sum3A_544 = vector.broadcast %reduce_sum3A_543 : i1 to vector<16xi1>
      %reduce_sum3A_545 = tpu.scan <sum>, %select_n3A_542 masked %reduce_sum3A_544 : vector<16xi32>, vector<16xi1> -> vector<16xi32>
      %reduce_sum3A_546 = vector.extract %reduce_sum3A_545[15] : i32 from vector<16xi32>
      %mul3A_547 = arith.constant 16 : i32
      %mul3A_548 = arith.muli %scan3A_163, %mul3A_547 : i32
      %add3A_549 = arith.constant 13 : i32
      %add3A_550 = arith.addi %mul3A_548, %add3A_549 : i32
      %mul3A_551 = arith.constant 16 : i32
      %mul3A_552 = arith.muli %add3A_550, %mul3A_551 : i32
      %get3A_553 = arith.constant 41024 : i32
      %get3A_554 = tpu.memref_slice %arg8[%get3A_553] : memref<81280xf32, #tpu.memory_space<vmem>> -> memref<40192xf32, #tpu.memory_space<vmem>>
      %get3A_555 = arith.index_cast %mul3A_552 : i32 to index
      %get3A_556 = tpu.vector_load %get3A_554[%get3A_555] {strides = array<i32>} : memref<40192xf32, #tpu.memory_space<vmem>>, vector<16xf32>,
      %mul3A_557 = arith.constant 16 : i32
      %mul3A_558 = arith.muli %reduce_sum3A_546, %mul3A_557 : i32
      %mul3A_559 = vector.broadcast %select_n3A_172 : f32 to vector<16xf32>
      %mul3A_560 = arith.mulf %get3A_556, %mul3A_559 : vector<16xf32>
      %swap3A_561 = arith.constant 0 : i32
      %swap3A_562 = tpu.memref_slice %arg8[%swap3A_561] : memref<81280xf32, #tpu.memory_space<vmem>> -> memref<40960xf32, #tpu.memory_space<vmem>>
      %swap3A_563 = arith.index_cast %mul3A_558 : i32 to index
      %swap3A_564 = tpu.vector_load %swap3A_562[%swap3A_563] {strides = array<i32>} : memref<40960xf32, #tpu.memory_space<vmem>>, vector<16xf32>,
      tpu.vector_store %swap3A_562[%swap3A_563], %mul3A_560 {add = true, strides = array<i32>} : memref<40960xf32, #tpu.memory_space<vmem>>, vector<16xf32>,
      %eq3A_565 = arith.constant 14 : i32
      %eq3A_566 = vector.broadcast %eq3A_565 : i32 to vector<16xi32>
      %eq3A_567 = arith.cmpi eq, %iota3A, %eq3A_566 : vector<16xi32>
      %jit3A_568 = arith.constant 0 : i32
      %broadcast_in_dim3A_569 = vector.broadcast %jit3A_568 : i32 to vector<16xi32>
      %select_n3A_570 = arith.select %eq3A_567, %min3A_175, %broadcast_in_dim3A_569 : vector<16xi1>, vector<16xi32>
      %reduce_sum3A_571 = arith.constant true
      %reduce_sum3A_572 = vector.broadcast %reduce_sum3A_571 : i1 to vector<16xi1>
      %reduce_sum3A_573 = tpu.scan <sum>, %select_n3A_570 masked %reduce_sum3A_572 : vector<16xi32>, vector<16xi1> -> vector<16xi32>
      %reduce_sum3A_574 = vector.extract %reduce_sum3A_573[15] : i32 from vector<16xi32>
      %mul3A_575 = arith.constant 16 : i32
      %mul3A_576 = arith.muli %scan3A_163, %mul3A_575 : i32
      %add3A_577 = arith.constant 14 : i32
      %add3A_578 = arith.addi %mul3A_576, %add3A_577 : i32
      %mul3A_579 = arith.constant 16 : i32
      %mul3A_580 = arith.muli %add3A_578, %mul3A_579 : i32
      %get3A_581 = arith.constant 41024 : i32
      %get3A_582 = tpu.memref_slice %arg8[%get3A_581] : memref<81280xf32, #tpu.memory_space<vmem>> -> memref<40192xf32, #tpu.memory_space<vmem>>
      %get3A_583 = arith.index_cast %mul3A_580 : i32 to index
      %get3A_584 = tpu.vector_load %get3A_582[%get3A_583] {strides = array<i32>} : memref<40192xf32, #tpu.memory_space<vmem>>, vector<16xf32>,
      %mul3A_585 = arith.constant 16 : i32
      %mul3A_586 = arith.muli %reduce_sum3A_574, %mul3A_585 : i32
      %mul3A_587 = vector.broadcast %select_n3A_172 : f32 to vector<16xf32>
      %mul3A_588 = arith.mulf %get3A_584, %mul3A_587 : vector<16xf32>
      %swap3A_589 = arith.constant 0 : i32
      %swap3A_590 = tpu.memref_slice %arg8[%swap3A_589] : memref<81280xf32, #tpu.memory_space<vmem>> -> memref<40960xf32, #tpu.memory_space<vmem>>
      %swap3A_591 = arith.index_cast %mul3A_586 : i32 to index
      %swap3A_592 = tpu.vector_load %swap3A_590[%swap3A_591] {strides = array<i32>} : memref<40960xf32, #tpu.memory_space<vmem>>, vector<16xf32>,
      tpu.vector_store %swap3A_590[%swap3A_591], %mul3A_588 {add = true, strides = array<i32>} : memref<40960xf32, #tpu.memory_space<vmem>>, vector<16xf32>,
      %eq3A_593 = arith.constant 15 : i32
      %eq3A_594 = vector.broadcast %eq3A_593 : i32 to vector<16xi32>
      %eq3A_595 = arith.cmpi eq, %iota3A, %eq3A_594 : vector<16xi32>
      %jit3A_596 = arith.constant 0 : i32
      %broadcast_in_dim3A_597 = vector.broadcast %jit3A_596 : i32 to vector<16xi32>
      %select_n3A_598 = arith.select %eq3A_595, %min3A_175, %broadcast_in_dim3A_597 : vector<16xi1>, vector<16xi32>
      %reduce_sum3A_599 = arith.constant true
      %reduce_sum3A_600 = vector.broadcast %reduce_sum3A_599 : i1 to vector<16xi1>
      %reduce_sum3A_601 = tpu.scan <sum>, %select_n3A_598 masked %reduce_sum3A_600 : vector<16xi32>, vector<16xi1> -> vector<16xi32>
      %reduce_sum3A_602 = vector.extract %reduce_sum3A_601[15] : i32 from vector<16xi32>
      %mul3A_603 = arith.constant 16 : i32
      %mul3A_604 = arith.muli %scan3A_163, %mul3A_603 : i32
      %add3A_605 = arith.constant 15 : i32
      %add3A_606 = arith.addi %mul3A_604, %add3A_605 : i32
      %mul3A_607 = arith.constant 16 : i32
      %mul3A_608 = arith.muli %add3A_606, %mul3A_607 : i32
      %get3A_609 = arith.constant 41024 : i32
      %get3A_610 = tpu.memref_slice %arg8[%get3A_609] : memref<81280xf32, #tpu.memory_space<vmem>> -> memref<40192xf32, #tpu.memory_space<vmem>>
      %get3A_611 = arith.index_cast %mul3A_608 : i32 to index
      %get3A_612 = tpu.vector_load %get3A_610[%get3A_611] {strides = array<i32>} : memref<40192xf32, #tpu.memory_space<vmem>>, vector<16xf32>,
      %mul3A_613 = arith.constant 16 : i32
      %mul3A_614 = arith.muli %reduce_sum3A_602, %mul3A_613 : i32
      %mul3A_615 = vector.broadcast %select_n3A_172 : f32 to vector<16xf32>
      %mul3A_616 = arith.mulf %get3A_612, %mul3A_615 : vector<16xf32>
      %swap3A_617 = arith.constant 0 : i32
      %swap3A_618 = tpu.memref_slice %arg8[%swap3A_617] : memref<81280xf32, #tpu.memory_space<vmem>> -> memref<40960xf32, #tpu.memory_space<vmem>>
      %swap3A_619 = arith.index_cast %mul3A_614 : i32 to index
      %swap3A_620 = tpu.vector_load %swap3A_618[%swap3A_619] {strides = array<i32>} : memref<40960xf32, #tpu.memory_space<vmem>>, vector<16xf32>,
      tpu.vector_store %swap3A_618[%swap3A_619], %mul3A_616 {add = true, strides = array<i32>} : memref<40960xf32, #tpu.memory_space<vmem>>, vector<16xf32>,
      %scan3A_621 = arith.constant 0 : i32
      scf.yield %scan3A_621 : i32
    }
    %scan3A_67 = arith.constant 157 : i32
    %add3A_68 = arith.constant 157 : i32
    %add3A_69 = arith.addi %select_n3A, %add3A_68 : i32
    %min3A_70 = arith.constant 9843 : i32
    %min3A_71 = arith.minsi %add3A_69, %min3A_70 : i32
    %mul3A_72 = arith.constant 16 : i32
    %mul3A_73 = arith.muli %min3A_71, %mul3A_72 : i32
    "tpu.region"() ({
      %run_scoped3A = tpu.sem_alloc : memref<!tpu.dma_semaphore, #tpu.memory_space<semaphore_mem>>
      %dma_start3A = arith.constant 0 : i32
      %dma_start3A_163 = tpu.memref_slice %arg9[%dma_start3A] : memref<2512xi32, #tpu.memory_space<vmem>> -> memref<2512xi32, #tpu.memory_space<vmem>>
      %dma_start3A_164 = tpu.memref_slice %arg2[%mul3A_73] : memref<160000xi32, #tpu.memory_space<hbm>> -> memref<2512xi32, #tpu.memory_space<hbm>>
      %dma_start3A_165 = arith.constant 0 : i32
      %dma_start3A_166 = tpu.memref_slice %arg9[%dma_start3A_165] : memref<2512xi32, #tpu.memory_space<vmem>> -> memref<2512xi32, #tpu.memory_space<vmem>>
      %dma_start3A_167 = tpu.memref_slice %arg2[%mul3A_73] : memref<160000xi32, #tpu.memory_space<hbm>> -> memref<2512xi32, #tpu.memory_space<hbm>>
      tpu.enqueue_dma source(%dma_start3A_167 : memref<2512xi32, #tpu.memory_space<hbm>>) target(%dma_start3A_166 : memref<2512xi32, #tpu.memory_space<vmem>>) target_semaphore(%run_scoped3A : memref<!tpu.dma_semaphore, #tpu.memory_space<semaphore_mem>>)
      %dma_wait3A = arith.constant 0 : i32
      %dma_wait3A_168 = tpu.memref_slice %arg9[%dma_wait3A] : memref<2512xi32, #tpu.memory_space<vmem>> -> memref<2512xi32, #tpu.memory_space<vmem>>
      %dma_wait3A_169 = tpu.memref_slice %arg2[%mul3A_73] : memref<160000xi32, #tpu.memory_space<hbm>> -> memref<2512xi32, #tpu.memory_space<hbm>>
      %dma_wait3A_170 = arith.constant 0 : i32
      %dma_wait3A_171 = tpu.memref_slice %arg9[%dma_wait3A_170] : memref<2512xi32, #tpu.memory_space<vmem>> -> memref<2512xi32, #tpu.memory_space<vmem>>
      %dma_wait3A_172 = tpu.memref_slice %arg2[%mul3A_73] : memref<160000xi32, #tpu.memory_space<hbm>> -> memref<2512xi32, #tpu.memory_space<hbm>>
      tpu.wait_dma2 semaphore(%run_scoped3A : memref<!tpu.dma_semaphore, #tpu.memory_space<semaphore_mem>>) src(%dma_wait3A_172 : memref<2512xi32, #tpu.memory_space<hbm>>) dst(%dma_wait3A_171 : memref<2512xi32, #tpu.memory_space<vmem>>)
      tpu.yield
    }) : () -> ()
    %mul3A_74 = arith.constant 256 : i32
    %mul3A_75 = arith.muli %min3A_71, %mul3A_74 : i32
    "tpu.region"() ({
      %run_scoped3A = tpu.sem_alloc : memref<!tpu.dma_semaphore, #tpu.memory_space<semaphore_mem>>
      %dma_start3A = arith.constant 41024 : i32
      %dma_start3A_163 = tpu.memref_slice %arg8[%dma_start3A] : memref<81280xf32, #tpu.memory_space<vmem>> -> memref<40192xf32, #tpu.memory_space<vmem>>
      %dma_start3A_164 = tpu.memref_slice %arg3[%mul3A_75] : memref<2560000xf32, #tpu.memory_space<hbm>> -> memref<40192xf32, #tpu.memory_space<hbm>>
      %dma_start3A_165 = arith.constant 41024 : i32
      %dma_start3A_166 = tpu.memref_slice %arg8[%dma_start3A_165] : memref<81280xf32, #tpu.memory_space<vmem>> -> memref<40192xf32, #tpu.memory_space<vmem>>
      %dma_start3A_167 = tpu.memref_slice %arg3[%mul3A_75] : memref<2560000xf32, #tpu.memory_space<hbm>> -> memref<40192xf32, #tpu.memory_space<hbm>>
      tpu.enqueue_dma source(%dma_start3A_167 : memref<40192xf32, #tpu.memory_space<hbm>>) target(%dma_start3A_166 : memref<40192xf32, #tpu.memory_space<vmem>>) target_semaphore(%run_scoped3A : memref<!tpu.dma_semaphore, #tpu.memory_space<semaphore_mem>>)
      %dma_wait3A = arith.constant 41024 : i32
      %dma_wait3A_168 = tpu.memref_slice %arg8[%dma_wait3A] : memref<81280xf32, #tpu.memory_space<vmem>> -> memref<40192xf32, #tpu.memory_space<vmem>>
      %dma_wait3A_169 = tpu.memref_slice %arg3[%mul3A_75] : memref<2560000xf32, #tpu.memory_space<hbm>> -> memref<40192xf32, #tpu.memory_space<hbm>>
      %dma_wait3A_170 = arith.constant 41024 : i32
      %dma_wait3A_171 = tpu.memref_slice %arg8[%dma_wait3A_170] : memref<81280xf32, #tpu.memory_space<vmem>> -> memref<40192xf32, #tpu.memory_space<vmem>>
      %dma_wait3A_172 = tpu.memref_slice %arg3[%mul3A_75] : memref<2560000xf32, #tpu.memory_space<hbm>> -> memref<40192xf32, #tpu.memory_space<hbm>>
      tpu.wait_dma2 semaphore(%run_scoped3A : memref<!tpu.dma_semaphore, #tpu.memory_space<semaphore_mem>>) src(%dma_wait3A_172 : memref<40192xf32, #tpu.memory_space<hbm>>) dst(%dma_wait3A_171 : memref<40192xf32, #tpu.memory_space<vmem>>)
      tpu.yield
    }) : () -> ()
    %scan3A_76 = arith.constant 0 : i32
    %scan3A_77 = arith.constant 0 : i32
    %scan3A_78 = arith.constant 157 : i32
    %scan3A_79 = arith.addi %scan3A_77, %scan3A_78 : i32
    %scan3A_80 = arith.constant 1 : i32
    %scan3A_81 = scf.for %scan3A_163 = %scan3A_77 to %scan3A_79 step %scan3A_80 iter_args(%scan3A_164 = %scan3A_76) -> (i32)  : i32 {
      %mul3A_165 = arith.constant 16 : i32
      %mul3A_166 = arith.muli %scan3A_163, %mul3A_165 : i32
      %get3A = arith.index_cast %mul3A_166 : i32 to index
      %get3A_167 = tpu.vector_load %arg9[%get3A] {strides = array<i32>} : memref<2512xi32, #tpu.memory_space<vmem>>, vector<16xi32>,
      %add3A_168 = arith.addi %min3A_71, %scan3A_163 : i32
      %ge3A = arith.cmpi sge, %add3A_168, %add3A_69 : i32
      %lt3A = arith.cmpi slt, %add3A_168, %select_n3A_47 : i32
      %and3A_169 = arith.andi %ge3A, %lt3A : i1
      %jit3A_170 = arith.constant 1.000000e+00 : f32
      %jit3A_171 = arith.constant 0.000000e+00 : f32
      %select_n3A_172 = arith.select %and3A_169, %jit3A_170, %jit3A_171 : f32
      %min3A_173 = arith.constant 2559 : i32
      %min3A_174 = vector.broadcast %min3A_173 : i32 to vector<16xi32>
      %min3A_175 = arith.minsi %get3A_167, %min3A_174 : vector<16xi32>
      %eq3A = arith.constant 0 : i32
      %eq3A_176 = vector.broadcast %eq3A : i32 to vector<16xi32>
      %eq3A_177 = arith.cmpi eq, %iota3A, %eq3A_176 : vector<16xi32>
      %jit3A_178 = arith.constant 0 : i32
      %broadcast_in_dim3A_179 = vector.broadcast %jit3A_178 : i32 to vector<16xi32>
      %select_n3A_180 = arith.select %eq3A_177, %min3A_175, %broadcast_in_dim3A_179 : vector<16xi1>, vector<16xi32>
      %reduce_sum3A = arith.constant true
      %reduce_sum3A_181 = vector.broadcast %reduce_sum3A : i1 to vector<16xi1>
      %reduce_sum3A_182 = tpu.scan <sum>, %select_n3A_180 masked %reduce_sum3A_181 : vector<16xi32>, vector<16xi1> -> vector<16xi32>
      %reduce_sum3A_183 = vector.extract %reduce_sum3A_182[15] : i32 from vector<16xi32>
      %mul3A_184 = arith.constant 16 : i32
      %mul3A_185 = arith.muli %scan3A_163, %mul3A_184 : i32
      %add3A_186 = arith.constant 0 : i32
      %add3A_187 = arith.addi %mul3A_185, %add3A_186 : i32
      %mul3A_188 = arith.constant 16 : i32
      %mul3A_189 = arith.muli %add3A_187, %mul3A_188 : i32
      %get3A_190 = arith.constant 41024 : i32
      %get3A_191 = tpu.memref_slice %arg8[%get3A_190] : memref<81280xf32, #tpu.memory_space<vmem>> -> memref<40192xf32, #tpu.memory_space<vmem>>
      %get3A_192 = arith.index_cast %mul3A_189 : i32 to index
      %get3A_193 = tpu.vector_load %get3A_191[%get3A_192] {strides = array<i32>} : memref<40192xf32, #tpu.memory_space<vmem>>, vector<16xf32>,
      %mul3A_194 = arith.constant 16 : i32
      %mul3A_195 = arith.muli %reduce_sum3A_183, %mul3A_194 : i32
      %mul3A_196 = vector.broadcast %select_n3A_172 : f32 to vector<16xf32>
      %mul3A_197 = arith.mulf %get3A_193, %mul3A_196 : vector<16xf32>
      %swap3A = arith.constant 0 : i32
      %swap3A_198 = tpu.memref_slice %arg8[%swap3A] : memref<81280xf32, #tpu.memory_space<vmem>> -> memref<40960xf32, #tpu.memory_space<vmem>>
      %swap3A_199 = arith.index_cast %mul3A_195 : i32 to index
      %swap3A_200 = tpu.vector_load %swap3A_198[%swap3A_199] {strides = array<i32>} : memref<40960xf32, #tpu.memory_space<vmem>>, vector<16xf32>,
      tpu.vector_store %swap3A_198[%swap3A_199], %mul3A_197 {add = true, strides = array<i32>} : memref<40960xf32, #tpu.memory_space<vmem>>, vector<16xf32>,
      %eq3A_201 = arith.constant 1 : i32
      %eq3A_202 = vector.broadcast %eq3A_201 : i32 to vector<16xi32>
      %eq3A_203 = arith.cmpi eq, %iota3A, %eq3A_202 : vector<16xi32>
      %jit3A_204 = arith.constant 0 : i32
      %broadcast_in_dim3A_205 = vector.broadcast %jit3A_204 : i32 to vector<16xi32>
      %select_n3A_206 = arith.select %eq3A_203, %min3A_175, %broadcast_in_dim3A_205 : vector<16xi1>, vector<16xi32>
      %reduce_sum3A_207 = arith.constant true
      %reduce_sum3A_208 = vector.broadcast %reduce_sum3A_207 : i1 to vector<16xi1>
      %reduce_sum3A_209 = tpu.scan <sum>, %select_n3A_206 masked %reduce_sum3A_208 : vector<16xi32>, vector<16xi1> -> vector<16xi32>
      %reduce_sum3A_210 = vector.extract %reduce_sum3A_209[15] : i32 from vector<16xi32>
      %mul3A_211 = arith.constant 16 : i32
      %mul3A_212 = arith.muli %scan3A_163, %mul3A_211 : i32
      %add3A_213 = arith.constant 1 : i32
      %add3A_214 = arith.addi %mul3A_212, %add3A_213 : i32
      %mul3A_215 = arith.constant 16 : i32
      %mul3A_216 = arith.muli %add3A_214, %mul3A_215 : i32
      %get3A_217 = arith.constant 41024 : i32
      %get3A_218 = tpu.memref_slice %arg8[%get3A_217] : memref<81280xf32, #tpu.memory_space<vmem>> -> memref<40192xf32, #tpu.memory_space<vmem>>
      %get3A_219 = arith.index_cast %mul3A_216 : i32 to index
      %get3A_220 = tpu.vector_load %get3A_218[%get3A_219] {strides = array<i32>} : memref<40192xf32, #tpu.memory_space<vmem>>, vector<16xf32>,
      %mul3A_221 = arith.constant 16 : i32
      %mul3A_222 = arith.muli %reduce_sum3A_210, %mul3A_221 : i32
      %mul3A_223 = vector.broadcast %select_n3A_172 : f32 to vector<16xf32>
      %mul3A_224 = arith.mulf %get3A_220, %mul3A_223 : vector<16xf32>
      %swap3A_225 = arith.constant 0 : i32
      %swap3A_226 = tpu.memref_slice %arg8[%swap3A_225] : memref<81280xf32, #tpu.memory_space<vmem>> -> memref<40960xf32, #tpu.memory_space<vmem>>
      %swap3A_227 = arith.index_cast %mul3A_222 : i32 to index
      %swap3A_228 = tpu.vector_load %swap3A_226[%swap3A_227] {strides = array<i32>} : memref<40960xf32, #tpu.memory_space<vmem>>, vector<16xf32>,
      tpu.vector_store %swap3A_226[%swap3A_227], %mul3A_224 {add = true, strides = array<i32>} : memref<40960xf32, #tpu.memory_space<vmem>>, vector<16xf32>,
      %eq3A_229 = arith.constant 2 : i32
      %eq3A_230 = vector.broadcast %eq3A_229 : i32 to vector<16xi32>
      %eq3A_231 = arith.cmpi eq, %iota3A, %eq3A_230 : vector<16xi32>
      %jit3A_232 = arith.constant 0 : i32
      %broadcast_in_dim3A_233 = vector.broadcast %jit3A_232 : i32 to vector<16xi32>
      %select_n3A_234 = arith.select %eq3A_231, %min3A_175, %broadcast_in_dim3A_233 : vector<16xi1>, vector<16xi32>
      %reduce_sum3A_235 = arith.constant true
      %reduce_sum3A_236 = vector.broadcast %reduce_sum3A_235 : i1 to vector<16xi1>
      %reduce_sum3A_237 = tpu.scan <sum>, %select_n3A_234 masked %reduce_sum3A_236 : vector<16xi32>, vector<16xi1> -> vector<16xi32>
      %reduce_sum3A_238 = vector.extract %reduce_sum3A_237[15] : i32 from vector<16xi32>
      %mul3A_239 = arith.constant 16 : i32
      %mul3A_240 = arith.muli %scan3A_163, %mul3A_239 : i32
      %add3A_241 = arith.constant 2 : i32
      %add3A_242 = arith.addi %mul3A_240, %add3A_241 : i32
      %mul3A_243 = arith.constant 16 : i32
      %mul3A_244 = arith.muli %add3A_242, %mul3A_243 : i32
      %get3A_245 = arith.constant 41024 : i32
      %get3A_246 = tpu.memref_slice %arg8[%get3A_245] : memref<81280xf32, #tpu.memory_space<vmem>> -> memref<40192xf32, #tpu.memory_space<vmem>>
      %get3A_247 = arith.index_cast %mul3A_244 : i32 to index
      %get3A_248 = tpu.vector_load %get3A_246[%get3A_247] {strides = array<i32>} : memref<40192xf32, #tpu.memory_space<vmem>>, vector<16xf32>,
      %mul3A_249 = arith.constant 16 : i32
      %mul3A_250 = arith.muli %reduce_sum3A_238, %mul3A_249 : i32
      %mul3A_251 = vector.broadcast %select_n3A_172 : f32 to vector<16xf32>
      %mul3A_252 = arith.mulf %get3A_248, %mul3A_251 : vector<16xf32>
      %swap3A_253 = arith.constant 0 : i32
      %swap3A_254 = tpu.memref_slice %arg8[%swap3A_253] : memref<81280xf32, #tpu.memory_space<vmem>> -> memref<40960xf32, #tpu.memory_space<vmem>>
      %swap3A_255 = arith.index_cast %mul3A_250 : i32 to index
      %swap3A_256 = tpu.vector_load %swap3A_254[%swap3A_255] {strides = array<i32>} : memref<40960xf32, #tpu.memory_space<vmem>>, vector<16xf32>,
      tpu.vector_store %swap3A_254[%swap3A_255], %mul3A_252 {add = true, strides = array<i32>} : memref<40960xf32, #tpu.memory_space<vmem>>, vector<16xf32>,
      %eq3A_257 = arith.constant 3 : i32
      %eq3A_258 = vector.broadcast %eq3A_257 : i32 to vector<16xi32>
      %eq3A_259 = arith.cmpi eq, %iota3A, %eq3A_258 : vector<16xi32>
      %jit3A_260 = arith.constant 0 : i32
      %broadcast_in_dim3A_261 = vector.broadcast %jit3A_260 : i32 to vector<16xi32>
      %select_n3A_262 = arith.select %eq3A_259, %min3A_175, %broadcast_in_dim3A_261 : vector<16xi1>, vector<16xi32>
      %reduce_sum3A_263 = arith.constant true
      %reduce_sum3A_264 = vector.broadcast %reduce_sum3A_263 : i1 to vector<16xi1>
      %reduce_sum3A_265 = tpu.scan <sum>, %select_n3A_262 masked %reduce_sum3A_264 : vector<16xi32>, vector<16xi1> -> vector<16xi32>
      %reduce_sum3A_266 = vector.extract %reduce_sum3A_265[15] : i32 from vector<16xi32>
      %mul3A_267 = arith.constant 16 : i32
      %mul3A_268 = arith.muli %scan3A_163, %mul3A_267 : i32
      %add3A_269 = arith.constant 3 : i32
      %add3A_270 = arith.addi %mul3A_268, %add3A_269 : i32
      %mul3A_271 = arith.constant 16 : i32
      %mul3A_272 = arith.muli %add3A_270, %mul3A_271 : i32
      %get3A_273 = arith.constant 41024 : i32
      %get3A_274 = tpu.memref_slice %arg8[%get3A_273] : memref<81280xf32, #tpu.memory_space<vmem>> -> memref<40192xf32, #tpu.memory_space<vmem>>
      %get3A_275 = arith.index_cast %mul3A_272 : i32 to index
      %get3A_276 = tpu.vector_load %get3A_274[%get3A_275] {strides = array<i32>} : memref<40192xf32, #tpu.memory_space<vmem>>, vector<16xf32>,
      %mul3A_277 = arith.constant 16 : i32
      %mul3A_278 = arith.muli %reduce_sum3A_266, %mul3A_277 : i32
      %mul3A_279 = vector.broadcast %select_n3A_172 : f32 to vector<16xf32>
      %mul3A_280 = arith.mulf %get3A_276, %mul3A_279 : vector<16xf32>
      %swap3A_281 = arith.constant 0 : i32
      %swap3A_282 = tpu.memref_slice %arg8[%swap3A_281] : memref<81280xf32, #tpu.memory_space<vmem>> -> memref<40960xf32, #tpu.memory_space<vmem>>
      %swap3A_283 = arith.index_cast %mul3A_278 : i32 to index
      %swap3A_284 = tpu.vector_load %swap3A_282[%swap3A_283] {strides = array<i32>} : memref<40960xf32, #tpu.memory_space<vmem>>, vector<16xf32>,
      tpu.vector_store %swap3A_282[%swap3A_283], %mul3A_280 {add = true, strides = array<i32>} : memref<40960xf32, #tpu.memory_space<vmem>>, vector<16xf32>,
      %eq3A_285 = arith.constant 4 : i32
      %eq3A_286 = vector.broadcast %eq3A_285 : i32 to vector<16xi32>
      %eq3A_287 = arith.cmpi eq, %iota3A, %eq3A_286 : vector<16xi32>
      %jit3A_288 = arith.constant 0 : i32
      %broadcast_in_dim3A_289 = vector.broadcast %jit3A_288 : i32 to vector<16xi32>
      %select_n3A_290 = arith.select %eq3A_287, %min3A_175, %broadcast_in_dim3A_289 : vector<16xi1>, vector<16xi32>
      %reduce_sum3A_291 = arith.constant true
      %reduce_sum3A_292 = vector.broadcast %reduce_sum3A_291 : i1 to vector<16xi1>
      %reduce_sum3A_293 = tpu.scan <sum>, %select_n3A_290 masked %reduce_sum3A_292 : vector<16xi32>, vector<16xi1> -> vector<16xi32>
      %reduce_sum3A_294 = vector.extract %reduce_sum3A_293[15] : i32 from vector<16xi32>
      %mul3A_295 = arith.constant 16 : i32
      %mul3A_296 = arith.muli %scan3A_163, %mul3A_295 : i32
      %add3A_297 = arith.constant 4 : i32
      %add3A_298 = arith.addi %mul3A_296, %add3A_297 : i32
      %mul3A_299 = arith.constant 16 : i32
      %mul3A_300 = arith.muli %add3A_298, %mul3A_299 : i32
      %get3A_301 = arith.constant 41024 : i32
      %get3A_302 = tpu.memref_slice %arg8[%get3A_301] : memref<81280xf32, #tpu.memory_space<vmem>> -> memref<40192xf32, #tpu.memory_space<vmem>>
      %get3A_303 = arith.index_cast %mul3A_300 : i32 to index
      %get3A_304 = tpu.vector_load %get3A_302[%get3A_303] {strides = array<i32>} : memref<40192xf32, #tpu.memory_space<vmem>>, vector<16xf32>,
      %mul3A_305 = arith.constant 16 : i32
      %mul3A_306 = arith.muli %reduce_sum3A_294, %mul3A_305 : i32
      %mul3A_307 = vector.broadcast %select_n3A_172 : f32 to vector<16xf32>
      %mul3A_308 = arith.mulf %get3A_304, %mul3A_307 : vector<16xf32>
      %swap3A_309 = arith.constant 0 : i32
      %swap3A_310 = tpu.memref_slice %arg8[%swap3A_309] : memref<81280xf32, #tpu.memory_space<vmem>> -> memref<40960xf32, #tpu.memory_space<vmem>>
      %swap3A_311 = arith.index_cast %mul3A_306 : i32 to index
      %swap3A_312 = tpu.vector_load %swap3A_310[%swap3A_311] {strides = array<i32>} : memref<40960xf32, #tpu.memory_space<vmem>>, vector<16xf32>,
      tpu.vector_store %swap3A_310[%swap3A_311], %mul3A_308 {add = true, strides = array<i32>} : memref<40960xf32, #tpu.memory_space<vmem>>, vector<16xf32>,
      %eq3A_313 = arith.constant 5 : i32
      %eq3A_314 = vector.broadcast %eq3A_313 : i32 to vector<16xi32>
      %eq3A_315 = arith.cmpi eq, %iota3A, %eq3A_314 : vector<16xi32>
      %jit3A_316 = arith.constant 0 : i32
      %broadcast_in_dim3A_317 = vector.broadcast %jit3A_316 : i32 to vector<16xi32>
      %select_n3A_318 = arith.select %eq3A_315, %min3A_175, %broadcast_in_dim3A_317 : vector<16xi1>, vector<16xi32>
      %reduce_sum3A_319 = arith.constant true
      %reduce_sum3A_320 = vector.broadcast %reduce_sum3A_319 : i1 to vector<16xi1>
      %reduce_sum3A_321 = tpu.scan <sum>, %select_n3A_318 masked %reduce_sum3A_320 : vector<16xi32>, vector<16xi1> -> vector<16xi32>
      %reduce_sum3A_322 = vector.extract %reduce_sum3A_321[15] : i32 from vector<16xi32>
      %mul3A_323 = arith.constant 16 : i32
      %mul3A_324 = arith.muli %scan3A_163, %mul3A_323 : i32
      %add3A_325 = arith.constant 5 : i32
      %add3A_326 = arith.addi %mul3A_324, %add3A_325 : i32
      %mul3A_327 = arith.constant 16 : i32
      %mul3A_328 = arith.muli %add3A_326, %mul3A_327 : i32
      %get3A_329 = arith.constant 41024 : i32
      %get3A_330 = tpu.memref_slice %arg8[%get3A_329] : memref<81280xf32, #tpu.memory_space<vmem>> -> memref<40192xf32, #tpu.memory_space<vmem>>
      %get3A_331 = arith.index_cast %mul3A_328 : i32 to index
      %get3A_332 = tpu.vector_load %get3A_330[%get3A_331] {strides = array<i32>} : memref<40192xf32, #tpu.memory_space<vmem>>, vector<16xf32>,
      %mul3A_333 = arith.constant 16 : i32
      %mul3A_334 = arith.muli %reduce_sum3A_322, %mul3A_333 : i32
      %mul3A_335 = vector.broadcast %select_n3A_172 : f32 to vector<16xf32>
      %mul3A_336 = arith.mulf %get3A_332, %mul3A_335 : vector<16xf32>
      %swap3A_337 = arith.constant 0 : i32
      %swap3A_338 = tpu.memref_slice %arg8[%swap3A_337] : memref<81280xf32, #tpu.memory_space<vmem>> -> memref<40960xf32, #tpu.memory_space<vmem>>
      %swap3A_339 = arith.index_cast %mul3A_334 : i32 to index
      %swap3A_340 = tpu.vector_load %swap3A_338[%swap3A_339] {strides = array<i32>} : memref<40960xf32, #tpu.memory_space<vmem>>, vector<16xf32>,
      tpu.vector_store %swap3A_338[%swap3A_339], %mul3A_336 {add = true, strides = array<i32>} : memref<40960xf32, #tpu.memory_space<vmem>>, vector<16xf32>,
      %eq3A_341 = arith.constant 6 : i32
      %eq3A_342 = vector.broadcast %eq3A_341 : i32 to vector<16xi32>
      %eq3A_343 = arith.cmpi eq, %iota3A, %eq3A_342 : vector<16xi32>
      %jit3A_344 = arith.constant 0 : i32
      %broadcast_in_dim3A_345 = vector.broadcast %jit3A_344 : i32 to vector<16xi32>
      %select_n3A_346 = arith.select %eq3A_343, %min3A_175, %broadcast_in_dim3A_345 : vector<16xi1>, vector<16xi32>
      %reduce_sum3A_347 = arith.constant true
      %reduce_sum3A_348 = vector.broadcast %reduce_sum3A_347 : i1 to vector<16xi1>
      %reduce_sum3A_349 = tpu.scan <sum>, %select_n3A_346 masked %reduce_sum3A_348 : vector<16xi32>, vector<16xi1> -> vector<16xi32>
      %reduce_sum3A_350 = vector.extract %reduce_sum3A_349[15] : i32 from vector<16xi32>
      %mul3A_351 = arith.constant 16 : i32
      %mul3A_352 = arith.muli %scan3A_163, %mul3A_351 : i32
      %add3A_353 = arith.constant 6 : i32
      %add3A_354 = arith.addi %mul3A_352, %add3A_353 : i32
      %mul3A_355 = arith.constant 16 : i32
      %mul3A_356 = arith.muli %add3A_354, %mul3A_355 : i32
      %get3A_357 = arith.constant 41024 : i32
      %get3A_358 = tpu.memref_slice %arg8[%get3A_357] : memref<81280xf32, #tpu.memory_space<vmem>> -> memref<40192xf32, #tpu.memory_space<vmem>>
      %get3A_359 = arith.index_cast %mul3A_356 : i32 to index
      %get3A_360 = tpu.vector_load %get3A_358[%get3A_359] {strides = array<i32>} : memref<40192xf32, #tpu.memory_space<vmem>>, vector<16xf32>,
      %mul3A_361 = arith.constant 16 : i32
      %mul3A_362 = arith.muli %reduce_sum3A_350, %mul3A_361 : i32
      %mul3A_363 = vector.broadcast %select_n3A_172 : f32 to vector<16xf32>
      %mul3A_364 = arith.mulf %get3A_360, %mul3A_363 : vector<16xf32>
      %swap3A_365 = arith.constant 0 : i32
      %swap3A_366 = tpu.memref_slice %arg8[%swap3A_365] : memref<81280xf32, #tpu.memory_space<vmem>> -> memref<40960xf32, #tpu.memory_space<vmem>>
      %swap3A_367 = arith.index_cast %mul3A_362 : i32 to index
      %swap3A_368 = tpu.vector_load %swap3A_366[%swap3A_367] {strides = array<i32>} : memref<40960xf32, #tpu.memory_space<vmem>>, vector<16xf32>,
      tpu.vector_store %swap3A_366[%swap3A_367], %mul3A_364 {add = true, strides = array<i32>} : memref<40960xf32, #tpu.memory_space<vmem>>, vector<16xf32>,
      %eq3A_369 = arith.constant 7 : i32
      %eq3A_370 = vector.broadcast %eq3A_369 : i32 to vector<16xi32>
      %eq3A_371 = arith.cmpi eq, %iota3A, %eq3A_370 : vector<16xi32>
      %jit3A_372 = arith.constant 0 : i32
      %broadcast_in_dim3A_373 = vector.broadcast %jit3A_372 : i32 to vector<16xi32>
      %select_n3A_374 = arith.select %eq3A_371, %min3A_175, %broadcast_in_dim3A_373 : vector<16xi1>, vector<16xi32>
      %reduce_sum3A_375 = arith.constant true
      %reduce_sum3A_376 = vector.broadcast %reduce_sum3A_375 : i1 to vector<16xi1>
      %reduce_sum3A_377 = tpu.scan <sum>, %select_n3A_374 masked %reduce_sum3A_376 : vector<16xi32>, vector<16xi1> -> vector<16xi32>
      %reduce_sum3A_378 = vector.extract %reduce_sum3A_377[15] : i32 from vector<16xi32>
      %mul3A_379 = arith.constant 16 : i32
      %mul3A_380 = arith.muli %scan3A_163, %mul3A_379 : i32
      %add3A_381 = arith.constant 7 : i32
      %add3A_382 = arith.addi %mul3A_380, %add3A_381 : i32
      %mul3A_383 = arith.constant 16 : i32
      %mul3A_384 = arith.muli %add3A_382, %mul3A_383 : i32
      %get3A_385 = arith.constant 41024 : i32
      %get3A_386 = tpu.memref_slice %arg8[%get3A_385] : memref<81280xf32, #tpu.memory_space<vmem>> -> memref<40192xf32, #tpu.memory_space<vmem>>
      %get3A_387 = arith.index_cast %mul3A_384 : i32 to index
      %get3A_388 = tpu.vector_load %get3A_386[%get3A_387] {strides = array<i32>} : memref<40192xf32, #tpu.memory_space<vmem>>, vector<16xf32>,
      %mul3A_389 = arith.constant 16 : i32
      %mul3A_390 = arith.muli %reduce_sum3A_378, %mul3A_389 : i32
      %mul3A_391 = vector.broadcast %select_n3A_172 : f32 to vector<16xf32>
      %mul3A_392 = arith.mulf %get3A_388, %mul3A_391 : vector<16xf32>
      %swap3A_393 = arith.constant 0 : i32
      %swap3A_394 = tpu.memref_slice %arg8[%swap3A_393] : memref<81280xf32, #tpu.memory_space<vmem>> -> memref<40960xf32, #tpu.memory_space<vmem>>
      %swap3A_395 = arith.index_cast %mul3A_390 : i32 to index
      %swap3A_396 = tpu.vector_load %swap3A_394[%swap3A_395] {strides = array<i32>} : memref<40960xf32, #tpu.memory_space<vmem>>, vector<16xf32>,
      tpu.vector_store %swap3A_394[%swap3A_395], %mul3A_392 {add = true, strides = array<i32>} : memref<40960xf32, #tpu.memory_space<vmem>>, vector<16xf32>,
      %eq3A_397 = arith.constant 8 : i32
      %eq3A_398 = vector.broadcast %eq3A_397 : i32 to vector<16xi32>
      %eq3A_399 = arith.cmpi eq, %iota3A, %eq3A_398 : vector<16xi32>
      %jit3A_400 = arith.constant 0 : i32
      %broadcast_in_dim3A_401 = vector.broadcast %jit3A_400 : i32 to vector<16xi32>
      %select_n3A_402 = arith.select %eq3A_399, %min3A_175, %broadcast_in_dim3A_401 : vector<16xi1>, vector<16xi32>
      %reduce_sum3A_403 = arith.constant true
      %reduce_sum3A_404 = vector.broadcast %reduce_sum3A_403 : i1 to vector<16xi1>
      %reduce_sum3A_405 = tpu.scan <sum>, %select_n3A_402 masked %reduce_sum3A_404 : vector<16xi32>, vector<16xi1> -> vector<16xi32>
      %reduce_sum3A_406 = vector.extract %reduce_sum3A_405[15] : i32 from vector<16xi32>
      %mul3A_407 = arith.constant 16 : i32
      %mul3A_408 = arith.muli %scan3A_163, %mul3A_407 : i32
      %add3A_409 = arith.constant 8 : i32
      %add3A_410 = arith.addi %mul3A_408, %add3A_409 : i32
      %mul3A_411 = arith.constant 16 : i32
      %mul3A_412 = arith.muli %add3A_410, %mul3A_411 : i32
      %get3A_413 = arith.constant 41024 : i32
      %get3A_414 = tpu.memref_slice %arg8[%get3A_413] : memref<81280xf32, #tpu.memory_space<vmem>> -> memref<40192xf32, #tpu.memory_space<vmem>>
      %get3A_415 = arith.index_cast %mul3A_412 : i32 to index
      %get3A_416 = tpu.vector_load %get3A_414[%get3A_415] {strides = array<i32>} : memref<40192xf32, #tpu.memory_space<vmem>>, vector<16xf32>,
      %mul3A_417 = arith.constant 16 : i32
      %mul3A_418 = arith.muli %reduce_sum3A_406, %mul3A_417 : i32
      %mul3A_419 = vector.broadcast %select_n3A_172 : f32 to vector<16xf32>
      %mul3A_420 = arith.mulf %get3A_416, %mul3A_419 : vector<16xf32>
      %swap3A_421 = arith.constant 0 : i32
      %swap3A_422 = tpu.memref_slice %arg8[%swap3A_421] : memref<81280xf32, #tpu.memory_space<vmem>> -> memref<40960xf32, #tpu.memory_space<vmem>>
      %swap3A_423 = arith.index_cast %mul3A_418 : i32 to index
      %swap3A_424 = tpu.vector_load %swap3A_422[%swap3A_423] {strides = array<i32>} : memref<40960xf32, #tpu.memory_space<vmem>>, vector<16xf32>,
      tpu.vector_store %swap3A_422[%swap3A_423], %mul3A_420 {add = true, strides = array<i32>} : memref<40960xf32, #tpu.memory_space<vmem>>, vector<16xf32>,
      %eq3A_425 = arith.constant 9 : i32
      %eq3A_426 = vector.broadcast %eq3A_425 : i32 to vector<16xi32>
      %eq3A_427 = arith.cmpi eq, %iota3A, %eq3A_426 : vector<16xi32>
      %jit3A_428 = arith.constant 0 : i32
      %broadcast_in_dim3A_429 = vector.broadcast %jit3A_428 : i32 to vector<16xi32>
      %select_n3A_430 = arith.select %eq3A_427, %min3A_175, %broadcast_in_dim3A_429 : vector<16xi1>, vector<16xi32>
      %reduce_sum3A_431 = arith.constant true
      %reduce_sum3A_432 = vector.broadcast %reduce_sum3A_431 : i1 to vector<16xi1>
      %reduce_sum3A_433 = tpu.scan <sum>, %select_n3A_430 masked %reduce_sum3A_432 : vector<16xi32>, vector<16xi1> -> vector<16xi32>
      %reduce_sum3A_434 = vector.extract %reduce_sum3A_433[15] : i32 from vector<16xi32>
      %mul3A_435 = arith.constant 16 : i32
      %mul3A_436 = arith.muli %scan3A_163, %mul3A_435 : i32
      %add3A_437 = arith.constant 9 : i32
      %add3A_438 = arith.addi %mul3A_436, %add3A_437 : i32
      %mul3A_439 = arith.constant 16 : i32
      %mul3A_440 = arith.muli %add3A_438, %mul3A_439 : i32
      %get3A_441 = arith.constant 41024 : i32
      %get3A_442 = tpu.memref_slice %arg8[%get3A_441] : memref<81280xf32, #tpu.memory_space<vmem>> -> memref<40192xf32, #tpu.memory_space<vmem>>
      %get3A_443 = arith.index_cast %mul3A_440 : i32 to index
      %get3A_444 = tpu.vector_load %get3A_442[%get3A_443] {strides = array<i32>} : memref<40192xf32, #tpu.memory_space<vmem>>, vector<16xf32>,
      %mul3A_445 = arith.constant 16 : i32
      %mul3A_446 = arith.muli %reduce_sum3A_434, %mul3A_445 : i32
      %mul3A_447 = vector.broadcast %select_n3A_172 : f32 to vector<16xf32>
      %mul3A_448 = arith.mulf %get3A_444, %mul3A_447 : vector<16xf32>
      %swap3A_449 = arith.constant 0 : i32
      %swap3A_450 = tpu.memref_slice %arg8[%swap3A_449] : memref<81280xf32, #tpu.memory_space<vmem>> -> memref<40960xf32, #tpu.memory_space<vmem>>
      %swap3A_451 = arith.index_cast %mul3A_446 : i32 to index
      %swap3A_452 = tpu.vector_load %swap3A_450[%swap3A_451] {strides = array<i32>} : memref<40960xf32, #tpu.memory_space<vmem>>, vector<16xf32>,
      tpu.vector_store %swap3A_450[%swap3A_451], %mul3A_448 {add = true, strides = array<i32>} : memref<40960xf32, #tpu.memory_space<vmem>>, vector<16xf32>,
      %eq3A_453 = arith.constant 10 : i32
      %eq3A_454 = vector.broadcast %eq3A_453 : i32 to vector<16xi32>
      %eq3A_455 = arith.cmpi eq, %iota3A, %eq3A_454 : vector<16xi32>
      %jit3A_456 = arith.constant 0 : i32
      %broadcast_in_dim3A_457 = vector.broadcast %jit3A_456 : i32 to vector<16xi32>
      %select_n3A_458 = arith.select %eq3A_455, %min3A_175, %broadcast_in_dim3A_457 : vector<16xi1>, vector<16xi32>
      %reduce_sum3A_459 = arith.constant true
      %reduce_sum3A_460 = vector.broadcast %reduce_sum3A_459 : i1 to vector<16xi1>
      %reduce_sum3A_461 = tpu.scan <sum>, %select_n3A_458 masked %reduce_sum3A_460 : vector<16xi32>, vector<16xi1> -> vector<16xi32>
      %reduce_sum3A_462 = vector.extract %reduce_sum3A_461[15] : i32 from vector<16xi32>
      %mul3A_463 = arith.constant 16 : i32
      %mul3A_464 = arith.muli %scan3A_163, %mul3A_463 : i32
      %add3A_465 = arith.constant 10 : i32
      %add3A_466 = arith.addi %mul3A_464, %add3A_465 : i32
      %mul3A_467 = arith.constant 16 : i32
      %mul3A_468 = arith.muli %add3A_466, %mul3A_467 : i32
      %get3A_469 = arith.constant 41024 : i32
      %get3A_470 = tpu.memref_slice %arg8[%get3A_469] : memref<81280xf32, #tpu.memory_space<vmem>> -> memref<40192xf32, #tpu.memory_space<vmem>>
      %get3A_471 = arith.index_cast %mul3A_468 : i32 to index
      %get3A_472 = tpu.vector_load %get3A_470[%get3A_471] {strides = array<i32>} : memref<40192xf32, #tpu.memory_space<vmem>>, vector<16xf32>,
      %mul3A_473 = arith.constant 16 : i32
      %mul3A_474 = arith.muli %reduce_sum3A_462, %mul3A_473 : i32
      %mul3A_475 = vector.broadcast %select_n3A_172 : f32 to vector<16xf32>
      %mul3A_476 = arith.mulf %get3A_472, %mul3A_475 : vector<16xf32>
      %swap3A_477 = arith.constant 0 : i32
      %swap3A_478 = tpu.memref_slice %arg8[%swap3A_477] : memref<81280xf32, #tpu.memory_space<vmem>> -> memref<40960xf32, #tpu.memory_space<vmem>>
      %swap3A_479 = arith.index_cast %mul3A_474 : i32 to index
      %swap3A_480 = tpu.vector_load %swap3A_478[%swap3A_479] {strides = array<i32>} : memref<40960xf32, #tpu.memory_space<vmem>>, vector<16xf32>,
      tpu.vector_store %swap3A_478[%swap3A_479], %mul3A_476 {add = true, strides = array<i32>} : memref<40960xf32, #tpu.memory_space<vmem>>, vector<16xf32>,
      %eq3A_481 = arith.constant 11 : i32
      %eq3A_482 = vector.broadcast %eq3A_481 : i32 to vector<16xi32>
      %eq3A_483 = arith.cmpi eq, %iota3A, %eq3A_482 : vector<16xi32>
      %jit3A_484 = arith.constant 0 : i32
      %broadcast_in_dim3A_485 = vector.broadcast %jit3A_484 : i32 to vector<16xi32>
      %select_n3A_486 = arith.select %eq3A_483, %min3A_175, %broadcast_in_dim3A_485 : vector<16xi1>, vector<16xi32>
      %reduce_sum3A_487 = arith.constant true
      %reduce_sum3A_488 = vector.broadcast %reduce_sum3A_487 : i1 to vector<16xi1>
      %reduce_sum3A_489 = tpu.scan <sum>, %select_n3A_486 masked %reduce_sum3A_488 : vector<16xi32>, vector<16xi1> -> vector<16xi32>
      %reduce_sum3A_490 = vector.extract %reduce_sum3A_489[15] : i32 from vector<16xi32>
      %mul3A_491 = arith.constant 16 : i32
      %mul3A_492 = arith.muli %scan3A_163, %mul3A_491 : i32
      %add3A_493 = arith.constant 11 : i32
      %add3A_494 = arith.addi %mul3A_492, %add3A_493 : i32
      %mul3A_495 = arith.constant 16 : i32
      %mul3A_496 = arith.muli %add3A_494, %mul3A_495 : i32
      %get3A_497 = arith.constant 41024 : i32
      %get3A_498 = tpu.memref_slice %arg8[%get3A_497] : memref<81280xf32, #tpu.memory_space<vmem>> -> memref<40192xf32, #tpu.memory_space<vmem>>
      %get3A_499 = arith.index_cast %mul3A_496 : i32 to index
      %get3A_500 = tpu.vector_load %get3A_498[%get3A_499] {strides = array<i32>} : memref<40192xf32, #tpu.memory_space<vmem>>, vector<16xf32>,
      %mul3A_501 = arith.constant 16 : i32
      %mul3A_502 = arith.muli %reduce_sum3A_490, %mul3A_501 : i32
      %mul3A_503 = vector.broadcast %select_n3A_172 : f32 to vector<16xf32>
      %mul3A_504 = arith.mulf %get3A_500, %mul3A_503 : vector<16xf32>
      %swap3A_505 = arith.constant 0 : i32
      %swap3A_506 = tpu.memref_slice %arg8[%swap3A_505] : memref<81280xf32, #tpu.memory_space<vmem>> -> memref<40960xf32, #tpu.memory_space<vmem>>
      %swap3A_507 = arith.index_cast %mul3A_502 : i32 to index
      %swap3A_508 = tpu.vector_load %swap3A_506[%swap3A_507] {strides = array<i32>} : memref<40960xf32, #tpu.memory_space<vmem>>, vector<16xf32>,
      tpu.vector_store %swap3A_506[%swap3A_507], %mul3A_504 {add = true, strides = array<i32>} : memref<40960xf32, #tpu.memory_space<vmem>>, vector<16xf32>,
      %eq3A_509 = arith.constant 12 : i32
      %eq3A_510 = vector.broadcast %eq3A_509 : i32 to vector<16xi32>
      %eq3A_511 = arith.cmpi eq, %iota3A, %eq3A_510 : vector<16xi32>
      %jit3A_512 = arith.constant 0 : i32
      %broadcast_in_dim3A_513 = vector.broadcast %jit3A_512 : i32 to vector<16xi32>
      %select_n3A_514 = arith.select %eq3A_511, %min3A_175, %broadcast_in_dim3A_513 : vector<16xi1>, vector<16xi32>
      %reduce_sum3A_515 = arith.constant true
      %reduce_sum3A_516 = vector.broadcast %reduce_sum3A_515 : i1 to vector<16xi1>
      %reduce_sum3A_517 = tpu.scan <sum>, %select_n3A_514 masked %reduce_sum3A_516 : vector<16xi32>, vector<16xi1> -> vector<16xi32>
      %reduce_sum3A_518 = vector.extract %reduce_sum3A_517[15] : i32 from vector<16xi32>
      %mul3A_519 = arith.constant 16 : i32
      %mul3A_520 = arith.muli %scan3A_163, %mul3A_519 : i32
      %add3A_521 = arith.constant 12 : i32
      %add3A_522 = arith.addi %mul3A_520, %add3A_521 : i32
      %mul3A_523 = arith.constant 16 : i32
      %mul3A_524 = arith.muli %add3A_522, %mul3A_523 : i32
      %get3A_525 = arith.constant 41024 : i32
      %get3A_526 = tpu.memref_slice %arg8[%get3A_525] : memref<81280xf32, #tpu.memory_space<vmem>> -> memref<40192xf32, #tpu.memory_space<vmem>>
      %get3A_527 = arith.index_cast %mul3A_524 : i32 to index
      %get3A_528 = tpu.vector_load %get3A_526[%get3A_527] {strides = array<i32>} : memref<40192xf32, #tpu.memory_space<vmem>>, vector<16xf32>,
      %mul3A_529 = arith.constant 16 : i32
      %mul3A_530 = arith.muli %reduce_sum3A_518, %mul3A_529 : i32
      %mul3A_531 = vector.broadcast %select_n3A_172 : f32 to vector<16xf32>
      %mul3A_532 = arith.mulf %get3A_528, %mul3A_531 : vector<16xf32>
      %swap3A_533 = arith.constant 0 : i32
      %swap3A_534 = tpu.memref_slice %arg8[%swap3A_533] : memref<81280xf32, #tpu.memory_space<vmem>> -> memref<40960xf32, #tpu.memory_space<vmem>>
      %swap3A_535 = arith.index_cast %mul3A_530 : i32 to index
      %swap3A_536 = tpu.vector_load %swap3A_534[%swap3A_535] {strides = array<i32>} : memref<40960xf32, #tpu.memory_space<vmem>>, vector<16xf32>,
      tpu.vector_store %swap3A_534[%swap3A_535], %mul3A_532 {add = true, strides = array<i32>} : memref<40960xf32, #tpu.memory_space<vmem>>, vector<16xf32>,
      %eq3A_537 = arith.constant 13 : i32
      %eq3A_538 = vector.broadcast %eq3A_537 : i32 to vector<16xi32>
      %eq3A_539 = arith.cmpi eq, %iota3A, %eq3A_538 : vector<16xi32>
      %jit3A_540 = arith.constant 0 : i32
      %broadcast_in_dim3A_541 = vector.broadcast %jit3A_540 : i32 to vector<16xi32>
      %select_n3A_542 = arith.select %eq3A_539, %min3A_175, %broadcast_in_dim3A_541 : vector<16xi1>, vector<16xi32>
      %reduce_sum3A_543 = arith.constant true
      %reduce_sum3A_544 = vector.broadcast %reduce_sum3A_543 : i1 to vector<16xi1>
      %reduce_sum3A_545 = tpu.scan <sum>, %select_n3A_542 masked %reduce_sum3A_544 : vector<16xi32>, vector<16xi1> -> vector<16xi32>
      %reduce_sum3A_546 = vector.extract %reduce_sum3A_545[15] : i32 from vector<16xi32>
      %mul3A_547 = arith.constant 16 : i32
      %mul3A_548 = arith.muli %scan3A_163, %mul3A_547 : i32
      %add3A_549 = arith.constant 13 : i32
      %add3A_550 = arith.addi %mul3A_548, %add3A_549 : i32
      %mul3A_551 = arith.constant 16 : i32
      %mul3A_552 = arith.muli %add3A_550, %mul3A_551 : i32
      %get3A_553 = arith.constant 41024 : i32
      %get3A_554 = tpu.memref_slice %arg8[%get3A_553] : memref<81280xf32, #tpu.memory_space<vmem>> -> memref<40192xf32, #tpu.memory_space<vmem>>
      %get3A_555 = arith.index_cast %mul3A_552 : i32 to index
      %get3A_556 = tpu.vector_load %get3A_554[%get3A_555] {strides = array<i32>} : memref<40192xf32, #tpu.memory_space<vmem>>, vector<16xf32>,
      %mul3A_557 = arith.constant 16 : i32
      %mul3A_558 = arith.muli %reduce_sum3A_546, %mul3A_557 : i32
      %mul3A_559 = vector.broadcast %select_n3A_172 : f32 to vector<16xf32>
      %mul3A_560 = arith.mulf %get3A_556, %mul3A_559 : vector<16xf32>
      %swap3A_561 = arith.constant 0 : i32
      %swap3A_562 = tpu.memref_slice %arg8[%swap3A_561] : memref<81280xf32, #tpu.memory_space<vmem>> -> memref<40960xf32, #tpu.memory_space<vmem>>
      %swap3A_563 = arith.index_cast %mul3A_558 : i32 to index
      %swap3A_564 = tpu.vector_load %swap3A_562[%swap3A_563] {strides = array<i32>} : memref<40960xf32, #tpu.memory_space<vmem>>, vector<16xf32>,
      tpu.vector_store %swap3A_562[%swap3A_563], %mul3A_560 {add = true, strides = array<i32>} : memref<40960xf32, #tpu.memory_space<vmem>>, vector<16xf32>,
      %eq3A_565 = arith.constant 14 : i32
      %eq3A_566 = vector.broadcast %eq3A_565 : i32 to vector<16xi32>
      %eq3A_567 = arith.cmpi eq, %iota3A, %eq3A_566 : vector<16xi32>
      %jit3A_568 = arith.constant 0 : i32
      %broadcast_in_dim3A_569 = vector.broadcast %jit3A_568 : i32 to vector<16xi32>
      %select_n3A_570 = arith.select %eq3A_567, %min3A_175, %broadcast_in_dim3A_569 : vector<16xi1>, vector<16xi32>
      %reduce_sum3A_571 = arith.constant true
      %reduce_sum3A_572 = vector.broadcast %reduce_sum3A_571 : i1 to vector<16xi1>
      %reduce_sum3A_573 = tpu.scan <sum>, %select_n3A_570 masked %reduce_sum3A_572 : vector<16xi32>, vector<16xi1> -> vector<16xi32>
      %reduce_sum3A_574 = vector.extract %reduce_sum3A_573[15] : i32 from vector<16xi32>
      %mul3A_575 = arith.constant 16 : i32
      %mul3A_576 = arith.muli %scan3A_163, %mul3A_575 : i32
      %add3A_577 = arith.constant 14 : i32
      %add3A_578 = arith.addi %mul3A_576, %add3A_577 : i32
      %mul3A_579 = arith.constant 16 : i32
      %mul3A_580 = arith.muli %add3A_578, %mul3A_579 : i32
      %get3A_581 = arith.constant 41024 : i32
      %get3A_582 = tpu.memref_slice %arg8[%get3A_581] : memref<81280xf32, #tpu.memory_space<vmem>> -> memref<40192xf32, #tpu.memory_space<vmem>>
      %get3A_583 = arith.index_cast %mul3A_580 : i32 to index
      %get3A_584 = tpu.vector_load %get3A_582[%get3A_583] {strides = array<i32>} : memref<40192xf32, #tpu.memory_space<vmem>>, vector<16xf32>,
      %mul3A_585 = arith.constant 16 : i32
      %mul3A_586 = arith.muli %reduce_sum3A_574, %mul3A_585 : i32
      %mul3A_587 = vector.broadcast %select_n3A_172 : f32 to vector<16xf32>
      %mul3A_588 = arith.mulf %get3A_584, %mul3A_587 : vector<16xf32>
      %swap3A_589 = arith.constant 0 : i32
      %swap3A_590 = tpu.memref_slice %arg8[%swap3A_589] : memref<81280xf32, #tpu.memory_space<vmem>> -> memref<40960xf32, #tpu.memory_space<vmem>>
      %swap3A_591 = arith.index_cast %mul3A_586 : i32 to index
      %swap3A_592 = tpu.vector_load %swap3A_590[%swap3A_591] {strides = array<i32>} : memref<40960xf32, #tpu.memory_space<vmem>>, vector<16xf32>,
      tpu.vector_store %swap3A_590[%swap3A_591], %mul3A_588 {add = true, strides = array<i32>} : memref<40960xf32, #tpu.memory_space<vmem>>, vector<16xf32>,
      %eq3A_593 = arith.constant 15 : i32
      %eq3A_594 = vector.broadcast %eq3A_593 : i32 to vector<16xi32>
      %eq3A_595 = arith.cmpi eq, %iota3A, %eq3A_594 : vector<16xi32>
      %jit3A_596 = arith.constant 0 : i32
      %broadcast_in_dim3A_597 = vector.broadcast %jit3A_596 : i32 to vector<16xi32>
      %select_n3A_598 = arith.select %eq3A_595, %min3A_175, %broadcast_in_dim3A_597 : vector<16xi1>, vector<16xi32>
      %reduce_sum3A_599 = arith.constant true
      %reduce_sum3A_600 = vector.broadcast %reduce_sum3A_599 : i1 to vector<16xi1>
      %reduce_sum3A_601 = tpu.scan <sum>, %select_n3A_598 masked %reduce_sum3A_600 : vector<16xi32>, vector<16xi1> -> vector<16xi32>
      %reduce_sum3A_602 = vector.extract %reduce_sum3A_601[15] : i32 from vector<16xi32>
      %mul3A_603 = arith.constant 16 : i32
      %mul3A_604 = arith.muli %scan3A_163, %mul3A_603 : i32
      %add3A_605 = arith.constant 15 : i32
      %add3A_606 = arith.addi %mul3A_604, %add3A_605 : i32
      %mul3A_607 = arith.constant 16 : i32
      %mul3A_608 = arith.muli %add3A_606, %mul3A_607 : i32
      %get3A_609 = arith.constant 41024 : i32
      %get3A_610 = tpu.memref_slice %arg8[%get3A_609] : memref<81280xf32, #tpu.memory_space<vmem>> -> memref<40192xf32, #tpu.memory_space<vmem>>
      %get3A_611 = arith.index_cast %mul3A_608 : i32 to index
      %get3A_612 = tpu.vector_load %get3A_610[%get3A_611] {strides = array<i32>} : memref<40192xf32, #tpu.memory_space<vmem>>, vector<16xf32>,
      %mul3A_613 = arith.constant 16 : i32
      %mul3A_614 = arith.muli %reduce_sum3A_602, %mul3A_613 : i32
      %mul3A_615 = vector.broadcast %select_n3A_172 : f32 to vector<16xf32>
      %mul3A_616 = arith.mulf %get3A_612, %mul3A_615 : vector<16xf32>
      %swap3A_617 = arith.constant 0 : i32
      %swap3A_618 = tpu.memref_slice %arg8[%swap3A_617] : memref<81280xf32, #tpu.memory_space<vmem>> -> memref<40960xf32, #tpu.memory_space<vmem>>
      %swap3A_619 = arith.index_cast %mul3A_614 : i32 to index
      %swap3A_620 = tpu.vector_load %swap3A_618[%swap3A_619] {strides = array<i32>} : memref<40960xf32, #tpu.memory_space<vmem>>, vector<16xf32>,
      tpu.vector_store %swap3A_618[%swap3A_619], %mul3A_616 {add = true, strides = array<i32>} : memref<40960xf32, #tpu.memory_space<vmem>>, vector<16xf32>,
      %scan3A_621 = arith.constant 0 : i32
      scf.yield %scan3A_621 : i32
    }
    %scan3A_82 = arith.constant 157 : i32
    %mul3A_83 = arith.constant 40960 : i32
    %mul3A_84 = arith.muli %add3A, %mul3A_83 : i32
    "tpu.region"() ({
      %run_scoped3A = tpu.sem_alloc : memref<!tpu.dma_semaphore, #tpu.memory_space<semaphore_mem>>
      %dma_start3A = arith.constant 0 : i32
      %dma_start3A_163 = tpu.memref_slice %arg8[%dma_start3A] : memref<81280xf32, #tpu.memory_space<vmem>> -> memref<40960xf32, #tpu.memory_space<vmem>>
      %dma_start3A_164 = tpu.memref_slice %arg6[%mul3A_84] : memref<1310720xf32, #tpu.memory_space<hbm>> -> memref<40960xf32, #tpu.memory_space<hbm>>
      %dma_start3A_165 = tpu.memref_slice %arg6[%mul3A_84] : memref<1310720xf32, #tpu.memory_space<hbm>> -> memref<40960xf32, #tpu.memory_space<hbm>>
      %dma_start3A_166 = arith.constant 0 : i32
      %dma_start3A_167 = tpu.memref_slice %arg8[%dma_start3A_166] : memref<81280xf32, #tpu.memory_space<vmem>> -> memref<40960xf32, #tpu.memory_space<vmem>>
      tpu.enqueue_dma source(%dma_start3A_167 : memref<40960xf32, #tpu.memory_space<vmem>>) target(%dma_start3A_165 : memref<40960xf32, #tpu.memory_space<hbm>>) target_semaphore(%run_scoped3A : memref<!tpu.dma_semaphore, #tpu.memory_space<semaphore_mem>>)
      %dma_wait3A = arith.constant 0 : i32
      %dma_wait3A_168 = tpu.memref_slice %arg8[%dma_wait3A] : memref<81280xf32, #tpu.memory_space<vmem>> -> memref<40960xf32, #tpu.memory_space<vmem>>
      %dma_wait3A_169 = tpu.memref_slice %arg6[%mul3A_84] : memref<1310720xf32, #tpu.memory_space<hbm>> -> memref<40960xf32, #tpu.memory_space<hbm>>
      %dma_wait3A_170 = tpu.memref_slice %arg6[%mul3A_84] : memref<1310720xf32, #tpu.memory_space<hbm>> -> memref<40960xf32, #tpu.memory_space<hbm>>
      %dma_wait3A_171 = arith.constant 0 : i32
      %dma_wait3A_172 = tpu.memref_slice %arg8[%dma_wait3A_171] : memref<81280xf32, #tpu.memory_space<vmem>> -> memref<40960xf32, #tpu.memory_space<vmem>>
      tpu.wait_dma2 semaphore(%run_scoped3A : memref<!tpu.dma_semaphore, #tpu.memory_space<semaphore_mem>>) src(%dma_wait3A_172 : memref<40960xf32, #tpu.memory_space<vmem>>) dst(%dma_wait3A_170 : memref<40960xf32, #tpu.memory_space<hbm>>)
      tpu.yield
    }) : () -> ()
    %mul3A_85 = arith.constant 2500 : i32
    %mul3A_86 = arith.muli %add3A, %mul3A_85 : i32
    %jit3A_87 = arith.constant 32 : i32
    %div3A_88 = arith.divsi %mul3A_86, %jit3A_87 : i32
    %sign3A_89 = arith.constant 0 : i32
    %sign3A_90 = arith.cmpi sgt, %mul3A_86, %sign3A_89 : i32
    %sign3A_91 = arith.extui %sign3A_90 : i1 to i32
    %sign3A_92 = arith.constant 0 : i32
    %sign3A_93 = arith.cmpi slt, %mul3A_86, %sign3A_92 : i32
    %sign3A_94 = arith.extui %sign3A_93 : i1 to i32
    %sign3A_95 = arith.subi %sign3A_91, %sign3A_94 : i32
    %sign3A_96 = arith.constant 0 : i32
    %sign3A_97 = arith.cmpi sgt, %jit3A_87, %sign3A_96 : i32
    %sign3A_98 = arith.extui %sign3A_97 : i1 to i32
    %sign3A_99 = arith.constant 0 : i32
    %sign3A_100 = arith.cmpi slt, %jit3A_87, %sign3A_99 : i32
    %sign3A_101 = arith.extui %sign3A_100 : i1 to i32
    %sign3A_102 = arith.subi %sign3A_98, %sign3A_101 : i32
    %ne3A_103 = arith.cmpi ne, %sign3A_95, %sign3A_102 : i32
    %rem3A_104 = arith.remsi %mul3A_86, %jit3A_87 : i32
    %ne3A_105 = arith.constant 0 : i32
    %ne3A_106 = arith.cmpi ne, %rem3A_104, %ne3A_105 : i32
    %and3A_107 = arith.andi %ne3A_103, %ne3A_106 : i1
    %sub3A_108 = arith.constant 1 : i32
    %sub3A_109 = arith.subi %div3A_88, %sub3A_108 : i32
    %select_n3A_110 = arith.select %and3A_107, %sub3A_109, %div3A_88 : i32
    %add3A_111 = arith.constant 1 : i32
    %add3A_112 = arith.addi %add3A, %add3A_111 : i32
    %mul3A_113 = arith.constant 2500 : i32
    %mul3A_114 = arith.muli %add3A_112, %mul3A_113 : i32
    %jit3A_115 = arith.constant 32 : i32
    %div3A_116 = arith.divsi %mul3A_114, %jit3A_115 : i32
    %sign3A_117 = arith.constant 0 : i32
    %sign3A_118 = arith.cmpi sgt, %mul3A_114, %sign3A_117 : i32
    %sign3A_119 = arith.extui %sign3A_118 : i1 to i32
    %sign3A_120 = arith.constant 0 : i32
    %sign3A_121 = arith.cmpi slt, %mul3A_114, %sign3A_120 : i32
    %sign3A_122 = arith.extui %sign3A_121 : i1 to i32
    %sign3A_123 = arith.subi %sign3A_119, %sign3A_122 : i32
    %sign3A_124 = arith.constant 0 : i32
    %sign3A_125 = arith.cmpi sgt, %jit3A_115, %sign3A_124 : i32
    %sign3A_126 = arith.extui %sign3A_125 : i1 to i32
    %sign3A_127 = arith.constant 0 : i32
    %sign3A_128 = arith.cmpi slt, %jit3A_115, %sign3A_127 : i32
    %sign3A_129 = arith.extui %sign3A_128 : i1 to i32
    %sign3A_130 = arith.subi %sign3A_126, %sign3A_129 : i32
    %ne3A_131 = arith.cmpi ne, %sign3A_123, %sign3A_130 : i32
    %rem3A_132 = arith.remsi %mul3A_114, %jit3A_115 : i32
    %ne3A_133 = arith.constant 0 : i32
    %ne3A_134 = arith.cmpi ne, %rem3A_132, %ne3A_133 : i32
    %and3A_135 = arith.andi %ne3A_131, %ne3A_134 : i1
    %sub3A_136 = arith.constant 1 : i32
    %sub3A_137 = arith.subi %div3A_116, %sub3A_136 : i32
    %select_n3A_138 = arith.select %and3A_135, %sub3A_137, %div3A_116 : i32
    %scan3A_139 = arith.constant 0 : i32
    %scan3A_140 = arith.constant 0 : i32
    %scan3A_141 = arith.constant 102 : i32
    %scan3A_142 = arith.addi %scan3A_140, %scan3A_141 : i32
    %scan3A_143 = arith.constant 1 : i32
    %scan3A_144 = scf.for %scan3A_163 = %scan3A_140 to %scan3A_142 step %scan3A_143 iter_args(%scan3A_164 = %scan3A_139) -> (i32)  : i32 {
      %mul3A_165 = arith.constant 160 : i32
      %mul3A_166 = arith.muli %scan3A_163, %mul3A_165 : i32
      %add3A_167 = arith.constant 0 : i32
      %add3A_168 = arith.addi %mul3A_166, %add3A_167 : i32
      %swap3A = arith.index_cast %add3A_168 : i32 to index
      %swap3A_169 = tpu.vector_load %arg8[%swap3A] {strides = array<i32>} : memref<81280xf32, #tpu.memory_space<vmem>>, vector<16xf32>,
      tpu.vector_store %arg8[%swap3A], %broadcast_in_dim3A_1 {strides = array<i32>} : memref<81280xf32, #tpu.memory_space<vmem>>, vector<16xf32>,
      %mul3A_170 = arith.constant 160 : i32
      %mul3A_171 = arith.muli %scan3A_163, %mul3A_170 : i32
      %add3A_172 = arith.constant 16 : i32
      %add3A_173 = arith.addi %mul3A_171, %add3A_172 : i32
      %swap3A_174 = arith.index_cast %add3A_173 : i32 to index
      %swap3A_175 = tpu.vector_load %arg8[%swap3A_174] {strides = array<i32>} : memref<81280xf32, #tpu.memory_space<vmem>>, vector<16xf32>,
      tpu.vector_store %arg8[%swap3A_174], %broadcast_in_dim3A_1 {strides = array<i32>} : memref<81280xf32, #tpu.memory_space<vmem>>, vector<16xf32>,
      %mul3A_176 = arith.constant 160 : i32
      %mul3A_177 = arith.muli %scan3A_163, %mul3A_176 : i32
      %add3A_178 = arith.constant 32 : i32
      %add3A_179 = arith.addi %mul3A_177, %add3A_178 : i32
      %swap3A_180 = arith.index_cast %add3A_179 : i32 to index
      %swap3A_181 = tpu.vector_load %arg8[%swap3A_180] {strides = array<i32>} : memref<81280xf32, #tpu.memory_space<vmem>>, vector<16xf32>,
      tpu.vector_store %arg8[%swap3A_180], %broadcast_in_dim3A_1 {strides = array<i32>} : memref<81280xf32, #tpu.memory_space<vmem>>, vector<16xf32>,
      %mul3A_182 = arith.constant 160 : i32
      %mul3A_183 = arith.muli %scan3A_163, %mul3A_182 : i32
      %add3A_184 = arith.constant 48 : i32
      %add3A_185 = arith.addi %mul3A_183, %add3A_184 : i32
      %swap3A_186 = arith.index_cast %add3A_185 : i32 to index
      %swap3A_187 = tpu.vector_load %arg8[%swap3A_186] {strides = array<i32>} : memref<81280xf32, #tpu.memory_space<vmem>>, vector<16xf32>,
      tpu.vector_store %arg8[%swap3A_186], %broadcast_in_dim3A_1 {strides = array<i32>} : memref<81280xf32, #tpu.memory_space<vmem>>, vector<16xf32>,
      %mul3A_188 = arith.constant 160 : i32
      %mul3A_189 = arith.muli %scan3A_163, %mul3A_188 : i32
      %add3A_190 = arith.constant 64 : i32
      %add3A_191 = arith.addi %mul3A_189, %add3A_190 : i32
      %swap3A_192 = arith.index_cast %add3A_191 : i32 to index
      %swap3A_193 = tpu.vector_load %arg8[%swap3A_192] {strides = array<i32>} : memref<81280xf32, #tpu.memory_space<vmem>>, vector<16xf32>,
      tpu.vector_store %arg8[%swap3A_192], %broadcast_in_dim3A_1 {strides = array<i32>} : memref<81280xf32, #tpu.memory_space<vmem>>, vector<16xf32>,
      %mul3A_194 = arith.constant 160 : i32
      %mul3A_195 = arith.muli %scan3A_163, %mul3A_194 : i32
      %add3A_196 = arith.constant 80 : i32
      %add3A_197 = arith.addi %mul3A_195, %add3A_196 : i32
      %swap3A_198 = arith.index_cast %add3A_197 : i32 to index
      %swap3A_199 = tpu.vector_load %arg8[%swap3A_198] {strides = array<i32>} : memref<81280xf32, #tpu.memory_space<vmem>>, vector<16xf32>,
      tpu.vector_store %arg8[%swap3A_198], %broadcast_in_dim3A_1 {strides = array<i32>} : memref<81280xf32, #tpu.memory_space<vmem>>, vector<16xf32>,
      %mul3A_200 = arith.constant 160 : i32
      %mul3A_201 = arith.muli %scan3A_163, %mul3A_200 : i32
      %add3A_202 = arith.constant 96 : i32
      %add3A_203 = arith.addi %mul3A_201, %add3A_202 : i32
      %swap3A_204 = arith.index_cast %add3A_203 : i32 to index
      %swap3A_205 = tpu.vector_load %arg8[%swap3A_204] {strides = array<i32>} : memref<81280xf32, #tpu.memory_space<vmem>>, vector<16xf32>,
      tpu.vector_store %arg8[%swap3A_204], %broadcast_in_dim3A_1 {strides = array<i32>} : memref<81280xf32, #tpu.memory_space<vmem>>, vector<16xf32>,
      %mul3A_206 = arith.constant 160 : i32
      %mul3A_207 = arith.muli %scan3A_163, %mul3A_206 : i32
      %add3A_208 = arith.constant 112 : i32
      %add3A_209 = arith.addi %mul3A_207, %add3A_208 : i32
      %swap3A_210 = arith.index_cast %add3A_209 : i32 to index
      %swap3A_211 = tpu.vector_load %arg8[%swap3A_210] {strides = array<i32>} : memref<81280xf32, #tpu.memory_space<vmem>>, vector<16xf32>,
      tpu.vector_store %arg8[%swap3A_210], %broadcast_in_dim3A_1 {strides = array<i32>} : memref<81280xf32, #tpu.memory_space<vmem>>, vector<16xf32>,
      %mul3A_212 = arith.constant 160 : i32
      %mul3A_213 = arith.muli %scan3A_163, %mul3A_212 : i32
      %add3A_214 = arith.constant 128 : i32
      %add3A_215 = arith.addi %mul3A_213, %add3A_214 : i32
      %swap3A_216 = arith.index_cast %add3A_215 : i32 to index
      %swap3A_217 = tpu.vector_load %arg8[%swap3A_216] {strides = array<i32>} : memref<81280xf32, #tpu.memory_space<vmem>>, vector<16xf32>,
      tpu.vector_store %arg8[%swap3A_216], %broadcast_in_dim3A_1 {strides = array<i32>} : memref<81280xf32, #tpu.memory_space<vmem>>, vector<16xf32>,
      %mul3A_218 = arith.constant 160 : i32
      %mul3A_219 = arith.muli %scan3A_163, %mul3A_218 : i32
      %add3A_220 = arith.constant 144 : i32
      %add3A_221 = arith.addi %mul3A_219, %add3A_220 : i32
      %swap3A_222 = arith.index_cast %add3A_221 : i32 to index
      %swap3A_223 = tpu.vector_load %arg8[%swap3A_222] {strides = array<i32>} : memref<81280xf32, #tpu.memory_space<vmem>>, vector<16xf32>,
      tpu.vector_store %arg8[%swap3A_222], %broadcast_in_dim3A_1 {strides = array<i32>} : memref<81280xf32, #tpu.memory_space<vmem>>, vector<16xf32>,
      %scan3A_224 = arith.constant 0 : i32
      scf.yield %scan3A_224 : i32
    }
    %scan3A_145 = arith.constant 102 : i32
    %add3A_146 = arith.constant 0 : i32
    %add3A_147 = arith.addi %select_n3A_110, %add3A_146 : i32
    %min3A_148 = arith.constant 2421 : i32
    %min3A_149 = arith.minsi %add3A_147, %min3A_148 : i32
    %mul3A_150 = arith.constant 16 : i32
    %mul3A_151 = arith.muli %min3A_149, %mul3A_150 : i32
    "tpu.region"() ({
      %run_scoped3A = tpu.sem_alloc : memref<!tpu.dma_semaphore, #tpu.memory_space<semaphore_mem>>
      %dma_start3A = arith.constant 0 : i32
      %dma_start3A_163 = tpu.memref_slice %arg9[%dma_start3A] : memref<2512xi32, #tpu.memory_space<vmem>> -> memref<1264xi32, #tpu.memory_space<vmem>>
      %dma_start3A_164 = tpu.memref_slice %arg4[%mul3A_151] : memref<64000xi32, #tpu.memory_space<hbm>> -> memref<1264xi32, #tpu.memory_space<hbm>>
      %dma_start3A_165 = arith.constant 0 : i32
      %dma_start3A_166 = tpu.memref_slice %arg9[%dma_start3A_165] : memref<2512xi32, #tpu.memory_space<vmem>> -> memref<1264xi32, #tpu.memory_space<vmem>>
      %dma_start3A_167 = tpu.memref_slice %arg4[%mul3A_151] : memref<64000xi32, #tpu.memory_space<hbm>> -> memref<1264xi32, #tpu.memory_space<hbm>>
      tpu.enqueue_dma source(%dma_start3A_167 : memref<1264xi32, #tpu.memory_space<hbm>>) target(%dma_start3A_166 : memref<1264xi32, #tpu.memory_space<vmem>>) target_semaphore(%run_scoped3A : memref<!tpu.dma_semaphore, #tpu.memory_space<semaphore_mem>>)
      %dma_wait3A = arith.constant 0 : i32
      %dma_wait3A_168 = tpu.memref_slice %arg9[%dma_wait3A] : memref<2512xi32, #tpu.memory_space<vmem>> -> memref<1264xi32, #tpu.memory_space<vmem>>
      %dma_wait3A_169 = tpu.memref_slice %arg4[%mul3A_151] : memref<64000xi32, #tpu.memory_space<hbm>> -> memref<1264xi32, #tpu.memory_space<hbm>>
      %dma_wait3A_170 = arith.constant 0 : i32
      %dma_wait3A_171 = tpu.memref_slice %arg9[%dma_wait3A_170] : memref<2512xi32, #tpu.memory_space<vmem>> -> memref<1264xi32, #tpu.memory_space<vmem>>
      %dma_wait3A_172 = tpu.memref_slice %arg4[%mul3A_151] : memref<64000xi32, #tpu.memory_space<hbm>> -> memref<1264xi32, #tpu.memory_space<hbm>>
      tpu.wait_dma2 semaphore(%run_scoped3A : memref<!tpu.dma_semaphore, #tpu.memory_space<semaphore_mem>>) src(%dma_wait3A_172 : memref<1264xi32, #tpu.memory_space<hbm>>) dst(%dma_wait3A_171 : memref<1264xi32, #tpu.memory_space<vmem>>)
      tpu.yield
    }) : () -> ()
    %mul3A_152 = arith.constant 256 : i32
    %mul3A_153 = arith.muli %min3A_149, %mul3A_152 : i32
    "tpu.region"() ({
      %run_scoped3A = tpu.sem_alloc : memref<!tpu.dma_semaphore, #tpu.memory_space<semaphore_mem>>
      %dma_start3A = arith.constant 41024 : i32
      %dma_start3A_163 = tpu.memref_slice %arg8[%dma_start3A] : memref<81280xf32, #tpu.memory_space<vmem>> -> memref<20224xf32, #tpu.memory_space<vmem>>
      %dma_start3A_164 = tpu.memref_slice %arg5[%mul3A_153] : memref<640000xf32, #tpu.memory_space<hbm>> -> memref<20224xf32, #tpu.memory_space<hbm>>
      %dma_start3A_165 = arith.constant 41024 : i32
      %dma_start3A_166 = tpu.memref_slice %arg8[%dma_start3A_165] : memref<81280xf32, #tpu.memory_space<vmem>> -> memref<20224xf32, #tpu.memory_space<vmem>>
      %dma_start3A_167 = tpu.memref_slice %arg5[%mul3A_153] : memref<640000xf32, #tpu.memory_space<hbm>> -> memref<20224xf32, #tpu.memory_space<hbm>>
      tpu.enqueue_dma source(%dma_start3A_167 : memref<20224xf32, #tpu.memory_space<hbm>>) target(%dma_start3A_166 : memref<20224xf32, #tpu.memory_space<vmem>>) target_semaphore(%run_scoped3A : memref<!tpu.dma_semaphore, #tpu.memory_space<semaphore_mem>>)
      %dma_wait3A = arith.constant 41024 : i32
      %dma_wait3A_168 = tpu.memref_slice %arg8[%dma_wait3A] : memref<81280xf32, #tpu.memory_space<vmem>> -> memref<20224xf32, #tpu.memory_space<vmem>>
      %dma_wait3A_169 = tpu.memref_slice %arg5[%mul3A_153] : memref<640000xf32, #tpu.memory_space<hbm>> -> memref<20224xf32, #tpu.memory_space<hbm>>
      %dma_wait3A_170 = arith.constant 41024 : i32
      %dma_wait3A_171 = tpu.memref_slice %arg8[%dma_wait3A_170] : memref<81280xf32, #tpu.memory_space<vmem>> -> memref<20224xf32, #tpu.memory_space<vmem>>
      %dma_wait3A_172 = tpu.memref_slice %arg5[%mul3A_153] : memref<640000xf32, #tpu.memory_space<hbm>> -> memref<20224xf32, #tpu.memory_space<hbm>>
      tpu.wait_dma2 semaphore(%run_scoped3A : memref<!tpu.dma_semaphore, #tpu.memory_space<semaphore_mem>>) src(%dma_wait3A_172 : memref<20224xf32, #tpu.memory_space<hbm>>) dst(%dma_wait3A_171 : memref<20224xf32, #tpu.memory_space<vmem>>)
      tpu.yield
    }) : () -> ()
    %scan3A_154 = arith.constant 0 : i32
    %scan3A_155 = arith.constant 0 : i32
    %scan3A_156 = arith.constant 79 : i32
    %scan3A_157 = arith.addi %scan3A_155, %scan3A_156 : i32
    %scan3A_158 = arith.constant 1 : i32
    %scan3A_159 = scf.for %scan3A_163 = %scan3A_155 to %scan3A_157 step %scan3A_158 iter_args(%scan3A_164 = %scan3A_154) -> (i32)  : i32 {
      %mul3A_165 = arith.constant 16 : i32
      %mul3A_166 = arith.muli %scan3A_163, %mul3A_165 : i32
      %get3A = arith.index_cast %mul3A_166 : i32 to index
      %get3A_167 = tpu.vector_load %arg9[%get3A] {strides = array<i32>} : memref<2512xi32, #tpu.memory_space<vmem>>, vector<16xi32>,
      %add3A_168 = arith.addi %min3A_149, %scan3A_163 : i32
      %ge3A = arith.cmpi sge, %add3A_168, %add3A_147 : i32
      %lt3A = arith.cmpi slt, %add3A_168, %select_n3A_138 : i32
      %and3A_169 = arith.andi %ge3A, %lt3A : i1
      %jit3A_170 = arith.constant 1.000000e+00 : f32
      %jit3A_171 = arith.constant 0.000000e+00 : f32
      %select_n3A_172 = arith.select %and3A_169, %jit3A_170, %jit3A_171 : f32
      %min3A_173 = arith.constant 1023 : i32
      %min3A_174 = vector.broadcast %min3A_173 : i32 to vector<16xi32>
      %min3A_175 = arith.minsi %get3A_167, %min3A_174 : vector<16xi32>
      %eq3A = arith.constant 0 : i32
      %eq3A_176 = vector.broadcast %eq3A : i32 to vector<16xi32>
      %eq3A_177 = arith.cmpi eq, %iota3A, %eq3A_176 : vector<16xi32>
      %jit3A_178 = arith.constant 0 : i32
      %broadcast_in_dim3A_179 = vector.broadcast %jit3A_178 : i32 to vector<16xi32>
      %select_n3A_180 = arith.select %eq3A_177, %min3A_175, %broadcast_in_dim3A_179 : vector<16xi1>, vector<16xi32>
      %reduce_sum3A = arith.constant true
      %reduce_sum3A_181 = vector.broadcast %reduce_sum3A : i1 to vector<16xi1>
      %reduce_sum3A_182 = tpu.scan <sum>, %select_n3A_180 masked %reduce_sum3A_181 : vector<16xi32>, vector<16xi1> -> vector<16xi32>
      %reduce_sum3A_183 = vector.extract %reduce_sum3A_182[15] : i32 from vector<16xi32>
      %mul3A_184 = arith.constant 16 : i32
      %mul3A_185 = arith.muli %scan3A_163, %mul3A_184 : i32
      %add3A_186 = arith.constant 0 : i32
      %add3A_187 = arith.addi %mul3A_185, %add3A_186 : i32
      %mul3A_188 = arith.constant 16 : i32
      %mul3A_189 = arith.muli %add3A_187, %mul3A_188 : i32
      %get3A_190 = arith.constant 41024 : i32
      %get3A_191 = tpu.memref_slice %arg8[%get3A_190] : memref<81280xf32, #tpu.memory_space<vmem>> -> memref<20224xf32, #tpu.memory_space<vmem>>
      %get3A_192 = arith.index_cast %mul3A_189 : i32 to index
      %get3A_193 = tpu.vector_load %get3A_191[%get3A_192] {strides = array<i32>} : memref<20224xf32, #tpu.memory_space<vmem>>, vector<16xf32>,
      %mul3A_194 = arith.constant 16 : i32
      %mul3A_195 = arith.muli %reduce_sum3A_183, %mul3A_194 : i32
      %mul3A_196 = vector.broadcast %select_n3A_172 : f32 to vector<16xf32>
      %mul3A_197 = arith.mulf %get3A_193, %mul3A_196 : vector<16xf32>
      %swap3A = arith.constant 0 : i32
      %swap3A_198 = tpu.memref_slice %arg8[%swap3A] : memref<81280xf32, #tpu.memory_space<vmem>> -> memref<16384xf32, #tpu.memory_space<vmem>>
      %swap3A_199 = arith.index_cast %mul3A_195 : i32 to index
      %swap3A_200 = tpu.vector_load %swap3A_198[%swap3A_199] {strides = array<i32>} : memref<16384xf32, #tpu.memory_space<vmem>>, vector<16xf32>,
      tpu.vector_store %swap3A_198[%swap3A_199], %mul3A_197 {add = true, strides = array<i32>} : memref<16384xf32, #tpu.memory_space<vmem>>, vector<16xf32>,
      %eq3A_201 = arith.constant 1 : i32
      %eq3A_202 = vector.broadcast %eq3A_201 : i32 to vector<16xi32>
      %eq3A_203 = arith.cmpi eq, %iota3A, %eq3A_202 : vector<16xi32>
      %jit3A_204 = arith.constant 0 : i32
      %broadcast_in_dim3A_205 = vector.broadcast %jit3A_204 : i32 to vector<16xi32>
      %select_n3A_206 = arith.select %eq3A_203, %min3A_175, %broadcast_in_dim3A_205 : vector<16xi1>, vector<16xi32>
      %reduce_sum3A_207 = arith.constant true
      %reduce_sum3A_208 = vector.broadcast %reduce_sum3A_207 : i1 to vector<16xi1>
      %reduce_sum3A_209 = tpu.scan <sum>, %select_n3A_206 masked %reduce_sum3A_208 : vector<16xi32>, vector<16xi1> -> vector<16xi32>
      %reduce_sum3A_210 = vector.extract %reduce_sum3A_209[15] : i32 from vector<16xi32>
      %mul3A_211 = arith.constant 16 : i32
      %mul3A_212 = arith.muli %scan3A_163, %mul3A_211 : i32
      %add3A_213 = arith.constant 1 : i32
      %add3A_214 = arith.addi %mul3A_212, %add3A_213 : i32
      %mul3A_215 = arith.constant 16 : i32
      %mul3A_216 = arith.muli %add3A_214, %mul3A_215 : i32
      %get3A_217 = arith.constant 41024 : i32
      %get3A_218 = tpu.memref_slice %arg8[%get3A_217] : memref<81280xf32, #tpu.memory_space<vmem>> -> memref<20224xf32, #tpu.memory_space<vmem>>
      %get3A_219 = arith.index_cast %mul3A_216 : i32 to index
      %get3A_220 = tpu.vector_load %get3A_218[%get3A_219] {strides = array<i32>} : memref<20224xf32, #tpu.memory_space<vmem>>, vector<16xf32>,
      %mul3A_221 = arith.constant 16 : i32
      %mul3A_222 = arith.muli %reduce_sum3A_210, %mul3A_221 : i32
      %mul3A_223 = vector.broadcast %select_n3A_172 : f32 to vector<16xf32>
      %mul3A_224 = arith.mulf %get3A_220, %mul3A_223 : vector<16xf32>
      %swap3A_225 = arith.constant 0 : i32
      %swap3A_226 = tpu.memref_slice %arg8[%swap3A_225] : memref<81280xf32, #tpu.memory_space<vmem>> -> memref<16384xf32, #tpu.memory_space<vmem>>
      %swap3A_227 = arith.index_cast %mul3A_222 : i32 to index
      %swap3A_228 = tpu.vector_load %swap3A_226[%swap3A_227] {strides = array<i32>} : memref<16384xf32, #tpu.memory_space<vmem>>, vector<16xf32>,
      tpu.vector_store %swap3A_226[%swap3A_227], %mul3A_224 {add = true, strides = array<i32>} : memref<16384xf32, #tpu.memory_space<vmem>>, vector<16xf32>,
      %eq3A_229 = arith.constant 2 : i32
      %eq3A_230 = vector.broadcast %eq3A_229 : i32 to vector<16xi32>
      %eq3A_231 = arith.cmpi eq, %iota3A, %eq3A_230 : vector<16xi32>
      %jit3A_232 = arith.constant 0 : i32
      %broadcast_in_dim3A_233 = vector.broadcast %jit3A_232 : i32 to vector<16xi32>
      %select_n3A_234 = arith.select %eq3A_231, %min3A_175, %broadcast_in_dim3A_233 : vector<16xi1>, vector<16xi32>
      %reduce_sum3A_235 = arith.constant true
      %reduce_sum3A_236 = vector.broadcast %reduce_sum3A_235 : i1 to vector<16xi1>
      %reduce_sum3A_237 = tpu.scan <sum>, %select_n3A_234 masked %reduce_sum3A_236 : vector<16xi32>, vector<16xi1> -> vector<16xi32>
      %reduce_sum3A_238 = vector.extract %reduce_sum3A_237[15] : i32 from vector<16xi32>
      %mul3A_239 = arith.constant 16 : i32
      %mul3A_240 = arith.muli %scan3A_163, %mul3A_239 : i32
      %add3A_241 = arith.constant 2 : i32
      %add3A_242 = arith.addi %mul3A_240, %add3A_241 : i32
      %mul3A_243 = arith.constant 16 : i32
      %mul3A_244 = arith.muli %add3A_242, %mul3A_243 : i32
      %get3A_245 = arith.constant 41024 : i32
      %get3A_246 = tpu.memref_slice %arg8[%get3A_245] : memref<81280xf32, #tpu.memory_space<vmem>> -> memref<20224xf32, #tpu.memory_space<vmem>>
      %get3A_247 = arith.index_cast %mul3A_244 : i32 to index
      %get3A_248 = tpu.vector_load %get3A_246[%get3A_247] {strides = array<i32>} : memref<20224xf32, #tpu.memory_space<vmem>>, vector<16xf32>,
      %mul3A_249 = arith.constant 16 : i32
      %mul3A_250 = arith.muli %reduce_sum3A_238, %mul3A_249 : i32
      %mul3A_251 = vector.broadcast %select_n3A_172 : f32 to vector<16xf32>
      %mul3A_252 = arith.mulf %get3A_248, %mul3A_251 : vector<16xf32>
      %swap3A_253 = arith.constant 0 : i32
      %swap3A_254 = tpu.memref_slice %arg8[%swap3A_253] : memref<81280xf32, #tpu.memory_space<vmem>> -> memref<16384xf32, #tpu.memory_space<vmem>>
      %swap3A_255 = arith.index_cast %mul3A_250 : i32 to index
      %swap3A_256 = tpu.vector_load %swap3A_254[%swap3A_255] {strides = array<i32>} : memref<16384xf32, #tpu.memory_space<vmem>>, vector<16xf32>,
      tpu.vector_store %swap3A_254[%swap3A_255], %mul3A_252 {add = true, strides = array<i32>} : memref<16384xf32, #tpu.memory_space<vmem>>, vector<16xf32>,
      %eq3A_257 = arith.constant 3 : i32
      %eq3A_258 = vector.broadcast %eq3A_257 : i32 to vector<16xi32>
      %eq3A_259 = arith.cmpi eq, %iota3A, %eq3A_258 : vector<16xi32>
      %jit3A_260 = arith.constant 0 : i32
      %broadcast_in_dim3A_261 = vector.broadcast %jit3A_260 : i32 to vector<16xi32>
      %select_n3A_262 = arith.select %eq3A_259, %min3A_175, %broadcast_in_dim3A_261 : vector<16xi1>, vector<16xi32>
      %reduce_sum3A_263 = arith.constant true
      %reduce_sum3A_264 = vector.broadcast %reduce_sum3A_263 : i1 to vector<16xi1>
      %reduce_sum3A_265 = tpu.scan <sum>, %select_n3A_262 masked %reduce_sum3A_264 : vector<16xi32>, vector<16xi1> -> vector<16xi32>
      %reduce_sum3A_266 = vector.extract %reduce_sum3A_265[15] : i32 from vector<16xi32>
      %mul3A_267 = arith.constant 16 : i32
      %mul3A_268 = arith.muli %scan3A_163, %mul3A_267 : i32
      %add3A_269 = arith.constant 3 : i32
      %add3A_270 = arith.addi %mul3A_268, %add3A_269 : i32
      %mul3A_271 = arith.constant 16 : i32
      %mul3A_272 = arith.muli %add3A_270, %mul3A_271 : i32
      %get3A_273 = arith.constant 41024 : i32
      %get3A_274 = tpu.memref_slice %arg8[%get3A_273] : memref<81280xf32, #tpu.memory_space<vmem>> -> memref<20224xf32, #tpu.memory_space<vmem>>
      %get3A_275 = arith.index_cast %mul3A_272 : i32 to index
      %get3A_276 = tpu.vector_load %get3A_274[%get3A_275] {strides = array<i32>} : memref<20224xf32, #tpu.memory_space<vmem>>, vector<16xf32>,
      %mul3A_277 = arith.constant 16 : i32
      %mul3A_278 = arith.muli %reduce_sum3A_266, %mul3A_277 : i32
      %mul3A_279 = vector.broadcast %select_n3A_172 : f32 to vector<16xf32>
      %mul3A_280 = arith.mulf %get3A_276, %mul3A_279 : vector<16xf32>
      %swap3A_281 = arith.constant 0 : i32
      %swap3A_282 = tpu.memref_slice %arg8[%swap3A_281] : memref<81280xf32, #tpu.memory_space<vmem>> -> memref<16384xf32, #tpu.memory_space<vmem>>
      %swap3A_283 = arith.index_cast %mul3A_278 : i32 to index
      %swap3A_284 = tpu.vector_load %swap3A_282[%swap3A_283] {strides = array<i32>} : memref<16384xf32, #tpu.memory_space<vmem>>, vector<16xf32>,
      tpu.vector_store %swap3A_282[%swap3A_283], %mul3A_280 {add = true, strides = array<i32>} : memref<16384xf32, #tpu.memory_space<vmem>>, vector<16xf32>,
      %eq3A_285 = arith.constant 4 : i32
      %eq3A_286 = vector.broadcast %eq3A_285 : i32 to vector<16xi32>
      %eq3A_287 = arith.cmpi eq, %iota3A, %eq3A_286 : vector<16xi32>
      %jit3A_288 = arith.constant 0 : i32
      %broadcast_in_dim3A_289 = vector.broadcast %jit3A_288 : i32 to vector<16xi32>
      %select_n3A_290 = arith.select %eq3A_287, %min3A_175, %broadcast_in_dim3A_289 : vector<16xi1>, vector<16xi32>
      %reduce_sum3A_291 = arith.constant true
      %reduce_sum3A_292 = vector.broadcast %reduce_sum3A_291 : i1 to vector<16xi1>
      %reduce_sum3A_293 = tpu.scan <sum>, %select_n3A_290 masked %reduce_sum3A_292 : vector<16xi32>, vector<16xi1> -> vector<16xi32>
      %reduce_sum3A_294 = vector.extract %reduce_sum3A_293[15] : i32 from vector<16xi32>
      %mul3A_295 = arith.constant 16 : i32
      %mul3A_296 = arith.muli %scan3A_163, %mul3A_295 : i32
      %add3A_297 = arith.constant 4 : i32
      %add3A_298 = arith.addi %mul3A_296, %add3A_297 : i32
      %mul3A_299 = arith.constant 16 : i32
      %mul3A_300 = arith.muli %add3A_298, %mul3A_299 : i32
      %get3A_301 = arith.constant 41024 : i32
      %get3A_302 = tpu.memref_slice %arg8[%get3A_301] : memref<81280xf32, #tpu.memory_space<vmem>> -> memref<20224xf32, #tpu.memory_space<vmem>>
      %get3A_303 = arith.index_cast %mul3A_300 : i32 to index
      %get3A_304 = tpu.vector_load %get3A_302[%get3A_303] {strides = array<i32>} : memref<20224xf32, #tpu.memory_space<vmem>>, vector<16xf32>,
      %mul3A_305 = arith.constant 16 : i32
      %mul3A_306 = arith.muli %reduce_sum3A_294, %mul3A_305 : i32
      %mul3A_307 = vector.broadcast %select_n3A_172 : f32 to vector<16xf32>
      %mul3A_308 = arith.mulf %get3A_304, %mul3A_307 : vector<16xf32>
      %swap3A_309 = arith.constant 0 : i32
      %swap3A_310 = tpu.memref_slice %arg8[%swap3A_309] : memref<81280xf32, #tpu.memory_space<vmem>> -> memref<16384xf32, #tpu.memory_space<vmem>>
      %swap3A_311 = arith.index_cast %mul3A_306 : i32 to index
      %swap3A_312 = tpu.vector_load %swap3A_310[%swap3A_311] {strides = array<i32>} : memref<16384xf32, #tpu.memory_space<vmem>>, vector<16xf32>,
      tpu.vector_store %swap3A_310[%swap3A_311], %mul3A_308 {add = true, strides = array<i32>} : memref<16384xf32, #tpu.memory_space<vmem>>, vector<16xf32>,
      %eq3A_313 = arith.constant 5 : i32
      %eq3A_314 = vector.broadcast %eq3A_313 : i32 to vector<16xi32>
      %eq3A_315 = arith.cmpi eq, %iota3A, %eq3A_314 : vector<16xi32>
      %jit3A_316 = arith.constant 0 : i32
      %broadcast_in_dim3A_317 = vector.broadcast %jit3A_316 : i32 to vector<16xi32>
      %select_n3A_318 = arith.select %eq3A_315, %min3A_175, %broadcast_in_dim3A_317 : vector<16xi1>, vector<16xi32>
      %reduce_sum3A_319 = arith.constant true
      %reduce_sum3A_320 = vector.broadcast %reduce_sum3A_319 : i1 to vector<16xi1>
      %reduce_sum3A_321 = tpu.scan <sum>, %select_n3A_318 masked %reduce_sum3A_320 : vector<16xi32>, vector<16xi1> -> vector<16xi32>
      %reduce_sum3A_322 = vector.extract %reduce_sum3A_321[15] : i32 from vector<16xi32>
      %mul3A_323 = arith.constant 16 : i32
      %mul3A_324 = arith.muli %scan3A_163, %mul3A_323 : i32
      %add3A_325 = arith.constant 5 : i32
      %add3A_326 = arith.addi %mul3A_324, %add3A_325 : i32
      %mul3A_327 = arith.constant 16 : i32
      %mul3A_328 = arith.muli %add3A_326, %mul3A_327 : i32
      %get3A_329 = arith.constant 41024 : i32
      %get3A_330 = tpu.memref_slice %arg8[%get3A_329] : memref<81280xf32, #tpu.memory_space<vmem>> -> memref<20224xf32, #tpu.memory_space<vmem>>
      %get3A_331 = arith.index_cast %mul3A_328 : i32 to index
      %get3A_332 = tpu.vector_load %get3A_330[%get3A_331] {strides = array<i32>} : memref<20224xf32, #tpu.memory_space<vmem>>, vector<16xf32>,
      %mul3A_333 = arith.constant 16 : i32
      %mul3A_334 = arith.muli %reduce_sum3A_322, %mul3A_333 : i32
      %mul3A_335 = vector.broadcast %select_n3A_172 : f32 to vector<16xf32>
      %mul3A_336 = arith.mulf %get3A_332, %mul3A_335 : vector<16xf32>
      %swap3A_337 = arith.constant 0 : i32
      %swap3A_338 = tpu.memref_slice %arg8[%swap3A_337] : memref<81280xf32, #tpu.memory_space<vmem>> -> memref<16384xf32, #tpu.memory_space<vmem>>
      %swap3A_339 = arith.index_cast %mul3A_334 : i32 to index
      %swap3A_340 = tpu.vector_load %swap3A_338[%swap3A_339] {strides = array<i32>} : memref<16384xf32, #tpu.memory_space<vmem>>, vector<16xf32>,
      tpu.vector_store %swap3A_338[%swap3A_339], %mul3A_336 {add = true, strides = array<i32>} : memref<16384xf32, #tpu.memory_space<vmem>>, vector<16xf32>,
      %eq3A_341 = arith.constant 6 : i32
      %eq3A_342 = vector.broadcast %eq3A_341 : i32 to vector<16xi32>
      %eq3A_343 = arith.cmpi eq, %iota3A, %eq3A_342 : vector<16xi32>
      %jit3A_344 = arith.constant 0 : i32
      %broadcast_in_dim3A_345 = vector.broadcast %jit3A_344 : i32 to vector<16xi32>
      %select_n3A_346 = arith.select %eq3A_343, %min3A_175, %broadcast_in_dim3A_345 : vector<16xi1>, vector<16xi32>
      %reduce_sum3A_347 = arith.constant true
      %reduce_sum3A_348 = vector.broadcast %reduce_sum3A_347 : i1 to vector<16xi1>
      %reduce_sum3A_349 = tpu.scan <sum>, %select_n3A_346 masked %reduce_sum3A_348 : vector<16xi32>, vector<16xi1> -> vector<16xi32>
      %reduce_sum3A_350 = vector.extract %reduce_sum3A_349[15] : i32 from vector<16xi32>
      %mul3A_351 = arith.constant 16 : i32
      %mul3A_352 = arith.muli %scan3A_163, %mul3A_351 : i32
      %add3A_353 = arith.constant 6 : i32
      %add3A_354 = arith.addi %mul3A_352, %add3A_353 : i32
      %mul3A_355 = arith.constant 16 : i32
      %mul3A_356 = arith.muli %add3A_354, %mul3A_355 : i32
      %get3A_357 = arith.constant 41024 : i32
      %get3A_358 = tpu.memref_slice %arg8[%get3A_357] : memref<81280xf32, #tpu.memory_space<vmem>> -> memref<20224xf32, #tpu.memory_space<vmem>>
      %get3A_359 = arith.index_cast %mul3A_356 : i32 to index
      %get3A_360 = tpu.vector_load %get3A_358[%get3A_359] {strides = array<i32>} : memref<20224xf32, #tpu.memory_space<vmem>>, vector<16xf32>,
      %mul3A_361 = arith.constant 16 : i32
      %mul3A_362 = arith.muli %reduce_sum3A_350, %mul3A_361 : i32
      %mul3A_363 = vector.broadcast %select_n3A_172 : f32 to vector<16xf32>
      %mul3A_364 = arith.mulf %get3A_360, %mul3A_363 : vector<16xf32>
      %swap3A_365 = arith.constant 0 : i32
      %swap3A_366 = tpu.memref_slice %arg8[%swap3A_365] : memref<81280xf32, #tpu.memory_space<vmem>> -> memref<16384xf32, #tpu.memory_space<vmem>>
      %swap3A_367 = arith.index_cast %mul3A_362 : i32 to index
      %swap3A_368 = tpu.vector_load %swap3A_366[%swap3A_367] {strides = array<i32>} : memref<16384xf32, #tpu.memory_space<vmem>>, vector<16xf32>,
      tpu.vector_store %swap3A_366[%swap3A_367], %mul3A_364 {add = true, strides = array<i32>} : memref<16384xf32, #tpu.memory_space<vmem>>, vector<16xf32>,
      %eq3A_369 = arith.constant 7 : i32
      %eq3A_370 = vector.broadcast %eq3A_369 : i32 to vector<16xi32>
      %eq3A_371 = arith.cmpi eq, %iota3A, %eq3A_370 : vector<16xi32>
      %jit3A_372 = arith.constant 0 : i32
      %broadcast_in_dim3A_373 = vector.broadcast %jit3A_372 : i32 to vector<16xi32>
      %select_n3A_374 = arith.select %eq3A_371, %min3A_175, %broadcast_in_dim3A_373 : vector<16xi1>, vector<16xi32>
      %reduce_sum3A_375 = arith.constant true
      %reduce_sum3A_376 = vector.broadcast %reduce_sum3A_375 : i1 to vector<16xi1>
      %reduce_sum3A_377 = tpu.scan <sum>, %select_n3A_374 masked %reduce_sum3A_376 : vector<16xi32>, vector<16xi1> -> vector<16xi32>
      %reduce_sum3A_378 = vector.extract %reduce_sum3A_377[15] : i32 from vector<16xi32>
      %mul3A_379 = arith.constant 16 : i32
      %mul3A_380 = arith.muli %scan3A_163, %mul3A_379 : i32
      %add3A_381 = arith.constant 7 : i32
      %add3A_382 = arith.addi %mul3A_380, %add3A_381 : i32
      %mul3A_383 = arith.constant 16 : i32
      %mul3A_384 = arith.muli %add3A_382, %mul3A_383 : i32
      %get3A_385 = arith.constant 41024 : i32
      %get3A_386 = tpu.memref_slice %arg8[%get3A_385] : memref<81280xf32, #tpu.memory_space<vmem>> -> memref<20224xf32, #tpu.memory_space<vmem>>
      %get3A_387 = arith.index_cast %mul3A_384 : i32 to index
      %get3A_388 = tpu.vector_load %get3A_386[%get3A_387] {strides = array<i32>} : memref<20224xf32, #tpu.memory_space<vmem>>, vector<16xf32>,
      %mul3A_389 = arith.constant 16 : i32
      %mul3A_390 = arith.muli %reduce_sum3A_378, %mul3A_389 : i32
      %mul3A_391 = vector.broadcast %select_n3A_172 : f32 to vector<16xf32>
      %mul3A_392 = arith.mulf %get3A_388, %mul3A_391 : vector<16xf32>
      %swap3A_393 = arith.constant 0 : i32
      %swap3A_394 = tpu.memref_slice %arg8[%swap3A_393] : memref<81280xf32, #tpu.memory_space<vmem>> -> memref<16384xf32, #tpu.memory_space<vmem>>
      %swap3A_395 = arith.index_cast %mul3A_390 : i32 to index
      %swap3A_396 = tpu.vector_load %swap3A_394[%swap3A_395] {strides = array<i32>} : memref<16384xf32, #tpu.memory_space<vmem>>, vector<16xf32>,
      tpu.vector_store %swap3A_394[%swap3A_395], %mul3A_392 {add = true, strides = array<i32>} : memref<16384xf32, #tpu.memory_space<vmem>>, vector<16xf32>,
      %eq3A_397 = arith.constant 8 : i32
      %eq3A_398 = vector.broadcast %eq3A_397 : i32 to vector<16xi32>
      %eq3A_399 = arith.cmpi eq, %iota3A, %eq3A_398 : vector<16xi32>
      %jit3A_400 = arith.constant 0 : i32
      %broadcast_in_dim3A_401 = vector.broadcast %jit3A_400 : i32 to vector<16xi32>
      %select_n3A_402 = arith.select %eq3A_399, %min3A_175, %broadcast_in_dim3A_401 : vector<16xi1>, vector<16xi32>
      %reduce_sum3A_403 = arith.constant true
      %reduce_sum3A_404 = vector.broadcast %reduce_sum3A_403 : i1 to vector<16xi1>
      %reduce_sum3A_405 = tpu.scan <sum>, %select_n3A_402 masked %reduce_sum3A_404 : vector<16xi32>, vector<16xi1> -> vector<16xi32>
      %reduce_sum3A_406 = vector.extract %reduce_sum3A_405[15] : i32 from vector<16xi32>
      %mul3A_407 = arith.constant 16 : i32
      %mul3A_408 = arith.muli %scan3A_163, %mul3A_407 : i32
      %add3A_409 = arith.constant 8 : i32
      %add3A_410 = arith.addi %mul3A_408, %add3A_409 : i32
      %mul3A_411 = arith.constant 16 : i32
      %mul3A_412 = arith.muli %add3A_410, %mul3A_411 : i32
      %get3A_413 = arith.constant 41024 : i32
      %get3A_414 = tpu.memref_slice %arg8[%get3A_413] : memref<81280xf32, #tpu.memory_space<vmem>> -> memref<20224xf32, #tpu.memory_space<vmem>>
      %get3A_415 = arith.index_cast %mul3A_412 : i32 to index
      %get3A_416 = tpu.vector_load %get3A_414[%get3A_415] {strides = array<i32>} : memref<20224xf32, #tpu.memory_space<vmem>>, vector<16xf32>,
      %mul3A_417 = arith.constant 16 : i32
      %mul3A_418 = arith.muli %reduce_sum3A_406, %mul3A_417 : i32
      %mul3A_419 = vector.broadcast %select_n3A_172 : f32 to vector<16xf32>
      %mul3A_420 = arith.mulf %get3A_416, %mul3A_419 : vector<16xf32>
      %swap3A_421 = arith.constant 0 : i32
      %swap3A_422 = tpu.memref_slice %arg8[%swap3A_421] : memref<81280xf32, #tpu.memory_space<vmem>> -> memref<16384xf32, #tpu.memory_space<vmem>>
      %swap3A_423 = arith.index_cast %mul3A_418 : i32 to index
      %swap3A_424 = tpu.vector_load %swap3A_422[%swap3A_423] {strides = array<i32>} : memref<16384xf32, #tpu.memory_space<vmem>>, vector<16xf32>,
      tpu.vector_store %swap3A_422[%swap3A_423], %mul3A_420 {add = true, strides = array<i32>} : memref<16384xf32, #tpu.memory_space<vmem>>, vector<16xf32>,
      %eq3A_425 = arith.constant 9 : i32
      %eq3A_426 = vector.broadcast %eq3A_425 : i32 to vector<16xi32>
      %eq3A_427 = arith.cmpi eq, %iota3A, %eq3A_426 : vector<16xi32>
      %jit3A_428 = arith.constant 0 : i32
      %broadcast_in_dim3A_429 = vector.broadcast %jit3A_428 : i32 to vector<16xi32>
      %select_n3A_430 = arith.select %eq3A_427, %min3A_175, %broadcast_in_dim3A_429 : vector<16xi1>, vector<16xi32>
      %reduce_sum3A_431 = arith.constant true
      %reduce_sum3A_432 = vector.broadcast %reduce_sum3A_431 : i1 to vector<16xi1>
      %reduce_sum3A_433 = tpu.scan <sum>, %select_n3A_430 masked %reduce_sum3A_432 : vector<16xi32>, vector<16xi1> -> vector<16xi32>
      %reduce_sum3A_434 = vector.extract %reduce_sum3A_433[15] : i32 from vector<16xi32>
      %mul3A_435 = arith.constant 16 : i32
      %mul3A_436 = arith.muli %scan3A_163, %mul3A_435 : i32
      %add3A_437 = arith.constant 9 : i32
      %add3A_438 = arith.addi %mul3A_436, %add3A_437 : i32
      %mul3A_439 = arith.constant 16 : i32
      %mul3A_440 = arith.muli %add3A_438, %mul3A_439 : i32
      %get3A_441 = arith.constant 41024 : i32
      %get3A_442 = tpu.memref_slice %arg8[%get3A_441] : memref<81280xf32, #tpu.memory_space<vmem>> -> memref<20224xf32, #tpu.memory_space<vmem>>
      %get3A_443 = arith.index_cast %mul3A_440 : i32 to index
      %get3A_444 = tpu.vector_load %get3A_442[%get3A_443] {strides = array<i32>} : memref<20224xf32, #tpu.memory_space<vmem>>, vector<16xf32>,
      %mul3A_445 = arith.constant 16 : i32
      %mul3A_446 = arith.muli %reduce_sum3A_434, %mul3A_445 : i32
      %mul3A_447 = vector.broadcast %select_n3A_172 : f32 to vector<16xf32>
      %mul3A_448 = arith.mulf %get3A_444, %mul3A_447 : vector<16xf32>
      %swap3A_449 = arith.constant 0 : i32
      %swap3A_450 = tpu.memref_slice %arg8[%swap3A_449] : memref<81280xf32, #tpu.memory_space<vmem>> -> memref<16384xf32, #tpu.memory_space<vmem>>
      %swap3A_451 = arith.index_cast %mul3A_446 : i32 to index
      %swap3A_452 = tpu.vector_load %swap3A_450[%swap3A_451] {strides = array<i32>} : memref<16384xf32, #tpu.memory_space<vmem>>, vector<16xf32>,
      tpu.vector_store %swap3A_450[%swap3A_451], %mul3A_448 {add = true, strides = array<i32>} : memref<16384xf32, #tpu.memory_space<vmem>>, vector<16xf32>,
      %eq3A_453 = arith.constant 10 : i32
      %eq3A_454 = vector.broadcast %eq3A_453 : i32 to vector<16xi32>
      %eq3A_455 = arith.cmpi eq, %iota3A, %eq3A_454 : vector<16xi32>
      %jit3A_456 = arith.constant 0 : i32
      %broadcast_in_dim3A_457 = vector.broadcast %jit3A_456 : i32 to vector<16xi32>
      %select_n3A_458 = arith.select %eq3A_455, %min3A_175, %broadcast_in_dim3A_457 : vector<16xi1>, vector<16xi32>
      %reduce_sum3A_459 = arith.constant true
      %reduce_sum3A_460 = vector.broadcast %reduce_sum3A_459 : i1 to vector<16xi1>
      %reduce_sum3A_461 = tpu.scan <sum>, %select_n3A_458 masked %reduce_sum3A_460 : vector<16xi32>, vector<16xi1> -> vector<16xi32>
      %reduce_sum3A_462 = vector.extract %reduce_sum3A_461[15] : i32 from vector<16xi32>
      %mul3A_463 = arith.constant 16 : i32
      %mul3A_464 = arith.muli %scan3A_163, %mul3A_463 : i32
      %add3A_465 = arith.constant 10 : i32
      %add3A_466 = arith.addi %mul3A_464, %add3A_465 : i32
      %mul3A_467 = arith.constant 16 : i32
      %mul3A_468 = arith.muli %add3A_466, %mul3A_467 : i32
      %get3A_469 = arith.constant 41024 : i32
      %get3A_470 = tpu.memref_slice %arg8[%get3A_469] : memref<81280xf32, #tpu.memory_space<vmem>> -> memref<20224xf32, #tpu.memory_space<vmem>>
      %get3A_471 = arith.index_cast %mul3A_468 : i32 to index
      %get3A_472 = tpu.vector_load %get3A_470[%get3A_471] {strides = array<i32>} : memref<20224xf32, #tpu.memory_space<vmem>>, vector<16xf32>,
      %mul3A_473 = arith.constant 16 : i32
      %mul3A_474 = arith.muli %reduce_sum3A_462, %mul3A_473 : i32
      %mul3A_475 = vector.broadcast %select_n3A_172 : f32 to vector<16xf32>
      %mul3A_476 = arith.mulf %get3A_472, %mul3A_475 : vector<16xf32>
      %swap3A_477 = arith.constant 0 : i32
      %swap3A_478 = tpu.memref_slice %arg8[%swap3A_477] : memref<81280xf32, #tpu.memory_space<vmem>> -> memref<16384xf32, #tpu.memory_space<vmem>>
      %swap3A_479 = arith.index_cast %mul3A_474 : i32 to index
      %swap3A_480 = tpu.vector_load %swap3A_478[%swap3A_479] {strides = array<i32>} : memref<16384xf32, #tpu.memory_space<vmem>>, vector<16xf32>,
      tpu.vector_store %swap3A_478[%swap3A_479], %mul3A_476 {add = true, strides = array<i32>} : memref<16384xf32, #tpu.memory_space<vmem>>, vector<16xf32>,
      %eq3A_481 = arith.constant 11 : i32
      %eq3A_482 = vector.broadcast %eq3A_481 : i32 to vector<16xi32>
      %eq3A_483 = arith.cmpi eq, %iota3A, %eq3A_482 : vector<16xi32>
      %jit3A_484 = arith.constant 0 : i32
      %broadcast_in_dim3A_485 = vector.broadcast %jit3A_484 : i32 to vector<16xi32>
      %select_n3A_486 = arith.select %eq3A_483, %min3A_175, %broadcast_in_dim3A_485 : vector<16xi1>, vector<16xi32>
      %reduce_sum3A_487 = arith.constant true
      %reduce_sum3A_488 = vector.broadcast %reduce_sum3A_487 : i1 to vector<16xi1>
      %reduce_sum3A_489 = tpu.scan <sum>, %select_n3A_486 masked %reduce_sum3A_488 : vector<16xi32>, vector<16xi1> -> vector<16xi32>
      %reduce_sum3A_490 = vector.extract %reduce_sum3A_489[15] : i32 from vector<16xi32>
      %mul3A_491 = arith.constant 16 : i32
      %mul3A_492 = arith.muli %scan3A_163, %mul3A_491 : i32
      %add3A_493 = arith.constant 11 : i32
      %add3A_494 = arith.addi %mul3A_492, %add3A_493 : i32
      %mul3A_495 = arith.constant 16 : i32
      %mul3A_496 = arith.muli %add3A_494, %mul3A_495 : i32
      %get3A_497 = arith.constant 41024 : i32
      %get3A_498 = tpu.memref_slice %arg8[%get3A_497] : memref<81280xf32, #tpu.memory_space<vmem>> -> memref<20224xf32, #tpu.memory_space<vmem>>
      %get3A_499 = arith.index_cast %mul3A_496 : i32 to index
      %get3A_500 = tpu.vector_load %get3A_498[%get3A_499] {strides = array<i32>} : memref<20224xf32, #tpu.memory_space<vmem>>, vector<16xf32>,
      %mul3A_501 = arith.constant 16 : i32
      %mul3A_502 = arith.muli %reduce_sum3A_490, %mul3A_501 : i32
      %mul3A_503 = vector.broadcast %select_n3A_172 : f32 to vector<16xf32>
      %mul3A_504 = arith.mulf %get3A_500, %mul3A_503 : vector<16xf32>
      %swap3A_505 = arith.constant 0 : i32
      %swap3A_506 = tpu.memref_slice %arg8[%swap3A_505] : memref<81280xf32, #tpu.memory_space<vmem>> -> memref<16384xf32, #tpu.memory_space<vmem>>
      %swap3A_507 = arith.index_cast %mul3A_502 : i32 to index
      %swap3A_508 = tpu.vector_load %swap3A_506[%swap3A_507] {strides = array<i32>} : memref<16384xf32, #tpu.memory_space<vmem>>, vector<16xf32>,
      tpu.vector_store %swap3A_506[%swap3A_507], %mul3A_504 {add = true, strides = array<i32>} : memref<16384xf32, #tpu.memory_space<vmem>>, vector<16xf32>,
      %eq3A_509 = arith.constant 12 : i32
      %eq3A_510 = vector.broadcast %eq3A_509 : i32 to vector<16xi32>
      %eq3A_511 = arith.cmpi eq, %iota3A, %eq3A_510 : vector<16xi32>
      %jit3A_512 = arith.constant 0 : i32
      %broadcast_in_dim3A_513 = vector.broadcast %jit3A_512 : i32 to vector<16xi32>
      %select_n3A_514 = arith.select %eq3A_511, %min3A_175, %broadcast_in_dim3A_513 : vector<16xi1>, vector<16xi32>
      %reduce_sum3A_515 = arith.constant true
      %reduce_sum3A_516 = vector.broadcast %reduce_sum3A_515 : i1 to vector<16xi1>
      %reduce_sum3A_517 = tpu.scan <sum>, %select_n3A_514 masked %reduce_sum3A_516 : vector<16xi32>, vector<16xi1> -> vector<16xi32>
      %reduce_sum3A_518 = vector.extract %reduce_sum3A_517[15] : i32 from vector<16xi32>
      %mul3A_519 = arith.constant 16 : i32
      %mul3A_520 = arith.muli %scan3A_163, %mul3A_519 : i32
      %add3A_521 = arith.constant 12 : i32
      %add3A_522 = arith.addi %mul3A_520, %add3A_521 : i32
      %mul3A_523 = arith.constant 16 : i32
      %mul3A_524 = arith.muli %add3A_522, %mul3A_523 : i32
      %get3A_525 = arith.constant 41024 : i32
      %get3A_526 = tpu.memref_slice %arg8[%get3A_525] : memref<81280xf32, #tpu.memory_space<vmem>> -> memref<20224xf32, #tpu.memory_space<vmem>>
      %get3A_527 = arith.index_cast %mul3A_524 : i32 to index
      %get3A_528 = tpu.vector_load %get3A_526[%get3A_527] {strides = array<i32>} : memref<20224xf32, #tpu.memory_space<vmem>>, vector<16xf32>,
      %mul3A_529 = arith.constant 16 : i32
      %mul3A_530 = arith.muli %reduce_sum3A_518, %mul3A_529 : i32
      %mul3A_531 = vector.broadcast %select_n3A_172 : f32 to vector<16xf32>
      %mul3A_532 = arith.mulf %get3A_528, %mul3A_531 : vector<16xf32>
      %swap3A_533 = arith.constant 0 : i32
      %swap3A_534 = tpu.memref_slice %arg8[%swap3A_533] : memref<81280xf32, #tpu.memory_space<vmem>> -> memref<16384xf32, #tpu.memory_space<vmem>>
      %swap3A_535 = arith.index_cast %mul3A_530 : i32 to index
      %swap3A_536 = tpu.vector_load %swap3A_534[%swap3A_535] {strides = array<i32>} : memref<16384xf32, #tpu.memory_space<vmem>>, vector<16xf32>,
      tpu.vector_store %swap3A_534[%swap3A_535], %mul3A_532 {add = true, strides = array<i32>} : memref<16384xf32, #tpu.memory_space<vmem>>, vector<16xf32>,
      %eq3A_537 = arith.constant 13 : i32
      %eq3A_538 = vector.broadcast %eq3A_537 : i32 to vector<16xi32>
      %eq3A_539 = arith.cmpi eq, %iota3A, %eq3A_538 : vector<16xi32>
      %jit3A_540 = arith.constant 0 : i32
      %broadcast_in_dim3A_541 = vector.broadcast %jit3A_540 : i32 to vector<16xi32>
      %select_n3A_542 = arith.select %eq3A_539, %min3A_175, %broadcast_in_dim3A_541 : vector<16xi1>, vector<16xi32>
      %reduce_sum3A_543 = arith.constant true
      %reduce_sum3A_544 = vector.broadcast %reduce_sum3A_543 : i1 to vector<16xi1>
      %reduce_sum3A_545 = tpu.scan <sum>, %select_n3A_542 masked %reduce_sum3A_544 : vector<16xi32>, vector<16xi1> -> vector<16xi32>
      %reduce_sum3A_546 = vector.extract %reduce_sum3A_545[15] : i32 from vector<16xi32>
      %mul3A_547 = arith.constant 16 : i32
      %mul3A_548 = arith.muli %scan3A_163, %mul3A_547 : i32
      %add3A_549 = arith.constant 13 : i32
      %add3A_550 = arith.addi %mul3A_548, %add3A_549 : i32
      %mul3A_551 = arith.constant 16 : i32
      %mul3A_552 = arith.muli %add3A_550, %mul3A_551 : i32
      %get3A_553 = arith.constant 41024 : i32
      %get3A_554 = tpu.memref_slice %arg8[%get3A_553] : memref<81280xf32, #tpu.memory_space<vmem>> -> memref<20224xf32, #tpu.memory_space<vmem>>
      %get3A_555 = arith.index_cast %mul3A_552 : i32 to index
      %get3A_556 = tpu.vector_load %get3A_554[%get3A_555] {strides = array<i32>} : memref<20224xf32, #tpu.memory_space<vmem>>, vector<16xf32>,
      %mul3A_557 = arith.constant 16 : i32
      %mul3A_558 = arith.muli %reduce_sum3A_546, %mul3A_557 : i32
      %mul3A_559 = vector.broadcast %select_n3A_172 : f32 to vector<16xf32>
      %mul3A_560 = arith.mulf %get3A_556, %mul3A_559 : vector<16xf32>
      %swap3A_561 = arith.constant 0 : i32
      %swap3A_562 = tpu.memref_slice %arg8[%swap3A_561] : memref<81280xf32, #tpu.memory_space<vmem>> -> memref<16384xf32, #tpu.memory_space<vmem>>
      %swap3A_563 = arith.index_cast %mul3A_558 : i32 to index
      %swap3A_564 = tpu.vector_load %swap3A_562[%swap3A_563] {strides = array<i32>} : memref<16384xf32, #tpu.memory_space<vmem>>, vector<16xf32>,
      tpu.vector_store %swap3A_562[%swap3A_563], %mul3A_560 {add = true, strides = array<i32>} : memref<16384xf32, #tpu.memory_space<vmem>>, vector<16xf32>,
      %eq3A_565 = arith.constant 14 : i32
      %eq3A_566 = vector.broadcast %eq3A_565 : i32 to vector<16xi32>
      %eq3A_567 = arith.cmpi eq, %iota3A, %eq3A_566 : vector<16xi32>
      %jit3A_568 = arith.constant 0 : i32
      %broadcast_in_dim3A_569 = vector.broadcast %jit3A_568 : i32 to vector<16xi32>
      %select_n3A_570 = arith.select %eq3A_567, %min3A_175, %broadcast_in_dim3A_569 : vector<16xi1>, vector<16xi32>
      %reduce_sum3A_571 = arith.constant true
      %reduce_sum3A_572 = vector.broadcast %reduce_sum3A_571 : i1 to vector<16xi1>
      %reduce_sum3A_573 = tpu.scan <sum>, %select_n3A_570 masked %reduce_sum3A_572 : vector<16xi32>, vector<16xi1> -> vector<16xi32>
      %reduce_sum3A_574 = vector.extract %reduce_sum3A_573[15] : i32 from vector<16xi32>
      %mul3A_575 = arith.constant 16 : i32
      %mul3A_576 = arith.muli %scan3A_163, %mul3A_575 : i32
      %add3A_577 = arith.constant 14 : i32
      %add3A_578 = arith.addi %mul3A_576, %add3A_577 : i32
      %mul3A_579 = arith.constant 16 : i32
      %mul3A_580 = arith.muli %add3A_578, %mul3A_579 : i32
      %get3A_581 = arith.constant 41024 : i32
      %get3A_582 = tpu.memref_slice %arg8[%get3A_581] : memref<81280xf32, #tpu.memory_space<vmem>> -> memref<20224xf32, #tpu.memory_space<vmem>>
      %get3A_583 = arith.index_cast %mul3A_580 : i32 to index
      %get3A_584 = tpu.vector_load %get3A_582[%get3A_583] {strides = array<i32>} : memref<20224xf32, #tpu.memory_space<vmem>>, vector<16xf32>,
      %mul3A_585 = arith.constant 16 : i32
      %mul3A_586 = arith.muli %reduce_sum3A_574, %mul3A_585 : i32
      %mul3A_587 = vector.broadcast %select_n3A_172 : f32 to vector<16xf32>
      %mul3A_588 = arith.mulf %get3A_584, %mul3A_587 : vector<16xf32>
      %swap3A_589 = arith.constant 0 : i32
      %swap3A_590 = tpu.memref_slice %arg8[%swap3A_589] : memref<81280xf32, #tpu.memory_space<vmem>> -> memref<16384xf32, #tpu.memory_space<vmem>>
      %swap3A_591 = arith.index_cast %mul3A_586 : i32 to index
      %swap3A_592 = tpu.vector_load %swap3A_590[%swap3A_591] {strides = array<i32>} : memref<16384xf32, #tpu.memory_space<vmem>>, vector<16xf32>,
      tpu.vector_store %swap3A_590[%swap3A_591], %mul3A_588 {add = true, strides = array<i32>} : memref<16384xf32, #tpu.memory_space<vmem>>, vector<16xf32>,
      %eq3A_593 = arith.constant 15 : i32
      %eq3A_594 = vector.broadcast %eq3A_593 : i32 to vector<16xi32>
      %eq3A_595 = arith.cmpi eq, %iota3A, %eq3A_594 : vector<16xi32>
      %jit3A_596 = arith.constant 0 : i32
      %broadcast_in_dim3A_597 = vector.broadcast %jit3A_596 : i32 to vector<16xi32>
      %select_n3A_598 = arith.select %eq3A_595, %min3A_175, %broadcast_in_dim3A_597 : vector<16xi1>, vector<16xi32>
      %reduce_sum3A_599 = arith.constant true
      %reduce_sum3A_600 = vector.broadcast %reduce_sum3A_599 : i1 to vector<16xi1>
      %reduce_sum3A_601 = tpu.scan <sum>, %select_n3A_598 masked %reduce_sum3A_600 : vector<16xi32>, vector<16xi1> -> vector<16xi32>
      %reduce_sum3A_602 = vector.extract %reduce_sum3A_601[15] : i32 from vector<16xi32>
      %mul3A_603 = arith.constant 16 : i32
      %mul3A_604 = arith.muli %scan3A_163, %mul3A_603 : i32
      %add3A_605 = arith.constant 15 : i32
      %add3A_606 = arith.addi %mul3A_604, %add3A_605 : i32
      %mul3A_607 = arith.constant 16 : i32
      %mul3A_608 = arith.muli %add3A_606, %mul3A_607 : i32
      %get3A_609 = arith.constant 41024 : i32
      %get3A_610 = tpu.memref_slice %arg8[%get3A_609] : memref<81280xf32, #tpu.memory_space<vmem>> -> memref<20224xf32, #tpu.memory_space<vmem>>
      %get3A_611 = arith.index_cast %mul3A_608 : i32 to index
      %get3A_612 = tpu.vector_load %get3A_610[%get3A_611] {strides = array<i32>} : memref<20224xf32, #tpu.memory_space<vmem>>, vector<16xf32>,
      %mul3A_613 = arith.constant 16 : i32
      %mul3A_614 = arith.muli %reduce_sum3A_602, %mul3A_613 : i32
      %mul3A_615 = vector.broadcast %select_n3A_172 : f32 to vector<16xf32>
      %mul3A_616 = arith.mulf %get3A_612, %mul3A_615 : vector<16xf32>
      %swap3A_617 = arith.constant 0 : i32
      %swap3A_618 = tpu.memref_slice %arg8[%swap3A_617] : memref<81280xf32, #tpu.memory_space<vmem>> -> memref<16384xf32, #tpu.memory_space<vmem>>
      %swap3A_619 = arith.index_cast %mul3A_614 : i32 to index
      %swap3A_620 = tpu.vector_load %swap3A_618[%swap3A_619] {strides = array<i32>} : memref<16384xf32, #tpu.memory_space<vmem>>, vector<16xf32>,
      tpu.vector_store %swap3A_618[%swap3A_619], %mul3A_616 {add = true, strides = array<i32>} : memref<16384xf32, #tpu.memory_space<vmem>>, vector<16xf32>,
      %scan3A_621 = arith.constant 0 : i32
      scf.yield %scan3A_621 : i32
    }
    %scan3A_160 = arith.constant 79 : i32
    %mul3A_161 = arith.constant 16384 : i32
    %mul3A_162 = arith.muli %add3A, %mul3A_161 : i32
    "tpu.region"() ({
      %run_scoped3A = tpu.sem_alloc : memref<!tpu.dma_semaphore, #tpu.memory_space<semaphore_mem>>
      %dma_start3A = arith.constant 0 : i32
      %dma_start3A_163 = tpu.memref_slice %arg8[%dma_start3A] : memref<81280xf32, #tpu.memory_space<vmem>> -> memref<16384xf32, #tpu.memory_space<vmem>>
      %dma_start3A_164 = tpu.memref_slice %arg7[%mul3A_162] : memref<524288xf32, #tpu.memory_space<hbm>> -> memref<16384xf32, #tpu.memory_space<hbm>>
      %dma_start3A_165 = tpu.memref_slice %arg7[%mul3A_162] : memref<524288xf32, #tpu.memory_space<hbm>> -> memref<16384xf32, #tpu.memory_space<hbm>>
      %dma_start3A_166 = arith.constant 0 : i32
      %dma_start3A_167 = tpu.memref_slice %arg8[%dma_start3A_166] : memref<81280xf32, #tpu.memory_space<vmem>> -> memref<16384xf32, #tpu.memory_space<vmem>>
      tpu.enqueue_dma source(%dma_start3A_167 : memref<16384xf32, #tpu.memory_space<vmem>>) target(%dma_start3A_165 : memref<16384xf32, #tpu.memory_space<hbm>>) target_semaphore(%run_scoped3A : memref<!tpu.dma_semaphore, #tpu.memory_space<semaphore_mem>>)
      %dma_wait3A = arith.constant 0 : i32
      %dma_wait3A_168 = tpu.memref_slice %arg8[%dma_wait3A] : memref<81280xf32, #tpu.memory_space<vmem>> -> memref<16384xf32, #tpu.memory_space<vmem>>
      %dma_wait3A_169 = tpu.memref_slice %arg7[%mul3A_162] : memref<524288xf32, #tpu.memory_space<hbm>> -> memref<16384xf32, #tpu.memory_space<hbm>>
      %dma_wait3A_170 = tpu.memref_slice %arg7[%mul3A_162] : memref<524288xf32, #tpu.memory_space<hbm>> -> memref<16384xf32, #tpu.memory_space<hbm>>
      %dma_wait3A_171 = arith.constant 0 : i32
      %dma_wait3A_172 = tpu.memref_slice %arg8[%dma_wait3A_171] : memref<81280xf32, #tpu.memory_space<vmem>> -> memref<16384xf32, #tpu.memory_space<vmem>>
      tpu.wait_dma2 semaphore(%run_scoped3A : memref<!tpu.dma_semaphore, #tpu.memory_space<semaphore_mem>>) src(%dma_wait3A_172 : memref<16384xf32, #tpu.memory_space<vmem>>) dst(%dma_wait3A_170 : memref<16384xf32, #tpu.memory_space<hbm>>)
      tpu.yield
    }) : () -> ()
    return
  }
}

#map = affine_map<(d0, d1) -> (0)>
module attributes {stable_mosaic.version = 14 : i64} {
  func.func @_sc_adj(%arg0: i32, %arg1: i32, %arg2: memref<160000xi32, #tpu.memory_space<hbm>>, %arg3: memref<160000xi32, #tpu.memory_space<hbm>>, %arg4: memref<64000xi32, #tpu.memory_space<hbm>>, %arg5: memref<64000xi32, #tpu.memory_space<hbm>>, %arg6: memref<6400000xf32, #tpu.memory_space<hbm>>, %arg7: memref<1024000xf32, #tpu.memory_space<hbm>>, %arg8: memref<20160xf32, #tpu.memory_space<vmem>>, %arg9: memref<2000xi32, #tpu.memory_space<vmem>>, %arg10: memref<2000xi32, #tpu.memory_space<vmem>>, %arg11: memref<2000xi32, #tpu.memory_space<vmem>>, %arg12: memref<2000xf32, #tpu.memory_space<vmem>>, %arg13: memref<1602560xf32, #tpu.memory_space<vmem_shared>>) attributes {dimension_semantics = [#tpu.dimension_semantics<core_parallel>, #tpu.dimension_semantics<subcore_parallel>], iteration_bounds = array<i64: 2, 16>, scalar_prefetch = 0 : i64, scratch_operands = 6 : i64, tpu.core_type = #tpu.core_type<sc_vector_subcore>, window_params = [{transform_indices = #map}, {transform_indices = #map}, {transform_indices = #map}, {transform_indices = #map}, {transform_indices = #map}, {transform_indices = #map}]} {
    %broadcast_in_dim3A = arith.constant 0.000000e+00 : f32
    %broadcast_in_dim3A_0 = vector.broadcast %broadcast_in_dim3A : f32 to vector<16xf32>
    %broadcast_in_dim3A_1 = arith.constant 1.000000e+00 : f32
    %broadcast_in_dim3A_2 = vector.broadcast %broadcast_in_dim3A_1 : f32 to vector<16xf32>
    %scan3A = arith.constant 0 : i32
    %scan3A_3 = arith.constant 0 : i32
    %scan3A_4 = arith.constant 126 : i32
    %scan3A_5 = arith.addi %scan3A_3, %scan3A_4 : i32
    %scan3A_6 = arith.constant 1 : i32
    %scan3A_7 = scf.for %scan3A_95 = %scan3A_3 to %scan3A_5 step %scan3A_6 iter_args(%scan3A_96 = %scan3A) -> (i32)  : i32 {
      %mul3A_97 = arith.constant 160 : i32
      %mul3A_98 = arith.muli %scan3A_95, %mul3A_97 : i32
      %add3A_99 = arith.constant 0 : i32
      %add3A_100 = arith.addi %mul3A_98, %add3A_99 : i32
      %swap3A = arith.index_cast %add3A_100 : i32 to index
      %swap3A_101 = tpu.vector_load %arg8[%swap3A] {strides = array<i32>} : memref<20160xf32, #tpu.memory_space<vmem>>, vector<16xf32>,
      tpu.vector_store %arg8[%swap3A], %broadcast_in_dim3A_0 {strides = array<i32>} : memref<20160xf32, #tpu.memory_space<vmem>>, vector<16xf32>,
      %mul3A_102 = arith.constant 160 : i32
      %mul3A_103 = arith.muli %scan3A_95, %mul3A_102 : i32
      %add3A_104 = arith.constant 16 : i32
      %add3A_105 = arith.addi %mul3A_103, %add3A_104 : i32
      %swap3A_106 = arith.index_cast %add3A_105 : i32 to index
      %swap3A_107 = tpu.vector_load %arg8[%swap3A_106] {strides = array<i32>} : memref<20160xf32, #tpu.memory_space<vmem>>, vector<16xf32>,
      tpu.vector_store %arg8[%swap3A_106], %broadcast_in_dim3A_0 {strides = array<i32>} : memref<20160xf32, #tpu.memory_space<vmem>>, vector<16xf32>,
      %mul3A_108 = arith.constant 160 : i32
      %mul3A_109 = arith.muli %scan3A_95, %mul3A_108 : i32
      %add3A_110 = arith.constant 32 : i32
      %add3A_111 = arith.addi %mul3A_109, %add3A_110 : i32
      %swap3A_112 = arith.index_cast %add3A_111 : i32 to index
      %swap3A_113 = tpu.vector_load %arg8[%swap3A_112] {strides = array<i32>} : memref<20160xf32, #tpu.memory_space<vmem>>, vector<16xf32>,
      tpu.vector_store %arg8[%swap3A_112], %broadcast_in_dim3A_0 {strides = array<i32>} : memref<20160xf32, #tpu.memory_space<vmem>>, vector<16xf32>,
      %mul3A_114 = arith.constant 160 : i32
      %mul3A_115 = arith.muli %scan3A_95, %mul3A_114 : i32
      %add3A_116 = arith.constant 48 : i32
      %add3A_117 = arith.addi %mul3A_115, %add3A_116 : i32
      %swap3A_118 = arith.index_cast %add3A_117 : i32 to index
      %swap3A_119 = tpu.vector_load %arg8[%swap3A_118] {strides = array<i32>} : memref<20160xf32, #tpu.memory_space<vmem>>, vector<16xf32>,
      tpu.vector_store %arg8[%swap3A_118], %broadcast_in_dim3A_0 {strides = array<i32>} : memref<20160xf32, #tpu.memory_space<vmem>>, vector<16xf32>,
      %mul3A_120 = arith.constant 160 : i32
      %mul3A_121 = arith.muli %scan3A_95, %mul3A_120 : i32
      %add3A_122 = arith.constant 64 : i32
      %add3A_123 = arith.addi %mul3A_121, %add3A_122 : i32
      %swap3A_124 = arith.index_cast %add3A_123 : i32 to index
      %swap3A_125 = tpu.vector_load %arg8[%swap3A_124] {strides = array<i32>} : memref<20160xf32, #tpu.memory_space<vmem>>, vector<16xf32>,
      tpu.vector_store %arg8[%swap3A_124], %broadcast_in_dim3A_0 {strides = array<i32>} : memref<20160xf32, #tpu.memory_space<vmem>>, vector<16xf32>,
      %mul3A_126 = arith.constant 160 : i32
      %mul3A_127 = arith.muli %scan3A_95, %mul3A_126 : i32
      %add3A_128 = arith.constant 80 : i32
      %add3A_129 = arith.addi %mul3A_127, %add3A_128 : i32
      %swap3A_130 = arith.index_cast %add3A_129 : i32 to index
      %swap3A_131 = tpu.vector_load %arg8[%swap3A_130] {strides = array<i32>} : memref<20160xf32, #tpu.memory_space<vmem>>, vector<16xf32>,
      tpu.vector_store %arg8[%swap3A_130], %broadcast_in_dim3A_0 {strides = array<i32>} : memref<20160xf32, #tpu.memory_space<vmem>>, vector<16xf32>,
      %mul3A_132 = arith.constant 160 : i32
      %mul3A_133 = arith.muli %scan3A_95, %mul3A_132 : i32
      %add3A_134 = arith.constant 96 : i32
      %add3A_135 = arith.addi %mul3A_133, %add3A_134 : i32
      %swap3A_136 = arith.index_cast %add3A_135 : i32 to index
      %swap3A_137 = tpu.vector_load %arg8[%swap3A_136] {strides = array<i32>} : memref<20160xf32, #tpu.memory_space<vmem>>, vector<16xf32>,
      tpu.vector_store %arg8[%swap3A_136], %broadcast_in_dim3A_0 {strides = array<i32>} : memref<20160xf32, #tpu.memory_space<vmem>>, vector<16xf32>,
      %mul3A_138 = arith.constant 160 : i32
      %mul3A_139 = arith.muli %scan3A_95, %mul3A_138 : i32
      %add3A_140 = arith.constant 112 : i32
      %add3A_141 = arith.addi %mul3A_139, %add3A_140 : i32
      %swap3A_142 = arith.index_cast %add3A_141 : i32 to index
      %swap3A_143 = tpu.vector_load %arg8[%swap3A_142] {strides = array<i32>} : memref<20160xf32, #tpu.memory_space<vmem>>, vector<16xf32>,
      tpu.vector_store %arg8[%swap3A_142], %broadcast_in_dim3A_0 {strides = array<i32>} : memref<20160xf32, #tpu.memory_space<vmem>>, vector<16xf32>,
      %mul3A_144 = arith.constant 160 : i32
      %mul3A_145 = arith.muli %scan3A_95, %mul3A_144 : i32
      %add3A_146 = arith.constant 128 : i32
      %add3A_147 = arith.addi %mul3A_145, %add3A_146 : i32
      %swap3A_148 = arith.index_cast %add3A_147 : i32 to index
      %swap3A_149 = tpu.vector_load %arg8[%swap3A_148] {strides = array<i32>} : memref<20160xf32, #tpu.memory_space<vmem>>, vector<16xf32>,
      tpu.vector_store %arg8[%swap3A_148], %broadcast_in_dim3A_0 {strides = array<i32>} : memref<20160xf32, #tpu.memory_space<vmem>>, vector<16xf32>,
      %mul3A_150 = arith.constant 160 : i32
      %mul3A_151 = arith.muli %scan3A_95, %mul3A_150 : i32
      %add3A_152 = arith.constant 144 : i32
      %add3A_153 = arith.addi %mul3A_151, %add3A_152 : i32
      %swap3A_154 = arith.index_cast %add3A_153 : i32 to index
      %swap3A_155 = tpu.vector_load %arg8[%swap3A_154] {strides = array<i32>} : memref<20160xf32, #tpu.memory_space<vmem>>, vector<16xf32>,
      tpu.vector_store %arg8[%swap3A_154], %broadcast_in_dim3A_0 {strides = array<i32>} : memref<20160xf32, #tpu.memory_space<vmem>>, vector<16xf32>,
      %scan3A_156 = arith.constant 0 : i32
      scf.yield %scan3A_156 : i32
    }
    %scan3A_8 = arith.constant 126 : i32
    %scan3A_9 = arith.constant 0 : i32
    %scan3A_10 = arith.constant 0 : i32
    %scan3A_11 = arith.constant 125 : i32
    %scan3A_12 = arith.addi %scan3A_10, %scan3A_11 : i32
    %scan3A_13 = arith.constant 1 : i32
    %scan3A_14 = scf.for %scan3A_95 = %scan3A_10 to %scan3A_12 step %scan3A_13 iter_args(%scan3A_96 = %scan3A_9) -> (i32)  : i32 {
      %mul3A_97 = arith.constant 16 : i32
      %mul3A_98 = arith.muli %scan3A_95, %mul3A_97 : i32
      %swap3A = arith.index_cast %mul3A_98 : i32 to index
      %swap3A_99 = tpu.vector_load %arg12[%swap3A] {strides = array<i32>} : memref<2000xf32, #tpu.memory_space<vmem>>, vector<16xf32>,
      tpu.vector_store %arg12[%swap3A], %broadcast_in_dim3A_2 {strides = array<i32>} : memref<2000xf32, #tpu.memory_space<vmem>>, vector<16xf32>,
      %scan3A_100 = arith.constant 0 : i32
      scf.yield %scan3A_100 : i32
    }
    %scan3A_15 = arith.constant 125 : i32
    %scan3A_16 = arith.constant 0 : i32
    %scan3A_17 = arith.constant 0 : i32
    %scan3A_18 = arith.constant 2 : i32
    %scan3A_19 = arith.addi %scan3A_17, %scan3A_18 : i32
    %scan3A_20 = arith.constant 1 : i32
    %scan3A_21 = scf.for %scan3A_95 = %scan3A_17 to %scan3A_19 step %scan3A_20 iter_args(%scan3A_96 = %scan3A_16) -> (i32)  : i32 {
      %mul3A_97 = arith.constant 2 : i32
      %mul3A_98 = arith.muli %scan3A_95, %mul3A_97 : i32
      %add3A_99 = arith.addi %mul3A_98, %arg0 : i32
      %mul3A_100 = arith.constant 1600000 : i32
      %mul3A_101 = arith.muli %add3A_99, %mul3A_100 : i32
      %mul3A_102 = arith.constant 5 : i32
      %mul3A_103 = arith.muli %arg1, %mul3A_102 : i32
      %add3A_104 = arith.constant 0 : i32
      %add3A_105 = arith.addi %mul3A_103, %add3A_104 : i32
      %mul3A_106 = arith.constant 20032 : i32
      %mul3A_107 = arith.muli %add3A_105, %mul3A_106 : i32
      "tpu.region"() ({
        %run_scoped3A = tpu.sem_alloc : memref<!tpu.dma_semaphore, #tpu.memory_space<semaphore_mem>>
        %dma_start3A = arith.constant 0 : i32
        %dma_start3A_176 = tpu.memref_slice %arg8[%dma_start3A] : memref<20160xf32, #tpu.memory_space<vmem>> -> memref<20032xf32, #tpu.memory_space<vmem>>
        %dma_start3A_177 = tpu.memref_slice %arg13[%mul3A_107] : memref<1602560xf32, #tpu.memory_space<vmem_shared>> -> memref<20032xf32, #tpu.memory_space<vmem_shared>>
        %dma_start3A_178 = tpu.memref_slice %arg13[%mul3A_107] : memref<1602560xf32, #tpu.memory_space<vmem_shared>> -> memref<20032xf32, #tpu.memory_space<vmem_shared>>
        %dma_start3A_179 = arith.constant 0 : i32
        %dma_start3A_180 = tpu.memref_slice %arg8[%dma_start3A_179] : memref<20160xf32, #tpu.memory_space<vmem>> -> memref<20032xf32, #tpu.memory_space<vmem>>
        tpu.enqueue_dma source(%dma_start3A_180 : memref<20032xf32, #tpu.memory_space<vmem>>) target(%dma_start3A_178 : memref<20032xf32, #tpu.memory_space<vmem_shared>>) target_semaphore(%run_scoped3A : memref<!tpu.dma_semaphore, #tpu.memory_space<semaphore_mem>>)
        %dma_wait3A = arith.constant 0 : i32
        %dma_wait3A_181 = tpu.memref_slice %arg8[%dma_wait3A] : memref<20160xf32, #tpu.memory_space<vmem>> -> memref<20032xf32, #tpu.memory_space<vmem>>
        %dma_wait3A_182 = tpu.memref_slice %arg13[%mul3A_107] : memref<1602560xf32, #tpu.memory_space<vmem_shared>> -> memref<20032xf32, #tpu.memory_space<vmem_shared>>
        %dma_wait3A_183 = tpu.memref_slice %arg13[%mul3A_107] : memref<1602560xf32, #tpu.memory_space<vmem_shared>> -> memref<20032xf32, #tpu.memory_space<vmem_shared>>
        %dma_wait3A_184 = arith.constant 0 : i32
        %dma_wait3A_185 = tpu.memref_slice %arg8[%dma_wait3A_184] : memref<20160xf32, #tpu.memory_space<vmem>> -> memref<20032xf32, #tpu.memory_space<vmem>>
        tpu.wait_dma2 semaphore(%run_scoped3A : memref<!tpu.dma_semaphore, #tpu.memory_space<semaphore_mem>>) src(%dma_wait3A_185 : memref<20032xf32, #tpu.memory_space<vmem>>) dst(%dma_wait3A_183 : memref<20032xf32, #tpu.memory_space<vmem_shared>>)
        tpu.yield
      }) : () -> ()
      %mul3A_108 = arith.constant 5 : i32
      %mul3A_109 = arith.muli %arg1, %mul3A_108 : i32
      %add3A_110 = arith.constant 1 : i32
      %add3A_111 = arith.addi %mul3A_109, %add3A_110 : i32
      %mul3A_112 = arith.constant 20032 : i32
      %mul3A_113 = arith.muli %add3A_111, %mul3A_112 : i32
      "tpu.region"() ({
        %run_scoped3A = tpu.sem_alloc : memref<!tpu.dma_semaphore, #tpu.memory_space<semaphore_mem>>
        %dma_start3A = arith.constant 0 : i32
        %dma_start3A_176 = tpu.memref_slice %arg8[%dma_start3A] : memref<20160xf32, #tpu.memory_space<vmem>> -> memref<20032xf32, #tpu.memory_space<vmem>>
        %dma_start3A_177 = tpu.memref_slice %arg13[%mul3A_113] : memref<1602560xf32, #tpu.memory_space<vmem_shared>> -> memref<20032xf32, #tpu.memory_space<vmem_shared>>
        %dma_start3A_178 = tpu.memref_slice %arg13[%mul3A_113] : memref<1602560xf32, #tpu.memory_space<vmem_shared>> -> memref<20032xf32, #tpu.memory_space<vmem_shared>>
        %dma_start3A_179 = arith.constant 0 : i32
        %dma_start3A_180 = tpu.memref_slice %arg8[%dma_start3A_179] : memref<20160xf32, #tpu.memory_space<vmem>> -> memref<20032xf32, #tpu.memory_space<vmem>>
        tpu.enqueue_dma source(%dma_start3A_180 : memref<20032xf32, #tpu.memory_space<vmem>>) target(%dma_start3A_178 : memref<20032xf32, #tpu.memory_space<vmem_shared>>) target_semaphore(%run_scoped3A : memref<!tpu.dma_semaphore, #tpu.memory_space<semaphore_mem>>)
        %dma_wait3A = arith.constant 0 : i32
        %dma_wait3A_181 = tpu.memref_slice %arg8[%dma_wait3A] : memref<20160xf32, #tpu.memory_space<vmem>> -> memref<20032xf32, #tpu.memory_space<vmem>>
        %dma_wait3A_182 = tpu.memref_slice %arg13[%mul3A_113] : memref<1602560xf32, #tpu.memory_space<vmem_shared>> -> memref<20032xf32, #tpu.memory_space<vmem_shared>>
        %dma_wait3A_183 = tpu.memref_slice %arg13[%mul3A_113] : memref<1602560xf32, #tpu.memory_space<vmem_shared>> -> memref<20032xf32, #tpu.memory_space<vmem_shared>>
        %dma_wait3A_184 = arith.constant 0 : i32
        %dma_wait3A_185 = tpu.memref_slice %arg8[%dma_wait3A_184] : memref<20160xf32, #tpu.memory_space<vmem>> -> memref<20032xf32, #tpu.memory_space<vmem>>
        tpu.wait_dma2 semaphore(%run_scoped3A : memref<!tpu.dma_semaphore, #tpu.memory_space<semaphore_mem>>) src(%dma_wait3A_185 : memref<20032xf32, #tpu.memory_space<vmem>>) dst(%dma_wait3A_183 : memref<20032xf32, #tpu.memory_space<vmem_shared>>)
        tpu.yield
      }) : () -> ()
      %mul3A_114 = arith.constant 5 : i32
      %mul3A_115 = arith.muli %arg1, %mul3A_114 : i32
      %add3A_116 = arith.constant 2 : i32
      %add3A_117 = arith.addi %mul3A_115, %add3A_116 : i32
      %mul3A_118 = arith.constant 20032 : i32
      %mul3A_119 = arith.muli %add3A_117, %mul3A_118 : i32
      "tpu.region"() ({
        %run_scoped3A = tpu.sem_alloc : memref<!tpu.dma_semaphore, #tpu.memory_space<semaphore_mem>>
        %dma_start3A = arith.constant 0 : i32
        %dma_start3A_176 = tpu.memref_slice %arg8[%dma_start3A] : memref<20160xf32, #tpu.memory_space<vmem>> -> memref<20032xf32, #tpu.memory_space<vmem>>
        %dma_start3A_177 = tpu.memref_slice %arg13[%mul3A_119] : memref<1602560xf32, #tpu.memory_space<vmem_shared>> -> memref<20032xf32, #tpu.memory_space<vmem_shared>>
        %dma_start3A_178 = tpu.memref_slice %arg13[%mul3A_119] : memref<1602560xf32, #tpu.memory_space<vmem_shared>> -> memref<20032xf32, #tpu.memory_space<vmem_shared>>
        %dma_start3A_179 = arith.constant 0 : i32
        %dma_start3A_180 = tpu.memref_slice %arg8[%dma_start3A_179] : memref<20160xf32, #tpu.memory_space<vmem>> -> memref<20032xf32, #tpu.memory_space<vmem>>
        tpu.enqueue_dma source(%dma_start3A_180 : memref<20032xf32, #tpu.memory_space<vmem>>) target(%dma_start3A_178 : memref<20032xf32, #tpu.memory_space<vmem_shared>>) target_semaphore(%run_scoped3A : memref<!tpu.dma_semaphore, #tpu.memory_space<semaphore_mem>>)
        %dma_wait3A = arith.constant 0 : i32
        %dma_wait3A_181 = tpu.memref_slice %arg8[%dma_wait3A] : memref<20160xf32, #tpu.memory_space<vmem>> -> memref<20032xf32, #tpu.memory_space<vmem>>
        %dma_wait3A_182 = tpu.memref_slice %arg13[%mul3A_119] : memref<1602560xf32, #tpu.memory_space<vmem_shared>> -> memref<20032xf32, #tpu.memory_space<vmem_shared>>
        %dma_wait3A_183 = tpu.memref_slice %arg13[%mul3A_119] : memref<1602560xf32, #tpu.memory_space<vmem_shared>> -> memref<20032xf32, #tpu.memory_space<vmem_shared>>
        %dma_wait3A_184 = arith.constant 0 : i32
        %dma_wait3A_185 = tpu.memref_slice %arg8[%dma_wait3A_184] : memref<20160xf32, #tpu.memory_space<vmem>> -> memref<20032xf32, #tpu.memory_space<vmem>>
        tpu.wait_dma2 semaphore(%run_scoped3A : memref<!tpu.dma_semaphore, #tpu.memory_space<semaphore_mem>>) src(%dma_wait3A_185 : memref<20032xf32, #tpu.memory_space<vmem>>) dst(%dma_wait3A_183 : memref<20032xf32, #tpu.memory_space<vmem_shared>>)
        tpu.yield
      }) : () -> ()
      %mul3A_120 = arith.constant 5 : i32
      %mul3A_121 = arith.muli %arg1, %mul3A_120 : i32
      %add3A_122 = arith.constant 3 : i32
      %add3A_123 = arith.addi %mul3A_121, %add3A_122 : i32
      %mul3A_124 = arith.constant 20032 : i32
      %mul3A_125 = arith.muli %add3A_123, %mul3A_124 : i32
      "tpu.region"() ({
        %run_scoped3A = tpu.sem_alloc : memref<!tpu.dma_semaphore, #tpu.memory_space<semaphore_mem>>
        %dma_start3A = arith.constant 0 : i32
        %dma_start3A_176 = tpu.memref_slice %arg8[%dma_start3A] : memref<20160xf32, #tpu.memory_space<vmem>> -> memref<20032xf32, #tpu.memory_space<vmem>>
        %dma_start3A_177 = tpu.memref_slice %arg13[%mul3A_125] : memref<1602560xf32, #tpu.memory_space<vmem_shared>> -> memref<20032xf32, #tpu.memory_space<vmem_shared>>
        %dma_start3A_178 = tpu.memref_slice %arg13[%mul3A_125] : memref<1602560xf32, #tpu.memory_space<vmem_shared>> -> memref<20032xf32, #tpu.memory_space<vmem_shared>>
        %dma_start3A_179 = arith.constant 0 : i32
        %dma_start3A_180 = tpu.memref_slice %arg8[%dma_start3A_179] : memref<20160xf32, #tpu.memory_space<vmem>> -> memref<20032xf32, #tpu.memory_space<vmem>>
        tpu.enqueue_dma source(%dma_start3A_180 : memref<20032xf32, #tpu.memory_space<vmem>>) target(%dma_start3A_178 : memref<20032xf32, #tpu.memory_space<vmem_shared>>) target_semaphore(%run_scoped3A : memref<!tpu.dma_semaphore, #tpu.memory_space<semaphore_mem>>)
        %dma_wait3A = arith.constant 0 : i32
        %dma_wait3A_181 = tpu.memref_slice %arg8[%dma_wait3A] : memref<20160xf32, #tpu.memory_space<vmem>> -> memref<20032xf32, #tpu.memory_space<vmem>>
        %dma_wait3A_182 = tpu.memref_slice %arg13[%mul3A_125] : memref<1602560xf32, #tpu.memory_space<vmem_shared>> -> memref<20032xf32, #tpu.memory_space<vmem_shared>>
        %dma_wait3A_183 = tpu.memref_slice %arg13[%mul3A_125] : memref<1602560xf32, #tpu.memory_space<vmem_shared>> -> memref<20032xf32, #tpu.memory_space<vmem_shared>>
        %dma_wait3A_184 = arith.constant 0 : i32
        %dma_wait3A_185 = tpu.memref_slice %arg8[%dma_wait3A_184] : memref<20160xf32, #tpu.memory_space<vmem>> -> memref<20032xf32, #tpu.memory_space<vmem>>
        tpu.wait_dma2 semaphore(%run_scoped3A : memref<!tpu.dma_semaphore, #tpu.memory_space<semaphore_mem>>) src(%dma_wait3A_185 : memref<20032xf32, #tpu.memory_space<vmem>>) dst(%dma_wait3A_183 : memref<20032xf32, #tpu.memory_space<vmem_shared>>)
        tpu.yield
      }) : () -> ()
      %mul3A_126 = arith.constant 5 : i32
      %mul3A_127 = arith.muli %arg1, %mul3A_126 : i32
      %add3A_128 = arith.constant 4 : i32
      %add3A_129 = arith.addi %mul3A_127, %add3A_128 : i32
      %mul3A_130 = arith.constant 20032 : i32
      %mul3A_131 = arith.muli %add3A_129, %mul3A_130 : i32
      "tpu.region"() ({
        %run_scoped3A = tpu.sem_alloc : memref<!tpu.dma_semaphore, #tpu.memory_space<semaphore_mem>>
        %dma_start3A = arith.constant 0 : i32
        %dma_start3A_176 = tpu.memref_slice %arg8[%dma_start3A] : memref<20160xf32, #tpu.memory_space<vmem>> -> memref<20032xf32, #tpu.memory_space<vmem>>
        %dma_start3A_177 = tpu.memref_slice %arg13[%mul3A_131] : memref<1602560xf32, #tpu.memory_space<vmem_shared>> -> memref<20032xf32, #tpu.memory_space<vmem_shared>>
        %dma_start3A_178 = tpu.memref_slice %arg13[%mul3A_131] : memref<1602560xf32, #tpu.memory_space<vmem_shared>> -> memref<20032xf32, #tpu.memory_space<vmem_shared>>
        %dma_start3A_179 = arith.constant 0 : i32
        %dma_start3A_180 = tpu.memref_slice %arg8[%dma_start3A_179] : memref<20160xf32, #tpu.memory_space<vmem>> -> memref<20032xf32, #tpu.memory_space<vmem>>
        tpu.enqueue_dma source(%dma_start3A_180 : memref<20032xf32, #tpu.memory_space<vmem>>) target(%dma_start3A_178 : memref<20032xf32, #tpu.memory_space<vmem_shared>>) target_semaphore(%run_scoped3A : memref<!tpu.dma_semaphore, #tpu.memory_space<semaphore_mem>>)
        %dma_wait3A = arith.constant 0 : i32
        %dma_wait3A_181 = tpu.memref_slice %arg8[%dma_wait3A] : memref<20160xf32, #tpu.memory_space<vmem>> -> memref<20032xf32, #tpu.memory_space<vmem>>
        %dma_wait3A_182 = tpu.memref_slice %arg13[%mul3A_131] : memref<1602560xf32, #tpu.memory_space<vmem_shared>> -> memref<20032xf32, #tpu.memory_space<vmem_shared>>
        %dma_wait3A_183 = tpu.memref_slice %arg13[%mul3A_131] : memref<1602560xf32, #tpu.memory_space<vmem_shared>> -> memref<20032xf32, #tpu.memory_space<vmem_shared>>
        %dma_wait3A_184 = arith.constant 0 : i32
        %dma_wait3A_185 = tpu.memref_slice %arg8[%dma_wait3A_184] : memref<20160xf32, #tpu.memory_space<vmem>> -> memref<20032xf32, #tpu.memory_space<vmem>>
        tpu.wait_dma2 semaphore(%run_scoped3A : memref<!tpu.dma_semaphore, #tpu.memory_space<semaphore_mem>>) src(%dma_wait3A_185 : memref<20032xf32, #tpu.memory_space<vmem>>) dst(%dma_wait3A_183 : memref<20032xf32, #tpu.memory_space<vmem_shared>>)
        tpu.yield
      }) : () -> ()
      %barrier3A_132 = arith.constant 0 : index
      tpu.barrier barrier_id(%barrier3A_132)
      %scan3A_133 = arith.constant 1600000 : i32
      %scan3A_134 = arith.constant 0 : i32
      %scan3A_135 = arith.constant 0 : i32
      %scan3A_136 = arith.constant 5 : i32
      %scan3A_137 = arith.addi %scan3A_135, %scan3A_136 : i32
      %scan3A_138 = arith.constant 1 : i32
      %scan3A_139 = scf.for %scan3A_176 = %scan3A_135 to %scan3A_137 step %scan3A_138 iter_args(%scan3A_177 = %scan3A_134) -> (i32)  : i32 {
        %mul3A_178 = arith.constant 10000 : i32
        %mul3A_179 = arith.muli %arg1, %mul3A_178 : i32
        %mul3A_180 = arith.constant 2000 : i32
        %mul3A_181 = arith.muli %scan3A_176, %mul3A_180 : i32
        %add3A_182 = arith.addi %mul3A_179, %mul3A_181 : i32
        "tpu.region"() ({
          %run_scoped3A = tpu.sem_alloc : memref<!tpu.dma_semaphore, #tpu.memory_space<semaphore_mem>>
          %dma_start3A = tpu.memref_slice %arg2[%add3A_182] : memref<160000xi32, #tpu.memory_space<hbm>> -> memref<2000xi32, #tpu.memory_space<hbm>>
          %dma_start3A_191 = tpu.memref_slice %arg2[%add3A_182] : memref<160000xi32, #tpu.memory_space<hbm>> -> memref<2000xi32, #tpu.memory_space<hbm>>
          tpu.enqueue_dma source(%dma_start3A_191 : memref<2000xi32, #tpu.memory_space<hbm>>) target(%arg9 : memref<2000xi32, #tpu.memory_space<vmem>>) target_semaphore(%run_scoped3A : memref<!tpu.dma_semaphore, #tpu.memory_space<semaphore_mem>>)
          %dma_wait3A = tpu.memref_slice %arg2[%add3A_182] : memref<160000xi32, #tpu.memory_space<hbm>> -> memref<2000xi32, #tpu.memory_space<hbm>>
          %dma_wait3A_192 = tpu.memref_slice %arg2[%add3A_182] : memref<160000xi32, #tpu.memory_space<hbm>> -> memref<2000xi32, #tpu.memory_space<hbm>>
          tpu.wait_dma2 semaphore(%run_scoped3A : memref<!tpu.dma_semaphore, #tpu.memory_space<semaphore_mem>>) src(%dma_wait3A_192 : memref<2000xi32, #tpu.memory_space<hbm>>) dst(%arg9 : memref<2000xi32, #tpu.memory_space<vmem>>)
          tpu.yield
        }) : () -> ()
        "tpu.region"() ({
          %run_scoped3A = tpu.sem_alloc : memref<!tpu.dma_semaphore, #tpu.memory_space<semaphore_mem>>
          %dma_start3A = tpu.memref_slice %arg3[%add3A_182] : memref<160000xi32, #tpu.memory_space<hbm>> -> memref<2000xi32, #tpu.memory_space<hbm>>
          %dma_start3A_191 = tpu.memref_slice %arg3[%add3A_182] : memref<160000xi32, #tpu.memory_space<hbm>> -> memref<2000xi32, #tpu.memory_space<hbm>>
          tpu.enqueue_dma source(%dma_start3A_191 : memref<2000xi32, #tpu.memory_space<hbm>>) target(%arg10 : memref<2000xi32, #tpu.memory_space<vmem>>) target_semaphore(%run_scoped3A : memref<!tpu.dma_semaphore, #tpu.memory_space<semaphore_mem>>)
          %dma_wait3A = tpu.memref_slice %arg3[%add3A_182] : memref<160000xi32, #tpu.memory_space<hbm>> -> memref<2000xi32, #tpu.memory_space<hbm>>
          %dma_wait3A_192 = tpu.memref_slice %arg3[%add3A_182] : memref<160000xi32, #tpu.memory_space<hbm>> -> memref<2000xi32, #tpu.memory_space<hbm>>
          tpu.wait_dma2 semaphore(%run_scoped3A : memref<!tpu.dma_semaphore, #tpu.memory_space<semaphore_mem>>) src(%dma_wait3A_192 : memref<2000xi32, #tpu.memory_space<hbm>>) dst(%arg10 : memref<2000xi32, #tpu.memory_space<vmem>>)
          tpu.yield
        }) : () -> ()
        %scan3A_183 = arith.constant 0 : i32
        %scan3A_184 = arith.constant 0 : i32
        %scan3A_185 = arith.constant 125 : i32
        %scan3A_186 = arith.addi %scan3A_184, %scan3A_185 : i32
        %scan3A_187 = arith.constant 1 : i32
        %scan3A_188 = scf.for %scan3A_191 = %scan3A_184 to %scan3A_186 step %scan3A_187 iter_args(%scan3A_192 = %scan3A_183) -> (i32)  : i32 {
          %mul3A_193 = arith.constant 16 : i32
          %mul3A_194 = arith.muli %scan3A_191, %mul3A_193 : i32
          %get3A = arith.index_cast %mul3A_194 : i32 to index
          %get3A_195 = tpu.vector_load %arg9[%get3A] {strides = array<i32>} : memref<2000xi32, #tpu.memory_space<vmem>>, vector<16xi32>,
          %mul3A_196 = arith.constant 16 : i32
          %mul3A_197 = arith.muli %scan3A_191, %mul3A_196 : i32
          %get3A_198 = arith.index_cast %mul3A_197 : i32 to index
          %get3A_199 = tpu.vector_load %arg10[%get3A_198] {strides = array<i32>} : memref<2000xi32, #tpu.memory_space<vmem>>, vector<16xi32>,
          %mul3A_200 = arith.constant 2500 : i32
          %mul3A_201 = vector.broadcast %mul3A_200 : i32 to vector<16xi32>
          %mul3A_202 = arith.muli %get3A_199, %mul3A_201 : vector<16xi32>
          %add3A_203 = arith.addi %mul3A_202, %get3A_195 : vector<16xi32>
          %sub3A = vector.broadcast %mul3A_101 : i32 to vector<16xi32>
          %sub3A_204 = arith.subi %add3A_203, %sub3A : vector<16xi32>
          %bitcast3A = vector.bitcast %sub3A_204 : vector<16xi32> to vector<16xi32>
          %lt3A = vector.broadcast %scan3A_133 : i32 to vector<16xi32>
          %lt3A_205 = arith.cmpi ult, %bitcast3A, %lt3A : vector<16xi32>
          %add3A_206 = arith.constant 1600000 : i32
          %add3A_207 = vector.broadcast %add3A_206 : i32 to vector<16xi32>
          %add3A_208 = arith.addi %add3A_207, %get3A_195 : vector<16xi32>
          %select_n3A = arith.select %lt3A_205, %sub3A_204, %add3A_208 : vector<16xi1>, vector<16xi32>
          %mul3A_209 = arith.constant 16 : i32
          %mul3A_210 = arith.muli %scan3A_191, %mul3A_209 : i32
          %swap3A = arith.index_cast %mul3A_210 : i32 to index
          %swap3A_211 = tpu.vector_load %arg11[%swap3A] {strides = array<i32>} : memref<2000xi32, #tpu.memory_space<vmem>>, vector<16xi32>,
          tpu.vector_store %arg11[%swap3A], %select_n3A {strides = array<i32>} : memref<2000xi32, #tpu.memory_space<vmem>>, vector<16xi32>,
          %scan3A_212 = arith.constant 0 : i32
          scf.yield %scan3A_212 : i32
        }
        %scan3A_189 = arith.constant 125 : i32
        "tpu.region"() ({
          %run_scoped3A = tpu.sem_alloc : memref<!tpu.dma_semaphore, #tpu.memory_space<semaphore_mem>>
          %dma_start3A = arith.constant 0 : i32
          %dma_start3A_191 = tpu.memref_slice %arg13[%dma_start3A] : memref<1602560xf32, #tpu.memory_space<vmem_shared>> -> memref<1602560xf32, #tpu.memory_space<vmem_shared>>
          tpu.enqueue_indirect_dma source(%arg12 : memref<2000xf32, #tpu.memory_space<vmem>>) target(%dma_start3A_191 : memref<1602560xf32, #tpu.memory_space<vmem_shared>>) offsets(%arg11 : memref<2000xi32, #tpu.memory_space<vmem>>) semaphore(%run_scoped3A : memref<!tpu.dma_semaphore, #tpu.memory_space<semaphore_mem>>) {add = true}
          %dma_wait3A = arith.constant 0 : i32
          %dma_wait3A_192 = tpu.memref_slice %arg13[%dma_wait3A] : memref<1602560xf32, #tpu.memory_space<vmem_shared>> -> memref<1602560xf32, #tpu.memory_space<vmem_shared>>
          tpu.wait_indirect_dma semaphore(%run_scoped3A : memref<!tpu.dma_semaphore, #tpu.memory_space<semaphore_mem>>) src(%arg12 : memref<2000xf32, #tpu.memory_space<vmem>>) dst(%dma_wait3A_192 : memref<1602560xf32, #tpu.memory_space<vmem_shared>>)
          tpu.yield
        }) : () -> ()
        %scan3A_190 = arith.constant 0 : i32
        scf.yield %scan3A_190 : i32
      }
      %scan3A_140 = arith.constant 5 : i32
      %barrier3A_141 = arith.constant 0 : index
      tpu.barrier barrier_id(%barrier3A_141)
      %mul3A_142 = arith.constant 100000 : i32
      %mul3A_143 = arith.muli %arg1, %mul3A_142 : i32
      %add3A_144 = arith.constant 0 : i32
      %add3A_145 = arith.addi %mul3A_143, %add3A_144 : i32
      "tpu.region"() ({
        %run_scoped3A = tpu.sem_alloc : memref<!tpu.dma_semaphore, #tpu.memory_space<semaphore_mem>>
        %dma_start3A = arith.constant 0 : i32
        %dma_start3A_176 = tpu.memref_slice %arg8[%dma_start3A] : memref<20160xf32, #tpu.memory_space<vmem>> -> memref<20000xf32, #tpu.memory_space<vmem>>
        %dma_start3A_177 = tpu.memref_slice %arg13[%add3A_145] : memref<1602560xf32, #tpu.memory_space<vmem_shared>> -> memref<20000xf32, #tpu.memory_space<vmem_shared>>
        %dma_start3A_178 = arith.constant 0 : i32
        %dma_start3A_179 = tpu.memref_slice %arg8[%dma_start3A_178] : memref<20160xf32, #tpu.memory_space<vmem>> -> memref<20000xf32, #tpu.memory_space<vmem>>
        %dma_start3A_180 = tpu.memref_slice %arg13[%add3A_145] : memref<1602560xf32, #tpu.memory_space<vmem_shared>> -> memref<20000xf32, #tpu.memory_space<vmem_shared>>
        tpu.enqueue_dma source(%dma_start3A_180 : memref<20000xf32, #tpu.memory_space<vmem_shared>>) target(%dma_start3A_179 : memref<20000xf32, #tpu.memory_space<vmem>>) target_semaphore(%run_scoped3A : memref<!tpu.dma_semaphore, #tpu.memory_space<semaphore_mem>>)
        %dma_wait3A = arith.constant 0 : i32
        %dma_wait3A_181 = tpu.memref_slice %arg8[%dma_wait3A] : memref<20160xf32, #tpu.memory_space<vmem>> -> memref<20000xf32, #tpu.memory_space<vmem>>
        %dma_wait3A_182 = tpu.memref_slice %arg13[%add3A_145] : memref<1602560xf32, #tpu.memory_space<vmem_shared>> -> memref<20000xf32, #tpu.memory_space<vmem_shared>>
        %dma_wait3A_183 = arith.constant 0 : i32
        %dma_wait3A_184 = tpu.memref_slice %arg8[%dma_wait3A_183] : memref<20160xf32, #tpu.memory_space<vmem>> -> memref<20000xf32, #tpu.memory_space<vmem>>
        %dma_wait3A_185 = tpu.memref_slice %arg13[%add3A_145] : memref<1602560xf32, #tpu.memory_space<vmem_shared>> -> memref<20000xf32, #tpu.memory_space<vmem_shared>>
        tpu.wait_dma2 semaphore(%run_scoped3A : memref<!tpu.dma_semaphore, #tpu.memory_space<semaphore_mem>>) src(%dma_wait3A_185 : memref<20000xf32, #tpu.memory_space<vmem_shared>>) dst(%dma_wait3A_184 : memref<20000xf32, #tpu.memory_space<vmem>>)
        tpu.yield
      }) : () -> ()
      %add3A_146 = arith.addi %mul3A_101, %add3A_145 : i32
      "tpu.region"() ({
        %run_scoped3A = tpu.sem_alloc : memref<!tpu.dma_semaphore, #tpu.memory_space<semaphore_mem>>
        %dma_start3A = arith.constant 0 : i32
        %dma_start3A_176 = tpu.memref_slice %arg8[%dma_start3A] : memref<20160xf32, #tpu.memory_space<vmem>> -> memref<20000xf32, #tpu.memory_space<vmem>>
        %dma_start3A_177 = tpu.memref_slice %arg6[%add3A_146] : memref<6400000xf32, #tpu.memory_space<hbm>> -> memref<20000xf32, #tpu.memory_space<hbm>>
        %dma_start3A_178 = tpu.memref_slice %arg6[%add3A_146] : memref<6400000xf32, #tpu.memory_space<hbm>> -> memref<20000xf32, #tpu.memory_space<hbm>>
        %dma_start3A_179 = arith.constant 0 : i32
        %dma_start3A_180 = tpu.memref_slice %arg8[%dma_start3A_179] : memref<20160xf32, #tpu.memory_space<vmem>> -> memref<20000xf32, #tpu.memory_space<vmem>>
        tpu.enqueue_dma source(%dma_start3A_180 : memref<20000xf32, #tpu.memory_space<vmem>>) target(%dma_start3A_178 : memref<20000xf32, #tpu.memory_space<hbm>>) target_semaphore(%run_scoped3A : memref<!tpu.dma_semaphore, #tpu.memory_space<semaphore_mem>>)
        %dma_wait3A = arith.constant 0 : i32
        %dma_wait3A_181 = tpu.memref_slice %arg8[%dma_wait3A] : memref<20160xf32, #tpu.memory_space<vmem>> -> memref<20000xf32, #tpu.memory_space<vmem>>
        %dma_wait3A_182 = tpu.memref_slice %arg6[%add3A_146] : memref<6400000xf32, #tpu.memory_space<hbm>> -> memref<20000xf32, #tpu.memory_space<hbm>>
        %dma_wait3A_183 = tpu.memref_slice %arg6[%add3A_146] : memref<6400000xf32, #tpu.memory_space<hbm>> -> memref<20000xf32, #tpu.memory_space<hbm>>
        %dma_wait3A_184 = arith.constant 0 : i32
        %dma_wait3A_185 = tpu.memref_slice %arg8[%dma_wait3A_184] : memref<20160xf32, #tpu.memory_space<vmem>> -> memref<20000xf32, #tpu.memory_space<vmem>>
        tpu.wait_dma2 semaphore(%run_scoped3A : memref<!tpu.dma_semaphore, #tpu.memory_space<semaphore_mem>>) src(%dma_wait3A_185 : memref<20000xf32, #tpu.memory_space<vmem>>) dst(%dma_wait3A_183 : memref<20000xf32, #tpu.memory_space<hbm>>)
        tpu.yield
      }) : () -> ()
      %mul3A_147 = arith.constant 100000 : i32
      %mul3A_148 = arith.muli %arg1, %mul3A_147 : i32
      %add3A_149 = arith.constant 20000 : i32
      %add3A_150 = arith.addi %mul3A_148, %add3A_149 : i32
      "tpu.region"() ({
        %run_scoped3A = tpu.sem_alloc : memref<!tpu.dma_semaphore, #tpu.memory_space<semaphore_mem>>
        %dma_start3A = arith.constant 0 : i32
        %dma_start3A_176 = tpu.memref_slice %arg8[%dma_start3A] : memref<20160xf32, #tpu.memory_space<vmem>> -> memref<20000xf32, #tpu.memory_space<vmem>>
        %dma_start3A_177 = tpu.memref_slice %arg13[%add3A_150] : memref<1602560xf32, #tpu.memory_space<vmem_shared>> -> memref<20000xf32, #tpu.memory_space<vmem_shared>>
        %dma_start3A_178 = arith.constant 0 : i32
        %dma_start3A_179 = tpu.memref_slice %arg8[%dma_start3A_178] : memref<20160xf32, #tpu.memory_space<vmem>> -> memref<20000xf32, #tpu.memory_space<vmem>>
        %dma_start3A_180 = tpu.memref_slice %arg13[%add3A_150] : memref<1602560xf32, #tpu.memory_space<vmem_shared>> -> memref<20000xf32, #tpu.memory_space<vmem_shared>>
        tpu.enqueue_dma source(%dma_start3A_180 : memref<20000xf32, #tpu.memory_space<vmem_shared>>) target(%dma_start3A_179 : memref<20000xf32, #tpu.memory_space<vmem>>) target_semaphore(%run_scoped3A : memref<!tpu.dma_semaphore, #tpu.memory_space<semaphore_mem>>)
        %dma_wait3A = arith.constant 0 : i32
        %dma_wait3A_181 = tpu.memref_slice %arg8[%dma_wait3A] : memref<20160xf32, #tpu.memory_space<vmem>> -> memref<20000xf32, #tpu.memory_space<vmem>>
        %dma_wait3A_182 = tpu.memref_slice %arg13[%add3A_150] : memref<1602560xf32, #tpu.memory_space<vmem_shared>> -> memref<20000xf32, #tpu.memory_space<vmem_shared>>
        %dma_wait3A_183 = arith.constant 0 : i32
        %dma_wait3A_184 = tpu.memref_slice %arg8[%dma_wait3A_183] : memref<20160xf32, #tpu.memory_space<vmem>> -> memref<20000xf32, #tpu.memory_space<vmem>>
        %dma_wait3A_185 = tpu.memref_slice %arg13[%add3A_150] : memref<1602560xf32, #tpu.memory_space<vmem_shared>> -> memref<20000xf32, #tpu.memory_space<vmem_shared>>
        tpu.wait_dma2 semaphore(%run_scoped3A : memref<!tpu.dma_semaphore, #tpu.memory_space<semaphore_mem>>) src(%dma_wait3A_185 : memref<20000xf32, #tpu.memory_space<vmem_shared>>) dst(%dma_wait3A_184 : memref<20000xf32, #tpu.memory_space<vmem>>)
        tpu.yield
      }) : () -> ()
      %add3A_151 = arith.addi %mul3A_101, %add3A_150 : i32
      "tpu.region"() ({
        %run_scoped3A = tpu.sem_alloc : memref<!tpu.dma_semaphore, #tpu.memory_space<semaphore_mem>>
        %dma_start3A = arith.constant 0 : i32
        %dma_start3A_176 = tpu.memref_slice %arg8[%dma_start3A] : memref<20160xf32, #tpu.memory_space<vmem>> -> memref<20000xf32, #tpu.memory_space<vmem>>
        %dma_start3A_177 = tpu.memref_slice %arg6[%add3A_151] : memref<6400000xf32, #tpu.memory_space<hbm>> -> memref<20000xf32, #tpu.memory_space<hbm>>
        %dma_start3A_178 = tpu.memref_slice %arg6[%add3A_151] : memref<6400000xf32, #tpu.memory_space<hbm>> -> memref<20000xf32, #tpu.memory_space<hbm>>
        %dma_start3A_179 = arith.constant 0 : i32
        %dma_start3A_180 = tpu.memref_slice %arg8[%dma_start3A_179] : memref<20160xf32, #tpu.memory_space<vmem>> -> memref<20000xf32, #tpu.memory_space<vmem>>
        tpu.enqueue_dma source(%dma_start3A_180 : memref<20000xf32, #tpu.memory_space<vmem>>) target(%dma_start3A_178 : memref<20000xf32, #tpu.memory_space<hbm>>) target_semaphore(%run_scoped3A : memref<!tpu.dma_semaphore, #tpu.memory_space<semaphore_mem>>)
        %dma_wait3A = arith.constant 0 : i32
        %dma_wait3A_181 = tpu.memref_slice %arg8[%dma_wait3A] : memref<20160xf32, #tpu.memory_space<vmem>> -> memref<20000xf32, #tpu.memory_space<vmem>>
        %dma_wait3A_182 = tpu.memref_slice %arg6[%add3A_151] : memref<6400000xf32, #tpu.memory_space<hbm>> -> memref<20000xf32, #tpu.memory_space<hbm>>
        %dma_wait3A_183 = tpu.memref_slice %arg6[%add3A_151] : memref<6400000xf32, #tpu.memory_space<hbm>> -> memref<20000xf32, #tpu.memory_space<hbm>>
        %dma_wait3A_184 = arith.constant 0 : i32
        %dma_wait3A_185 = tpu.memref_slice %arg8[%dma_wait3A_184] : memref<20160xf32, #tpu.memory_space<vmem>> -> memref<20000xf32, #tpu.memory_space<vmem>>
        tpu.wait_dma2 semaphore(%run_scoped3A : memref<!tpu.dma_semaphore, #tpu.memory_space<semaphore_mem>>) src(%dma_wait3A_185 : memref<20000xf32, #tpu.memory_space<vmem>>) dst(%dma_wait3A_183 : memref<20000xf32, #tpu.memory_space<hbm>>)
        tpu.yield
      }) : () -> ()
      %mul3A_152 = arith.constant 100000 : i32
      %mul3A_153 = arith.muli %arg1, %mul3A_152 : i32
      %add3A_154 = arith.constant 40000 : i32
      %add3A_155 = arith.addi %mul3A_153, %add3A_154 : i32
      "tpu.region"() ({
        %run_scoped3A = tpu.sem_alloc : memref<!tpu.dma_semaphore, #tpu.memory_space<semaphore_mem>>
        %dma_start3A = arith.constant 0 : i32
        %dma_start3A_176 = tpu.memref_slice %arg8[%dma_start3A] : memref<20160xf32, #tpu.memory_space<vmem>> -> memref<20000xf32, #tpu.memory_space<vmem>>
        %dma_start3A_177 = tpu.memref_slice %arg13[%add3A_155] : memref<1602560xf32, #tpu.memory_space<vmem_shared>> -> memref<20000xf32, #tpu.memory_space<vmem_shared>>
        %dma_start3A_178 = arith.constant 0 : i32
        %dma_start3A_179 = tpu.memref_slice %arg8[%dma_start3A_178] : memref<20160xf32, #tpu.memory_space<vmem>> -> memref<20000xf32, #tpu.memory_space<vmem>>
        %dma_start3A_180 = tpu.memref_slice %arg13[%add3A_155] : memref<1602560xf32, #tpu.memory_space<vmem_shared>> -> memref<20000xf32, #tpu.memory_space<vmem_shared>>
        tpu.enqueue_dma source(%dma_start3A_180 : memref<20000xf32, #tpu.memory_space<vmem_shared>>) target(%dma_start3A_179 : memref<20000xf32, #tpu.memory_space<vmem>>) target_semaphore(%run_scoped3A : memref<!tpu.dma_semaphore, #tpu.memory_space<semaphore_mem>>)
        %dma_wait3A = arith.constant 0 : i32
        %dma_wait3A_181 = tpu.memref_slice %arg8[%dma_wait3A] : memref<20160xf32, #tpu.memory_space<vmem>> -> memref<20000xf32, #tpu.memory_space<vmem>>
        %dma_wait3A_182 = tpu.memref_slice %arg13[%add3A_155] : memref<1602560xf32, #tpu.memory_space<vmem_shared>> -> memref<20000xf32, #tpu.memory_space<vmem_shared>>
        %dma_wait3A_183 = arith.constant 0 : i32
        %dma_wait3A_184 = tpu.memref_slice %arg8[%dma_wait3A_183] : memref<20160xf32, #tpu.memory_space<vmem>> -> memref<20000xf32, #tpu.memory_space<vmem>>
        %dma_wait3A_185 = tpu.memref_slice %arg13[%add3A_155] : memref<1602560xf32, #tpu.memory_space<vmem_shared>> -> memref<20000xf32, #tpu.memory_space<vmem_shared>>
        tpu.wait_dma2 semaphore(%run_scoped3A : memref<!tpu.dma_semaphore, #tpu.memory_space<semaphore_mem>>) src(%dma_wait3A_185 : memref<20000xf32, #tpu.memory_space<vmem_shared>>) dst(%dma_wait3A_184 : memref<20000xf32, #tpu.memory_space<vmem>>)
        tpu.yield
      }) : () -> ()
      %add3A_156 = arith.addi %mul3A_101, %add3A_155 : i32
      "tpu.region"() ({
        %run_scoped3A = tpu.sem_alloc : memref<!tpu.dma_semaphore, #tpu.memory_space<semaphore_mem>>
        %dma_start3A = arith.constant 0 : i32
        %dma_start3A_176 = tpu.memref_slice %arg8[%dma_start3A] : memref<20160xf32, #tpu.memory_space<vmem>> -> memref<20000xf32, #tpu.memory_space<vmem>>
        %dma_start3A_177 = tpu.memref_slice %arg6[%add3A_156] : memref<6400000xf32, #tpu.memory_space<hbm>> -> memref<20000xf32, #tpu.memory_space<hbm>>
        %dma_start3A_178 = tpu.memref_slice %arg6[%add3A_156] : memref<6400000xf32, #tpu.memory_space<hbm>> -> memref<20000xf32, #tpu.memory_space<hbm>>
        %dma_start3A_179 = arith.constant 0 : i32
        %dma_start3A_180 = tpu.memref_slice %arg8[%dma_start3A_179] : memref<20160xf32, #tpu.memory_space<vmem>> -> memref<20000xf32, #tpu.memory_space<vmem>>
        tpu.enqueue_dma source(%dma_start3A_180 : memref<20000xf32, #tpu.memory_space<vmem>>) target(%dma_start3A_178 : memref<20000xf32, #tpu.memory_space<hbm>>) target_semaphore(%run_scoped3A : memref<!tpu.dma_semaphore, #tpu.memory_space<semaphore_mem>>)
        %dma_wait3A = arith.constant 0 : i32
        %dma_wait3A_181 = tpu.memref_slice %arg8[%dma_wait3A] : memref<20160xf32, #tpu.memory_space<vmem>> -> memref<20000xf32, #tpu.memory_space<vmem>>
        %dma_wait3A_182 = tpu.memref_slice %arg6[%add3A_156] : memref<6400000xf32, #tpu.memory_space<hbm>> -> memref<20000xf32, #tpu.memory_space<hbm>>
        %dma_wait3A_183 = tpu.memref_slice %arg6[%add3A_156] : memref<6400000xf32, #tpu.memory_space<hbm>> -> memref<20000xf32, #tpu.memory_space<hbm>>
        %dma_wait3A_184 = arith.constant 0 : i32
        %dma_wait3A_185 = tpu.memref_slice %arg8[%dma_wait3A_184] : memref<20160xf32, #tpu.memory_space<vmem>> -> memref<20000xf32, #tpu.memory_space<vmem>>
        tpu.wait_dma2 semaphore(%run_scoped3A : memref<!tpu.dma_semaphore, #tpu.memory_space<semaphore_mem>>) src(%dma_wait3A_185 : memref<20000xf32, #tpu.memory_space<vmem>>) dst(%dma_wait3A_183 : memref<20000xf32, #tpu.memory_space<hbm>>)
        tpu.yield
      }) : () -> ()
      %mul3A_157 = arith.constant 100000 : i32
      %mul3A_158 = arith.muli %arg1, %mul3A_157 : i32
      %add3A_159 = arith.constant 60000 : i32
      %add3A_160 = arith.addi %mul3A_158, %add3A_159 : i32
      "tpu.region"() ({
        %run_scoped3A = tpu.sem_alloc : memref<!tpu.dma_semaphore, #tpu.memory_space<semaphore_mem>>
        %dma_start3A = arith.constant 0 : i32
        %dma_start3A_176 = tpu.memref_slice %arg8[%dma_start3A] : memref<20160xf32, #tpu.memory_space<vmem>> -> memref<20000xf32, #tpu.memory_space<vmem>>
        %dma_start3A_177 = tpu.memref_slice %arg13[%add3A_160] : memref<1602560xf32, #tpu.memory_space<vmem_shared>> -> memref<20000xf32, #tpu.memory_space<vmem_shared>>
        %dma_start3A_178 = arith.constant 0 : i32
        %dma_start3A_179 = tpu.memref_slice %arg8[%dma_start3A_178] : memref<20160xf32, #tpu.memory_space<vmem>> -> memref<20000xf32, #tpu.memory_space<vmem>>
        %dma_start3A_180 = tpu.memref_slice %arg13[%add3A_160] : memref<1602560xf32, #tpu.memory_space<vmem_shared>> -> memref<20000xf32, #tpu.memory_space<vmem_shared>>
        tpu.enqueue_dma source(%dma_start3A_180 : memref<20000xf32, #tpu.memory_space<vmem_shared>>) target(%dma_start3A_179 : memref<20000xf32, #tpu.memory_space<vmem>>) target_semaphore(%run_scoped3A : memref<!tpu.dma_semaphore, #tpu.memory_space<semaphore_mem>>)
        %dma_wait3A = arith.constant 0 : i32
        %dma_wait3A_181 = tpu.memref_slice %arg8[%dma_wait3A] : memref<20160xf32, #tpu.memory_space<vmem>> -> memref<20000xf32, #tpu.memory_space<vmem>>
        %dma_wait3A_182 = tpu.memref_slice %arg13[%add3A_160] : memref<1602560xf32, #tpu.memory_space<vmem_shared>> -> memref<20000xf32, #tpu.memory_space<vmem_shared>>
        %dma_wait3A_183 = arith.constant 0 : i32
        %dma_wait3A_184 = tpu.memref_slice %arg8[%dma_wait3A_183] : memref<20160xf32, #tpu.memory_space<vmem>> -> memref<20000xf32, #tpu.memory_space<vmem>>
        %dma_wait3A_185 = tpu.memref_slice %arg13[%add3A_160] : memref<1602560xf32, #tpu.memory_space<vmem_shared>> -> memref<20000xf32, #tpu.memory_space<vmem_shared>>
        tpu.wait_dma2 semaphore(%run_scoped3A : memref<!tpu.dma_semaphore, #tpu.memory_space<semaphore_mem>>) src(%dma_wait3A_185 : memref<20000xf32, #tpu.memory_space<vmem_shared>>) dst(%dma_wait3A_184 : memref<20000xf32, #tpu.memory_space<vmem>>)
        tpu.yield
      }) : () -> ()
      %add3A_161 = arith.addi %mul3A_101, %add3A_160 : i32
      "tpu.region"() ({
        %run_scoped3A = tpu.sem_alloc : memref<!tpu.dma_semaphore, #tpu.memory_space<semaphore_mem>>
        %dma_start3A = arith.constant 0 : i32
        %dma_start3A_176 = tpu.memref_slice %arg8[%dma_start3A] : memref<20160xf32, #tpu.memory_space<vmem>> -> memref<20000xf32, #tpu.memory_space<vmem>>
        %dma_start3A_177 = tpu.memref_slice %arg6[%add3A_161] : memref<6400000xf32, #tpu.memory_space<hbm>> -> memref<20000xf32, #tpu.memory_space<hbm>>
        %dma_start3A_178 = tpu.memref_slice %arg6[%add3A_161] : memref<6400000xf32, #tpu.memory_space<hbm>> -> memref<20000xf32, #tpu.memory_space<hbm>>
        %dma_start3A_179 = arith.constant 0 : i32
        %dma_start3A_180 = tpu.memref_slice %arg8[%dma_start3A_179] : memref<20160xf32, #tpu.memory_space<vmem>> -> memref<20000xf32, #tpu.memory_space<vmem>>
        tpu.enqueue_dma source(%dma_start3A_180 : memref<20000xf32, #tpu.memory_space<vmem>>) target(%dma_start3A_178 : memref<20000xf32, #tpu.memory_space<hbm>>) target_semaphore(%run_scoped3A : memref<!tpu.dma_semaphore, #tpu.memory_space<semaphore_mem>>)
        %dma_wait3A = arith.constant 0 : i32
        %dma_wait3A_181 = tpu.memref_slice %arg8[%dma_wait3A] : memref<20160xf32, #tpu.memory_space<vmem>> -> memref<20000xf32, #tpu.memory_space<vmem>>
        %dma_wait3A_182 = tpu.memref_slice %arg6[%add3A_161] : memref<6400000xf32, #tpu.memory_space<hbm>> -> memref<20000xf32, #tpu.memory_space<hbm>>
        %dma_wait3A_183 = tpu.memref_slice %arg6[%add3A_161] : memref<6400000xf32, #tpu.memory_space<hbm>> -> memref<20000xf32, #tpu.memory_space<hbm>>
        %dma_wait3A_184 = arith.constant 0 : i32
        %dma_wait3A_185 = tpu.memref_slice %arg8[%dma_wait3A_184] : memref<20160xf32, #tpu.memory_space<vmem>> -> memref<20000xf32, #tpu.memory_space<vmem>>
        tpu.wait_dma2 semaphore(%run_scoped3A : memref<!tpu.dma_semaphore, #tpu.memory_space<semaphore_mem>>) src(%dma_wait3A_185 : memref<20000xf32, #tpu.memory_space<vmem>>) dst(%dma_wait3A_183 : memref<20000xf32, #tpu.memory_space<hbm>>)
        tpu.yield
      }) : () -> ()
      %mul3A_162 = arith.constant 100000 : i32
      %mul3A_163 = arith.muli %arg1, %mul3A_162 : i32
      %add3A_164 = arith.constant 80000 : i32
      %add3A_165 = arith.addi %mul3A_163, %add3A_164 : i32
      "tpu.region"() ({
        %run_scoped3A = tpu.sem_alloc : memref<!tpu.dma_semaphore, #tpu.memory_space<semaphore_mem>>
        %dma_start3A = arith.constant 0 : i32
        %dma_start3A_176 = tpu.memref_slice %arg8[%dma_start3A] : memref<20160xf32, #tpu.memory_space<vmem>> -> memref<20000xf32, #tpu.memory_space<vmem>>
        %dma_start3A_177 = tpu.memref_slice %arg13[%add3A_165] : memref<1602560xf32, #tpu.memory_space<vmem_shared>> -> memref<20000xf32, #tpu.memory_space<vmem_shared>>
        %dma_start3A_178 = arith.constant 0 : i32
        %dma_start3A_179 = tpu.memref_slice %arg8[%dma_start3A_178] : memref<20160xf32, #tpu.memory_space<vmem>> -> memref<20000xf32, #tpu.memory_space<vmem>>
        %dma_start3A_180 = tpu.memref_slice %arg13[%add3A_165] : memref<1602560xf32, #tpu.memory_space<vmem_shared>> -> memref<20000xf32, #tpu.memory_space<vmem_shared>>
        tpu.enqueue_dma source(%dma_start3A_180 : memref<20000xf32, #tpu.memory_space<vmem_shared>>) target(%dma_start3A_179 : memref<20000xf32, #tpu.memory_space<vmem>>) target_semaphore(%run_scoped3A : memref<!tpu.dma_semaphore, #tpu.memory_space<semaphore_mem>>)
        %dma_wait3A = arith.constant 0 : i32
        %dma_wait3A_181 = tpu.memref_slice %arg8[%dma_wait3A] : memref<20160xf32, #tpu.memory_space<vmem>> -> memref<20000xf32, #tpu.memory_space<vmem>>
        %dma_wait3A_182 = tpu.memref_slice %arg13[%add3A_165] : memref<1602560xf32, #tpu.memory_space<vmem_shared>> -> memref<20000xf32, #tpu.memory_space<vmem_shared>>
        %dma_wait3A_183 = arith.constant 0 : i32
        %dma_wait3A_184 = tpu.memref_slice %arg8[%dma_wait3A_183] : memref<20160xf32, #tpu.memory_space<vmem>> -> memref<20000xf32, #tpu.memory_space<vmem>>
        %dma_wait3A_185 = tpu.memref_slice %arg13[%add3A_165] : memref<1602560xf32, #tpu.memory_space<vmem_shared>> -> memref<20000xf32, #tpu.memory_space<vmem_shared>>
        tpu.wait_dma2 semaphore(%run_scoped3A : memref<!tpu.dma_semaphore, #tpu.memory_space<semaphore_mem>>) src(%dma_wait3A_185 : memref<20000xf32, #tpu.memory_space<vmem_shared>>) dst(%dma_wait3A_184 : memref<20000xf32, #tpu.memory_space<vmem>>)
        tpu.yield
      }) : () -> ()
      %add3A_166 = arith.addi %mul3A_101, %add3A_165 : i32
      "tpu.region"() ({
        %run_scoped3A = tpu.sem_alloc : memref<!tpu.dma_semaphore, #tpu.memory_space<semaphore_mem>>
        %dma_start3A = arith.constant 0 : i32
        %dma_start3A_176 = tpu.memref_slice %arg8[%dma_start3A] : memref<20160xf32, #tpu.memory_space<vmem>> -> memref<20000xf32, #tpu.memory_space<vmem>>
        %dma_start3A_177 = tpu.memref_slice %arg6[%add3A_166] : memref<6400000xf32, #tpu.memory_space<hbm>> -> memref<20000xf32, #tpu.memory_space<hbm>>
        %dma_start3A_178 = tpu.memref_slice %arg6[%add3A_166] : memref<6400000xf32, #tpu.memory_space<hbm>> -> memref<20000xf32, #tpu.memory_space<hbm>>
        %dma_start3A_179 = arith.constant 0 : i32
        %dma_start3A_180 = tpu.memref_slice %arg8[%dma_start3A_179] : memref<20160xf32, #tpu.memory_space<vmem>> -> memref<20000xf32, #tpu.memory_space<vmem>>
        tpu.enqueue_dma source(%dma_start3A_180 : memref<20000xf32, #tpu.memory_space<vmem>>) target(%dma_start3A_178 : memref<20000xf32, #tpu.memory_space<hbm>>) target_semaphore(%run_scoped3A : memref<!tpu.dma_semaphore, #tpu.memory_space<semaphore_mem>>)
        %dma_wait3A = arith.constant 0 : i32
        %dma_wait3A_181 = tpu.memref_slice %arg8[%dma_wait3A] : memref<20160xf32, #tpu.memory_space<vmem>> -> memref<20000xf32, #tpu.memory_space<vmem>>
        %dma_wait3A_182 = tpu.memref_slice %arg6[%add3A_166] : memref<6400000xf32, #tpu.memory_space<hbm>> -> memref<20000xf32, #tpu.memory_space<hbm>>
        %dma_wait3A_183 = tpu.memref_slice %arg6[%add3A_166] : memref<6400000xf32, #tpu.memory_space<hbm>> -> memref<20000xf32, #tpu.memory_space<hbm>>
        %dma_wait3A_184 = arith.constant 0 : i32
        %dma_wait3A_185 = tpu.memref_slice %arg8[%dma_wait3A_184] : memref<20160xf32, #tpu.memory_space<vmem>> -> memref<20000xf32, #tpu.memory_space<vmem>>
        tpu.wait_dma2 semaphore(%run_scoped3A : memref<!tpu.dma_semaphore, #tpu.memory_space<semaphore_mem>>) src(%dma_wait3A_185 : memref<20000xf32, #tpu.memory_space<vmem>>) dst(%dma_wait3A_183 : memref<20000xf32, #tpu.memory_space<hbm>>)
        tpu.yield
      }) : () -> ()
      %scan3A_167 = arith.constant 0 : i32
      %scan3A_168 = arith.constant 0 : i32
      %scan3A_169 = arith.constant 126 : i32
      %scan3A_170 = arith.addi %scan3A_168, %scan3A_169 : i32
      %scan3A_171 = arith.constant 1 : i32
      %scan3A_172 = scf.for %scan3A_176 = %scan3A_168 to %scan3A_170 step %scan3A_171 iter_args(%scan3A_177 = %scan3A_167) -> (i32)  : i32 {
        %mul3A_178 = arith.constant 160 : i32
        %mul3A_179 = arith.muli %scan3A_176, %mul3A_178 : i32
        %add3A_180 = arith.constant 0 : i32
        %add3A_181 = arith.addi %mul3A_179, %add3A_180 : i32
        %swap3A = arith.index_cast %add3A_181 : i32 to index
        %swap3A_182 = tpu.vector_load %arg8[%swap3A] {strides = array<i32>} : memref<20160xf32, #tpu.memory_space<vmem>>, vector<16xf32>,
        tpu.vector_store %arg8[%swap3A], %broadcast_in_dim3A_0 {strides = array<i32>} : memref<20160xf32, #tpu.memory_space<vmem>>, vector<16xf32>,
        %mul3A_183 = arith.constant 160 : i32
        %mul3A_184 = arith.muli %scan3A_176, %mul3A_183 : i32
        %add3A_185 = arith.constant 16 : i32
        %add3A_186 = arith.addi %mul3A_184, %add3A_185 : i32
        %swap3A_187 = arith.index_cast %add3A_186 : i32 to index
        %swap3A_188 = tpu.vector_load %arg8[%swap3A_187] {strides = array<i32>} : memref<20160xf32, #tpu.memory_space<vmem>>, vector<16xf32>,
        tpu.vector_store %arg8[%swap3A_187], %broadcast_in_dim3A_0 {strides = array<i32>} : memref<20160xf32, #tpu.memory_space<vmem>>, vector<16xf32>,
        %mul3A_189 = arith.constant 160 : i32
        %mul3A_190 = arith.muli %scan3A_176, %mul3A_189 : i32
        %add3A_191 = arith.constant 32 : i32
        %add3A_192 = arith.addi %mul3A_190, %add3A_191 : i32
        %swap3A_193 = arith.index_cast %add3A_192 : i32 to index
        %swap3A_194 = tpu.vector_load %arg8[%swap3A_193] {strides = array<i32>} : memref<20160xf32, #tpu.memory_space<vmem>>, vector<16xf32>,
        tpu.vector_store %arg8[%swap3A_193], %broadcast_in_dim3A_0 {strides = array<i32>} : memref<20160xf32, #tpu.memory_space<vmem>>, vector<16xf32>,
        %mul3A_195 = arith.constant 160 : i32
        %mul3A_196 = arith.muli %scan3A_176, %mul3A_195 : i32
        %add3A_197 = arith.constant 48 : i32
        %add3A_198 = arith.addi %mul3A_196, %add3A_197 : i32
        %swap3A_199 = arith.index_cast %add3A_198 : i32 to index
        %swap3A_200 = tpu.vector_load %arg8[%swap3A_199] {strides = array<i32>} : memref<20160xf32, #tpu.memory_space<vmem>>, vector<16xf32>,
        tpu.vector_store %arg8[%swap3A_199], %broadcast_in_dim3A_0 {strides = array<i32>} : memref<20160xf32, #tpu.memory_space<vmem>>, vector<16xf32>,
        %mul3A_201 = arith.constant 160 : i32
        %mul3A_202 = arith.muli %scan3A_176, %mul3A_201 : i32
        %add3A_203 = arith.constant 64 : i32
        %add3A_204 = arith.addi %mul3A_202, %add3A_203 : i32
        %swap3A_205 = arith.index_cast %add3A_204 : i32 to index
        %swap3A_206 = tpu.vector_load %arg8[%swap3A_205] {strides = array<i32>} : memref<20160xf32, #tpu.memory_space<vmem>>, vector<16xf32>,
        tpu.vector_store %arg8[%swap3A_205], %broadcast_in_dim3A_0 {strides = array<i32>} : memref<20160xf32, #tpu.memory_space<vmem>>, vector<16xf32>,
        %mul3A_207 = arith.constant 160 : i32
        %mul3A_208 = arith.muli %scan3A_176, %mul3A_207 : i32
        %add3A_209 = arith.constant 80 : i32
        %add3A_210 = arith.addi %mul3A_208, %add3A_209 : i32
        %swap3A_211 = arith.index_cast %add3A_210 : i32 to index
        %swap3A_212 = tpu.vector_load %arg8[%swap3A_211] {strides = array<i32>} : memref<20160xf32, #tpu.memory_space<vmem>>, vector<16xf32>,
        tpu.vector_store %arg8[%swap3A_211], %broadcast_in_dim3A_0 {strides = array<i32>} : memref<20160xf32, #tpu.memory_space<vmem>>, vector<16xf32>,
        %mul3A_213 = arith.constant 160 : i32
        %mul3A_214 = arith.muli %scan3A_176, %mul3A_213 : i32
        %add3A_215 = arith.constant 96 : i32
        %add3A_216 = arith.addi %mul3A_214, %add3A_215 : i32
        %swap3A_217 = arith.index_cast %add3A_216 : i32 to index
        %swap3A_218 = tpu.vector_load %arg8[%swap3A_217] {strides = array<i32>} : memref<20160xf32, #tpu.memory_space<vmem>>, vector<16xf32>,
        tpu.vector_store %arg8[%swap3A_217], %broadcast_in_dim3A_0 {strides = array<i32>} : memref<20160xf32, #tpu.memory_space<vmem>>, vector<16xf32>,
        %mul3A_219 = arith.constant 160 : i32
        %mul3A_220 = arith.muli %scan3A_176, %mul3A_219 : i32
        %add3A_221 = arith.constant 112 : i32
        %add3A_222 = arith.addi %mul3A_220, %add3A_221 : i32
        %swap3A_223 = arith.index_cast %add3A_222 : i32 to index
        %swap3A_224 = tpu.vector_load %arg8[%swap3A_223] {strides = array<i32>} : memref<20160xf32, #tpu.memory_space<vmem>>, vector<16xf32>,
        tpu.vector_store %arg8[%swap3A_223], %broadcast_in_dim3A_0 {strides = array<i32>} : memref<20160xf32, #tpu.memory_space<vmem>>, vector<16xf32>,
        %mul3A_225 = arith.constant 160 : i32
        %mul3A_226 = arith.muli %scan3A_176, %mul3A_225 : i32
        %add3A_227 = arith.constant 128 : i32
        %add3A_228 = arith.addi %mul3A_226, %add3A_227 : i32
        %swap3A_229 = arith.index_cast %add3A_228 : i32 to index
        %swap3A_230 = tpu.vector_load %arg8[%swap3A_229] {strides = array<i32>} : memref<20160xf32, #tpu.memory_space<vmem>>, vector<16xf32>,
        tpu.vector_store %arg8[%swap3A_229], %broadcast_in_dim3A_0 {strides = array<i32>} : memref<20160xf32, #tpu.memory_space<vmem>>, vector<16xf32>,
        %mul3A_231 = arith.constant 160 : i32
        %mul3A_232 = arith.muli %scan3A_176, %mul3A_231 : i32
        %add3A_233 = arith.constant 144 : i32
        %add3A_234 = arith.addi %mul3A_232, %add3A_233 : i32
        %swap3A_235 = arith.index_cast %add3A_234 : i32 to index
        %swap3A_236 = tpu.vector_load %arg8[%swap3A_235] {strides = array<i32>} : memref<20160xf32, #tpu.memory_space<vmem>>, vector<16xf32>,
        tpu.vector_store %arg8[%swap3A_235], %broadcast_in_dim3A_0 {strides = array<i32>} : memref<20160xf32, #tpu.memory_space<vmem>>, vector<16xf32>,
        %scan3A_237 = arith.constant 0 : i32
        scf.yield %scan3A_237 : i32
      }
      %scan3A_173 = arith.constant 126 : i32
      %barrier3A_174 = arith.constant 0 : index
      tpu.barrier barrier_id(%barrier3A_174)
      %scan3A_175 = arith.constant 0 : i32
      scf.yield %scan3A_175 : i32
    }
    %scan3A_22 = arith.constant 2 : i32
    %mul3A = arith.constant 512000 : i32
    %mul3A_23 = arith.muli %arg0, %mul3A : i32
    %mul3A_24 = arith.constant 5 : i32
    %mul3A_25 = arith.muli %arg1, %mul3A_24 : i32
    %add3A = arith.constant 0 : i32
    %add3A_26 = arith.addi %mul3A_25, %add3A : i32
    %mul3A_27 = arith.constant 20032 : i32
    %mul3A_28 = arith.muli %add3A_26, %mul3A_27 : i32
    "tpu.region"() ({
      %run_scoped3A = tpu.sem_alloc : memref<!tpu.dma_semaphore, #tpu.memory_space<semaphore_mem>>
      %dma_start3A = arith.constant 0 : i32
      %dma_start3A_95 = tpu.memref_slice %arg8[%dma_start3A] : memref<20160xf32, #tpu.memory_space<vmem>> -> memref<20032xf32, #tpu.memory_space<vmem>>
      %dma_start3A_96 = tpu.memref_slice %arg13[%mul3A_28] : memref<1602560xf32, #tpu.memory_space<vmem_shared>> -> memref<20032xf32, #tpu.memory_space<vmem_shared>>
      %dma_start3A_97 = tpu.memref_slice %arg13[%mul3A_28] : memref<1602560xf32, #tpu.memory_space<vmem_shared>> -> memref<20032xf32, #tpu.memory_space<vmem_shared>>
      %dma_start3A_98 = arith.constant 0 : i32
      %dma_start3A_99 = tpu.memref_slice %arg8[%dma_start3A_98] : memref<20160xf32, #tpu.memory_space<vmem>> -> memref<20032xf32, #tpu.memory_space<vmem>>
      tpu.enqueue_dma source(%dma_start3A_99 : memref<20032xf32, #tpu.memory_space<vmem>>) target(%dma_start3A_97 : memref<20032xf32, #tpu.memory_space<vmem_shared>>) target_semaphore(%run_scoped3A : memref<!tpu.dma_semaphore, #tpu.memory_space<semaphore_mem>>)
      %dma_wait3A = arith.constant 0 : i32
      %dma_wait3A_100 = tpu.memref_slice %arg8[%dma_wait3A] : memref<20160xf32, #tpu.memory_space<vmem>> -> memref<20032xf32, #tpu.memory_space<vmem>>
      %dma_wait3A_101 = tpu.memref_slice %arg13[%mul3A_28] : memref<1602560xf32, #tpu.memory_space<vmem_shared>> -> memref<20032xf32, #tpu.memory_space<vmem_shared>>
      %dma_wait3A_102 = tpu.memref_slice %arg13[%mul3A_28] : memref<1602560xf32, #tpu.memory_space<vmem_shared>> -> memref<20032xf32, #tpu.memory_space<vmem_shared>>
      %dma_wait3A_103 = arith.constant 0 : i32
      %dma_wait3A_104 = tpu.memref_slice %arg8[%dma_wait3A_103] : memref<20160xf32, #tpu.memory_space<vmem>> -> memref<20032xf32, #tpu.memory_space<vmem>>
      tpu.wait_dma2 semaphore(%run_scoped3A : memref<!tpu.dma_semaphore, #tpu.memory_space<semaphore_mem>>) src(%dma_wait3A_104 : memref<20032xf32, #tpu.memory_space<vmem>>) dst(%dma_wait3A_102 : memref<20032xf32, #tpu.memory_space<vmem_shared>>)
      tpu.yield
    }) : () -> ()
    %mul3A_29 = arith.constant 5 : i32
    %mul3A_30 = arith.muli %arg1, %mul3A_29 : i32
    %add3A_31 = arith.constant 1 : i32
    %add3A_32 = arith.addi %mul3A_30, %add3A_31 : i32
    %mul3A_33 = arith.constant 20032 : i32
    %mul3A_34 = arith.muli %add3A_32, %mul3A_33 : i32
    "tpu.region"() ({
      %run_scoped3A = tpu.sem_alloc : memref<!tpu.dma_semaphore, #tpu.memory_space<semaphore_mem>>
      %dma_start3A = arith.constant 0 : i32
      %dma_start3A_95 = tpu.memref_slice %arg8[%dma_start3A] : memref<20160xf32, #tpu.memory_space<vmem>> -> memref<20032xf32, #tpu.memory_space<vmem>>
      %dma_start3A_96 = tpu.memref_slice %arg13[%mul3A_34] : memref<1602560xf32, #tpu.memory_space<vmem_shared>> -> memref<20032xf32, #tpu.memory_space<vmem_shared>>
      %dma_start3A_97 = tpu.memref_slice %arg13[%mul3A_34] : memref<1602560xf32, #tpu.memory_space<vmem_shared>> -> memref<20032xf32, #tpu.memory_space<vmem_shared>>
      %dma_start3A_98 = arith.constant 0 : i32
      %dma_start3A_99 = tpu.memref_slice %arg8[%dma_start3A_98] : memref<20160xf32, #tpu.memory_space<vmem>> -> memref<20032xf32, #tpu.memory_space<vmem>>
      tpu.enqueue_dma source(%dma_start3A_99 : memref<20032xf32, #tpu.memory_space<vmem>>) target(%dma_start3A_97 : memref<20032xf32, #tpu.memory_space<vmem_shared>>) target_semaphore(%run_scoped3A : memref<!tpu.dma_semaphore, #tpu.memory_space<semaphore_mem>>)
      %dma_wait3A = arith.constant 0 : i32
      %dma_wait3A_100 = tpu.memref_slice %arg8[%dma_wait3A] : memref<20160xf32, #tpu.memory_space<vmem>> -> memref<20032xf32, #tpu.memory_space<vmem>>
      %dma_wait3A_101 = tpu.memref_slice %arg13[%mul3A_34] : memref<1602560xf32, #tpu.memory_space<vmem_shared>> -> memref<20032xf32, #tpu.memory_space<vmem_shared>>
      %dma_wait3A_102 = tpu.memref_slice %arg13[%mul3A_34] : memref<1602560xf32, #tpu.memory_space<vmem_shared>> -> memref<20032xf32, #tpu.memory_space<vmem_shared>>
      %dma_wait3A_103 = arith.constant 0 : i32
      %dma_wait3A_104 = tpu.memref_slice %arg8[%dma_wait3A_103] : memref<20160xf32, #tpu.memory_space<vmem>> -> memref<20032xf32, #tpu.memory_space<vmem>>
      tpu.wait_dma2 semaphore(%run_scoped3A : memref<!tpu.dma_semaphore, #tpu.memory_space<semaphore_mem>>) src(%dma_wait3A_104 : memref<20032xf32, #tpu.memory_space<vmem>>) dst(%dma_wait3A_102 : memref<20032xf32, #tpu.memory_space<vmem_shared>>)
      tpu.yield
    }) : () -> ()
    %mul3A_35 = arith.constant 5 : i32
    %mul3A_36 = arith.muli %arg1, %mul3A_35 : i32
    %add3A_37 = arith.constant 2 : i32
    %add3A_38 = arith.addi %mul3A_36, %add3A_37 : i32
    %mul3A_39 = arith.constant 20032 : i32
    %mul3A_40 = arith.muli %add3A_38, %mul3A_39 : i32
    "tpu.region"() ({
      %run_scoped3A = tpu.sem_alloc : memref<!tpu.dma_semaphore, #tpu.memory_space<semaphore_mem>>
      %dma_start3A = arith.constant 0 : i32
      %dma_start3A_95 = tpu.memref_slice %arg8[%dma_start3A] : memref<20160xf32, #tpu.memory_space<vmem>> -> memref<20032xf32, #tpu.memory_space<vmem>>
      %dma_start3A_96 = tpu.memref_slice %arg13[%mul3A_40] : memref<1602560xf32, #tpu.memory_space<vmem_shared>> -> memref<20032xf32, #tpu.memory_space<vmem_shared>>
      %dma_start3A_97 = tpu.memref_slice %arg13[%mul3A_40] : memref<1602560xf32, #tpu.memory_space<vmem_shared>> -> memref<20032xf32, #tpu.memory_space<vmem_shared>>
      %dma_start3A_98 = arith.constant 0 : i32
      %dma_start3A_99 = tpu.memref_slice %arg8[%dma_start3A_98] : memref<20160xf32, #tpu.memory_space<vmem>> -> memref<20032xf32, #tpu.memory_space<vmem>>
      tpu.enqueue_dma source(%dma_start3A_99 : memref<20032xf32, #tpu.memory_space<vmem>>) target(%dma_start3A_97 : memref<20032xf32, #tpu.memory_space<vmem_shared>>) target_semaphore(%run_scoped3A : memref<!tpu.dma_semaphore, #tpu.memory_space<semaphore_mem>>)
      %dma_wait3A = arith.constant 0 : i32
      %dma_wait3A_100 = tpu.memref_slice %arg8[%dma_wait3A] : memref<20160xf32, #tpu.memory_space<vmem>> -> memref<20032xf32, #tpu.memory_space<vmem>>
      %dma_wait3A_101 = tpu.memref_slice %arg13[%mul3A_40] : memref<1602560xf32, #tpu.memory_space<vmem_shared>> -> memref<20032xf32, #tpu.memory_space<vmem_shared>>
      %dma_wait3A_102 = tpu.memref_slice %arg13[%mul3A_40] : memref<1602560xf32, #tpu.memory_space<vmem_shared>> -> memref<20032xf32, #tpu.memory_space<vmem_shared>>
      %dma_wait3A_103 = arith.constant 0 : i32
      %dma_wait3A_104 = tpu.memref_slice %arg8[%dma_wait3A_103] : memref<20160xf32, #tpu.memory_space<vmem>> -> memref<20032xf32, #tpu.memory_space<vmem>>
      tpu.wait_dma2 semaphore(%run_scoped3A : memref<!tpu.dma_semaphore, #tpu.memory_space<semaphore_mem>>) src(%dma_wait3A_104 : memref<20032xf32, #tpu.memory_space<vmem>>) dst(%dma_wait3A_102 : memref<20032xf32, #tpu.memory_space<vmem_shared>>)
      tpu.yield
    }) : () -> ()
    %mul3A_41 = arith.constant 5 : i32
    %mul3A_42 = arith.muli %arg1, %mul3A_41 : i32
    %add3A_43 = arith.constant 3 : i32
    %add3A_44 = arith.addi %mul3A_42, %add3A_43 : i32
    %mul3A_45 = arith.constant 20032 : i32
    %mul3A_46 = arith.muli %add3A_44, %mul3A_45 : i32
    "tpu.region"() ({
      %run_scoped3A = tpu.sem_alloc : memref<!tpu.dma_semaphore, #tpu.memory_space<semaphore_mem>>
      %dma_start3A = arith.constant 0 : i32
      %dma_start3A_95 = tpu.memref_slice %arg8[%dma_start3A] : memref<20160xf32, #tpu.memory_space<vmem>> -> memref<20032xf32, #tpu.memory_space<vmem>>
      %dma_start3A_96 = tpu.memref_slice %arg13[%mul3A_46] : memref<1602560xf32, #tpu.memory_space<vmem_shared>> -> memref<20032xf32, #tpu.memory_space<vmem_shared>>
      %dma_start3A_97 = tpu.memref_slice %arg13[%mul3A_46] : memref<1602560xf32, #tpu.memory_space<vmem_shared>> -> memref<20032xf32, #tpu.memory_space<vmem_shared>>
      %dma_start3A_98 = arith.constant 0 : i32
      %dma_start3A_99 = tpu.memref_slice %arg8[%dma_start3A_98] : memref<20160xf32, #tpu.memory_space<vmem>> -> memref<20032xf32, #tpu.memory_space<vmem>>
      tpu.enqueue_dma source(%dma_start3A_99 : memref<20032xf32, #tpu.memory_space<vmem>>) target(%dma_start3A_97 : memref<20032xf32, #tpu.memory_space<vmem_shared>>) target_semaphore(%run_scoped3A : memref<!tpu.dma_semaphore, #tpu.memory_space<semaphore_mem>>)
      %dma_wait3A = arith.constant 0 : i32
      %dma_wait3A_100 = tpu.memref_slice %arg8[%dma_wait3A] : memref<20160xf32, #tpu.memory_space<vmem>> -> memref<20032xf32, #tpu.memory_space<vmem>>
      %dma_wait3A_101 = tpu.memref_slice %arg13[%mul3A_46] : memref<1602560xf32, #tpu.memory_space<vmem_shared>> -> memref<20032xf32, #tpu.memory_space<vmem_shared>>
      %dma_wait3A_102 = tpu.memref_slice %arg13[%mul3A_46] : memref<1602560xf32, #tpu.memory_space<vmem_shared>> -> memref<20032xf32, #tpu.memory_space<vmem_shared>>
      %dma_wait3A_103 = arith.constant 0 : i32
      %dma_wait3A_104 = tpu.memref_slice %arg8[%dma_wait3A_103] : memref<20160xf32, #tpu.memory_space<vmem>> -> memref<20032xf32, #tpu.memory_space<vmem>>
      tpu.wait_dma2 semaphore(%run_scoped3A : memref<!tpu.dma_semaphore, #tpu.memory_space<semaphore_mem>>) src(%dma_wait3A_104 : memref<20032xf32, #tpu.memory_space<vmem>>) dst(%dma_wait3A_102 : memref<20032xf32, #tpu.memory_space<vmem_shared>>)
      tpu.yield
    }) : () -> ()
    %mul3A_47 = arith.constant 5 : i32
    %mul3A_48 = arith.muli %arg1, %mul3A_47 : i32
    %add3A_49 = arith.constant 4 : i32
    %add3A_50 = arith.addi %mul3A_48, %add3A_49 : i32
    %mul3A_51 = arith.constant 20032 : i32
    %mul3A_52 = arith.muli %add3A_50, %mul3A_51 : i32
    "tpu.region"() ({
      %run_scoped3A = tpu.sem_alloc : memref<!tpu.dma_semaphore, #tpu.memory_space<semaphore_mem>>
      %dma_start3A = arith.constant 0 : i32
      %dma_start3A_95 = tpu.memref_slice %arg8[%dma_start3A] : memref<20160xf32, #tpu.memory_space<vmem>> -> memref<20032xf32, #tpu.memory_space<vmem>>
      %dma_start3A_96 = tpu.memref_slice %arg13[%mul3A_52] : memref<1602560xf32, #tpu.memory_space<vmem_shared>> -> memref<20032xf32, #tpu.memory_space<vmem_shared>>
      %dma_start3A_97 = tpu.memref_slice %arg13[%mul3A_52] : memref<1602560xf32, #tpu.memory_space<vmem_shared>> -> memref<20032xf32, #tpu.memory_space<vmem_shared>>
      %dma_start3A_98 = arith.constant 0 : i32
      %dma_start3A_99 = tpu.memref_slice %arg8[%dma_start3A_98] : memref<20160xf32, #tpu.memory_space<vmem>> -> memref<20032xf32, #tpu.memory_space<vmem>>
      tpu.enqueue_dma source(%dma_start3A_99 : memref<20032xf32, #tpu.memory_space<vmem>>) target(%dma_start3A_97 : memref<20032xf32, #tpu.memory_space<vmem_shared>>) target_semaphore(%run_scoped3A : memref<!tpu.dma_semaphore, #tpu.memory_space<semaphore_mem>>)
      %dma_wait3A = arith.constant 0 : i32
      %dma_wait3A_100 = tpu.memref_slice %arg8[%dma_wait3A] : memref<20160xf32, #tpu.memory_space<vmem>> -> memref<20032xf32, #tpu.memory_space<vmem>>
      %dma_wait3A_101 = tpu.memref_slice %arg13[%mul3A_52] : memref<1602560xf32, #tpu.memory_space<vmem_shared>> -> memref<20032xf32, #tpu.memory_space<vmem_shared>>
      %dma_wait3A_102 = tpu.memref_slice %arg13[%mul3A_52] : memref<1602560xf32, #tpu.memory_space<vmem_shared>> -> memref<20032xf32, #tpu.memory_space<vmem_shared>>
      %dma_wait3A_103 = arith.constant 0 : i32
      %dma_wait3A_104 = tpu.memref_slice %arg8[%dma_wait3A_103] : memref<20160xf32, #tpu.memory_space<vmem>> -> memref<20032xf32, #tpu.memory_space<vmem>>
      tpu.wait_dma2 semaphore(%run_scoped3A : memref<!tpu.dma_semaphore, #tpu.memory_space<semaphore_mem>>) src(%dma_wait3A_104 : memref<20032xf32, #tpu.memory_space<vmem>>) dst(%dma_wait3A_102 : memref<20032xf32, #tpu.memory_space<vmem_shared>>)
      tpu.yield
    }) : () -> ()
    %barrier3A = arith.constant 0 : index
    tpu.barrier barrier_id(%barrier3A)
    %scan3A_53 = arith.constant 512000 : i32
    %scan3A_54 = arith.constant 0 : i32
    %scan3A_55 = arith.constant 0 : i32
    %scan3A_56 = arith.constant 2 : i32
    %scan3A_57 = arith.addi %scan3A_55, %scan3A_56 : i32
    %scan3A_58 = arith.constant 1 : i32
    %scan3A_59 = scf.for %scan3A_95 = %scan3A_55 to %scan3A_57 step %scan3A_58 iter_args(%scan3A_96 = %scan3A_54) -> (i32)  : i32 {
      %mul3A_97 = arith.constant 4000 : i32
      %mul3A_98 = arith.muli %arg1, %mul3A_97 : i32
      %mul3A_99 = arith.constant 2000 : i32
      %mul3A_100 = arith.muli %scan3A_95, %mul3A_99 : i32
      %add3A_101 = arith.addi %mul3A_98, %mul3A_100 : i32
      "tpu.region"() ({
        %run_scoped3A = tpu.sem_alloc : memref<!tpu.dma_semaphore, #tpu.memory_space<semaphore_mem>>
        %dma_start3A = tpu.memref_slice %arg4[%add3A_101] : memref<64000xi32, #tpu.memory_space<hbm>> -> memref<2000xi32, #tpu.memory_space<hbm>>
        %dma_start3A_110 = tpu.memref_slice %arg4[%add3A_101] : memref<64000xi32, #tpu.memory_space<hbm>> -> memref<2000xi32, #tpu.memory_space<hbm>>
        tpu.enqueue_dma source(%dma_start3A_110 : memref<2000xi32, #tpu.memory_space<hbm>>) target(%arg9 : memref<2000xi32, #tpu.memory_space<vmem>>) target_semaphore(%run_scoped3A : memref<!tpu.dma_semaphore, #tpu.memory_space<semaphore_mem>>)
        %dma_wait3A = tpu.memref_slice %arg4[%add3A_101] : memref<64000xi32, #tpu.memory_space<hbm>> -> memref<2000xi32, #tpu.memory_space<hbm>>
        %dma_wait3A_111 = tpu.memref_slice %arg4[%add3A_101] : memref<64000xi32, #tpu.memory_space<hbm>> -> memref<2000xi32, #tpu.memory_space<hbm>>
        tpu.wait_dma2 semaphore(%run_scoped3A : memref<!tpu.dma_semaphore, #tpu.memory_space<semaphore_mem>>) src(%dma_wait3A_111 : memref<2000xi32, #tpu.memory_space<hbm>>) dst(%arg9 : memref<2000xi32, #tpu.memory_space<vmem>>)
        tpu.yield
      }) : () -> ()
      "tpu.region"() ({
        %run_scoped3A = tpu.sem_alloc : memref<!tpu.dma_semaphore, #tpu.memory_space<semaphore_mem>>
        %dma_start3A = tpu.memref_slice %arg5[%add3A_101] : memref<64000xi32, #tpu.memory_space<hbm>> -> memref<2000xi32, #tpu.memory_space<hbm>>
        %dma_start3A_110 = tpu.memref_slice %arg5[%add3A_101] : memref<64000xi32, #tpu.memory_space<hbm>> -> memref<2000xi32, #tpu.memory_space<hbm>>
        tpu.enqueue_dma source(%dma_start3A_110 : memref<2000xi32, #tpu.memory_space<hbm>>) target(%arg10 : memref<2000xi32, #tpu.memory_space<vmem>>) target_semaphore(%run_scoped3A : memref<!tpu.dma_semaphore, #tpu.memory_space<semaphore_mem>>)
        %dma_wait3A = tpu.memref_slice %arg5[%add3A_101] : memref<64000xi32, #tpu.memory_space<hbm>> -> memref<2000xi32, #tpu.memory_space<hbm>>
        %dma_wait3A_111 = tpu.memref_slice %arg5[%add3A_101] : memref<64000xi32, #tpu.memory_space<hbm>> -> memref<2000xi32, #tpu.memory_space<hbm>>
        tpu.wait_dma2 semaphore(%run_scoped3A : memref<!tpu.dma_semaphore, #tpu.memory_space<semaphore_mem>>) src(%dma_wait3A_111 : memref<2000xi32, #tpu.memory_space<hbm>>) dst(%arg10 : memref<2000xi32, #tpu.memory_space<vmem>>)
        tpu.yield
      }) : () -> ()
      %scan3A_102 = arith.constant 0 : i32
      %scan3A_103 = arith.constant 0 : i32
      %scan3A_104 = arith.constant 125 : i32
      %scan3A_105 = arith.addi %scan3A_103, %scan3A_104 : i32
      %scan3A_106 = arith.constant 1 : i32
      %scan3A_107 = scf.for %scan3A_110 = %scan3A_103 to %scan3A_105 step %scan3A_106 iter_args(%scan3A_111 = %scan3A_102) -> (i32)  : i32 {
        %mul3A_112 = arith.constant 16 : i32
        %mul3A_113 = arith.muli %scan3A_110, %mul3A_112 : i32
        %get3A = arith.index_cast %mul3A_113 : i32 to index
        %get3A_114 = tpu.vector_load %arg9[%get3A] {strides = array<i32>} : memref<2000xi32, #tpu.memory_space<vmem>>, vector<16xi32>,
        %mul3A_115 = arith.constant 16 : i32
        %mul3A_116 = arith.muli %scan3A_110, %mul3A_115 : i32
        %get3A_117 = arith.index_cast %mul3A_116 : i32 to index
        %get3A_118 = tpu.vector_load %arg10[%get3A_117] {strides = array<i32>} : memref<2000xi32, #tpu.memory_space<vmem>>, vector<16xi32>,
        %mul3A_119 = arith.constant 1000 : i32
        %mul3A_120 = vector.broadcast %mul3A_119 : i32 to vector<16xi32>
        %mul3A_121 = arith.muli %get3A_118, %mul3A_120 : vector<16xi32>
        %add3A_122 = arith.addi %mul3A_121, %get3A_114 : vector<16xi32>
        %sub3A = vector.broadcast %mul3A_23 : i32 to vector<16xi32>
        %sub3A_123 = arith.subi %add3A_122, %sub3A : vector<16xi32>
        %bitcast3A = vector.bitcast %sub3A_123 : vector<16xi32> to vector<16xi32>
        %lt3A = vector.broadcast %scan3A_53 : i32 to vector<16xi32>
        %lt3A_124 = arith.cmpi ult, %bitcast3A, %lt3A : vector<16xi32>
        %add3A_125 = arith.constant 512000 : i32
        %add3A_126 = vector.broadcast %add3A_125 : i32 to vector<16xi32>
        %add3A_127 = arith.addi %add3A_126, %get3A_114 : vector<16xi32>
        %select_n3A = arith.select %lt3A_124, %sub3A_123, %add3A_127 : vector<16xi1>, vector<16xi32>
        %mul3A_128 = arith.constant 16 : i32
        %mul3A_129 = arith.muli %scan3A_110, %mul3A_128 : i32
        %swap3A = arith.index_cast %mul3A_129 : i32 to index
        %swap3A_130 = tpu.vector_load %arg11[%swap3A] {strides = array<i32>} : memref<2000xi32, #tpu.memory_space<vmem>>, vector<16xi32>,
        tpu.vector_store %arg11[%swap3A], %select_n3A {strides = array<i32>} : memref<2000xi32, #tpu.memory_space<vmem>>, vector<16xi32>,
        %scan3A_131 = arith.constant 0 : i32
        scf.yield %scan3A_131 : i32
      }
      %scan3A_108 = arith.constant 125 : i32
      "tpu.region"() ({
        %run_scoped3A = tpu.sem_alloc : memref<!tpu.dma_semaphore, #tpu.memory_space<semaphore_mem>>
        %dma_start3A = arith.constant 0 : i32
        %dma_start3A_110 = tpu.memref_slice %arg13[%dma_start3A] : memref<1602560xf32, #tpu.memory_space<vmem_shared>> -> memref<1602560xf32, #tpu.memory_space<vmem_shared>>
        tpu.enqueue_indirect_dma source(%arg12 : memref<2000xf32, #tpu.memory_space<vmem>>) target(%dma_start3A_110 : memref<1602560xf32, #tpu.memory_space<vmem_shared>>) offsets(%arg11 : memref<2000xi32, #tpu.memory_space<vmem>>) semaphore(%run_scoped3A : memref<!tpu.dma_semaphore, #tpu.memory_space<semaphore_mem>>) {add = true}
        %dma_wait3A = arith.constant 0 : i32
        %dma_wait3A_111 = tpu.memref_slice %arg13[%dma_wait3A] : memref<1602560xf32, #tpu.memory_space<vmem_shared>> -> memref<1602560xf32, #tpu.memory_space<vmem_shared>>
        tpu.wait_indirect_dma semaphore(%run_scoped3A : memref<!tpu.dma_semaphore, #tpu.memory_space<semaphore_mem>>) src(%arg12 : memref<2000xf32, #tpu.memory_space<vmem>>) dst(%dma_wait3A_111 : memref<1602560xf32, #tpu.memory_space<vmem_shared>>)
        tpu.yield
      }) : () -> ()
      %scan3A_109 = arith.constant 0 : i32
      scf.yield %scan3A_109 : i32
    }
    %scan3A_60 = arith.constant 2 : i32
    %barrier3A_61 = arith.constant 0 : index
    tpu.barrier barrier_id(%barrier3A_61)
    %mul3A_62 = arith.constant 32000 : i32
    %mul3A_63 = arith.muli %arg1, %mul3A_62 : i32
    %add3A_64 = arith.constant 0 : i32
    %add3A_65 = arith.addi %mul3A_63, %add3A_64 : i32
    "tpu.region"() ({
      %run_scoped3A = tpu.sem_alloc : memref<!tpu.dma_semaphore, #tpu.memory_space<semaphore_mem>>
      %dma_start3A = arith.constant 0 : i32
      %dma_start3A_95 = tpu.memref_slice %arg8[%dma_start3A] : memref<20160xf32, #tpu.memory_space<vmem>> -> memref<6400xf32, #tpu.memory_space<vmem>>
      %dma_start3A_96 = tpu.memref_slice %arg13[%add3A_65] : memref<1602560xf32, #tpu.memory_space<vmem_shared>> -> memref<6400xf32, #tpu.memory_space<vmem_shared>>
      %dma_start3A_97 = arith.constant 0 : i32
      %dma_start3A_98 = tpu.memref_slice %arg8[%dma_start3A_97] : memref<20160xf32, #tpu.memory_space<vmem>> -> memref<6400xf32, #tpu.memory_space<vmem>>
      %dma_start3A_99 = tpu.memref_slice %arg13[%add3A_65] : memref<1602560xf32, #tpu.memory_space<vmem_shared>> -> memref<6400xf32, #tpu.memory_space<vmem_shared>>
      tpu.enqueue_dma source(%dma_start3A_99 : memref<6400xf32, #tpu.memory_space<vmem_shared>>) target(%dma_start3A_98 : memref<6400xf32, #tpu.memory_space<vmem>>) target_semaphore(%run_scoped3A : memref<!tpu.dma_semaphore, #tpu.memory_space<semaphore_mem>>)
      %dma_wait3A = arith.constant 0 : i32
      %dma_wait3A_100 = tpu.memref_slice %arg8[%dma_wait3A] : memref<20160xf32, #tpu.memory_space<vmem>> -> memref<6400xf32, #tpu.memory_space<vmem>>
      %dma_wait3A_101 = tpu.memref_slice %arg13[%add3A_65] : memref<1602560xf32, #tpu.memory_space<vmem_shared>> -> memref<6400xf32, #tpu.memory_space<vmem_shared>>
      %dma_wait3A_102 = arith.constant 0 : i32
      %dma_wait3A_103 = tpu.memref_slice %arg8[%dma_wait3A_102] : memref<20160xf32, #tpu.memory_space<vmem>> -> memref<6400xf32, #tpu.memory_space<vmem>>
      %dma_wait3A_104 = tpu.memref_slice %arg13[%add3A_65] : memref<1602560xf32, #tpu.memory_space<vmem_shared>> -> memref<6400xf32, #tpu.memory_space<vmem_shared>>
      tpu.wait_dma2 semaphore(%run_scoped3A : memref<!tpu.dma_semaphore, #tpu.memory_space<semaphore_mem>>) src(%dma_wait3A_104 : memref<6400xf32, #tpu.memory_space<vmem_shared>>) dst(%dma_wait3A_103 : memref<6400xf32, #tpu.memory_space<vmem>>)
      tpu.yield
    }) : () -> ()
    %add3A_66 = arith.addi %mul3A_23, %add3A_65 : i32
    "tpu.region"() ({
      %run_scoped3A = tpu.sem_alloc : memref<!tpu.dma_semaphore, #tpu.memory_space<semaphore_mem>>
      %dma_start3A = arith.constant 0 : i32
      %dma_start3A_95 = tpu.memref_slice %arg8[%dma_start3A] : memref<20160xf32, #tpu.memory_space<vmem>> -> memref<6400xf32, #tpu.memory_space<vmem>>
      %dma_start3A_96 = tpu.memref_slice %arg7[%add3A_66] : memref<1024000xf32, #tpu.memory_space<hbm>> -> memref<6400xf32, #tpu.memory_space<hbm>>
      %dma_start3A_97 = tpu.memref_slice %arg7[%add3A_66] : memref<1024000xf32, #tpu.memory_space<hbm>> -> memref<6400xf32, #tpu.memory_space<hbm>>
      %dma_start3A_98 = arith.constant 0 : i32
      %dma_start3A_99 = tpu.memref_slice %arg8[%dma_start3A_98] : memref<20160xf32, #tpu.memory_space<vmem>> -> memref<6400xf32, #tpu.memory_space<vmem>>
      tpu.enqueue_dma source(%dma_start3A_99 : memref<6400xf32, #tpu.memory_space<vmem>>) target(%dma_start3A_97 : memref<6400xf32, #tpu.memory_space<hbm>>) target_semaphore(%run_scoped3A : memref<!tpu.dma_semaphore, #tpu.memory_space<semaphore_mem>>)
      %dma_wait3A = arith.constant 0 : i32
      %dma_wait3A_100 = tpu.memref_slice %arg8[%dma_wait3A] : memref<20160xf32, #tpu.memory_space<vmem>> -> memref<6400xf32, #tpu.memory_space<vmem>>
      %dma_wait3A_101 = tpu.memref_slice %arg7[%add3A_66] : memref<1024000xf32, #tpu.memory_space<hbm>> -> memref<6400xf32, #tpu.memory_space<hbm>>
      %dma_wait3A_102 = tpu.memref_slice %arg7[%add3A_66] : memref<1024000xf32, #tpu.memory_space<hbm>> -> memref<6400xf32, #tpu.memory_space<hbm>>
      %dma_wait3A_103 = arith.constant 0 : i32
      %dma_wait3A_104 = tpu.memref_slice %arg8[%dma_wait3A_103] : memref<20160xf32, #tpu.memory_space<vmem>> -> memref<6400xf32, #tpu.memory_space<vmem>>
      tpu.wait_dma2 semaphore(%run_scoped3A : memref<!tpu.dma_semaphore, #tpu.memory_space<semaphore_mem>>) src(%dma_wait3A_104 : memref<6400xf32, #tpu.memory_space<vmem>>) dst(%dma_wait3A_102 : memref<6400xf32, #tpu.memory_space<hbm>>)
      tpu.yield
    }) : () -> ()
    %mul3A_67 = arith.constant 32000 : i32
    %mul3A_68 = arith.muli %arg1, %mul3A_67 : i32
    %add3A_69 = arith.constant 6400 : i32
    %add3A_70 = arith.addi %mul3A_68, %add3A_69 : i32
    "tpu.region"() ({
      %run_scoped3A = tpu.sem_alloc : memref<!tpu.dma_semaphore, #tpu.memory_space<semaphore_mem>>
      %dma_start3A = arith.constant 0 : i32
      %dma_start3A_95 = tpu.memref_slice %arg8[%dma_start3A] : memref<20160xf32, #tpu.memory_space<vmem>> -> memref<6400xf32, #tpu.memory_space<vmem>>
      %dma_start3A_96 = tpu.memref_slice %arg13[%add3A_70] : memref<1602560xf32, #tpu.memory_space<vmem_shared>> -> memref<6400xf32, #tpu.memory_space<vmem_shared>>
      %dma_start3A_97 = arith.constant 0 : i32
      %dma_start3A_98 = tpu.memref_slice %arg8[%dma_start3A_97] : memref<20160xf32, #tpu.memory_space<vmem>> -> memref<6400xf32, #tpu.memory_space<vmem>>
      %dma_start3A_99 = tpu.memref_slice %arg13[%add3A_70] : memref<1602560xf32, #tpu.memory_space<vmem_shared>> -> memref<6400xf32, #tpu.memory_space<vmem_shared>>
      tpu.enqueue_dma source(%dma_start3A_99 : memref<6400xf32, #tpu.memory_space<vmem_shared>>) target(%dma_start3A_98 : memref<6400xf32, #tpu.memory_space<vmem>>) target_semaphore(%run_scoped3A : memref<!tpu.dma_semaphore, #tpu.memory_space<semaphore_mem>>)
      %dma_wait3A = arith.constant 0 : i32
      %dma_wait3A_100 = tpu.memref_slice %arg8[%dma_wait3A] : memref<20160xf32, #tpu.memory_space<vmem>> -> memref<6400xf32, #tpu.memory_space<vmem>>
      %dma_wait3A_101 = tpu.memref_slice %arg13[%add3A_70] : memref<1602560xf32, #tpu.memory_space<vmem_shared>> -> memref<6400xf32, #tpu.memory_space<vmem_shared>>
      %dma_wait3A_102 = arith.constant 0 : i32
      %dma_wait3A_103 = tpu.memref_slice %arg8[%dma_wait3A_102] : memref<20160xf32, #tpu.memory_space<vmem>> -> memref<6400xf32, #tpu.memory_space<vmem>>
      %dma_wait3A_104 = tpu.memref_slice %arg13[%add3A_70] : memref<1602560xf32, #tpu.memory_space<vmem_shared>> -> memref<6400xf32, #tpu.memory_space<vmem_shared>>
      tpu.wait_dma2 semaphore(%run_scoped3A : memref<!tpu.dma_semaphore, #tpu.memory_space<semaphore_mem>>) src(%dma_wait3A_104 : memref<6400xf32, #tpu.memory_space<vmem_shared>>) dst(%dma_wait3A_103 : memref<6400xf32, #tpu.memory_space<vmem>>)
      tpu.yield
    }) : () -> ()
    %add3A_71 = arith.addi %mul3A_23, %add3A_70 : i32
    "tpu.region"() ({
      %run_scoped3A = tpu.sem_alloc : memref<!tpu.dma_semaphore, #tpu.memory_space<semaphore_mem>>
      %dma_start3A = arith.constant 0 : i32
      %dma_start3A_95 = tpu.memref_slice %arg8[%dma_start3A] : memref<20160xf32, #tpu.memory_space<vmem>> -> memref<6400xf32, #tpu.memory_space<vmem>>
      %dma_start3A_96 = tpu.memref_slice %arg7[%add3A_71] : memref<1024000xf32, #tpu.memory_space<hbm>> -> memref<6400xf32, #tpu.memory_space<hbm>>
      %dma_start3A_97 = tpu.memref_slice %arg7[%add3A_71] : memref<1024000xf32, #tpu.memory_space<hbm>> -> memref<6400xf32, #tpu.memory_space<hbm>>
      %dma_start3A_98 = arith.constant 0 : i32
      %dma_start3A_99 = tpu.memref_slice %arg8[%dma_start3A_98] : memref<20160xf32, #tpu.memory_space<vmem>> -> memref<6400xf32, #tpu.memory_space<vmem>>
      tpu.enqueue_dma source(%dma_start3A_99 : memref<6400xf32, #tpu.memory_space<vmem>>) target(%dma_start3A_97 : memref<6400xf32, #tpu.memory_space<hbm>>) target_semaphore(%run_scoped3A : memref<!tpu.dma_semaphore, #tpu.memory_space<semaphore_mem>>)
      %dma_wait3A = arith.constant 0 : i32
      %dma_wait3A_100 = tpu.memref_slice %arg8[%dma_wait3A] : memref<20160xf32, #tpu.memory_space<vmem>> -> memref<6400xf32, #tpu.memory_space<vmem>>
      %dma_wait3A_101 = tpu.memref_slice %arg7[%add3A_71] : memref<1024000xf32, #tpu.memory_space<hbm>> -> memref<6400xf32, #tpu.memory_space<hbm>>
      %dma_wait3A_102 = tpu.memref_slice %arg7[%add3A_71] : memref<1024000xf32, #tpu.memory_space<hbm>> -> memref<6400xf32, #tpu.memory_space<hbm>>
      %dma_wait3A_103 = arith.constant 0 : i32
      %dma_wait3A_104 = tpu.memref_slice %arg8[%dma_wait3A_103] : memref<20160xf32, #tpu.memory_space<vmem>> -> memref<6400xf32, #tpu.memory_space<vmem>>
      tpu.wait_dma2 semaphore(%run_scoped3A : memref<!tpu.dma_semaphore, #tpu.memory_space<semaphore_mem>>) src(%dma_wait3A_104 : memref<6400xf32, #tpu.memory_space<vmem>>) dst(%dma_wait3A_102 : memref<6400xf32, #tpu.memory_space<hbm>>)
      tpu.yield
    }) : () -> ()
    %mul3A_72 = arith.constant 32000 : i32
    %mul3A_73 = arith.muli %arg1, %mul3A_72 : i32
    %add3A_74 = arith.constant 12800 : i32
    %add3A_75 = arith.addi %mul3A_73, %add3A_74 : i32
    "tpu.region"() ({
      %run_scoped3A = tpu.sem_alloc : memref<!tpu.dma_semaphore, #tpu.memory_space<semaphore_mem>>
      %dma_start3A = arith.constant 0 : i32
      %dma_start3A_95 = tpu.memref_slice %arg8[%dma_start3A] : memref<20160xf32, #tpu.memory_space<vmem>> -> memref<6400xf32, #tpu.memory_space<vmem>>
      %dma_start3A_96 = tpu.memref_slice %arg13[%add3A_75] : memref<1602560xf32, #tpu.memory_space<vmem_shared>> -> memref<6400xf32, #tpu.memory_space<vmem_shared>>
      %dma_start3A_97 = arith.constant 0 : i32
      %dma_start3A_98 = tpu.memref_slice %arg8[%dma_start3A_97] : memref<20160xf32, #tpu.memory_space<vmem>> -> memref<6400xf32, #tpu.memory_space<vmem>>
      %dma_start3A_99 = tpu.memref_slice %arg13[%add3A_75] : memref<1602560xf32, #tpu.memory_space<vmem_shared>> -> memref<6400xf32, #tpu.memory_space<vmem_shared>>
      tpu.enqueue_dma source(%dma_start3A_99 : memref<6400xf32, #tpu.memory_space<vmem_shared>>) target(%dma_start3A_98 : memref<6400xf32, #tpu.memory_space<vmem>>) target_semaphore(%run_scoped3A : memref<!tpu.dma_semaphore, #tpu.memory_space<semaphore_mem>>)
      %dma_wait3A = arith.constant 0 : i32
      %dma_wait3A_100 = tpu.memref_slice %arg8[%dma_wait3A] : memref<20160xf32, #tpu.memory_space<vmem>> -> memref<6400xf32, #tpu.memory_space<vmem>>
      %dma_wait3A_101 = tpu.memref_slice %arg13[%add3A_75] : memref<1602560xf32, #tpu.memory_space<vmem_shared>> -> memref<6400xf32, #tpu.memory_space<vmem_shared>>
      %dma_wait3A_102 = arith.constant 0 : i32
      %dma_wait3A_103 = tpu.memref_slice %arg8[%dma_wait3A_102] : memref<20160xf32, #tpu.memory_space<vmem>> -> memref<6400xf32, #tpu.memory_space<vmem>>
      %dma_wait3A_104 = tpu.memref_slice %arg13[%add3A_75] : memref<1602560xf32, #tpu.memory_space<vmem_shared>> -> memref<6400xf32, #tpu.memory_space<vmem_shared>>
      tpu.wait_dma2 semaphore(%run_scoped3A : memref<!tpu.dma_semaphore, #tpu.memory_space<semaphore_mem>>) src(%dma_wait3A_104 : memref<6400xf32, #tpu.memory_space<vmem_shared>>) dst(%dma_wait3A_103 : memref<6400xf32, #tpu.memory_space<vmem>>)
      tpu.yield
    }) : () -> ()
    %add3A_76 = arith.addi %mul3A_23, %add3A_75 : i32
    "tpu.region"() ({
      %run_scoped3A = tpu.sem_alloc : memref<!tpu.dma_semaphore, #tpu.memory_space<semaphore_mem>>
      %dma_start3A = arith.constant 0 : i32
      %dma_start3A_95 = tpu.memref_slice %arg8[%dma_start3A] : memref<20160xf32, #tpu.memory_space<vmem>> -> memref<6400xf32, #tpu.memory_space<vmem>>
      %dma_start3A_96 = tpu.memref_slice %arg7[%add3A_76] : memref<1024000xf32, #tpu.memory_space<hbm>> -> memref<6400xf32, #tpu.memory_space<hbm>>
      %dma_start3A_97 = tpu.memref_slice %arg7[%add3A_76] : memref<1024000xf32, #tpu.memory_space<hbm>> -> memref<6400xf32, #tpu.memory_space<hbm>>
      %dma_start3A_98 = arith.constant 0 : i32
      %dma_start3A_99 = tpu.memref_slice %arg8[%dma_start3A_98] : memref<20160xf32, #tpu.memory_space<vmem>> -> memref<6400xf32, #tpu.memory_space<vmem>>
      tpu.enqueue_dma source(%dma_start3A_99 : memref<6400xf32, #tpu.memory_space<vmem>>) target(%dma_start3A_97 : memref<6400xf32, #tpu.memory_space<hbm>>) target_semaphore(%run_scoped3A : memref<!tpu.dma_semaphore, #tpu.memory_space<semaphore_mem>>)
      %dma_wait3A = arith.constant 0 : i32
      %dma_wait3A_100 = tpu.memref_slice %arg8[%dma_wait3A] : memref<20160xf32, #tpu.memory_space<vmem>> -> memref<6400xf32, #tpu.memory_space<vmem>>
      %dma_wait3A_101 = tpu.memref_slice %arg7[%add3A_76] : memref<1024000xf32, #tpu.memory_space<hbm>> -> memref<6400xf32, #tpu.memory_space<hbm>>
      %dma_wait3A_102 = tpu.memref_slice %arg7[%add3A_76] : memref<1024000xf32, #tpu.memory_space<hbm>> -> memref<6400xf32, #tpu.memory_space<hbm>>
      %dma_wait3A_103 = arith.constant 0 : i32
      %dma_wait3A_104 = tpu.memref_slice %arg8[%dma_wait3A_103] : memref<20160xf32, #tpu.memory_space<vmem>> -> memref<6400xf32, #tpu.memory_space<vmem>>
      tpu.wait_dma2 semaphore(%run_scoped3A : memref<!tpu.dma_semaphore, #tpu.memory_space<semaphore_mem>>) src(%dma_wait3A_104 : memref<6400xf32, #tpu.memory_space<vmem>>) dst(%dma_wait3A_102 : memref<6400xf32, #tpu.memory_space<hbm>>)
      tpu.yield
    }) : () -> ()
    %mul3A_77 = arith.constant 32000 : i32
    %mul3A_78 = arith.muli %arg1, %mul3A_77 : i32
    %add3A_79 = arith.constant 19200 : i32
    %add3A_80 = arith.addi %mul3A_78, %add3A_79 : i32
    "tpu.region"() ({
      %run_scoped3A = tpu.sem_alloc : memref<!tpu.dma_semaphore, #tpu.memory_space<semaphore_mem>>
      %dma_start3A = arith.constant 0 : i32
      %dma_start3A_95 = tpu.memref_slice %arg8[%dma_start3A] : memref<20160xf32, #tpu.memory_space<vmem>> -> memref<6400xf32, #tpu.memory_space<vmem>>
      %dma_start3A_96 = tpu.memref_slice %arg13[%add3A_80] : memref<1602560xf32, #tpu.memory_space<vmem_shared>> -> memref<6400xf32, #tpu.memory_space<vmem_shared>>
      %dma_start3A_97 = arith.constant 0 : i32
      %dma_start3A_98 = tpu.memref_slice %arg8[%dma_start3A_97] : memref<20160xf32, #tpu.memory_space<vmem>> -> memref<6400xf32, #tpu.memory_space<vmem>>
      %dma_start3A_99 = tpu.memref_slice %arg13[%add3A_80] : memref<1602560xf32, #tpu.memory_space<vmem_shared>> -> memref<6400xf32, #tpu.memory_space<vmem_shared>>
      tpu.enqueue_dma source(%dma_start3A_99 : memref<6400xf32, #tpu.memory_space<vmem_shared>>) target(%dma_start3A_98 : memref<6400xf32, #tpu.memory_space<vmem>>) target_semaphore(%run_scoped3A : memref<!tpu.dma_semaphore, #tpu.memory_space<semaphore_mem>>)
      %dma_wait3A = arith.constant 0 : i32
      %dma_wait3A_100 = tpu.memref_slice %arg8[%dma_wait3A] : memref<20160xf32, #tpu.memory_space<vmem>> -> memref<6400xf32, #tpu.memory_space<vmem>>
      %dma_wait3A_101 = tpu.memref_slice %arg13[%add3A_80] : memref<1602560xf32, #tpu.memory_space<vmem_shared>> -> memref<6400xf32, #tpu.memory_space<vmem_shared>>
      %dma_wait3A_102 = arith.constant 0 : i32
      %dma_wait3A_103 = tpu.memref_slice %arg8[%dma_wait3A_102] : memref<20160xf32, #tpu.memory_space<vmem>> -> memref<6400xf32, #tpu.memory_space<vmem>>
      %dma_wait3A_104 = tpu.memref_slice %arg13[%add3A_80] : memref<1602560xf32, #tpu.memory_space<vmem_shared>> -> memref<6400xf32, #tpu.memory_space<vmem_shared>>
      tpu.wait_dma2 semaphore(%run_scoped3A : memref<!tpu.dma_semaphore, #tpu.memory_space<semaphore_mem>>) src(%dma_wait3A_104 : memref<6400xf32, #tpu.memory_space<vmem_shared>>) dst(%dma_wait3A_103 : memref<6400xf32, #tpu.memory_space<vmem>>)
      tpu.yield
    }) : () -> ()
    %add3A_81 = arith.addi %mul3A_23, %add3A_80 : i32
    "tpu.region"() ({
      %run_scoped3A = tpu.sem_alloc : memref<!tpu.dma_semaphore, #tpu.memory_space<semaphore_mem>>
      %dma_start3A = arith.constant 0 : i32
      %dma_start3A_95 = tpu.memref_slice %arg8[%dma_start3A] : memref<20160xf32, #tpu.memory_space<vmem>> -> memref<6400xf32, #tpu.memory_space<vmem>>
      %dma_start3A_96 = tpu.memref_slice %arg7[%add3A_81] : memref<1024000xf32, #tpu.memory_space<hbm>> -> memref<6400xf32, #tpu.memory_space<hbm>>
      %dma_start3A_97 = tpu.memref_slice %arg7[%add3A_81] : memref<1024000xf32, #tpu.memory_space<hbm>> -> memref<6400xf32, #tpu.memory_space<hbm>>
      %dma_start3A_98 = arith.constant 0 : i32
      %dma_start3A_99 = tpu.memref_slice %arg8[%dma_start3A_98] : memref<20160xf32, #tpu.memory_space<vmem>> -> memref<6400xf32, #tpu.memory_space<vmem>>
      tpu.enqueue_dma source(%dma_start3A_99 : memref<6400xf32, #tpu.memory_space<vmem>>) target(%dma_start3A_97 : memref<6400xf32, #tpu.memory_space<hbm>>) target_semaphore(%run_scoped3A : memref<!tpu.dma_semaphore, #tpu.memory_space<semaphore_mem>>)
      %dma_wait3A = arith.constant 0 : i32
      %dma_wait3A_100 = tpu.memref_slice %arg8[%dma_wait3A] : memref<20160xf32, #tpu.memory_space<vmem>> -> memref<6400xf32, #tpu.memory_space<vmem>>
      %dma_wait3A_101 = tpu.memref_slice %arg7[%add3A_81] : memref<1024000xf32, #tpu.memory_space<hbm>> -> memref<6400xf32, #tpu.memory_space<hbm>>
      %dma_wait3A_102 = tpu.memref_slice %arg7[%add3A_81] : memref<1024000xf32, #tpu.memory_space<hbm>> -> memref<6400xf32, #tpu.memory_space<hbm>>
      %dma_wait3A_103 = arith.constant 0 : i32
      %dma_wait3A_104 = tpu.memref_slice %arg8[%dma_wait3A_103] : memref<20160xf32, #tpu.memory_space<vmem>> -> memref<6400xf32, #tpu.memory_space<vmem>>
      tpu.wait_dma2 semaphore(%run_scoped3A : memref<!tpu.dma_semaphore, #tpu.memory_space<semaphore_mem>>) src(%dma_wait3A_104 : memref<6400xf32, #tpu.memory_space<vmem>>) dst(%dma_wait3A_102 : memref<6400xf32, #tpu.memory_space<hbm>>)
      tpu.yield
    }) : () -> ()
    %mul3A_82 = arith.constant 32000 : i32
    %mul3A_83 = arith.muli %arg1, %mul3A_82 : i32
    %add3A_84 = arith.constant 25600 : i32
    %add3A_85 = arith.addi %mul3A_83, %add3A_84 : i32
    "tpu.region"() ({
      %run_scoped3A = tpu.sem_alloc : memref<!tpu.dma_semaphore, #tpu.memory_space<semaphore_mem>>
      %dma_start3A = arith.constant 0 : i32
      %dma_start3A_95 = tpu.memref_slice %arg8[%dma_start3A] : memref<20160xf32, #tpu.memory_space<vmem>> -> memref<6400xf32, #tpu.memory_space<vmem>>
      %dma_start3A_96 = tpu.memref_slice %arg13[%add3A_85] : memref<1602560xf32, #tpu.memory_space<vmem_shared>> -> memref<6400xf32, #tpu.memory_space<vmem_shared>>
      %dma_start3A_97 = arith.constant 0 : i32
      %dma_start3A_98 = tpu.memref_slice %arg8[%dma_start3A_97] : memref<20160xf32, #tpu.memory_space<vmem>> -> memref<6400xf32, #tpu.memory_space<vmem>>
      %dma_start3A_99 = tpu.memref_slice %arg13[%add3A_85] : memref<1602560xf32, #tpu.memory_space<vmem_shared>> -> memref<6400xf32, #tpu.memory_space<vmem_shared>>
      tpu.enqueue_dma source(%dma_start3A_99 : memref<6400xf32, #tpu.memory_space<vmem_shared>>) target(%dma_start3A_98 : memref<6400xf32, #tpu.memory_space<vmem>>) target_semaphore(%run_scoped3A : memref<!tpu.dma_semaphore, #tpu.memory_space<semaphore_mem>>)
      %dma_wait3A = arith.constant 0 : i32
      %dma_wait3A_100 = tpu.memref_slice %arg8[%dma_wait3A] : memref<20160xf32, #tpu.memory_space<vmem>> -> memref<6400xf32, #tpu.memory_space<vmem>>
      %dma_wait3A_101 = tpu.memref_slice %arg13[%add3A_85] : memref<1602560xf32, #tpu.memory_space<vmem_shared>> -> memref<6400xf32, #tpu.memory_space<vmem_shared>>
      %dma_wait3A_102 = arith.constant 0 : i32
      %dma_wait3A_103 = tpu.memref_slice %arg8[%dma_wait3A_102] : memref<20160xf32, #tpu.memory_space<vmem>> -> memref<6400xf32, #tpu.memory_space<vmem>>
      %dma_wait3A_104 = tpu.memref_slice %arg13[%add3A_85] : memref<1602560xf32, #tpu.memory_space<vmem_shared>> -> memref<6400xf32, #tpu.memory_space<vmem_shared>>
      tpu.wait_dma2 semaphore(%run_scoped3A : memref<!tpu.dma_semaphore, #tpu.memory_space<semaphore_mem>>) src(%dma_wait3A_104 : memref<6400xf32, #tpu.memory_space<vmem_shared>>) dst(%dma_wait3A_103 : memref<6400xf32, #tpu.memory_space<vmem>>)
      tpu.yield
    }) : () -> ()
    %add3A_86 = arith.addi %mul3A_23, %add3A_85 : i32
    "tpu.region"() ({
      %run_scoped3A = tpu.sem_alloc : memref<!tpu.dma_semaphore, #tpu.memory_space<semaphore_mem>>
      %dma_start3A = arith.constant 0 : i32
      %dma_start3A_95 = tpu.memref_slice %arg8[%dma_start3A] : memref<20160xf32, #tpu.memory_space<vmem>> -> memref<6400xf32, #tpu.memory_space<vmem>>
      %dma_start3A_96 = tpu.memref_slice %arg7[%add3A_86] : memref<1024000xf32, #tpu.memory_space<hbm>> -> memref<6400xf32, #tpu.memory_space<hbm>>
      %dma_start3A_97 = tpu.memref_slice %arg7[%add3A_86] : memref<1024000xf32, #tpu.memory_space<hbm>> -> memref<6400xf32, #tpu.memory_space<hbm>>
      %dma_start3A_98 = arith.constant 0 : i32
      %dma_start3A_99 = tpu.memref_slice %arg8[%dma_start3A_98] : memref<20160xf32, #tpu.memory_space<vmem>> -> memref<6400xf32, #tpu.memory_space<vmem>>
      tpu.enqueue_dma source(%dma_start3A_99 : memref<6400xf32, #tpu.memory_space<vmem>>) target(%dma_start3A_97 : memref<6400xf32, #tpu.memory_space<hbm>>) target_semaphore(%run_scoped3A : memref<!tpu.dma_semaphore, #tpu.memory_space<semaphore_mem>>)
      %dma_wait3A = arith.constant 0 : i32
      %dma_wait3A_100 = tpu.memref_slice %arg8[%dma_wait3A] : memref<20160xf32, #tpu.memory_space<vmem>> -> memref<6400xf32, #tpu.memory_space<vmem>>
      %dma_wait3A_101 = tpu.memref_slice %arg7[%add3A_86] : memref<1024000xf32, #tpu.memory_space<hbm>> -> memref<6400xf32, #tpu.memory_space<hbm>>
      %dma_wait3A_102 = tpu.memref_slice %arg7[%add3A_86] : memref<1024000xf32, #tpu.memory_space<hbm>> -> memref<6400xf32, #tpu.memory_space<hbm>>
      %dma_wait3A_103 = arith.constant 0 : i32
      %dma_wait3A_104 = tpu.memref_slice %arg8[%dma_wait3A_103] : memref<20160xf32, #tpu.memory_space<vmem>> -> memref<6400xf32, #tpu.memory_space<vmem>>
      tpu.wait_dma2 semaphore(%run_scoped3A : memref<!tpu.dma_semaphore, #tpu.memory_space<semaphore_mem>>) src(%dma_wait3A_104 : memref<6400xf32, #tpu.memory_space<vmem>>) dst(%dma_wait3A_102 : memref<6400xf32, #tpu.memory_space<hbm>>)
      tpu.yield
    }) : () -> ()
    %scan3A_87 = arith.constant 0 : i32
    %scan3A_88 = arith.constant 0 : i32
    %scan3A_89 = arith.constant 126 : i32
    %scan3A_90 = arith.addi %scan3A_88, %scan3A_89 : i32
    %scan3A_91 = arith.constant 1 : i32
    %scan3A_92 = scf.for %scan3A_95 = %scan3A_88 to %scan3A_90 step %scan3A_91 iter_args(%scan3A_96 = %scan3A_87) -> (i32)  : i32 {
      %mul3A_97 = arith.constant 160 : i32
      %mul3A_98 = arith.muli %scan3A_95, %mul3A_97 : i32
      %add3A_99 = arith.constant 0 : i32
      %add3A_100 = arith.addi %mul3A_98, %add3A_99 : i32
      %swap3A = arith.index_cast %add3A_100 : i32 to index
      %swap3A_101 = tpu.vector_load %arg8[%swap3A] {strides = array<i32>} : memref<20160xf32, #tpu.memory_space<vmem>>, vector<16xf32>,
      tpu.vector_store %arg8[%swap3A], %broadcast_in_dim3A_0 {strides = array<i32>} : memref<20160xf32, #tpu.memory_space<vmem>>, vector<16xf32>,
      %mul3A_102 = arith.constant 160 : i32
      %mul3A_103 = arith.muli %scan3A_95, %mul3A_102 : i32
      %add3A_104 = arith.constant 16 : i32
      %add3A_105 = arith.addi %mul3A_103, %add3A_104 : i32
      %swap3A_106 = arith.index_cast %add3A_105 : i32 to index
      %swap3A_107 = tpu.vector_load %arg8[%swap3A_106] {strides = array<i32>} : memref<20160xf32, #tpu.memory_space<vmem>>, vector<16xf32>,
      tpu.vector_store %arg8[%swap3A_106], %broadcast_in_dim3A_0 {strides = array<i32>} : memref<20160xf32, #tpu.memory_space<vmem>>, vector<16xf32>,
      %mul3A_108 = arith.constant 160 : i32
      %mul3A_109 = arith.muli %scan3A_95, %mul3A_108 : i32
      %add3A_110 = arith.constant 32 : i32
      %add3A_111 = arith.addi %mul3A_109, %add3A_110 : i32
      %swap3A_112 = arith.index_cast %add3A_111 : i32 to index
      %swap3A_113 = tpu.vector_load %arg8[%swap3A_112] {strides = array<i32>} : memref<20160xf32, #tpu.memory_space<vmem>>, vector<16xf32>,
      tpu.vector_store %arg8[%swap3A_112], %broadcast_in_dim3A_0 {strides = array<i32>} : memref<20160xf32, #tpu.memory_space<vmem>>, vector<16xf32>,
      %mul3A_114 = arith.constant 160 : i32
      %mul3A_115 = arith.muli %scan3A_95, %mul3A_114 : i32
      %add3A_116 = arith.constant 48 : i32
      %add3A_117 = arith.addi %mul3A_115, %add3A_116 : i32
      %swap3A_118 = arith.index_cast %add3A_117 : i32 to index
      %swap3A_119 = tpu.vector_load %arg8[%swap3A_118] {strides = array<i32>} : memref<20160xf32, #tpu.memory_space<vmem>>, vector<16xf32>,
      tpu.vector_store %arg8[%swap3A_118], %broadcast_in_dim3A_0 {strides = array<i32>} : memref<20160xf32, #tpu.memory_space<vmem>>, vector<16xf32>,
      %mul3A_120 = arith.constant 160 : i32
      %mul3A_121 = arith.muli %scan3A_95, %mul3A_120 : i32
      %add3A_122 = arith.constant 64 : i32
      %add3A_123 = arith.addi %mul3A_121, %add3A_122 : i32
      %swap3A_124 = arith.index_cast %add3A_123 : i32 to index
      %swap3A_125 = tpu.vector_load %arg8[%swap3A_124] {strides = array<i32>} : memref<20160xf32, #tpu.memory_space<vmem>>, vector<16xf32>,
      tpu.vector_store %arg8[%swap3A_124], %broadcast_in_dim3A_0 {strides = array<i32>} : memref<20160xf32, #tpu.memory_space<vmem>>, vector<16xf32>,
      %mul3A_126 = arith.constant 160 : i32
      %mul3A_127 = arith.muli %scan3A_95, %mul3A_126 : i32
      %add3A_128 = arith.constant 80 : i32
      %add3A_129 = arith.addi %mul3A_127, %add3A_128 : i32
      %swap3A_130 = arith.index_cast %add3A_129 : i32 to index
      %swap3A_131 = tpu.vector_load %arg8[%swap3A_130] {strides = array<i32>} : memref<20160xf32, #tpu.memory_space<vmem>>, vector<16xf32>,
      tpu.vector_store %arg8[%swap3A_130], %broadcast_in_dim3A_0 {strides = array<i32>} : memref<20160xf32, #tpu.memory_space<vmem>>, vector<16xf32>,
      %mul3A_132 = arith.constant 160 : i32
      %mul3A_133 = arith.muli %scan3A_95, %mul3A_132 : i32
      %add3A_134 = arith.constant 96 : i32
      %add3A_135 = arith.addi %mul3A_133, %add3A_134 : i32
      %swap3A_136 = arith.index_cast %add3A_135 : i32 to index
      %swap3A_137 = tpu.vector_load %arg8[%swap3A_136] {strides = array<i32>} : memref<20160xf32, #tpu.memory_space<vmem>>, vector<16xf32>,
      tpu.vector_store %arg8[%swap3A_136], %broadcast_in_dim3A_0 {strides = array<i32>} : memref<20160xf32, #tpu.memory_space<vmem>>, vector<16xf32>,
      %mul3A_138 = arith.constant 160 : i32
      %mul3A_139 = arith.muli %scan3A_95, %mul3A_138 : i32
      %add3A_140 = arith.constant 112 : i32
      %add3A_141 = arith.addi %mul3A_139, %add3A_140 : i32
      %swap3A_142 = arith.index_cast %add3A_141 : i32 to index
      %swap3A_143 = tpu.vector_load %arg8[%swap3A_142] {strides = array<i32>} : memref<20160xf32, #tpu.memory_space<vmem>>, vector<16xf32>,
      tpu.vector_store %arg8[%swap3A_142], %broadcast_in_dim3A_0 {strides = array<i32>} : memref<20160xf32, #tpu.memory_space<vmem>>, vector<16xf32>,
      %mul3A_144 = arith.constant 160 : i32
      %mul3A_145 = arith.muli %scan3A_95, %mul3A_144 : i32
      %add3A_146 = arith.constant 128 : i32
      %add3A_147 = arith.addi %mul3A_145, %add3A_146 : i32
      %swap3A_148 = arith.index_cast %add3A_147 : i32 to index
      %swap3A_149 = tpu.vector_load %arg8[%swap3A_148] {strides = array<i32>} : memref<20160xf32, #tpu.memory_space<vmem>>, vector<16xf32>,
      tpu.vector_store %arg8[%swap3A_148], %broadcast_in_dim3A_0 {strides = array<i32>} : memref<20160xf32, #tpu.memory_space<vmem>>, vector<16xf32>,
      %mul3A_150 = arith.constant 160 : i32
      %mul3A_151 = arith.muli %scan3A_95, %mul3A_150 : i32
      %add3A_152 = arith.constant 144 : i32
      %add3A_153 = arith.addi %mul3A_151, %add3A_152 : i32
      %swap3A_154 = arith.index_cast %add3A_153 : i32 to index
      %swap3A_155 = tpu.vector_load %arg8[%swap3A_154] {strides = array<i32>} : memref<20160xf32, #tpu.memory_space<vmem>>, vector<16xf32>,
      tpu.vector_store %arg8[%swap3A_154], %broadcast_in_dim3A_0 {strides = array<i32>} : memref<20160xf32, #tpu.memory_space<vmem>>, vector<16xf32>,
      %scan3A_156 = arith.constant 0 : i32
      scf.yield %scan3A_156 : i32
    }
    %scan3A_93 = arith.constant 126 : i32
    %barrier3A_94 = arith.constant 0 : index
    tpu.barrier barrier_id(%barrier3A_94)
    return
  }
}

module attributes {stable_mosaic.version = 14 : i64} {
  func.func @body(%arg0: memref<1310720xf32, #tpu.memory_space<vmem>>, %arg1: memref<40960xf32, #tpu.memory_space<vmem>>) attributes {dimension_semantics = [], scalar_prefetch = 0 : i64, scratch_operands = 0 : i64, tpu.core_type = #tpu.core_type<tc>} {
    %get3A = arith.constant 0 : index
    %get3A_0 = vector.load %arg0[%get3A] : memref<1310720xf32, #tpu.memory_space<vmem>>, vector<1310720xf32>
    %slice3A = vector.extract_strided_slice %get3A_0 {offsets = [0], sizes = [40960], strides = [1]} : vector<1310720xf32> to vector<40960xf32>
    %slice3A_1 = vector.extract_strided_slice %get3A_0 {offsets = [40960], sizes = [40960], strides = [1]} : vector<1310720xf32> to vector<40960xf32>
    %add3A = arith.addf %slice3A, %slice3A_1 : vector<40960xf32>
    %slice3A_2 = vector.extract_strided_slice %get3A_0 {offsets = [81920], sizes = [40960], strides = [1]} : vector<1310720xf32> to vector<40960xf32>
    %add3A_3 = arith.addf %add3A, %slice3A_2 : vector<40960xf32>
    %slice3A_4 = vector.extract_strided_slice %get3A_0 {offsets = [122880], sizes = [40960], strides = [1]} : vector<1310720xf32> to vector<40960xf32>
    %add3A_5 = arith.addf %add3A_3, %slice3A_4 : vector<40960xf32>
    %slice3A_6 = vector.extract_strided_slice %get3A_0 {offsets = [163840], sizes = [40960], strides = [1]} : vector<1310720xf32> to vector<40960xf32>
    %add3A_7 = arith.addf %add3A_5, %slice3A_6 : vector<40960xf32>
    %slice3A_8 = vector.extract_strided_slice %get3A_0 {offsets = [204800], sizes = [40960], strides = [1]} : vector<1310720xf32> to vector<40960xf32>
    %add3A_9 = arith.addf %add3A_7, %slice3A_8 : vector<40960xf32>
    %slice3A_10 = vector.extract_strided_slice %get3A_0 {offsets = [245760], sizes = [40960], strides = [1]} : vector<1310720xf32> to vector<40960xf32>
    %add3A_11 = arith.addf %add3A_9, %slice3A_10 : vector<40960xf32>
    %slice3A_12 = vector.extract_strided_slice %get3A_0 {offsets = [286720], sizes = [40960], strides = [1]} : vector<1310720xf32> to vector<40960xf32>
    %add3A_13 = arith.addf %add3A_11, %slice3A_12 : vector<40960xf32>
    %slice3A_14 = vector.extract_strided_slice %get3A_0 {offsets = [327680], sizes = [40960], strides = [1]} : vector<1310720xf32> to vector<40960xf32>
    %add3A_15 = arith.addf %add3A_13, %slice3A_14 : vector<40960xf32>
    %slice3A_16 = vector.extract_strided_slice %get3A_0 {offsets = [368640], sizes = [40960], strides = [1]} : vector<1310720xf32> to vector<40960xf32>
    %add3A_17 = arith.addf %add3A_15, %slice3A_16 : vector<40960xf32>
    %slice3A_18 = vector.extract_strided_slice %get3A_0 {offsets = [409600], sizes = [40960], strides = [1]} : vector<1310720xf32> to vector<40960xf32>
    %add3A_19 = arith.addf %add3A_17, %slice3A_18 : vector<40960xf32>
    %slice3A_20 = vector.extract_strided_slice %get3A_0 {offsets = [450560], sizes = [40960], strides = [1]} : vector<1310720xf32> to vector<40960xf32>
    %add3A_21 = arith.addf %add3A_19, %slice3A_20 : vector<40960xf32>
    %slice3A_22 = vector.extract_strided_slice %get3A_0 {offsets = [491520], sizes = [40960], strides = [1]} : vector<1310720xf32> to vector<40960xf32>
    %add3A_23 = arith.addf %add3A_21, %slice3A_22 : vector<40960xf32>
    %slice3A_24 = vector.extract_strided_slice %get3A_0 {offsets = [532480], sizes = [40960], strides = [1]} : vector<1310720xf32> to vector<40960xf32>
    %add3A_25 = arith.addf %add3A_23, %slice3A_24 : vector<40960xf32>
    %slice3A_26 = vector.extract_strided_slice %get3A_0 {offsets = [573440], sizes = [40960], strides = [1]} : vector<1310720xf32> to vector<40960xf32>
    %add3A_27 = arith.addf %add3A_25, %slice3A_26 : vector<40960xf32>
    %slice3A_28 = vector.extract_strided_slice %get3A_0 {offsets = [614400], sizes = [40960], strides = [1]} : vector<1310720xf32> to vector<40960xf32>
    %add3A_29 = arith.addf %add3A_27, %slice3A_28 : vector<40960xf32>
    %slice3A_30 = vector.extract_strided_slice %get3A_0 {offsets = [655360], sizes = [40960], strides = [1]} : vector<1310720xf32> to vector<40960xf32>
    %add3A_31 = arith.addf %add3A_29, %slice3A_30 : vector<40960xf32>
    %slice3A_32 = vector.extract_strided_slice %get3A_0 {offsets = [696320], sizes = [40960], strides = [1]} : vector<1310720xf32> to vector<40960xf32>
    %add3A_33 = arith.addf %add3A_31, %slice3A_32 : vector<40960xf32>
    %slice3A_34 = vector.extract_strided_slice %get3A_0 {offsets = [737280], sizes = [40960], strides = [1]} : vector<1310720xf32> to vector<40960xf32>
    %add3A_35 = arith.addf %add3A_33, %slice3A_34 : vector<40960xf32>
    %slice3A_36 = vector.extract_strided_slice %get3A_0 {offsets = [778240], sizes = [40960], strides = [1]} : vector<1310720xf32> to vector<40960xf32>
    %add3A_37 = arith.addf %add3A_35, %slice3A_36 : vector<40960xf32>
    %slice3A_38 = vector.extract_strided_slice %get3A_0 {offsets = [819200], sizes = [40960], strides = [1]} : vector<1310720xf32> to vector<40960xf32>
    %add3A_39 = arith.addf %add3A_37, %slice3A_38 : vector<40960xf32>
    %slice3A_40 = vector.extract_strided_slice %get3A_0 {offsets = [860160], sizes = [40960], strides = [1]} : vector<1310720xf32> to vector<40960xf32>
    %add3A_41 = arith.addf %add3A_39, %slice3A_40 : vector<40960xf32>
    %slice3A_42 = vector.extract_strided_slice %get3A_0 {offsets = [901120], sizes = [40960], strides = [1]} : vector<1310720xf32> to vector<40960xf32>
    %add3A_43 = arith.addf %add3A_41, %slice3A_42 : vector<40960xf32>
    %slice3A_44 = vector.extract_strided_slice %get3A_0 {offsets = [942080], sizes = [40960], strides = [1]} : vector<1310720xf32> to vector<40960xf32>
    %add3A_45 = arith.addf %add3A_43, %slice3A_44 : vector<40960xf32>
    %slice3A_46 = vector.extract_strided_slice %get3A_0 {offsets = [983040], sizes = [40960], strides = [1]} : vector<1310720xf32> to vector<40960xf32>
    %add3A_47 = arith.addf %add3A_45, %slice3A_46 : vector<40960xf32>
    %slice3A_48 = vector.extract_strided_slice %get3A_0 {offsets = [1024000], sizes = [40960], strides = [1]} : vector<1310720xf32> to vector<40960xf32>
    %add3A_49 = arith.addf %add3A_47, %slice3A_48 : vector<40960xf32>
    %slice3A_50 = vector.extract_strided_slice %get3A_0 {offsets = [1064960], sizes = [40960], strides = [1]} : vector<1310720xf32> to vector<40960xf32>
    %add3A_51 = arith.addf %add3A_49, %slice3A_50 : vector<40960xf32>
    %slice3A_52 = vector.extract_strided_slice %get3A_0 {offsets = [1105920], sizes = [40960], strides = [1]} : vector<1310720xf32> to vector<40960xf32>
    %add3A_53 = arith.addf %add3A_51, %slice3A_52 : vector<40960xf32>
    %slice3A_54 = vector.extract_strided_slice %get3A_0 {offsets = [1146880], sizes = [40960], strides = [1]} : vector<1310720xf32> to vector<40960xf32>
    %add3A_55 = arith.addf %add3A_53, %slice3A_54 : vector<40960xf32>
    %slice3A_56 = vector.extract_strided_slice %get3A_0 {offsets = [1187840], sizes = [40960], strides = [1]} : vector<1310720xf32> to vector<40960xf32>
    %add3A_57 = arith.addf %add3A_55, %slice3A_56 : vector<40960xf32>
    %slice3A_58 = vector.extract_strided_slice %get3A_0 {offsets = [1228800], sizes = [40960], strides = [1]} : vector<1310720xf32> to vector<40960xf32>
    %add3A_59 = arith.addf %add3A_57, %slice3A_58 : vector<40960xf32>
    %slice3A_60 = vector.extract_strided_slice %get3A_0 {offsets = [1269760], sizes = [40960], strides = [1]} : vector<1310720xf32> to vector<40960xf32>
    %add3A_61 = arith.addf %add3A_59, %slice3A_60 : vector<40960xf32>
    %swap3A = arith.constant 0 : index
    %swap3A_62 = vector.load %arg1[%swap3A] : memref<40960xf32, #tpu.memory_space<vmem>>, vector<40960xf32>
    tpu.vector_store %arg1[%swap3A], %add3A_61 {strides = array<i32>} : memref<40960xf32, #tpu.memory_space<vmem>>, vector<40960xf32>,
    return
  }
}

module attributes {stable_mosaic.version = 14 : i64} {
  func.func @body(%arg0: memref<524288xf32, #tpu.memory_space<vmem>>, %arg1: memref<16384xf32, #tpu.memory_space<vmem>>) attributes {dimension_semantics = [], scalar_prefetch = 0 : i64, scratch_operands = 0 : i64, tpu.core_type = #tpu.core_type<tc>} {
    %get3A = arith.constant 0 : index
    %get3A_0 = vector.load %arg0[%get3A] : memref<524288xf32, #tpu.memory_space<vmem>>, vector<524288xf32>
    %slice3A = vector.extract_strided_slice %get3A_0 {offsets = [0], sizes = [16384], strides = [1]} : vector<524288xf32> to vector<16384xf32>
    %slice3A_1 = vector.extract_strided_slice %get3A_0 {offsets = [16384], sizes = [16384], strides = [1]} : vector<524288xf32> to vector<16384xf32>
    %add3A = arith.addf %slice3A, %slice3A_1 : vector<16384xf32>
    %slice3A_2 = vector.extract_strided_slice %get3A_0 {offsets = [32768], sizes = [16384], strides = [1]} : vector<524288xf32> to vector<16384xf32>
    %add3A_3 = arith.addf %add3A, %slice3A_2 : vector<16384xf32>
    %slice3A_4 = vector.extract_strided_slice %get3A_0 {offsets = [49152], sizes = [16384], strides = [1]} : vector<524288xf32> to vector<16384xf32>
    %add3A_5 = arith.addf %add3A_3, %slice3A_4 : vector<16384xf32>
    %slice3A_6 = vector.extract_strided_slice %get3A_0 {offsets = [65536], sizes = [16384], strides = [1]} : vector<524288xf32> to vector<16384xf32>
    %add3A_7 = arith.addf %add3A_5, %slice3A_6 : vector<16384xf32>
    %slice3A_8 = vector.extract_strided_slice %get3A_0 {offsets = [81920], sizes = [16384], strides = [1]} : vector<524288xf32> to vector<16384xf32>
    %add3A_9 = arith.addf %add3A_7, %slice3A_8 : vector<16384xf32>
    %slice3A_10 = vector.extract_strided_slice %get3A_0 {offsets = [98304], sizes = [16384], strides = [1]} : vector<524288xf32> to vector<16384xf32>
    %add3A_11 = arith.addf %add3A_9, %slice3A_10 : vector<16384xf32>
    %slice3A_12 = vector.extract_strided_slice %get3A_0 {offsets = [114688], sizes = [16384], strides = [1]} : vector<524288xf32> to vector<16384xf32>
    %add3A_13 = arith.addf %add3A_11, %slice3A_12 : vector<16384xf32>
    %slice3A_14 = vector.extract_strided_slice %get3A_0 {offsets = [131072], sizes = [16384], strides = [1]} : vector<524288xf32> to vector<16384xf32>
    %add3A_15 = arith.addf %add3A_13, %slice3A_14 : vector<16384xf32>
    %slice3A_16 = vector.extract_strided_slice %get3A_0 {offsets = [147456], sizes = [16384], strides = [1]} : vector<524288xf32> to vector<16384xf32>
    %add3A_17 = arith.addf %add3A_15, %slice3A_16 : vector<16384xf32>
    %slice3A_18 = vector.extract_strided_slice %get3A_0 {offsets = [163840], sizes = [16384], strides = [1]} : vector<524288xf32> to vector<16384xf32>
    %add3A_19 = arith.addf %add3A_17, %slice3A_18 : vector<16384xf32>
    %slice3A_20 = vector.extract_strided_slice %get3A_0 {offsets = [180224], sizes = [16384], strides = [1]} : vector<524288xf32> to vector<16384xf32>
    %add3A_21 = arith.addf %add3A_19, %slice3A_20 : vector<16384xf32>
    %slice3A_22 = vector.extract_strided_slice %get3A_0 {offsets = [196608], sizes = [16384], strides = [1]} : vector<524288xf32> to vector<16384xf32>
    %add3A_23 = arith.addf %add3A_21, %slice3A_22 : vector<16384xf32>
    %slice3A_24 = vector.extract_strided_slice %get3A_0 {offsets = [212992], sizes = [16384], strides = [1]} : vector<524288xf32> to vector<16384xf32>
    %add3A_25 = arith.addf %add3A_23, %slice3A_24 : vector<16384xf32>
    %slice3A_26 = vector.extract_strided_slice %get3A_0 {offsets = [229376], sizes = [16384], strides = [1]} : vector<524288xf32> to vector<16384xf32>
    %add3A_27 = arith.addf %add3A_25, %slice3A_26 : vector<16384xf32>
    %slice3A_28 = vector.extract_strided_slice %get3A_0 {offsets = [245760], sizes = [16384], strides = [1]} : vector<524288xf32> to vector<16384xf32>
    %add3A_29 = arith.addf %add3A_27, %slice3A_28 : vector<16384xf32>
    %slice3A_30 = vector.extract_strided_slice %get3A_0 {offsets = [262144], sizes = [16384], strides = [1]} : vector<524288xf32> to vector<16384xf32>
    %add3A_31 = arith.addf %add3A_29, %slice3A_30 : vector<16384xf32>
    %slice3A_32 = vector.extract_strided_slice %get3A_0 {offsets = [278528], sizes = [16384], strides = [1]} : vector<524288xf32> to vector<16384xf32>
    %add3A_33 = arith.addf %add3A_31, %slice3A_32 : vector<16384xf32>
    %slice3A_34 = vector.extract_strided_slice %get3A_0 {offsets = [294912], sizes = [16384], strides = [1]} : vector<524288xf32> to vector<16384xf32>
    %add3A_35 = arith.addf %add3A_33, %slice3A_34 : vector<16384xf32>
    %slice3A_36 = vector.extract_strided_slice %get3A_0 {offsets = [311296], sizes = [16384], strides = [1]} : vector<524288xf32> to vector<16384xf32>
    %add3A_37 = arith.addf %add3A_35, %slice3A_36 : vector<16384xf32>
    %slice3A_38 = vector.extract_strided_slice %get3A_0 {offsets = [327680], sizes = [16384], strides = [1]} : vector<524288xf32> to vector<16384xf32>
    %add3A_39 = arith.addf %add3A_37, %slice3A_38 : vector<16384xf32>
    %slice3A_40 = vector.extract_strided_slice %get3A_0 {offsets = [344064], sizes = [16384], strides = [1]} : vector<524288xf32> to vector<16384xf32>
    %add3A_41 = arith.addf %add3A_39, %slice3A_40 : vector<16384xf32>
    %slice3A_42 = vector.extract_strided_slice %get3A_0 {offsets = [360448], sizes = [16384], strides = [1]} : vector<524288xf32> to vector<16384xf32>
    %add3A_43 = arith.addf %add3A_41, %slice3A_42 : vector<16384xf32>
    %slice3A_44 = vector.extract_strided_slice %get3A_0 {offsets = [376832], sizes = [16384], strides = [1]} : vector<524288xf32> to vector<16384xf32>
    %add3A_45 = arith.addf %add3A_43, %slice3A_44 : vector<16384xf32>
    %slice3A_46 = vector.extract_strided_slice %get3A_0 {offsets = [393216], sizes = [16384], strides = [1]} : vector<524288xf32> to vector<16384xf32>
    %add3A_47 = arith.addf %add3A_45, %slice3A_46 : vector<16384xf32>
    %slice3A_48 = vector.extract_strided_slice %get3A_0 {offsets = [409600], sizes = [16384], strides = [1]} : vector<524288xf32> to vector<16384xf32>
    %add3A_49 = arith.addf %add3A_47, %slice3A_48 : vector<16384xf32>
    %slice3A_50 = vector.extract_strided_slice %get3A_0 {offsets = [425984], sizes = [16384], strides = [1]} : vector<524288xf32> to vector<16384xf32>
    %add3A_51 = arith.addf %add3A_49, %slice3A_50 : vector<16384xf32>
    %slice3A_52 = vector.extract_strided_slice %get3A_0 {offsets = [442368], sizes = [16384], strides = [1]} : vector<524288xf32> to vector<16384xf32>
    %add3A_53 = arith.addf %add3A_51, %slice3A_52 : vector<16384xf32>
    %slice3A_54 = vector.extract_strided_slice %get3A_0 {offsets = [458752], sizes = [16384], strides = [1]} : vector<524288xf32> to vector<16384xf32>
    %add3A_55 = arith.addf %add3A_53, %slice3A_54 : vector<16384xf32>
    %slice3A_56 = vector.extract_strided_slice %get3A_0 {offsets = [475136], sizes = [16384], strides = [1]} : vector<524288xf32> to vector<16384xf32>
    %add3A_57 = arith.addf %add3A_55, %slice3A_56 : vector<16384xf32>
    %slice3A_58 = vector.extract_strided_slice %get3A_0 {offsets = [491520], sizes = [16384], strides = [1]} : vector<524288xf32> to vector<16384xf32>
    %add3A_59 = arith.addf %add3A_57, %slice3A_58 : vector<16384xf32>
    %slice3A_60 = vector.extract_strided_slice %get3A_0 {offsets = [507904], sizes = [16384], strides = [1]} : vector<524288xf32> to vector<16384xf32>
    %add3A_61 = arith.addf %add3A_59, %slice3A_60 : vector<16384xf32>
    %swap3A = arith.constant 0 : index
    %swap3A_62 = vector.load %arg1[%swap3A] : memref<16384xf32, #tpu.memory_space<vmem>>, vector<16384xf32>
    tpu.vector_store %arg1[%swap3A], %add3A_61 {strides = array<i32>} : memref<16384xf32, #tpu.memory_space<vmem>>, vector<16384xf32>,
    return
  }
}

module attributes {stable_mosaic.version = 14 : i64} {
  func.func @_tc1a_body(%arg0: i32, %arg1: memref<512x2500xf32, #tpu.memory_space<vmem>>, %arg2: memref<2500x256xf32, #tpu.memory_space<vmem>>, %arg3: memref<512x256xf32, #tpu.memory_space<vmem>>, %arg4: memref<256x1500xf32, #tpu.memory_space<vmem>>, %arg5: memref<1x1500xf32, #tpu.memory_space<vmem>>, %arg6: memref<512x256xf32, #tpu.memory_space<vmem>>, %arg7: memref<512x128xf32, #tpu.memory_space<vmem>>, %arg8: memref<512x1500xf32, #tpu.memory_space<vmem>>) attributes {dimension_semantics = [#tpu.dimension_semantics<parallel>], iteration_bounds = array<i64: 5>, scalar_prefetch = 0 : i64, scratch_operands = 0 : i64, tpu.core_type = #tpu.core_type<tc>, window_params = [{transform_indices = @transform_0, window_bounds = array<i64: 512, 2500>}, {pipeline_mode = #tpu.pipeline_mode<synchronous>, transform_indices = @transform_1, window_bounds = array<i64: 2500, 256>}, {transform_indices = @transform_2, window_bounds = array<i64: 512, 256>}, {pipeline_mode = #tpu.pipeline_mode<synchronous>, transform_indices = @transform_3, window_bounds = array<i64: 256, 1500>}, {pipeline_mode = #tpu.pipeline_mode<synchronous>, transform_indices = @transform_4, window_bounds = array<i64: 1, 1500>}, {transform_indices = @transform_5, window_bounds = array<i64: 512, 256>}, {transform_indices = @transform_6, window_bounds = array<i64: 512, 128>}, {transform_indices = @transform_7, window_bounds = array<i64: 512, 1500>}]} {
    %get3A = arith.constant 0 : index
    %get3A_0 = arith.constant 0 : index
    %get3A_1 = vector.load %arg1[%get3A, %get3A_0] : memref<512x2500xf32, #tpu.memory_space<vmem>>, vector<512x2500xf32>
    %get3A_2 = arith.constant 0 : index
    %get3A_3 = arith.constant 0 : index
    %get3A_4 = vector.load %arg2[%get3A_2, %get3A_3] : memref<2500x256xf32, #tpu.memory_space<vmem>>, vector<2500x256xf32>
    %convert_element_type3A = arith.truncf %get3A_1 : vector<512x2500xf32> to vector<512x2500xbf16>
    %convert_element_type3A_5 = arith.truncf %get3A_4 : vector<2500x256xf32> to vector<2500x256xbf16>
    %dot_general3A = arith.constant dense<0.000000e+00> : vector<512x256xf32>
    %dot_general3A_6 = tpu.matmul %convert_element_type3A, %convert_element_type3A_5, %dot_general3A {dimension_numbers = #tpu.dot_dimension_numbers<[1], [0], [0], [1], [0, 0, 1, 1], [], []>, transpose_lhs_hint = false} : vector<512x2500xbf16>, vector<2500x256xbf16>, vector<512x256xf32> -> vector<512x256xf32>
    %reduce_sum3A = arith.constant dense<0.000000e+00> : vector<512xf32>
    %reduce_sum3A_7 = vector.multi_reduction <add>, %get3A_1, %reduce_sum3A [1] : vector<512x2500xf32> to vector<512xf32>
    %broadcast_in_dim3A = vector.shape_cast %reduce_sum3A_7 : vector<512xf32> to vector<512x1xf32>
    %max3A = arith.constant 1.000000e+00 : f32
    %max3A_8 = vector.broadcast %max3A : f32 to vector<512x1xf32>
    %max3A_9 = arith.maximumf %broadcast_in_dim3A, %max3A_8 : vector<512x1xf32>
    %div3A = arith.constant 1.000000e+00 : f32
    %div3A_10 = vector.broadcast %div3A : f32 to vector<512x1xf32>
    %div3A_11 = arith.divf %div3A_10, %max3A_9 : vector<512x1xf32>
    %mul3A = vector.broadcast %div3A_11 : vector<512x1xf32> to vector<512x256xf32>
    %mul3A_12 = arith.mulf %dot_general3A_6, %mul3A : vector<512x256xf32>
    %swap3A = arith.constant 0 : index
    %swap3A_13 = arith.constant 0 : index
    %swap3A_14 = vector.load %arg6[%swap3A, %swap3A_13] : memref<512x256xf32, #tpu.memory_space<vmem>>, vector<512x256xf32>
    tpu.vector_store %arg6[%swap3A, %swap3A_13], %mul3A_12 {strides = array<i32>} : memref<512x256xf32, #tpu.memory_space<vmem>>, vector<512x256xf32>,
    %broadcast_in_dim3A_15 = vector.shape_cast %div3A_11 : vector<512x1xf32> to vector<512x1xf32>
    %broadcast_in_dim3A_16 = vector.broadcast %broadcast_in_dim3A_15 : vector<512x1xf32> to vector<512x128xf32>
    %swap3A_17 = arith.constant 0 : index
    %swap3A_18 = arith.constant 0 : index
    %swap3A_19 = vector.load %arg7[%swap3A_17, %swap3A_18] : memref<512x128xf32, #tpu.memory_space<vmem>>, vector<512x128xf32>
    tpu.vector_store %arg7[%swap3A_17, %swap3A_18], %broadcast_in_dim3A_16 {strides = array<i32>} : memref<512x128xf32, #tpu.memory_space<vmem>>, vector<512x128xf32>,
    %get3A_20 = arith.constant 0 : index
    %get3A_21 = arith.constant 0 : index
    %get3A_22 = vector.load %arg3[%get3A_20, %get3A_21] : memref<512x256xf32, #tpu.memory_space<vmem>>, vector<512x256xf32>
    %get3A_23 = arith.constant 0 : index
    %get3A_24 = arith.constant 0 : index
    %get3A_25 = vector.load %arg4[%get3A_23, %get3A_24] : memref<256x1500xf32, #tpu.memory_space<vmem>>, vector<256x1500xf32>
    %convert_element_type3A_26 = arith.truncf %get3A_22 : vector<512x256xf32> to vector<512x256xbf16>
    %convert_element_type3A_27 = arith.truncf %get3A_25 : vector<256x1500xf32> to vector<256x1500xbf16>
    %dot_general3A_28 = arith.constant dense<0.000000e+00> : vector<512x1500xf32>
    %dot_general3A_29 = tpu.matmul %convert_element_type3A_26, %convert_element_type3A_27, %dot_general3A_28 {dimension_numbers = #tpu.dot_dimension_numbers<[1], [0], [0], [1], [0, 0, 1, 1], [], []>, transpose_lhs_hint = false} : vector<512x256xbf16>, vector<256x1500xbf16>, vector<512x1500xf32> -> vector<512x1500xf32>
    %get3A_30 = arith.constant 0 : index
    %get3A_31 = arith.constant 0 : index
    %get3A_32 = vector.load %arg5[%get3A_30, %get3A_31] : memref<1x1500xf32, #tpu.memory_space<vmem>>, vector<1x1500xf32>
    %add3A = vector.broadcast %get3A_32 : vector<1x1500xf32> to vector<512x1500xf32>
    %add3A_33 = arith.addf %dot_general3A_29, %add3A : vector<512x1500xf32>
    %swap3A_34 = arith.constant 0 : index
    %swap3A_35 = arith.constant 0 : index
    %swap3A_36 = vector.load %arg8[%swap3A_34, %swap3A_35] : memref<512x1500xf32, #tpu.memory_space<vmem>>, vector<512x1500xf32>
    tpu.vector_store %arg8[%swap3A_34, %swap3A_35], %add3A_33 {strides = array<i32>} : memref<512x1500xf32, #tpu.memory_space<vmem>>, vector<512x1500xf32>,
    return
  }
  func.func @transform_0(%arg0: i32) -> (i32, i32) {
    %c0_i32 = arith.constant 0 : i32
    %c0_i32_0 = arith.constant 0 : i32
    return %arg0, %c0_i32 : i32, i32
  }
  func.func @transform_1(%arg0: i32) -> (i32, i32) {
    %c0_i32 = arith.constant 0 : i32
    %c0_i32_0 = arith.constant 0 : i32
    %c0_i32_1 = arith.constant 0 : i32
    return %c0_i32, %c0_i32_0 : i32, i32
  }
  func.func @transform_2(%arg0: i32) -> (i32, i32) {
    %c0_i32 = arith.constant 0 : i32
    %c0_i32_0 = arith.constant 0 : i32
    return %arg0, %c0_i32 : i32, i32
  }
  func.func @transform_3(%arg0: i32) -> (i32, i32) {
    %c0_i32 = arith.constant 0 : i32
    %c0_i32_0 = arith.constant 0 : i32
    %c0_i32_1 = arith.constant 0 : i32
    return %c0_i32, %c0_i32_0 : i32, i32
  }
  func.func @transform_4(%arg0: i32) -> (i32, i32) {
    %c0_i32 = arith.constant 0 : i32
    %c0_i32_0 = arith.constant 0 : i32
    %c0_i32_1 = arith.constant 0 : i32
    return %c0_i32, %c0_i32_0 : i32, i32
  }
  func.func @transform_5(%arg0: i32) -> (i32, i32) {
    %c0_i32 = arith.constant 0 : i32
    %c0_i32_0 = arith.constant 0 : i32
    return %arg0, %c0_i32 : i32, i32
  }
  func.func @transform_6(%arg0: i32) -> (i32, i32) {
    %c0_i32 = arith.constant 0 : i32
    %c0_i32_0 = arith.constant 0 : i32
    return %arg0, %c0_i32 : i32, i32
  }
  func.func @transform_7(%arg0: i32) -> (i32, i32) {
    %c0_i32 = arith.constant 0 : i32
    %c0_i32_0 = arith.constant 0 : i32
    return %arg0, %c0_i32 : i32, i32
  }
}

module attributes {stable_mosaic.version = 14 : i64} {
  func.func @_tc1b_body(%arg0: i32, %arg1: memref<512x256xf32, #tpu.memory_space<vmem>>, %arg2: memref<512x128xf32, #tpu.memory_space<vmem>>, %arg3: memref<512x16xf32, #tpu.memory_space<vmem>>, %arg4: memref<512x1500xf32, #tpu.memory_space<vmem>>, %arg5: memref<256x1500xf32, #tpu.memory_space<vmem>>, %arg6: memref<16x1500xf32, #tpu.memory_space<vmem>>, %arg7: memref<1x1500xf32, #tpu.memory_space<vmem>>, %arg8: memref<1x1500xf32, #tpu.memory_space<vmem>>, %arg9: memref<512x1500xbf16, #tpu.memory_space<vmem>>) attributes {dimension_semantics = [#tpu.dimension_semantics<parallel>], iteration_bounds = array<i64: 5>, scalar_prefetch = 0 : i64, scratch_operands = 0 : i64, tpu.core_type = #tpu.core_type<tc>, window_params = [{transform_indices = @transform_0, window_bounds = array<i64: 512, 256>}, {transform_indices = @transform_1, window_bounds = array<i64: 512, 128>}, {transform_indices = @transform_2, window_bounds = array<i64: 512, 16>}, {transform_indices = @transform_3, window_bounds = array<i64: 512, 1500>}, {pipeline_mode = #tpu.pipeline_mode<synchronous>, transform_indices = @transform_4, window_bounds = array<i64: 256, 1500>}, {pipeline_mode = #tpu.pipeline_mode<synchronous>, transform_indices = @transform_5, window_bounds = array<i64: 16, 1500>}, {pipeline_mode = #tpu.pipeline_mode<synchronous>, transform_indices = @transform_6, window_bounds = array<i64: 1, 1500>}, {pipeline_mode = #tpu.pipeline_mode<synchronous>, transform_indices = @transform_7, window_bounds = array<i64: 1, 1500>}, {transform_indices = @transform_8, window_bounds = array<i64: 512, 1500>}]} {
    %get3A = arith.constant 0 : index
    %get3A_0 = arith.constant 0 : index
    %get3A_1 = vector.load %arg2[%get3A, %get3A_0] : memref<512x128xf32, #tpu.memory_space<vmem>>, vector<512x128xf32>
    %slice3A = vector.extract_strided_slice %get3A_1 {offsets = [0, 0], sizes = [512, 1], strides = [1, 1]} : vector<512x128xf32> to vector<512x1xf32>
    %get3A_2 = arith.constant 0 : index
    %get3A_3 = arith.constant 0 : index
    %get3A_4 = vector.load %arg1[%get3A_2, %get3A_3] : memref<512x256xf32, #tpu.memory_space<vmem>>, vector<512x256xf32>
    %get3A_5 = arith.constant 0 : index
    %get3A_6 = arith.constant 0 : index
    %get3A_7 = vector.load %arg5[%get3A_5, %get3A_6] : memref<256x1500xf32, #tpu.memory_space<vmem>>, vector<256x1500xf32>
    %convert_element_type3A = arith.truncf %get3A_4 : vector<512x256xf32> to vector<512x256xbf16>
    %convert_element_type3A_8 = arith.truncf %get3A_7 : vector<256x1500xf32> to vector<256x1500xbf16>
    %dot_general3A = arith.constant dense<0.000000e+00> : vector<512x1500xf32>
    %dot_general3A_9 = tpu.matmul %convert_element_type3A, %convert_element_type3A_8, %dot_general3A {dimension_numbers = #tpu.dot_dimension_numbers<[1], [0], [0], [1], [0, 0, 1, 1], [], []>, transpose_lhs_hint = false} : vector<512x256xbf16>, vector<256x1500xbf16>, vector<512x1500xf32> -> vector<512x1500xf32>
    %get3A_10 = arith.constant 0 : index
    %get3A_11 = arith.constant 0 : index
    %get3A_12 = vector.load %arg3[%get3A_10, %get3A_11] : memref<512x16xf32, #tpu.memory_space<vmem>>, vector<512x16xf32>
    %mul3A = vector.broadcast %slice3A : vector<512x1xf32> to vector<512x16xf32>
    %mul3A_13 = arith.mulf %get3A_12, %mul3A : vector<512x16xf32>
    %get3A_14 = arith.constant 0 : index
    %get3A_15 = arith.constant 0 : index
    %get3A_16 = vector.load %arg6[%get3A_14, %get3A_15] : memref<16x1500xf32, #tpu.memory_space<vmem>>, vector<16x1500xf32>
    %dot_general3A_17 = arith.constant dense<0.000000e+00> : vector<512x1500xf32>
    %dot_general3A_18 = tpu.matmul %mul3A_13, %get3A_16, %dot_general3A_17 {dimension_numbers = #tpu.dot_dimension_numbers<[1], [0], [0], [1], [0, 0, 1, 1], [], []>, transpose_lhs_hint = false} : vector<512x16xf32>, vector<16x1500xf32>, vector<512x1500xf32> -> vector<512x1500xf32>
    %add3A = arith.addf %dot_general3A_9, %dot_general3A_18 : vector<512x1500xf32>
    %get3A_19 = arith.constant 0 : index
    %get3A_20 = arith.constant 0 : index
    %get3A_21 = vector.load %arg4[%get3A_19, %get3A_20] : memref<512x1500xf32, #tpu.memory_space<vmem>>, vector<512x1500xf32>
    %add3A_22 = arith.addf %add3A, %get3A_21 : vector<512x1500xf32>
    %max3A = arith.constant 0.000000e+00 : f32
    %max3A_23 = vector.broadcast %max3A : f32 to vector<512x1500xf32>
    %max3A_24 = arith.maximumf %add3A_22, %max3A_23 : vector<512x1500xf32>
    %get3A_25 = arith.constant 0 : index
    %get3A_26 = arith.constant 0 : index
    %get3A_27 = vector.load %arg7[%get3A_25, %get3A_26] : memref<1x1500xf32, #tpu.memory_space<vmem>>, vector<1x1500xf32>
    %mul3A_28 = vector.broadcast %get3A_27 : vector<1x1500xf32> to vector<512x1500xf32>
    %mul3A_29 = arith.mulf %max3A_24, %mul3A_28 : vector<512x1500xf32>
    %get3A_30 = arith.constant 0 : index
    %get3A_31 = arith.constant 0 : index
    %get3A_32 = vector.load %arg8[%get3A_30, %get3A_31] : memref<1x1500xf32, #tpu.memory_space<vmem>>, vector<1x1500xf32>
    %add3A_33 = vector.broadcast %get3A_32 : vector<1x1500xf32> to vector<512x1500xf32>
    %add3A_34 = arith.addf %mul3A_29, %add3A_33 : vector<512x1500xf32>
    %convert_element_type3A_35 = arith.truncf %add3A_34 : vector<512x1500xf32> to vector<512x1500xbf16>
    %swap3A = arith.constant 0 : index
    %swap3A_36 = arith.constant 0 : index
    %swap3A_37 = vector.load %arg9[%swap3A, %swap3A_36] : memref<512x1500xbf16, #tpu.memory_space<vmem>>, vector<512x1500xbf16>
    tpu.vector_store %arg9[%swap3A, %swap3A_36], %convert_element_type3A_35 {strides = array<i32>} : memref<512x1500xbf16, #tpu.memory_space<vmem>>, vector<512x1500xbf16>,
    return
  }
  func.func @transform_0(%arg0: i32) -> (i32, i32) {
    %c0_i32 = arith.constant 0 : i32
    %c0_i32_0 = arith.constant 0 : i32
    return %arg0, %c0_i32 : i32, i32
  }
  func.func @transform_1(%arg0: i32) -> (i32, i32) {
    %c0_i32 = arith.constant 0 : i32
    %c0_i32_0 = arith.constant 0 : i32
    return %arg0, %c0_i32 : i32, i32
  }
  func.func @transform_2(%arg0: i32) -> (i32, i32) {
    %c0_i32 = arith.constant 0 : i32
    %c0_i32_0 = arith.constant 0 : i32
    return %arg0, %c0_i32 : i32, i32
  }
  func.func @transform_3(%arg0: i32) -> (i32, i32) {
    %c0_i32 = arith.constant 0 : i32
    %c0_i32_0 = arith.constant 0 : i32
    return %arg0, %c0_i32 : i32, i32
  }
  func.func @transform_4(%arg0: i32) -> (i32, i32) {
    %c0_i32 = arith.constant 0 : i32
    %c0_i32_0 = arith.constant 0 : i32
    %c0_i32_1 = arith.constant 0 : i32
    return %c0_i32, %c0_i32_0 : i32, i32
  }
  func.func @transform_5(%arg0: i32) -> (i32, i32) {
    %c0_i32 = arith.constant 0 : i32
    %c0_i32_0 = arith.constant 0 : i32
    %c0_i32_1 = arith.constant 0 : i32
    return %c0_i32, %c0_i32_0 : i32, i32
  }
  func.func @transform_6(%arg0: i32) -> (i32, i32) {
    %c0_i32 = arith.constant 0 : i32
    %c0_i32_0 = arith.constant 0 : i32
    %c0_i32_1 = arith.constant 0 : i32
    return %c0_i32, %c0_i32_0 : i32, i32
  }
  func.func @transform_7(%arg0: i32) -> (i32, i32) {
    %c0_i32 = arith.constant 0 : i32
    %c0_i32_0 = arith.constant 0 : i32
    %c0_i32_1 = arith.constant 0 : i32
    return %c0_i32, %c0_i32_0 : i32, i32
  }
  func.func @transform_8(%arg0: i32) -> (i32, i32) {
    %c0_i32 = arith.constant 0 : i32
    %c0_i32_0 = arith.constant 0 : i32
    return %arg0, %c0_i32 : i32, i32
  }
}

module attributes {stable_mosaic.version = 14 : i64} {
  func.func @_tc2_body(%arg0: i32, %arg1: memref<1000x1000xf32, #tpu.memory_space<vmem>>, %arg2: memref<1000x1500xbf16, #tpu.memory_space<vmem>>, %arg3: memref<1000x16xf32, #tpu.memory_space<vmem>>, %arg4: memref<1500x128xf32, #tpu.memory_space<vmem>>, %arg5: memref<16x128xf32, #tpu.memory_space<vmem>>, %arg6: memref<1500x128xf32, #tpu.memory_space<vmem>>, %arg7: memref<1x128xf32, #tpu.memory_space<vmem>>, %arg8: memref<1000x128xf32, #tpu.memory_space<vmem>>) attributes {dimension_semantics = [#tpu.dimension_semantics<arbitrary>], iteration_bounds = array<i64: 1>, scalar_prefetch = 0 : i64, scratch_operands = 0 : i64, tpu.core_type = #tpu.core_type<tc>, window_params = [{transform_indices = @transform_0, window_bounds = array<i64: 1000, 1000>}, {transform_indices = @transform_1, window_bounds = array<i64: 1000, 1500>}, {transform_indices = @transform_2, window_bounds = array<i64: 1000, 16>}, {pipeline_mode = #tpu.pipeline_mode<synchronous>, transform_indices = @transform_3, window_bounds = array<i64: 1500, 128>}, {pipeline_mode = #tpu.pipeline_mode<synchronous>, transform_indices = @transform_4, window_bounds = array<i64: 16, 128>}, {pipeline_mode = #tpu.pipeline_mode<synchronous>, transform_indices = @transform_5, window_bounds = array<i64: 1500, 128>}, {pipeline_mode = #tpu.pipeline_mode<synchronous>, transform_indices = @transform_6, window_bounds = array<i64: 1, 128>}, {pipeline_mode = #tpu.pipeline_mode<synchronous>, transform_indices = @transform_7, window_bounds = array<i64: 1000, 128>}]} {
    %get3A = arith.constant 0 : index
    %get3A_0 = arith.constant 0 : index
    %get3A_1 = vector.load %arg1[%get3A, %get3A_0] : memref<1000x1000xf32, #tpu.memory_space<vmem>>, vector<1000x1000xf32>
    %get3A_2 = arith.constant 0 : index
    %get3A_3 = arith.constant 0 : index
    %get3A_4 = vector.load %arg2[%get3A_2, %get3A_3] : memref<1000x1500xbf16, #tpu.memory_space<vmem>>, vector<1000x1500xbf16>
    %get3A_5 = arith.constant 0 : index
    %get3A_6 = arith.constant 0 : index
    %get3A_7 = vector.load %arg4[%get3A_5, %get3A_6] : memref<1500x128xf32, #tpu.memory_space<vmem>>, vector<1500x128xf32>
    %convert_element_type3A = arith.truncf %get3A_7 : vector<1500x128xf32> to vector<1500x128xbf16>
    %dot_general3A = arith.constant dense<0.000000e+00> : vector<1000x128xf32>
    %dot_general3A_8 = tpu.matmul %get3A_4, %convert_element_type3A, %dot_general3A {dimension_numbers = #tpu.dot_dimension_numbers<[1], [0], [0], [1], [0, 0, 1, 1], [], []>, transpose_lhs_hint = false} : vector<1000x1500xbf16>, vector<1500x128xbf16>, vector<1000x128xf32> -> vector<1000x128xf32>
    %convert_element_type3A_9 = arith.truncf %get3A_1 : vector<1000x1000xf32> to vector<1000x1000xbf16>
    %convert_element_type3A_10 = arith.truncf %dot_general3A_8 : vector<1000x128xf32> to vector<1000x128xbf16>
    %dot_general3A_11 = arith.constant dense<0.000000e+00> : vector<1000x128xf32>
    %dot_general3A_12 = tpu.matmul %convert_element_type3A_9, %convert_element_type3A_10, %dot_general3A_11 {dimension_numbers = #tpu.dot_dimension_numbers<[1], [0], [0], [1], [0, 0, 1, 1], [], []>, transpose_lhs_hint = false} : vector<1000x1000xbf16>, vector<1000x128xbf16>, vector<1000x128xf32> -> vector<1000x128xf32>
    %reduce_sum3A = arith.constant dense<0.000000e+00> : vector<1000xf32>
    %reduce_sum3A_13 = vector.multi_reduction <add>, %get3A_1, %reduce_sum3A [1] : vector<1000x1000xf32> to vector<1000xf32>
    %broadcast_in_dim3A = vector.shape_cast %reduce_sum3A_13 : vector<1000xf32> to vector<1000x1xf32>
    %max3A = arith.constant 1.000000e+00 : f32
    %max3A_14 = vector.broadcast %max3A : f32 to vector<1000x1xf32>
    %max3A_15 = arith.maximumf %broadcast_in_dim3A, %max3A_14 : vector<1000x1xf32>
    %div3A = arith.constant 1.000000e+00 : f32
    %div3A_16 = vector.broadcast %div3A : f32 to vector<1000x1xf32>
    %div3A_17 = arith.divf %div3A_16, %max3A_15 : vector<1000x1xf32>
    %mul3A = vector.broadcast %div3A_17 : vector<1000x1xf32> to vector<1000x128xf32>
    %mul3A_18 = arith.mulf %dot_general3A_12, %mul3A : vector<1000x128xf32>
    %get3A_19 = arith.constant 0 : index
    %get3A_20 = arith.constant 0 : index
    %get3A_21 = vector.load %arg3[%get3A_19, %get3A_20] : memref<1000x16xf32, #tpu.memory_space<vmem>>, vector<1000x16xf32>
    %mul3A_22 = vector.broadcast %div3A_17 : vector<1000x1xf32> to vector<1000x16xf32>
    %mul3A_23 = arith.mulf %get3A_21, %mul3A_22 : vector<1000x16xf32>
    %get3A_24 = arith.constant 0 : index
    %get3A_25 = arith.constant 0 : index
    %get3A_26 = vector.load %arg5[%get3A_24, %get3A_25] : memref<16x128xf32, #tpu.memory_space<vmem>>, vector<16x128xf32>
    %dot_general3A_27 = arith.constant dense<0.000000e+00> : vector<1000x128xf32>
    %dot_general3A_28 = tpu.matmul %mul3A_23, %get3A_26, %dot_general3A_27 {dimension_numbers = #tpu.dot_dimension_numbers<[1], [0], [0], [1], [0, 0, 1, 1], [], []>, transpose_lhs_hint = false} : vector<1000x16xf32>, vector<16x128xf32>, vector<1000x128xf32> -> vector<1000x128xf32>
    %add3A = arith.addf %mul3A_18, %dot_general3A_28 : vector<1000x128xf32>
    %get3A_29 = arith.constant 0 : index
    %get3A_30 = arith.constant 0 : index
    %get3A_31 = vector.load %arg6[%get3A_29, %get3A_30] : memref<1500x128xf32, #tpu.memory_space<vmem>>, vector<1500x128xf32>
    %convert_element_type3A_32 = arith.truncf %get3A_31 : vector<1500x128xf32> to vector<1500x128xbf16>
    %dot_general3A_33 = arith.constant dense<0.000000e+00> : vector<1000x128xf32>
    %dot_general3A_34 = tpu.matmul %get3A_4, %convert_element_type3A_32, %dot_general3A_33 {dimension_numbers = #tpu.dot_dimension_numbers<[1], [0], [0], [1], [0, 0, 1, 1], [], []>, transpose_lhs_hint = false} : vector<1000x1500xbf16>, vector<1500x128xbf16>, vector<1000x128xf32> -> vector<1000x128xf32>
    %add3A_35 = arith.addf %add3A, %dot_general3A_34 : vector<1000x128xf32>
    %get3A_36 = arith.constant 0 : index
    %get3A_37 = arith.constant 0 : index
    %get3A_38 = vector.load %arg7[%get3A_36, %get3A_37] : memref<1x128xf32, #tpu.memory_space<vmem>>, vector<1x128xf32>
    %add3A_39 = vector.broadcast %get3A_38 : vector<1x128xf32> to vector<1000x128xf32>
    %add3A_40 = arith.addf %add3A_35, %add3A_39 : vector<1000x128xf32>
    %reduce_max3A = arith.constant dense<0xFF800000> : vector<1000xf32>
    %reduce_max3A_41 = vector.multi_reduction <maximumf>, %add3A_40, %reduce_max3A [1] : vector<1000x128xf32> to vector<1000xf32>
    %broadcast_in_dim3A_42 = vector.shape_cast %reduce_max3A_41 : vector<1000xf32> to vector<1000x1xf32>
    %sub3A = vector.broadcast %broadcast_in_dim3A_42 : vector<1000x1xf32> to vector<1000x128xf32>
    %sub3A_43 = arith.subf %add3A_40, %sub3A : vector<1000x128xf32>
    %exp3A = math.exp %sub3A_43 : vector<1000x128xf32>
    %sub3A_44 = vector.broadcast %broadcast_in_dim3A_42 : vector<1000x1xf32> to vector<1000x128xf32>
    %sub3A_45 = arith.subf %add3A_40, %sub3A_44 : vector<1000x128xf32>
    %reduce_sum3A_46 = arith.constant dense<0.000000e+00> : vector<1000xf32>
    %reduce_sum3A_47 = vector.multi_reduction <add>, %exp3A, %reduce_sum3A_46 [1] : vector<1000x128xf32> to vector<1000xf32>
    %broadcast_in_dim3A_48 = vector.shape_cast %reduce_sum3A_47 : vector<1000xf32> to vector<1000x1xf32>
    %log3A = math.log %broadcast_in_dim3A_48 : vector<1000x1xf32>
    %sub3A_49 = vector.broadcast %log3A : vector<1000x1xf32> to vector<1000x128xf32>
    %sub3A_50 = arith.subf %sub3A_45, %sub3A_49 : vector<1000x128xf32>
    %swap3A = arith.constant 0 : index
    %swap3A_51 = arith.constant 0 : index
    %swap3A_52 = vector.load %arg8[%swap3A, %swap3A_51] : memref<1000x128xf32, #tpu.memory_space<vmem>>, vector<1000x128xf32>
    tpu.vector_store %arg8[%swap3A, %swap3A_51], %sub3A_50 {strides = array<i32>} : memref<1000x128xf32, #tpu.memory_space<vmem>>, vector<1000x128xf32>,
    return
  }
  func.func @transform_0(%arg0: i32) -> (i32, i32) {
    %c0_i32 = arith.constant 0 : i32
    %c0_i32_0 = arith.constant 0 : i32
    %c0_i32_1 = arith.constant 0 : i32
    return %c0_i32, %c0_i32_0 : i32, i32
  }
  func.func @transform_1(%arg0: i32) -> (i32, i32) {
    %c0_i32 = arith.constant 0 : i32
    %c0_i32_0 = arith.constant 0 : i32
    %c0_i32_1 = arith.constant 0 : i32
    return %c0_i32, %c0_i32_0 : i32, i32
  }
  func.func @transform_2(%arg0: i32) -> (i32, i32) {
    %c0_i32 = arith.constant 0 : i32
    %c0_i32_0 = arith.constant 0 : i32
    %c0_i32_1 = arith.constant 0 : i32
    return %c0_i32, %c0_i32_0 : i32, i32
  }
  func.func @transform_3(%arg0: i32) -> (i32, i32) {
    %c0_i32 = arith.constant 0 : i32
    %c0_i32_0 = arith.constant 0 : i32
    %c0_i32_1 = arith.constant 0 : i32
    return %c0_i32, %c0_i32_0 : i32, i32
  }
  func.func @transform_4(%arg0: i32) -> (i32, i32) {
    %c0_i32 = arith.constant 0 : i32
    %c0_i32_0 = arith.constant 0 : i32
    %c0_i32_1 = arith.constant 0 : i32
    return %c0_i32, %c0_i32_0 : i32, i32
  }
  func.func @transform_5(%arg0: i32) -> (i32, i32) {
    %c0_i32 = arith.constant 0 : i32
    %c0_i32_0 = arith.constant 0 : i32
    %c0_i32_1 = arith.constant 0 : i32
    return %c0_i32, %c0_i32_0 : i32, i32
  }
  func.func @transform_6(%arg0: i32) -> (i32, i32) {
    %c0_i32 = arith.constant 0 : i32
    %c0_i32_0 = arith.constant 0 : i32
    %c0_i32_1 = arith.constant 0 : i32
    return %c0_i32, %c0_i32_0 : i32, i32
  }
  func.func @transform_7(%arg0: i32) -> (i32, i32) {
    %c0_i32 = arith.constant 0 : i32
    %c0_i32_0 = arith.constant 0 : i32
    %c0_i32_1 = arith.constant 0 : i32
    return %c0_i32, %c0_i32_0 : i32, i32
  }
}

</mosaic_0001>

<sc_bundles>
// kernel: kernel.12.cloned.1.call-start
scs
__scs_entry_jumppad:
0x0: {  	(pc) =	sbr.rel $0x88, $3  }
0x1: {  	(tag) =	ssettag $0x0;
	lr =	simm.s32 $0x1  }
0x2: {  	[smem:$0x3F94] =	sst lr;
	_ =	strace $0xD0000000  }
0x3: {  	_ = 	snop  }
0x4: {  	_ = 	snop  }
0x5: {  	_ = 	snop  }
0x6: {  	_ = 	snop  }
0x7: {  	_ = 	snop  }
__scs_overlays_trampoline_lowered:
0x8: {  	[smem:$0x3FA3] =	sst s0  }
0x9: {  	[smem:$0x3FA4] =	sst s1  }
0xa: {  	[smem:$0x3FA5] =	sst s2  }
0xb: {  	[smem:$0x3FA6] =	sst s3  }
0xc: {  	[smem:$0x3FA7] =	sst s4  }
0xd: {  	[smem:$0x3FA8] =	sst s5  }
0xe: {  	[smem:$0x3FA9] =	sst s6  }
0xf: {  	[smem:$0x3FAA] =	sst s7  }
0x10: {  	[smem:$0x3FAB] =	sst s8  }
0x11: {  	[smem:$0x3FAC] =	sst s9;
	s0 =	simm.s32 @!p0 $0x0  }
0x12: {  	s1 =	sld [smem:$0x3F92];
	s0 =	simm.s32 @p0 $0x1  }
0x13: {  	[smem:$0x3FAD] =	sst s0;
	s0 =	simm.s32 @!p1 $0x0  }
0x14: {  	s2 =	sld [smem:$0x3F91];
	s0 =	simm.s32 @p1 $0x1  }
0x15: {  	[smem:$0x3FAE] =	sst s0;
	s0 =	simm.s32 @!p2 $0x0  }
0x16: {  	s3 =	sld [smem:$0x3FDB];
	s0 =	simm.s32 @p2 $0x1  }
0x17: {  	s4 =	simm.s32 $0x1BF5;
	[smem:$0x3FB0] =	sst s0  }
0x18: {  	s0 =	sld [smem:$0x3F93];
	_ =	swait.ge [sflag:s4], $0x0  }
0x19: {  	s7 =	sld [smem:$0x3F94]  }
0x1a: {  	s8 =	sadd.s32 $0xFFFFE003, lr  }
0x1b: {  	s9 =	sadd.s32 $0xFFFFFEF7, lr;
	s5 =	simm.s32 $0xFFFFFFFF;
	p2 =	slt.u32 s8, $0xFFFFF086  }
0x1c: {  	p1 =	slt.u32 s9, $0xF7A;
	s5 =	simm.s32 @!p2 $0x0  }
0x1d: {  	s5 =	simm.s32 @p1 $0x1;
	p0 =	seq.s32 s7, s2  }
0x1e: {  	s7 =	smul.u32 @!p0 $0xF7A, s2;
	p2 =	seq.s32 @!p0 s5, $0x0  }
0x1f: {  	s9 =	smul.u32 $0xF7A, s1;
	s8 =	simm.s32 @!p0 $0x1BF5;
	p2 =	por !p2, p0  }
0x20: {  	[sflag:s8] =	ssyncset.s32 @!p0 $0xFFFFF086;
	s6 =	sadd.s32 @!p0 s3, s7;
	s7 =	simm.s32 @!p0 $0x108  }
0x21: {  	s3 =	sadd.s32 s3, s9;
	s6 =	sadd.s32 @!p0 $0x88, s6;
	s7 =	simm.s32 @p2 $0x1082  }
0x22: {  	[simem:s7], [sflag:s8] =	dma.local @!p0 [hbm:s6], $0xF7A  }
0x23: {  	s9 =	sor.u32 $0xD0000000, s2;
	s6 =	simm.s32 $0x108;
	_ =	swait.ge @!p0 [sflag:s8], $0x0  }
0x24: {  	s3 =	sadd.s32 $0x88, s3;
	s6 =	simm.s32 @!p1 $0x1082;
	[sflag:s4] =	ssyncset.s32 $0xFFFFF086  }
0x25: {  	[simem:s6], [sflag:s4] =	dma.local [hbm:s3], $0xF7A  }
0x26: {  	[smem:$0x3F94] =	sst s1;
	(tag) =	ssettag s2;
	_ =	strace s9  }
0x27: {  	s1 =	sld [smem:$0x3FA4]  }
0x28: {  	s2 =	sld [smem:$0x3FA5]  }
0x29: {  	s4 =	sld [smem:$0x3FA7]  }
0x2a: {  	p0 =	seq.s32 s5, $0x0;
	s5 =	sld [smem:$0x3FA8]  }
0x2b: {  	s6 =	sld [smem:$0x3FA9]  }
0x2c: {  	s7 =	sld [smem:$0x3FAA]  }
0x2d: {  	s3 =	simm.s32 $0x108;
	s8 =	sld [smem:$0x3FAB]  }
0x2e: {  	s3 =	simm.s32 @!p0 $0x1082;
	s9 =	sld [smem:$0x3FAC]  }
0x2f: {  	lr =	sadd.s32 s0, s3;
	s0 =	sld [smem:$0x3FA3]  }
0x30: {  	s3 =	sld [smem:$0x3FA6]  }
0x31: {  	[smem:$0x3FAF] =	sst s10  }
0x32: {  	s10 =	sld [smem:$0x3FAD];
	_ =	sdelay $0x3  }
0x33: {  	p0 =	seq.s32 s10, $0x1;
	s10 =	sld [smem:$0x3FAF];
	_ =	sdelay $0x3  }
0x34: {  	[smem:$0x3FAF] =	sst s10  }
0x35: {  	s10 =	sld [smem:$0x3FAE];
	_ =	sdelay $0x3  }
0x36: {  	p1 =	seq.s32 s10, $0x1;
	s10 =	sld [smem:$0x3FAF];
	_ =	sdelay $0x3  }
0x37: {  	[smem:$0x3FAF] =	sst s10  }
0x38: {  	s10 =	sld [smem:$0x3FB0]  }
0x39: {  	_ = 	snop;
	(pc) =	sbr.ind lr, $3  }
0x3a: {  	_ = 	snop  }
0x3b: {  	_ = 	snop  }
0x3c: {  	p2 =	seq.s32 s10, $0x1;
	s10 =	sld [smem:$0x3FAF]  }
0x3d: {  	_ =	shalt  }
0x3e: {  	_ =	shalt  }
0x3f: {  	_ =	shalt  }
0x40: {  	_ =	shalt  }
0x41: {  	_ =	shalt  }
0x42: {  	_ =	shalt  }
0x43: {  	_ =	shalt  }
0x44: {  	_ =	shalt  }
0x45: {  	_ =	shalt  }
0x46: {  	_ =	shalt  }
0x47: {  	_ =	shalt  }
0x48: {  	_ =	shalt  }
0x49: {  	_ =	shalt  }
0x4a: {  	_ =	shalt  }
0x4b: {  	_ =	shalt  }
0x4c: {  	_ =	shalt  }
0x4d: {  	_ =	shalt  }
0x4e: {  	_ =	shalt  }
0x4f: {  	_ =	shalt  }
0x50: {  	_ =	shalt  }
0x51: {  	_ =	shalt  }
0x52: {  	_ =	shalt  }
0x53: {  	_ =	shalt  }
0x54: {  	_ =	shalt  }
0x55: {  	_ =	shalt  }
0x56: {  	_ =	shalt  }
0x57: {  	_ =	shalt  }
0x58: {  	_ =	shalt  }
0x59: {  	_ =	shalt  }
0x5a: {  	_ =	shalt  }
0x5b: {  	_ =	shalt  }
0x5c: {  	_ =	shalt  }
0x5d: {  	_ =	shalt  }
0x5e: {  	_ =	shalt  }
0x5f: {  	_ =	shalt  }
0x60: {  	_ =	shalt  }
0x61: {  	_ =	shalt  }
0x62: {  	_ =	shalt  }
0x63: {  	_ =	shalt  }
0x64: {  	_ =	shalt  }
0x65: {  	_ =	shalt  }
0x66: {  	_ =	shalt  }
0x67: {  	_ =	shalt  }
0x68: {  	_ =	shalt  }
0x69: {  	_ =	shalt  }
0x6a: {  	_ =	shalt  }
0x6b: {  	_ =	shalt  }
0x6c: {  	_ =	shalt  }
0x6d: {  	_ =	shalt  }
0x6e: {  	_ =	shalt  }
0x6f: {  	_ =	shalt  }
0x70: {  	_ =	shalt  }
0x71: {  	_ =	shalt  }
0x72: {  	_ =	shalt  }
0x73: {  	_ =	shalt  }
0x74: {  	_ =	shalt  }
0x75: {  	_ =	shalt  }
0x76: {  	_ =	shalt  }
0x77: {  	_ =	shalt  }
0x78: {  	_ =	shalt  }
0x79: {  	_ =	shalt  }
0x7a: {  	_ =	shalt  }
0x7b: {  	_ =	shalt  }
0x7c: {  	_ =	shalt  }
0x7d: {  	_ =	shalt  }
0x7e: {  	_ =	shalt  }
0x7f: {  	_ =	shalt  }
0x80: {  	_ =	shalt  }
0x81: {  	_ =	shalt  }
0x82: {  	_ =	shalt  }
0x83: {  	_ =	shalt  }
0x84: {  	_ =	shalt  }
0x85: {  	_ =	shalt  }
0x86: {  	_ =	shalt  }
0x87: {  	_ =	shalt  }
.Lfunc_end0:
.L_simem_size_0:
called_computation.1_lowered:
.L_overlay_start_0:
0x88: {  	s2 =	sld [smem:$0x3FD9]  }
0x89: {  	s3 =	sld [smem:$0x3FFE];
	_ =	sdelay $0x1  }
0x8a: {  	s1 =	srdreg.scid  }
0x8b: {  	s0 =	sand.u32 $0x1, s1  }
0x8c: {  	s17 =	sshll.u32 s0, $0xA;
	s2 =	sadd.s32 s3, s2  }
0x8d: {  	s2 =	sadd.s32 s2, s17  }
0x8e: {  	[smem:$0x3FBB] =	sst s2  }
0x8f: {  	_ = 	snop  }
0x90: {  	(tm) =	ssettm $0x1  }
0x91: {  	s18 =	sld [smem:$0x3FFB];
	_ =	sdelay $0x3  }
0x92: {  	_ =	strace s18  }
0x93: {  	s2 =	sld [smem:$0x3FFC];
	_ =	sdelay $0x3  }
0x94: {  	_ =	strace s2  }
0x95: {  	s2 =	sld [smem:$0x3FFD];
	_ =	sdelay $0x3  }
0x96: {  	_ =	strace s2  }
0x97: {  	_ =	strace $0x8FFFFFFF  }
0x98: {  	s19 =	sld [smem:$0x3FDB];
	_ =	sdelay $0x1  }
0x99: {  	s20 =	simm.s32 $_scs_section_size  }
0x9a: {  	s4 =	simm.s32 $_size__tile_overlayer_lowered;
	s5 =	simm.s32 $_tile_overlayer_lowered  }
0x9b: {  	s6 =	simm.s32 $0x1BFF;
	s21 =	sshll.u32 s5, $0x1;
	s3 =	sadd.s32 s20, s19  }
0x9c: {  	s22 =	simm.s32 $0x0;
	s4 =	sshll.u32 s4, $0x1;
	s5 =	sadd.s32 s21, s3  }
0x9d: {  	[timem:s22], [sflag:s6] =	dma.local [hbm:s5], s4  }
0x9e: {  	_ =	swait.ge [sflag:s6], s4  }
0x9f: {  	s4 =	ssub.s32 $0x0, s4;
	[sflag:s6] =	ssyncset.done $0x0  }
0xa0: {  	[sflag:s6] =	ssyncadd.s32 s4;
	_ =	sdelay $0x1  }
0xa1: {  	s23 =	simm.s32 $0x1B8B  }
0xa2: {  	_ =	swait.ge [sflag:s23], $0x1  }
0xa3: {  	[sflag:s23] =	ssyncset.done $0x0  }
0xa4: {  	[sflag:s23] =	ssyncadd.s32 $0xFFFFFFFF  }
0xa5: {  	s4 =	sld [smem:$0x0]  }
0xa6: {  	s5 =	sand.u32 $0xFFFFFFFE, s1  }
0xa7: {  	p0 =	sne.s32 s1, s5  }
0xa8: {  	s5 =	sshll.u32 @p0 s5, $0xE  }
0xa9: {  	s5 =	sadd.s32 @p0 $0x11B8D, s5;
	s6 =	sshll.u32 @p0 s4, $0x11  }
0xaa: {  	s5 =	sor.u32 @p0 s6, s5  }
0xab: {  	[sflag:s5] =	ssyncadd.remote.s32 @p0 $0x1;
	_ =	sdelay $0x1  }
0xac: {  	s5 =	simm.s32 @p0 $0x1B8D  }
0xad: {  	_ =	swait.eq @p0 [sflag:s5], $0x1  }
0xae: {  	[sflag:s5] =	ssyncadd.s32 @p0 $0xFFFFFFFF  }
0xaf: {  	s6 =	sshll.u32 @!p0 s1, $0xE  }
0xb0: {  	s6 =	sor.u32 @!p0 $0x4000, s6;
	s5 =	simm.s32 @!p0 $0x1B8D  }
0xb1: {  	s4 =	sshll.u32 @!p0 s4, $0x11;
	s6 =	sadd.s32 @!p0 $0x11B8D, s6;
	_ =	swait.eq @!p0 [sflag:s5], $0x1  }
0xb2: {  	s4 =	sor.u32 @!p0 s4, s6;
	[sflag:s5] =	ssyncadd.s32 @!p0 $0xFFFFFFFF  }
0xb3: {  	s25 =	simm.s32 $0x1B8E;
	s24 =	sld [smem:$0x3FFE];
	[sflag:s4] =	ssyncadd.remote.s32 @!p0 $0x1  }
0xb4: {  	s26 =	simm.s32 $execute0_lowered;
	[smem:$0x3FD2] =	sst s25  }
0xb5: {  	s5 =	sshll.u32 s26, $0x1;
	_ =	strace $0x80000049;
	[dreg:$0x1] =	wrdreg $0xFFFFFFFF  }
0xb6: {  	s28 =	simm.s32 $_size_execute0_lowered;
	s3 =	sadd.s32 s3, s5;
	[dreg:$0x0] =	wrdreg $0x0  }
0xb7: {  	s5 =	sshll.u32 s28, $0x1;
	[dreg:$0x2] =	wrdreg s3  }
0xb8: {  	[dreg:$0x3] =	wrdreg s5  }
0xb9: {  	[dreg:$0x4] =	wrdreg $0xC0  }
0xba: {  	_ =	task [dreg:s22], $0x5FFFF  }
0xbb: {  	[dreg:$0x1] =	wrdreg $0xFFFFFFFF  }
0xbc: {  	[dreg:$0x0] =	wrdreg $0x60  }
0xbd: {  	[dreg:$0x2] =	wrdreg s24  }
0xbe: {  	[dreg:$0x3] =	wrdreg $0xA  }
0xbf: {  	_ =	task.clear_ibuf [dreg:s22], $0x4FFFF;
	_ =	strace $0x90000049  }
0xc0: {  	s29 =	simm.s32 $0xA;
	_ =	strace $0x8000004B  }
0xc1: {  	_ =	swait.ge [sflag:s29], $0x1  }
0xc2: {  	[sflag:s29] =	ssyncadd.s32 $0xFFFFFFFF  }
0xc3: {  	_ =	strace $0x9000004B  }
0xc4: {  	_ =	sfence  }
0xc5: {  	s30 =	sld [smem:$0x0];
	_ =	sdelay $0x2  }
0xc6: {  	s31 =	sshll.u32 s1, $0xD;
	s1 =	sshrl.u32 s1, $0x2  }
0xc7: {  	s4 =	sand.u32 $0x4000, s31;
	s1 =	sadd.s32 s1, s30  }
0xc8: {  	s0 =	sor.u32 s4, s0;
	s1 =	sshll.u32 s1, $0x11  }
0xc9: {  	s0 =	sor.u32 s1, s0  }
0xca: {  	s0 =	sadd.s32 $0x8F2B, s0  }
0xcb: {  	[sflag:s0] =	ssyncadd.remote.s32 $0x1  }
0xcc: {  	_ =	sfence.sel $0xFFFF  }
0xcd: {  	[dreg:$0x0] =	wrdreg $0xFFFFFFFF;
	(pc) =	sbr.abs _section_cstart, $3  }
0xce: {  	[dreg:$0x1] =	wrdreg $0xFFFFFFFF  }
0xcf: {  	_ =	task.clear_ibuf [dreg:s22], $0x2FFFF;
	_ =	strace $0x9FFFFFFF  }
0xd0: {  	(tm) =	ssettm $0x7FFFFFFF  }
0xd1: {  	_ =	shalt  }
tec
execute0_lowered:
.L_overlay_start_1:
0x0: {  	(tag) =	ssettag $0x1  }
0x1: {  	s0 =	srdreg.scid;
	s13 =	stileid.u32  }
0x2: {  	s2 =	rddreg [dreg:$0x0];
	s25 =	smul.u32 $0x4E20, s13  }
0x3: {  	s20 =	simm.s32 $0x0;
	s0 =	sand.u32 $0x1, s0;
	s30 =	smul.u32 $0x1388, s13  }
0x4: {  	s1 =	sshll.u32 s13, $0x1;
	[smem:$0x7FF] =	sst s20;
	s28 =	smul.u32 $0x2710, s0  }
0x5: {  	s1 =	sor.u32 s0, s1;
	s19 =	ssub.s32 $0x2, s0;
	s0 =	smul.u32 $0x9C4, s0  }
0x6: {  	s6 =	sadd.s32 $0x6C00, s2;
	s7 =	sadd.s32 $0x361600, s2;
	s5 =	smul.u32 $0x9C4, s1  }
0x7: {  	_ =	strace $0x8000004A;
	s4 =	smul.u32 $0x1400, s1;
	s21 =	sshrl.u32 s19, $0x1  }
0x8: {  	s18 =	sshll.u32 s1, $0xB;
	s1 =	smul.u32 $0x2710, s1;
	s14 =	ssub.s32 s19, s21  }
0x9: {  	s31 =	sadd.s32 s28, s25;
	s0 =	sadd.s32 s0, s30;
	s19 =	simm.s32 $0x0  }
0xa: {  	s3 =	sshrl.u32 s5, $0x4;
	s17 =	sand.u32 $0x1FFE0, s5;
	s9 =	sadd.s32 s4, s2  }
0xb: {  	s8 =	sshrl.u32 s1, $0x5;
	s12 =	sadd.s32 $0x2710, s1;
	s1 =	sand.u32 $0x7FFE0, s1  }
0xc: {  	s26 =	sadd.s32 $0x9C4, s5;
	s14 =	smax.u32 s14, $0x1;
	s16 =	sshrl.u32 s0, $0x5  }
0xd: {  	s3 =	sand.u32 $0x1FFE, s3;
	s11 =	sadd.s32 s17, s2;
	s4 =	sadd.s32 $0x9D, s8  }
0xe: {  	s8 =	sshll.u32 s8, $0x1;
	s1 =	sadd.s32 s7, s1;
	s29 =	sadd.s32 $0x104000, s9  }
0xf: {  	s17 =	simm.s32 $0x1;
	s10 =	sadd.s32 s3, s2;
	s2 =	sadd.s32 s18, s2  }
0x10: {  	s3 =	sshrl.u32 s12, $0x5;
	s22 =	smin.u32 s4, $0x2673;
	[dreg:$0x4] =	wrdreg s1  }
0x11: {  	v0 =	vimm.f32 $0.0e+00;
	vm2 =	vcmask $0x70C;
	s8 =	sadd.s32 s6, s8;
	[dreg:$0x7] =	wrdreg s29;
	s23 =	sshll.u32 s22, $0x1  }
0x12: {  	vm5 =	vcmask $0xF14;
	vm6 =	vcmask $0x1318;
	vm7 =	vcmask $0x171C;
	[dreg:$0x3] =	wrdreg s8;
	s24 =	sshll.u32 s22, $0x5;
	s1 =	sadd.s32 s6, s23  }
0x13: {  	vm8 =	vcmask $0x1B20;
	vm9 =	vcmask $0x1F24;
	vm10 =	vcmask $0x2328;
	s11 =	sadd.s32 $0xF0600, s11;
	[dreg:$0x5] =	wrdreg s1;
	s1 =	sadd.s32 s7, s24  }
0x14: {  	vm11 =	vcmask $0x272C;
	vm4 =	vmmov $0x7fff;
	v1 =	vimm.s32 $0x0;
	s12 =	sshrl.u32 s31, $0x5;
	[dreg:$0x6] =	wrdreg s1;
	s1 =	sshrl.u32 s26, $0x5  }
0x15: {  	vm12 =	vcmask $0x2B30;
	vm13 =	vcmask $0x2F34;
	v1 =	vsel vm4, $0xFFFFFFFF, v1;
	s18 =	simm.s32 $0xA040;
	[dreg:$0x2] =	wrdreg s1;
	s1 =	sadd.s32 $0x9D, s12  }
0x16: {  	vm0 =	vmmov $0x1;
	vm14 =	vcmask $0x3338;
	vm3 =	vcmask $0x373C;
	[tilespmem:$0x1FFF0] =	vst v1;
	s10 =	sadd.s32 $0xBC00, s10;
	s13 =	sadd.s32 $0x12C000, s2;
	s15 =	smin.u32 s1, $0x2673  }
.LBB2_1:
0x17: {  	s0 =	simm.s32 $0x50  }
0x18: {  	[tilespmem:s0+$0xFFFFFFC0] =	vst v0  }
0x19: {  	[tilespmem:s0+$0xFFFFFFD0] =	vst v0  }
0x1a: {  	[tilespmem:s0+$0xFFFFFFE0] =	vst v0  }
0x1b: {  	[tilespmem:s0+$0xFFFFFFF0] =	vst v0  }
0x1c: {  	[tilespmem:s0+$0x0] =	vst v0  }
0x1d: {  	[tilespmem:s0+$0x10] =	vst v0  }
0x1e: {  	[tilespmem:s0+$0x20] =	vst v0  }
0x1f: {  	s2 =	sand.u32 $0xFFE0, s20;
	s1 =	simm.s32 $0xA0;
	[tilespmem:s0+$0xFFFFFFB0] =	vst v0  }
.LBB2_2:
0x20: {  	p0 =	sne.s32 s1, $0x9F60;
	[tilespmem:s2+$0x80] =	vst v0  }
0x21: {  	[tilespmem:s0+$0x40] =	vst v0;
	s0 =	sadd.s32 $0xA0, s0  }
0x22: {  	[tilespmem:s0+$0xFFFFFFC0] =	vst v0  }
0x23: {  	[tilespmem:s0+$0xFFFFFFD0] =	vst v0  }
0x24: {  	[tilespmem:s0+$0xFFFFFFE0] =	vst v0  }
.Ltmp0:
0x25: {  	[tilespmem:s0+$0xFFFFFFF0] =	vst v0;
	(pc) =	sbr.rel @p0 .LBB2_2-.Ltmp0, $4  }
0x26: {  	[tilespmem:s0+$0x0] =	vst v0  }
0x27: {  	[tilespmem:s0+$0x10] =	vst v0  }
0x28: {  	[tilespmem:s0+$0x20] =	vst v0  }
0x29: {  	s2 =	sand.u32 $0xFFE0, s1;
	s1 =	sadd.s32 $0xA0, s1;
	[tilespmem:s0+$0xFFFFFFB0] =	vst v0  }
0x2a: {  	[tilespmem:s2+$0x80] =	vst v0  }
0x2b: {  	s29 =	simm.s32 $0x0;
	s20 =	simm.s32 $0x13D80;
	s1 =	rddreg [dreg:$0x3];
	[tilespmem:s0+$0x40] =	vst v0  }
0x2c: {  	[tilespmem:s20], [sflag:$0x1] =	stream.linear.gather [hbm4b:s1+s29], $0x9D0, $0x38;
	[tilespmem:$0x14780] =	vst v63  }
0x2d: {  	_ =	swait.ge [sflag:s17], $0x9D0  }
0x2e: {  	[sflag:s17] =	ssyncset.done $0x0  }
0x2f: {  	s30 =	rddreg [dreg:$0x4];
	[sflag:s17] =	ssyncadd.s32 $0xFFFFF630  }
0x30: {  	[tilespmem:s18], [sflag:$0x1] =	stream.linear.gather [hbm4b:s30+s29], $0x9D00, $0x38;
	[tilespmem:$0x14780] =	vst v63  }
0x31: {  	_ =	swait.ge [sflag:s17], $0x9D00  }
0x32: {  	[sflag:s17] =	ssyncset.done $0x0  }
0x33: {  	[sflag:s17] =	ssyncadd.s32 $0xFFFF6300  }
0x34: {  	v1 =	vld [tilespmem:s20+$0x0];
	_ =	sdelay $0x4  }
0x35: {  	vm1 =	vlt.s32 v1, $0x9FF  }
0x36: {  	v1 =	vnsel vm1, $0x9FF, v1  }
0x37: {  	v2 =	vnsel vm0, $0x0, v1  }
0x38: {  	(xrf0) =	vadd.scan.msk.s32 $0xffff, v2;
	_ =	sdelay $0x5  }
0x39: {  	vm15 =	vcmask $0x308;
	v2, _, _ =	vpop (xrf0)  }
0x3a: {  	v3 =	vsel vm15, $0x0, v1;
	(v2sf) =	vpush v2, $0xF  }
0x3b: {  	(xrf0) =	vadd.scan.msk.s32 $0xffff, v3;
	_ =	sdelay $0x5  }
0x3c: {  	v2, _, _ =	vpop (xrf0)  }
0x3d: {  	v3 =	vsel vm2, $0x0, v1;
	(v2sf) =	vpush v2, $0xF  }
0x3e: {  	(xrf0) =	vadd.scan.msk.s32 $0xffff, v3  }
0x3f: {  	s21 =	simm.s32 $0x0  }
0x40: {  	v2 =	vld [tilespmem:s21+$0xA040];
	_ =	sdelay $0x2  }
0x41: {  	p0 =	slt.u32 s12, s3;
	s22 =	simm.f32 $1.000000000e+00  }
0x42: {  	vm4 =	vcmask $0xB10;
	s22 =	simm.s32 @!p0 $0x0;
	v3, _, _ =	vpop (xrf0);
	s31 =	spop (v2sf)  }
0x43: {  	v4 =	vsel vm4, $0x0, v1;
	v2 =	vmul.f32 s22, v2;
	(v2sf) =	vpush v3, $0xF;
	s0 =	sshll.u32 s31, $0x6  }
0x44: {  	(xrf0) =	vadd.scan.msk.s32 $0xffff, v4;
	s0 =	sshra.s32 s0, $0x2  }
0x45: {  	[tilespmem:s0+$0x0] =	vst.add.f32.msk $0xffff, v2  }
0x46: {  	v2 =	vld [tilespmem:s21+$0xA050];
	_ =	sdelay $0x3  }
0x47: {  	v3, _, _ =	vpop (xrf0);
	s1 =	spop (v2sf)  }
0x48: {  	v53 =	vsel vm5, $0x0, v1;
	(v2sf) =	vpush v3, $0xF;
	s0 =	sshll.u32 s1, $0x6;
	v2 =	vmul.f32 s22, v2  }
0x49: {  	(xrf0) =	vadd.scan.msk.s32 $0xffff, v53;
	s0 =	sshra.s32 s0, $0x2  }
0x4a: {  	[tilespmem:s0+$0x0] =	vst.add.f32.msk $0xffff, v2  }
0x4b: {  	v2 =	vld [tilespmem:s21+$0xA060];
	_ =	sdelay $0x3  }
0x4c: {  	v3, _, _ =	vpop (xrf0);
	s2 =	spop (v2sf)  }
0x4d: {  	v54 =	vsel vm6, $0x0, v1;
	(v2sf) =	vpush v3, $0xF;
	s0 =	sshll.u32 s2, $0x6;
	v2 =	vmul.f32 s22, v2  }
0x4e: {  	(xrf0) =	vadd.scan.msk.s32 $0xffff, v54;
	s0 =	sshra.s32 s0, $0x2  }
0x4f: {  	[tilespmem:s0+$0x0] =	vst.add.f32.msk $0xffff, v2  }
0x50: {  	v2 =	vld [tilespmem:s21+$0xA070];
	_ =	sdelay $0x3  }
0x51: {  	v3, _, _ =	vpop (xrf0);
	s5 =	spop (v2sf)  }
0x52: {  	v55 =	vsel vm7, $0x0, v1;
	(v2sf) =	vpush v3, $0xF;
	s0 =	sshll.u32 s5, $0x6;
	v2 =	vmul.f32 s22, v2  }
0x53: {  	(xrf0) =	vadd.scan.msk.s32 $0xffff, v55;
	s0 =	sshra.s32 s0, $0x2  }
0x54: {  	[tilespmem:s0+$0x0] =	vst.add.f32.msk $0xffff, v2  }
0x55: {  	v2 =	vld [tilespmem:s21+$0xA080];
	_ =	sdelay $0x3  }
0x56: {  	v3, _, _ =	vpop (xrf0);
	s6 =	spop (v2sf)  }
0x57: {  	v56 =	vsel vm8, $0x0, v1;
	(v2sf) =	vpush v3, $0xF;
	s0 =	sshll.u32 s6, $0x6;
	v2 =	vmul.f32 s22, v2  }
0x58: {  	(xrf0) =	vadd.scan.msk.s32 $0xffff, v56;
	s0 =	sshra.s32 s0, $0x2  }
0x59: {  	[tilespmem:s0+$0x0] =	vst.add.f32.msk $0xffff, v2  }
0x5a: {  	v2 =	vld [tilespmem:s21+$0xA090];
	_ =	sdelay $0x3  }
0x5b: {  	v3, _, _ =	vpop (xrf0);
	s7 =	spop (v2sf)  }
0x5c: {  	v57 =	vsel vm9, $0x0, v1;
	(v2sf) =	vpush v3, $0xF;
	s0 =	sshll.u32 s7, $0x6;
	v2 =	vmul.f32 s22, v2  }
0x5d: {  	(xrf0) =	vadd.scan.msk.s32 $0xffff, v57;
	s0 =	sshra.s32 s0, $0x2  }
0x5e: {  	[tilespmem:s0+$0x0] =	vst.add.f32.msk $0xffff, v2  }
0x5f: {  	v2 =	vld [tilespmem:s21+$0xA0A0];
	_ =	sdelay $0x3  }
0x60: {  	v3, _, _ =	vpop (xrf0);
	s8 =	spop (v2sf)  }
0x61: {  	v58 =	vsel vm10, $0x0, v1;
	(v2sf) =	vpush v3, $0xF;
	s0 =	sshll.u32 s8, $0x6;
	v2 =	vmul.f32 s22, v2  }
0x62: {  	(xrf0) =	vadd.scan.msk.s32 $0xffff, v58;
	s0 =	sshra.s32 s0, $0x2  }
0x63: {  	[tilespmem:s0+$0x0] =	vst.add.f32.msk $0xffff, v2  }
0x64: {  	v2 =	vld [tilespmem:s21+$0xA0B0];
	_ =	sdelay $0x3  }
0x65: {  	v3, _, _ =	vpop (xrf0);
	s9 =	spop (v2sf)  }
0x66: {  	v59 =	vsel vm11, $0x0, v1;
	(v2sf) =	vpush v3, $0xF;
	s0 =	sshll.u32 s9, $0x6;
	v2 =	vmul.f32 s22, v2  }
0x67: {  	(xrf0) =	vadd.scan.msk.s32 $0xffff, v59;
	s0 =	sshra.s32 s0, $0x2  }
0x68: {  	[tilespmem:s0+$0x0] =	vst.add.f32.msk $0xffff, v2  }
0x69: {  	v2 =	vld [tilespmem:s21+$0xA0C0];
	_ =	sdelay $0x3  }
0x6a: {  	v3, _, _ =	vpop (xrf0);
	s23 =	spop (v2sf)  }
0x6b: {  	v60 =	vsel vm12, $0x0, v1;
	(v2sf) =	vpush v3, $0xF;
	s0 =	sshll.u32 s23, $0x6;
	v2 =	vmul.f32 s22, v2  }
0x6c: {  	(xrf0) =	vadd.scan.msk.s32 $0xffff, v60;
	s0 =	sshra.s32 s0, $0x2  }
0x6d: {  	[tilespmem:s0+$0x0] =	vst.add.f32.msk $0xffff, v2  }
0x6e: {  	v2 =	vld [tilespmem:s21+$0xA0D0];
	_ =	sdelay $0x3  }
0x6f: {  	v3, _, _ =	vpop (xrf0);
	s24 =	spop (v2sf)  }
0x70: {  	v61 =	vsel vm13, $0x0, v1;
	(v2sf) =	vpush v3, $0xF;
	s0 =	sshll.u32 s24, $0x6;
	v2 =	vmul.f32 s22, v2  }
0x71: {  	(xrf0) =	vadd.scan.msk.s32 $0xffff, v61;
	s0 =	sshra.s32 s0, $0x2  }
0x72: {  	[tilespmem:s0+$0x0] =	vst.add.f32.msk $0xffff, v2  }
0x73: {  	v2 =	vld [tilespmem:s21+$0xA0E0];
	_ =	sdelay $0x3  }
0x74: {  	v3, _, _ =	vpop (xrf0);
	s25 =	spop (v2sf)  }
0x75: {  	v62 =	vsel vm14, $0x0, v1;
	(v2sf) =	vpush v3, $0xF;
	s0 =	sshll.u32 s25, $0x6;
	v2 =	vmul.f32 s22, v2  }
0x76: {  	(xrf0) =	vadd.scan.msk.s32 $0xffff, v62;
	s0 =	sshra.s32 s0, $0x2  }
0x77: {  	[tilespmem:s0+$0x0] =	vst.add.f32.msk $0xffff, v2  }
0x78: {  	v2 =	vld [tilespmem:s21+$0xA0F0];
	_ =	sdelay $0x3  }
0x79: {  	v3, _, _ =	vpop (xrf0);
	s26 =	spop (v2sf)  }
0x7a: {  	v63 =	vsel vm3, $0x0, v1;
	(v2sf) =	vpush v3, $0xF;
	s0 =	sshll.u32 s26, $0x6;
	v2 =	vmul.f32 s22, v2  }
0x7b: {  	(xrf0) =	vadd.scan.msk.s32 $0xffff, v63;
	v3 =	vld [tilespmem:$0x1FFF0];
	s0 =	sshra.s32 s0, $0x2  }
0x7c: {  	[tilespmem:s0+$0x0] =	vst.add.f32.msk $0xffff, v2  }
0x7d: {  	v2 =	vld [tilespmem:s21+$0xA100];
	_ =	sdelay $0x2  }
0x7e: {  	vm4 =	vnez.u8 v3  }
0x7f: {  	v3, _, _ =	vpop (xrf0);
	v1 =	vsel vm4, $0x0, v1;
	s28 =	spop (v2sf)  }
0x80: {  	(v2sf) =	vpush v3, $0xF;
	(xrf0) =	vadd.scan.msk.s32 $0xffff, v1;
	s0 =	sshll.u32 s28, $0x6;
	v1 =	vmul.f32 s22, v2  }
0x81: {  	s0 =	sshra.s32 s0, $0x2  }
0x82: {  	[tilespmem:s0+$0x0] =	vst.add.f32.msk $0xffff, v1  }
0x83: {  	v1 =	vld [tilespmem:s21+$0xA110];
	_ =	sdelay $0x3  }
0x84: {  	s29 =	spop (v2sf);
	v2, _, _ =	vpop (xrf0)  }
0x85: {  	(v2sf) =	vpush v2, $0xF;
	s0 =	sshll.u32 s29, $0x6;
	v1 =	vmul.f32 s22, v1  }
0x86: {  	s0 =	sshra.s32 s0, $0x2  }
0x87: {  	[tilespmem:s0+$0x0] =	vst.add.f32.msk $0xffff, v1  }
0x88: {  	v1 =	vld [tilespmem:s21+$0xA120];
	_ =	sdelay $0x3  }
0x89: {  	s30 =	spop (v2sf)  }
0x8a: {  	s0 =	sshll.u32 s30, $0x6;
	v1 =	vmul.f32 s22, v1  }
0x8b: {  	s0 =	sshra.s32 s0, $0x2  }
0x8c: {  	[tilespmem:s0+$0x0] =	vst.add.f32.msk $0xffff, v1  }
0x8d: {  	v1 =	vld [tilespmem:s21+$0xA130];
	_ =	sdelay $0x3  }
0x8e: {  	s31 =	spop (v2sf)  }
0x8f: {  	s0 =	sshll.u32 s31, $0x6;
	v1 =	vmul.f32 s22, v1  }
0x90: {  	s21 =	simm.s32 $0x400;
	s0 =	sshra.s32 s0, $0x2;
	s22 =	smov.u32 s12  }
.LBB2_4:
0x91: {  	p0 =	sne.s32 s21, $0x27000;
	[tilespmem:s0+$0x0] =	vst.add.f32.msk $0xffff, v1;
	s22 =	sadd.s32 $0x1, s22;
	s20 =	sadd.s32 $0x10, s20  }
0x92: {  	s0 =	smov.u32 s21;
	s21 =	sadd.s32 $0x400, s21;
	v1 =	vld [tilespmem:s20+$0x0];
	_ =	sdelay $0x4  }
0x93: {  	vm1 =	vlt.s32 v1, $0x9FF  }
0x94: {  	v1 =	vnsel vm1, $0x9FF, v1;
	vm1 =	vcmask $0xB10  }
0x95: {  	v2 =	vnsel vm0, $0x0, v1;
	v3 =	vsel vm15, $0x0, v1;
	v4 =	vsel vm2, $0x0, v1  }
0x96: {  	v5 =	vsel vm1, $0x0, v1;
	v6 =	vsel vm5, $0x0, v1;
	v7 =	vsel vm6, $0x0, v1;
	(xrf0) =	vadd.scan.msk.s32 $0xffff, v2  }
0x97: {  	v8 =	vsel vm8, $0x0, v1;
	v9 =	vsel vm9, $0x0, v1;
	v2 =	vsel vm7, $0x0, v1;
	(xrf0) =	vadd.scan.msk.s32 $0xffff, v3  }
0x98: {  	v10 =	vsel vm11, $0x0, v1;
	v11 =	vsel vm12, $0x0, v1;
	v3 =	vsel vm10, $0x0, v1;
	(xrf0) =	vadd.scan.msk.s32 $0xffff, v4  }
0x99: {  	v12 =	vsel vm14, $0x0, v1;
	v13 =	vsel vm3, $0x0, v1;
	v4 =	vsel vm13, $0x0, v1;
	(xrf0) =	vadd.scan.msk.s32 $0xffff, v5  }
0x9a: {  	v1 =	vsel vm4, $0x0, v1;
	(xrf0) =	vadd.scan.msk.s32 $0xffff, v6  }
0x9b: {  	(xrf0) =	vadd.scan.msk.s32 $0xffff, v7  }
0x9c: {  	v5, _, _ =	vpop (xrf0);
	(xrf0) =	vadd.scan.msk.s32 $0xffff, v2  }
0x9d: {  	(v2sf) =	vpush v5, $0xF;
	v2, _, _ =	vpop (xrf0);
	(xrf0) =	vadd.scan.msk.s32 $0xffff, v8  }
0x9e: {  	(v2sf) =	vpush v2, $0xF;
	v2, _, _ =	vpop (xrf0);
	(xrf0) =	vadd.scan.msk.s32 $0xffff, v9  }
0x9f: {  	(v2sf) =	vpush v2, $0xF;
	v2, _, _ =	vpop (xrf0);
	(xrf0) =	vadd.scan.msk.s32 $0xffff, v3  }
0xa0: {  	(v2sf) =	vpush v2, $0xF;
	v2, _, _ =	vpop (xrf0);
	(xrf0) =	vadd.scan.msk.s32 $0xffff, v10  }
0xa1: {  	(v2sf) =	vpush v2, $0xF;
	v2, _, _ =	vpop (xrf0);
	(xrf0) =	vadd.scan.msk.s32 $0xffff, v11  }
0xa2: {  	(v2sf) =	vpush v2, $0xF;
	v2, _, _ =	vpop (xrf0);
	(xrf0) =	vadd.scan.msk.s32 $0xffff, v4  }
0xa3: {  	(v2sf) =	vpush v2, $0xF;
	v2, _, _ =	vpop (xrf0);
	(xrf0) =	vadd.scan.msk.s32 $0xffff, v12  }
0xa4: {  	(v2sf) =	vpush v2, $0xF;
	v2, _, _ =	vpop (xrf0);
	(xrf0) =	vadd.scan.msk.s32 $0xffff, v13  }
0xa5: {  	(v2sf) =	vpush v2, $0xF;
	v2, _, _ =	vpop (xrf0);
	(xrf0) =	vadd.scan.msk.s32 $0xffff, v1  }
0xa6: {  	(v2sf) =	vpush v2, $0xF;
	v1, _, _ =	vpop (xrf0)  }
0xa7: {  	s23 =	sshra.s32 s0, $0x2;
	(v2sf) =	vpush v1, $0xF;
	v1, _, _ =	vpop (xrf0)  }
0xa8: {  	v2 =	vld [tilespmem:s23+$0xA040];
	(v2sf) =	vpush v1, $0xF;
	v1, _, _ =	vpop (xrf0)  }
0xa9: {  	(v2sf) =	vpush v1, $0xF;
	v1, _, _ =	vpop (xrf0)  }
0xaa: {  	(v2sf) =	vpush v1, $0xF;
	v1, _, _ =	vpop (xrf0)  }
0xab: {  	s24 =	simm.f32 $1.000000000e+00;
	p1 =	slt.u32 s22, s3;
	(v2sf) =	vpush v1, $0xF;
	v1, _, _ =	vpop (xrf0)  }
0xac: {  	s24 =	simm.s32 @!p1 $0x0;
	s0 =	spop (v2sf);
	(v2sf) =	vpush v1, $0xF  }
0xad: {  	v1 =	vmul.f32 s24, v2;
	s0 =	sshll.u32 s0, $0x6;
	s1 =	spop (v2sf)  }
0xae: {  	s0 =	sshra.s32 s0, $0x2;
	s1 =	sshll.u32 s1, $0x6;
	s2 =	spop (v2sf)  }
0xaf: {  	[tilespmem:s0+$0x0] =	vst.add.f32.msk $0xffff, v1;
	s8 =	sshll.u32 s2, $0x6;
	s0 =	spop (v2sf)  }
0xb0: {  	v1 =	vld [tilespmem:s23+$0xA050];
	s9 =	sshll.u32 s0, $0x6;
	s0 =	spop (v2sf)  }
0xb1: {  	s7 =	sshll.u32 s0, $0x6;
	s0 =	spop (v2sf)  }
0xb2: {  	s6 =	sshll.u32 s0, $0x6;
	s0 =	spop (v2sf)  }
0xb3: {  	s5 =	sshll.u32 s0, $0x6;
	s0 =	spop (v2sf)  }
0xb4: {  	s2 =	sshll.u32 s0, $0x6;
	s0 =	spop (v2sf)  }
0xb5: {  	v1 =	vmul.f32 s24, v1;
	s0 =	sshll.u32 s0, $0x6;
	s25 =	spop (v2sf)  }
0xb6: {  	s26 =	sshra.s32 s1, $0x2;
	s1 =	sshll.u32 s25, $0x6;
	s25 =	spop (v2sf)  }
0xb7: {  	[tilespmem:s26+$0x0] =	vst.add.f32.msk $0xffff, v1;
	s31 =	sshll.u32 s25, $0x6;
	s25 =	spop (v2sf)  }
0xb8: {  	v1 =	vld [tilespmem:s23+$0xA060];
	s30 =	sshll.u32 s25, $0x6;
	s25 =	spop (v2sf)  }
0xb9: {  	s29 =	sshll.u32 s25, $0x6;
	s25 =	spop (v2sf)  }
0xba: {  	s28 =	sshll.u32 s25, $0x6;
	s25 =	spop (v2sf)  }
0xbb: {  	s26 =	sshll.u32 s25, $0x6;
	s25 =	spop (v2sf)  }
0xbc: {  	s25 =	sshll.u32 s25, $0x6  }
0xbd: {  	v1 =	vmul.f32 s24, v1  }
0xbe: {  	s8 =	sshra.s32 s8, $0x2  }
0xbf: {  	[tilespmem:s8+$0x0] =	vst.add.f32.msk $0xffff, v1  }
0xc0: {  	v1 =	vld [tilespmem:s23+$0xA070];
	_ =	sdelay $0x4  }
0xc1: {  	v1 =	vmul.f32 s24, v1  }
0xc2: {  	s8 =	sshra.s32 s9, $0x2  }
0xc3: {  	[tilespmem:s8+$0x0] =	vst.add.f32.msk $0xffff, v1  }
0xc4: {  	v1 =	vld [tilespmem:s23+$0xA080];
	_ =	sdelay $0x4  }
0xc5: {  	v1 =	vmul.f32 s24, v1  }
0xc6: {  	s7 =	sshra.s32 s7, $0x2  }
0xc7: {  	[tilespmem:s7+$0x0] =	vst.add.f32.msk $0xffff, v1  }
0xc8: {  	v1 =	vld [tilespmem:s23+$0xA090];
	_ =	sdelay $0x4  }
0xc9: {  	v1 =	vmul.f32 s24, v1  }
0xca: {  	s6 =	sshra.s32 s6, $0x2  }
0xcb: {  	[tilespmem:s6+$0x0] =	vst.add.f32.msk $0xffff, v1  }
0xcc: {  	v1 =	vld [tilespmem:s23+$0xA0A0];
	_ =	sdelay $0x4  }
0xcd: {  	v1 =	vmul.f32 s24, v1  }
0xce: {  	s5 =	sshra.s32 s5, $0x2  }
0xcf: {  	[tilespmem:s5+$0x0] =	vst.add.f32.msk $0xffff, v1  }
0xd0: {  	v1 =	vld [tilespmem:s23+$0xA0B0];
	_ =	sdelay $0x4  }
0xd1: {  	v1 =	vmul.f32 s24, v1  }
0xd2: {  	s2 =	sshra.s32 s2, $0x2  }
0xd3: {  	[tilespmem:s2+$0x0] =	vst.add.f32.msk $0xffff, v1  }
0xd4: {  	v1 =	vld [tilespmem:s23+$0xA0C0];
	_ =	sdelay $0x4  }
0xd5: {  	v1 =	vmul.f32 s24, v1  }
0xd6: {  	s0 =	sshra.s32 s0, $0x2  }
0xd7: {  	[tilespmem:s0+$0x0] =	vst.add.f32.msk $0xffff, v1  }
0xd8: {  	v1 =	vld [tilespmem:s23+$0xA0D0];
	_ =	sdelay $0x4  }
0xd9: {  	v1 =	vmul.f32 s24, v1  }
0xda: {  	s0 =	sshra.s32 s1, $0x2  }
0xdb: {  	[tilespmem:s0+$0x0] =	vst.add.f32.msk $0xffff, v1  }
0xdc: {  	v1 =	vld [tilespmem:s23+$0xA0E0];
	_ =	sdelay $0x4  }
0xdd: {  	v1 =	vmul.f32 s24, v1  }
0xde: {  	s0 =	sshra.s32 s31, $0x2  }
0xdf: {  	[tilespmem:s0+$0x0] =	vst.add.f32.msk $0xffff, v1  }
0xe0: {  	v1 =	vld [tilespmem:s23+$0xA0F0];
	_ =	sdelay $0x4  }
0xe1: {  	v1 =	vmul.f32 s24, v1  }
0xe2: {  	s0 =	sshra.s32 s30, $0x2  }
0xe3: {  	[tilespmem:s0+$0x0] =	vst.add.f32.msk $0xffff, v1  }
0xe4: {  	v1 =	vld [tilespmem:s23+$0xA100];
	_ =	sdelay $0x4  }
0xe5: {  	v1 =	vmul.f32 s24, v1  }
0xe6: {  	s0 =	sshra.s32 s29, $0x2  }
0xe7: {  	[tilespmem:s0+$0x0] =	vst.add.f32.msk $0xffff, v1  }
0xe8: {  	v1 =	vld [tilespmem:s23+$0xA110];
	_ =	sdelay $0x4  }
0xe9: {  	v1 =	vmul.f32 s24, v1  }
0xea: {  	s0 =	sshra.s32 s28, $0x2  }
0xeb: {  	[tilespmem:s0+$0x0] =	vst.add.f32.msk $0xffff, v1  }
0xec: {  	v1 =	vld [tilespmem:s23+$0xA120];
	_ =	sdelay $0x4  }
0xed: {  	v1 =	vmul.f32 s24, v1  }
0xee: {  	s0 =	sshra.s32 s26, $0x2  }
0xef: {  	[tilespmem:s0+$0x0] =	vst.add.f32.msk $0xffff, v1  }
0xf0: {  	v1 =	vld [tilespmem:s23+$0xA130];
	_ =	sdelay $0x1  }
.Ltmp1:
0xf1: {  	(pc) =	sbr.rel @p0 .LBB2_4-.Ltmp1, $3  }
0xf2: {  	_ =	sdelay $0x1  }
0xf3: {  	v1 =	vmul.f32 s24, v1  }
0xf4: {  	s0 =	sshra.s32 s25, $0x2  }
0xf5: {  	[tilespmem:s0+$0x0] =	vst.add.f32.msk $0xffff, v1;
	s29 =	simm.s32 $0x0;
	s20 =	simm.s32 $0x13D80;
	s1 =	rddreg [dreg:$0x5]  }
0xf6: {  	[tilespmem:s20], [sflag:$0x1] =	stream.linear.gather [hbm4b:s1+s29], $0x9D0, $0x38;
	[tilespmem:$0x14780] =	vst v63  }
0xf7: {  	_ =	swait.ge [sflag:s17], $0x9D0  }
0xf8: {  	[sflag:s17] =	ssyncset.done $0x0  }
0xf9: {  	s30 =	rddreg [dreg:$0x6];
	[sflag:s17] =	ssyncadd.s32 $0xFFFFF630  }
0xfa: {  	[tilespmem:s18], [sflag:$0x1] =	stream.linear.gather [hbm4b:s30+s29], $0x9D00, $0x38;
	[tilespmem:$0x14780] =	vst v63  }
0xfb: {  	_ =	swait.ge [sflag:s17], $0x9D00  }
0xfc: {  	[sflag:s17] =	ssyncset.done $0x0  }
0xfd: {  	[sflag:s17] =	ssyncadd.s32 $0xFFFF6300  }
0xfe: {  	v1 =	vld [tilespmem:s20+$0x0];
	_ =	sdelay $0x4  }
0xff: {  	vm1 =	vlt.s32 v1, $0x9FF  }
0x100: {  	v1 =	vnsel vm1, $0x9FF, v1  }
0x101: {  	v2 =	vnsel vm0, $0x0, v1  }
0x102: {  	(xrf0) =	vadd.scan.msk.s32 $0xffff, v2;
	_ =	sdelay $0x5  }
0x103: {  	v2, _, _ =	vpop (xrf0)  }
0x104: {  	v3 =	vsel vm15, $0x0, v1;
	(v2sf) =	vpush v2, $0xF  }
0x105: {  	(xrf0) =	vadd.scan.msk.s32 $0xffff, v3;
	_ =	sdelay $0x5  }
0x106: {  	v2, _, _ =	vpop (xrf0)  }
0x107: {  	v3 =	vsel vm2, $0x0, v1;
	(v2sf) =	vpush v2, $0xF  }
0x108: {  	(xrf0) =	vadd.scan.msk.s32 $0xffff, v3  }
0x109: {  	s21 =	simm.s32 $0x0  }
0x10a: {  	v2 =	vld [tilespmem:s21+$0xA040];
	_ =	sdelay $0x1  }
0x10b: {  	p0 =	slt.u32 s15, s3;
	s22 =	simm.f32 $1.000000000e+00  }
0x10c: {  	p1 =	sge.u32 s15, s4;
	s22 =	simm.s32 @!p0 $0x0  }
0x10d: {  	s22 =	simm.s32 @!p1 $0x0;
	vm15 =	vcmask $0xB10;
	v3, _, _ =	vpop (xrf0);
	s31 =	spop (v2sf)  }
0x10e: {  	v4 =	vsel vm15, $0x0, v1;
	v2 =	vmul.f32 s22, v2;
	(v2sf) =	vpush v3, $0xF;
	s0 =	sshll.u32 s31, $0x6  }
0x10f: {  	(xrf0) =	vadd.scan.msk.s32 $0xffff, v4;
	s0 =	sshra.s32 s0, $0x2  }
0x110: {  	[tilespmem:s0+$0x0] =	vst.add.f32.msk $0xffff, v2  }
0x111: {  	v2 =	vld [tilespmem:s21+$0xA050];
	_ =	sdelay $0x3  }
0x112: {  	v3, _, _ =	vpop (xrf0);
	s1 =	spop (v2sf)  }
0x113: {  	v53 =	vsel vm5, $0x0, v1;
	(v2sf) =	vpush v3, $0xF;
	s0 =	sshll.u32 s1, $0x6;
	v2 =	vmul.f32 s22, v2  }
0x114: {  	(xrf0) =	vadd.scan.msk.s32 $0xffff, v53;
	s0 =	sshra.s32 s0, $0x2  }
0x115: {  	[tilespmem:s0+$0x0] =	vst.add.f32.msk $0xffff, v2  }
0x116: {  	v2 =	vld [tilespmem:s21+$0xA060];
	_ =	sdelay $0x3  }
0x117: {  	v3, _, _ =	vpop (xrf0);
	s2 =	spop (v2sf)  }
0x118: {  	v54 =	vsel vm6, $0x0, v1;
	(v2sf) =	vpush v3, $0xF;
	s0 =	sshll.u32 s2, $0x6;
	v2 =	vmul.f32 s22, v2  }
0x119: {  	(xrf0) =	vadd.scan.msk.s32 $0xffff, v54;
	s0 =	sshra.s32 s0, $0x2  }
0x11a: {  	[tilespmem:s0+$0x0] =	vst.add.f32.msk $0xffff, v2  }
0x11b: {  	v2 =	vld [tilespmem:s21+$0xA070];
	_ =	sdelay $0x3  }
0x11c: {  	v3, _, _ =	vpop (xrf0);
	s5 =	spop (v2sf)  }
0x11d: {  	v55 =	vsel vm7, $0x0, v1;
	(v2sf) =	vpush v3, $0xF;
	s0 =	sshll.u32 s5, $0x6;
	v2 =	vmul.f32 s22, v2  }
0x11e: {  	(xrf0) =	vadd.scan.msk.s32 $0xffff, v55;
	s0 =	sshra.s32 s0, $0x2  }
0x11f: {  	[tilespmem:s0+$0x0] =	vst.add.f32.msk $0xffff, v2  }
0x120: {  	v2 =	vld [tilespmem:s21+$0xA080];
	_ =	sdelay $0x3  }
0x121: {  	v3, _, _ =	vpop (xrf0);
	s6 =	spop (v2sf)  }
0x122: {  	v56 =	vsel vm8, $0x0, v1;
	(v2sf) =	vpush v3, $0xF;
	s0 =	sshll.u32 s6, $0x6;
	v2 =	vmul.f32 s22, v2  }
0x123: {  	(xrf0) =	vadd.scan.msk.s32 $0xffff, v56;
	s0 =	sshra.s32 s0, $0x2  }
0x124: {  	[tilespmem:s0+$0x0] =	vst.add.f32.msk $0xffff, v2  }
0x125: {  	v2 =	vld [tilespmem:s21+$0xA090];
	_ =	sdelay $0x3  }
0x126: {  	v3, _, _ =	vpop (xrf0);
	s7 =	spop (v2sf)  }
0x127: {  	v57 =	vsel vm9, $0x0, v1;
	(v2sf) =	vpush v3, $0xF;
	s0 =	sshll.u32 s7, $0x6;
	v2 =	vmul.f32 s22, v2  }
0x128: {  	(xrf0) =	vadd.scan.msk.s32 $0xffff, v57;
	s0 =	sshra.s32 s0, $0x2  }
0x129: {  	[tilespmem:s0+$0x0] =	vst.add.f32.msk $0xffff, v2  }
0x12a: {  	v2 =	vld [tilespmem:s21+$0xA0A0];
	_ =	sdelay $0x3  }
0x12b: {  	v3, _, _ =	vpop (xrf0);
	s8 =	spop (v2sf)  }
0x12c: {  	v58 =	vsel vm10, $0x0, v1;
	(v2sf) =	vpush v3, $0xF;
	s0 =	sshll.u32 s8, $0x6;
	v2 =	vmul.f32 s22, v2  }
0x12d: {  	(xrf0) =	vadd.scan.msk.s32 $0xffff, v58;
	s0 =	sshra.s32 s0, $0x2  }
0x12e: {  	[tilespmem:s0+$0x0] =	vst.add.f32.msk $0xffff, v2  }
0x12f: {  	v2 =	vld [tilespmem:s21+$0xA0B0];
	_ =	sdelay $0x3  }
0x130: {  	v3, _, _ =	vpop (xrf0);
	s9 =	spop (v2sf)  }
0x131: {  	v59 =	vsel vm11, $0x0, v1;
	(v2sf) =	vpush v3, $0xF;
	s0 =	sshll.u32 s9, $0x6;
	v2 =	vmul.f32 s22, v2  }
0x132: {  	(xrf0) =	vadd.scan.msk.s32 $0xffff, v59;
	s0 =	sshra.s32 s0, $0x2  }
0x133: {  	[tilespmem:s0+$0x0] =	vst.add.f32.msk $0xffff, v2  }
0x134: {  	v2 =	vld [tilespmem:s21+$0xA0C0];
	_ =	sdelay $0x3  }
0x135: {  	v3, _, _ =	vpop (xrf0);
	s23 =	spop (v2sf)  }
0x136: {  	v60 =	vsel vm12, $0x0, v1;
	(v2sf) =	vpush v3, $0xF;
	s0 =	sshll.u32 s23, $0x6;
	v2 =	vmul.f32 s22, v2  }
0x137: {  	(xrf0) =	vadd.scan.msk.s32 $0xffff, v60;
	s0 =	sshra.s32 s0, $0x2  }
0x138: {  	[tilespmem:s0+$0x0] =	vst.add.f32.msk $0xffff, v2  }
0x139: {  	v2 =	vld [tilespmem:s21+$0xA0D0];
	_ =	sdelay $0x3  }
0x13a: {  	v3, _, _ =	vpop (xrf0);
	s24 =	spop (v2sf)  }
0x13b: {  	v61 =	vsel vm13, $0x0, v1;
	(v2sf) =	vpush v3, $0xF;
	s0 =	sshll.u32 s24, $0x6;
	v2 =	vmul.f32 s22, v2  }
0x13c: {  	(xrf0) =	vadd.scan.msk.s32 $0xffff, v61;
	s0 =	sshra.s32 s0, $0x2  }
0x13d: {  	[tilespmem:s0+$0x0] =	vst.add.f32.msk $0xffff, v2  }
0x13e: {  	v2 =	vld [tilespmem:s21+$0xA0E0];
	_ =	sdelay $0x3  }
0x13f: {  	v3, _, _ =	vpop (xrf0);
	s25 =	spop (v2sf)  }
0x140: {  	v62 =	vsel vm14, $0x0, v1;
	(v2sf) =	vpush v3, $0xF;
	s0 =	sshll.u32 s25, $0x6;
	v2 =	vmul.f32 s22, v2  }
0x141: {  	(xrf0) =	vadd.scan.msk.s32 $0xffff, v62;
	s0 =	sshra.s32 s0, $0x2  }
0x142: {  	[tilespmem:s0+$0x0] =	vst.add.f32.msk $0xffff, v2  }
0x143: {  	v2 =	vld [tilespmem:s21+$0xA0F0];
	_ =	sdelay $0x3  }
0x144: {  	v3, _, _ =	vpop (xrf0);
	s26 =	spop (v2sf)  }
0x145: {  	v63 =	vsel vm3, $0x0, v1;
	(v2sf) =	vpush v3, $0xF;
	s0 =	sshll.u32 s26, $0x6;
	v2 =	vmul.f32 s22, v2  }
0x146: {  	(xrf0) =	vadd.scan.msk.s32 $0xffff, v63;
	s0 =	sshra.s32 s0, $0x2  }
0x147: {  	[tilespmem:s0+$0x0] =	vst.add.f32.msk $0xffff, v2  }
0x148: {  	v2 =	vld [tilespmem:s21+$0xA100];
	_ =	sdelay $0x3  }
0x149: {  	v1 =	vsel vm4, $0x0, v1;
	v3, _, _ =	vpop (xrf0);
	s28 =	spop (v2sf)  }
0x14a: {  	(xrf0) =	vadd.scan.msk.s32 $0xffff, v1;
	(v2sf) =	vpush v3, $0xF;
	s0 =	sshll.u32 s28, $0x6;
	v1 =	vmul.f32 s22, v2  }
0x14b: {  	s0 =	sshra.s32 s0, $0x2  }
0x14c: {  	[tilespmem:s0+$0x0] =	vst.add.f32.msk $0xffff, v1  }
0x14d: {  	v1 =	vld [tilespmem:s21+$0xA110];
	_ =	sdelay $0x3  }
0x14e: {  	s29 =	spop (v2sf);
	v2, _, _ =	vpop (xrf0)  }
0x14f: {  	(v2sf) =	vpush v2, $0xF;
	s0 =	sshll.u32 s29, $0x6;
	v1 =	vmul.f32 s22, v1  }
0x150: {  	s0 =	sshra.s32 s0, $0x2  }
0x151: {  	[tilespmem:s0+$0x0] =	vst.add.f32.msk $0xffff, v1  }
0x152: {  	v1 =	vld [tilespmem:s21+$0xA120];
	_ =	sdelay $0x3  }
0x153: {  	s30 =	spop (v2sf)  }
0x154: {  	s0 =	sshll.u32 s30, $0x6;
	v1 =	vmul.f32 s22, v1  }
0x155: {  	s0 =	sshra.s32 s0, $0x2  }
0x156: {  	[tilespmem:s0+$0x0] =	vst.add.f32.msk $0xffff, v1  }
0x157: {  	v1 =	vld [tilespmem:s21+$0xA130];
	_ =	sdelay $0x3  }
0x158: {  	s31 =	spop (v2sf)  }
0x159: {  	s0 =	sshll.u32 s31, $0x6;
	v1 =	vmul.f32 s22, v1  }
0x15a: {  	s21 =	simm.s32 $0x400;
	s0 =	sshra.s32 s0, $0x2;
	s22 =	smov.u32 s15  }
.LBB2_6:
0x15b: {  	p0 =	sne.s32 s21, $0x27000;
	[tilespmem:s0+$0x0] =	vst.add.f32.msk $0xffff, v1;
	s22 =	sadd.s32 $0x1, s22;
	s20 =	sadd.s32 $0x10, s20  }
0x15c: {  	s0 =	smov.u32 s21;
	s21 =	sadd.s32 $0x400, s21;
	v1 =	vld [tilespmem:s20+$0x0];
	_ =	sdelay $0x4  }
0x15d: {  	vm1 =	vlt.s32 v1, $0x9FF  }
0x15e: {  	v1 =	vnsel vm1, $0x9FF, v1;
	vm1 =	vcmask $0x308  }
0x15f: {  	v2 =	vnsel vm0, $0x0, v1;
	v3 =	vsel vm1, $0x0, v1;
	v4 =	vsel vm2, $0x0, v1  }
0x160: {  	v5 =	vsel vm15, $0x0, v1;
	v6 =	vsel vm5, $0x0, v1;
	v7 =	vsel vm6, $0x0, v1;
	(xrf0) =	vadd.scan.msk.s32 $0xffff, v2  }
0x161: {  	v8 =	vsel vm8, $0x0, v1;
	v9 =	vsel vm9, $0x0, v1;
	v2 =	vsel vm7, $0x0, v1;
	(xrf0) =	vadd.scan.msk.s32 $0xffff, v3  }
0x162: {  	v10 =	vsel vm11, $0x0, v1;
	v11 =	vsel vm12, $0x0, v1;
	v3 =	vsel vm10, $0x0, v1;
	(xrf0) =	vadd.scan.msk.s32 $0xffff, v4  }
0x163: {  	v12 =	vsel vm14, $0x0, v1;
	v13 =	vsel vm3, $0x0, v1;
	v4 =	vsel vm13, $0x0, v1;
	(xrf0) =	vadd.scan.msk.s32 $0xffff, v5  }
0x164: {  	v1 =	vsel vm4, $0x0, v1;
	(xrf0) =	vadd.scan.msk.s32 $0xffff, v6  }
0x165: {  	(xrf0) =	vadd.scan.msk.s32 $0xffff, v7  }
0x166: {  	v5, _, _ =	vpop (xrf0);
	(xrf0) =	vadd.scan.msk.s32 $0xffff, v2  }
0x167: {  	(v2sf) =	vpush v5, $0xF;
	v2, _, _ =	vpop (xrf0);
	(xrf0) =	vadd.scan.msk.s32 $0xffff, v8  }
0x168: {  	(v2sf) =	vpush v2, $0xF;
	v2, _, _ =	vpop (xrf0);
	(xrf0) =	vadd.scan.msk.s32 $0xffff, v9  }
0x169: {  	(v2sf) =	vpush v2, $0xF;
	v2, _, _ =	vpop (xrf0);
	(xrf0) =	vadd.scan.msk.s32 $0xffff, v3  }
0x16a: {  	(v2sf) =	vpush v2, $0xF;
	v2, _, _ =	vpop (xrf0);
	(xrf0) =	vadd.scan.msk.s32 $0xffff, v10  }
0x16b: {  	(v2sf) =	vpush v2, $0xF;
	v2, _, _ =	vpop (xrf0);
	(xrf0) =	vadd.scan.msk.s32 $0xffff, v11  }
0x16c: {  	(v2sf) =	vpush v2, $0xF;
	v2, _, _ =	vpop (xrf0);
	(xrf0) =	vadd.scan.msk.s32 $0xffff, v4  }
0x16d: {  	(v2sf) =	vpush v2, $0xF;
	v2, _, _ =	vpop (xrf0);
	(xrf0) =	vadd.scan.msk.s32 $0xffff, v12  }
0x16e: {  	(v2sf) =	vpush v2, $0xF;
	v2, _, _ =	vpop (xrf0);
	(xrf0) =	vadd.scan.msk.s32 $0xffff, v13  }
0x16f: {  	(v2sf) =	vpush v2, $0xF;
	v2, _, _ =	vpop (xrf0);
	(xrf0) =	vadd.scan.msk.s32 $0xffff, v1  }
0x170: {  	(v2sf) =	vpush v2, $0xF;
	v1, _, _ =	vpop (xrf0)  }
0x171: {  	s23 =	sshra.s32 s0, $0x2;
	(v2sf) =	vpush v1, $0xF;
	v1, _, _ =	vpop (xrf0)  }
0x172: {  	v2 =	vld [tilespmem:s23+$0xA040];
	(v2sf) =	vpush v1, $0xF;
	v1, _, _ =	vpop (xrf0)  }
0x173: {  	(v2sf) =	vpush v1, $0xF;
	v1, _, _ =	vpop (xrf0)  }
0x174: {  	s24 =	simm.f32 $1.000000000e+00;
	p1 =	slt.u32 s22, s3;
	(v2sf) =	vpush v1, $0xF;
	v1, _, _ =	vpop (xrf0)  }
0x175: {  	p2 =	sge.u32 s22, s4;
	s24 =	simm.s32 @!p1 $0x0;
	(v2sf) =	vpush v1, $0xF;
	v1, _, _ =	vpop (xrf0)  }
0x176: {  	s24 =	simm.s32 @!p2 $0x0;
	s0 =	spop (v2sf);
	(v2sf) =	vpush v1, $0xF  }
0x177: {  	v1 =	vmul.f32 s24, v2;
	s0 =	sshll.u32 s0, $0x6;
	s1 =	spop (v2sf)  }
0x178: {  	s0 =	sshra.s32 s0, $0x2;
	s1 =	sshll.u32 s1, $0x6;
	s2 =	spop (v2sf)  }
0x179: {  	[tilespmem:s0+$0x0] =	vst.add.f32.msk $0xffff, v1;
	s8 =	sshll.u32 s2, $0x6;
	s0 =	spop (v2sf)  }
0x17a: {  	v1 =	vld [tilespmem:s23+$0xA050];
	s9 =	sshll.u32 s0, $0x6;
	s0 =	spop (v2sf)  }
0x17b: {  	s7 =	sshll.u32 s0, $0x6;
	s0 =	spop (v2sf)  }
0x17c: {  	s6 =	sshll.u32 s0, $0x6;
	s0 =	spop (v2sf)  }
0x17d: {  	s5 =	sshll.u32 s0, $0x6;
	s0 =	spop (v2sf)  }
0x17e: {  	s2 =	sshll.u32 s0, $0x6;
	s0 =	spop (v2sf)  }
0x17f: {  	v1 =	vmul.f32 s24, v1;
	s0 =	sshll.u32 s0, $0x6;
	s25 =	spop (v2sf)  }
0x180: {  	s26 =	sshra.s32 s1, $0x2;
	s1 =	sshll.u32 s25, $0x6;
	s25 =	spop (v2sf)  }
0x181: {  	[tilespmem:s26+$0x0] =	vst.add.f32.msk $0xffff, v1;
	s31 =	sshll.u32 s25, $0x6;
	s25 =	spop (v2sf)  }
0x182: {  	v1 =	vld [tilespmem:s23+$0xA060];
	s30 =	sshll.u32 s25, $0x6;
	s25 =	spop (v2sf)  }
0x183: {  	s29 =	sshll.u32 s25, $0x6;
	s25 =	spop (v2sf)  }
0x184: {  	s28 =	sshll.u32 s25, $0x6;
	s25 =	spop (v2sf)  }
0x185: {  	s26 =	sshll.u32 s25, $0x6;
	s25 =	spop (v2sf)  }
0x186: {  	s25 =	sshll.u32 s25, $0x6  }
0x187: {  	v1 =	vmul.f32 s24, v1  }
0x188: {  	s8 =	sshra.s32 s8, $0x2  }
0x189: {  	[tilespmem:s8+$0x0] =	vst.add.f32.msk $0xffff, v1  }
0x18a: {  	v1 =	vld [tilespmem:s23+$0xA070];
	_ =	sdelay $0x4  }
0x18b: {  	v1 =	vmul.f32 s24, v1  }
0x18c: {  	s8 =	sshra.s32 s9, $0x2  }
0x18d: {  	[tilespmem:s8+$0x0] =	vst.add.f32.msk $0xffff, v1  }
0x18e: {  	v1 =	vld [tilespmem:s23+$0xA080];
	_ =	sdelay $0x4  }
0x18f: {  	v1 =	vmul.f32 s24, v1  }
0x190: {  	s7 =	sshra.s32 s7, $0x2  }
0x191: {  	[tilespmem:s7+$0x0] =	vst.add.f32.msk $0xffff, v1  }
0x192: {  	v1 =	vld [tilespmem:s23+$0xA090];
	_ =	sdelay $0x4  }
0x193: {  	v1 =	vmul.f32 s24, v1  }
0x194: {  	s6 =	sshra.s32 s6, $0x2  }
0x195: {  	[tilespmem:s6+$0x0] =	vst.add.f32.msk $0xffff, v1  }
0x196: {  	v1 =	vld [tilespmem:s23+$0xA0A0];
	_ =	sdelay $0x4  }
0x197: {  	v1 =	vmul.f32 s24, v1  }
0x198: {  	s5 =	sshra.s32 s5, $0x2  }
0x199: {  	[tilespmem:s5+$0x0] =	vst.add.f32.msk $0xffff, v1  }
0x19a: {  	v1 =	vld [tilespmem:s23+$0xA0B0];
	_ =	sdelay $0x4  }
0x19b: {  	v1 =	vmul.f32 s24, v1  }
0x19c: {  	s2 =	sshra.s32 s2, $0x2  }
0x19d: {  	[tilespmem:s2+$0x0] =	vst.add.f32.msk $0xffff, v1  }
0x19e: {  	v1 =	vld [tilespmem:s23+$0xA0C0];
	_ =	sdelay $0x4  }
0x19f: {  	v1 =	vmul.f32 s24, v1  }
0x1a0: {  	s0 =	sshra.s32 s0, $0x2  }
0x1a1: {  	[tilespmem:s0+$0x0] =	vst.add.f32.msk $0xffff, v1  }
0x1a2: {  	v1 =	vld [tilespmem:s23+$0xA0D0];
	_ =	sdelay $0x4  }
0x1a3: {  	v1 =	vmul.f32 s24, v1  }
0x1a4: {  	s0 =	sshra.s32 s1, $0x2  }
0x1a5: {  	[tilespmem:s0+$0x0] =	vst.add.f32.msk $0xffff, v1  }
0x1a6: {  	v1 =	vld [tilespmem:s23+$0xA0E0];
	_ =	sdelay $0x4  }
0x1a7: {  	v1 =	vmul.f32 s24, v1  }
0x1a8: {  	s0 =	sshra.s32 s31, $0x2  }
0x1a9: {  	[tilespmem:s0+$0x0] =	vst.add.f32.msk $0xffff, v1  }
0x1aa: {  	v1 =	vld [tilespmem:s23+$0xA0F0];
	_ =	sdelay $0x4  }
0x1ab: {  	v1 =	vmul.f32 s24, v1  }
0x1ac: {  	s0 =	sshra.s32 s30, $0x2  }
0x1ad: {  	[tilespmem:s0+$0x0] =	vst.add.f32.msk $0xffff, v1  }
0x1ae: {  	v1 =	vld [tilespmem:s23+$0xA100];
	_ =	sdelay $0x4  }
0x1af: {  	v1 =	vmul.f32 s24, v1  }
0x1b0: {  	s0 =	sshra.s32 s29, $0x2  }
0x1b1: {  	[tilespmem:s0+$0x0] =	vst.add.f32.msk $0xffff, v1  }
0x1b2: {  	v1 =	vld [tilespmem:s23+$0xA110];
	_ =	sdelay $0x4  }
0x1b3: {  	v1 =	vmul.f32 s24, v1  }
0x1b4: {  	s0 =	sshra.s32 s28, $0x2  }
0x1b5: {  	[tilespmem:s0+$0x0] =	vst.add.f32.msk $0xffff, v1  }
0x1b6: {  	v1 =	vld [tilespmem:s23+$0xA120];
	_ =	sdelay $0x4  }
0x1b7: {  	v1 =	vmul.f32 s24, v1  }
0x1b8: {  	s0 =	sshra.s32 s26, $0x2  }
0x1b9: {  	[tilespmem:s0+$0x0] =	vst.add.f32.msk $0xffff, v1  }
0x1ba: {  	v1 =	vld [tilespmem:s23+$0xA130];
	_ =	sdelay $0x1  }
.Ltmp2:
0x1bb: {  	(pc) =	sbr.rel @p0 .LBB2_6-.Ltmp2, $3  }
0x1bc: {  	_ =	sdelay $0x1  }
0x1bd: {  	v1 =	vmul.f32 s24, v1  }
0x1be: {  	s0 =	sshra.s32 s25, $0x2  }
0x1bf: {  	[tilespmem:s0+$0x0] =	vst.add.f32.msk $0xffff, v1;
	s1 =	simm.s32 $0x0;
	s31 =	rddreg [dreg:$0x7]  }
0x1c0: {  	[hbm4b:s31+s1] =	stream.linear.scatter [tilespmem:s1], [sflag:$0x1], $0xA000, $0x38;
	[tilespmem:$0x14780] =	vst v63  }
0x1c1: {  	_ =	swait.ge [sflag:s17], $0xA000  }
0x1c2: {  	[sflag:s17] =	ssyncset.done $0x0  }
0x1c3: {  	s0 =	simm.s32 $0x50;
	[sflag:s17] =	ssyncadd.s32 $0xFFFF6000  }
0x1c4: {  	[tilespmem:s0+$0xFFFFFFC0] =	vst v0  }
0x1c5: {  	[tilespmem:s0+$0xFFFFFFD0] =	vst v0  }
0x1c6: {  	[tilespmem:s0+$0xFFFFFFE0] =	vst v0  }
0x1c7: {  	[tilespmem:s0+$0xFFFFFFF0] =	vst v0  }
0x1c8: {  	[tilespmem:s0+$0x0] =	vst v0  }
0x1c9: {  	[tilespmem:s0+$0x10] =	vst v0  }
0x1ca: {  	[tilespmem:s0+$0x20] =	vst v0  }
0x1cb: {  	s2 =	sand.u32 $0x7FE0, s1;
	s1 =	simm.s32 $0xA0;
	[tilespmem:s0+$0xFFFFFFB0] =	vst v0  }
.LBB2_8:
0x1cc: {  	p0 =	sne.s32 s1, $0x3F20;
	[tilespmem:s2+$0x80] =	vst v0  }
0x1cd: {  	[tilespmem:s0+$0x40] =	vst v0;
	s0 =	sadd.s32 $0xA0, s0  }
0x1ce: {  	[tilespmem:s0+$0xFFFFFFC0] =	vst v0  }
0x1cf: {  	[tilespmem:s0+$0xFFFFFFD0] =	vst v0  }
0x1d0: {  	[tilespmem:s0+$0xFFFFFFE0] =	vst v0  }
.Ltmp3:
0x1d1: {  	[tilespmem:s0+$0xFFFFFFF0] =	vst v0;
	(pc) =	sbr.rel @p0 .LBB2_8-.Ltmp3, $4  }
0x1d2: {  	[tilespmem:s0+$0x0] =	vst v0  }
0x1d3: {  	[tilespmem:s0+$0x10] =	vst v0  }
0x1d4: {  	[tilespmem:s0+$0x20] =	vst v0  }
0x1d5: {  	s2 =	sand.u32 $0x7FE0, s1;
	s1 =	sadd.s32 $0xA0, s1;
	[tilespmem:s0+$0xFFFFFFB0] =	vst v0  }
0x1d6: {  	[tilespmem:s2+$0x80] =	vst v0  }
0x1d7: {  	s29 =	simm.s32 $0x0;
	s20 =	simm.s32 $0x13D80;
	[tilespmem:s0+$0x40] =	vst v0  }
0x1d8: {  	[tilespmem:s20], [sflag:$0x1] =	stream.linear.gather [hbm4b:s10+s29], $0x4F0, $0x38;
	[tilespmem:$0x14780] =	vst v63  }
0x1d9: {  	_ =	swait.ge [sflag:s17], $0x4F0  }
0x1da: {  	[sflag:s17] =	ssyncset.done $0x0  }
0x1db: {  	[sflag:s17] =	ssyncadd.s32 $0xFFFFFB10  }
0x1dc: {  	[tilespmem:s18], [sflag:$0x1] =	stream.linear.gather [hbm4b:s11+s29], $0x4F00, $0x38;
	[tilespmem:$0x14780] =	vst v63  }
0x1dd: {  	_ =	swait.ge [sflag:s17], $0x4F00  }
0x1de: {  	[sflag:s17] =	ssyncset.done $0x0  }
0x1df: {  	[sflag:s17] =	ssyncadd.s32 $0xFFFFB100  }
0x1e0: {  	v1 =	vld [tilespmem:s20+$0x0];
	_ =	sdelay $0x4  }
0x1e1: {  	vm1 =	vlt.s32 v1, $0x3FF  }
0x1e2: {  	v1 =	vnsel vm1, $0x3FF, v1  }
0x1e3: {  	v2 =	vnsel vm0, $0x0, v1  }
0x1e4: {  	(xrf0) =	vadd.scan.msk.s32 $0xffff, v2;
	_ =	sdelay $0x5  }
0x1e5: {  	vm1 =	vcmask $0x308;
	v2, _, _ =	vpop (xrf0)  }
0x1e6: {  	v3 =	vsel vm1, $0x0, v1;
	(v2sf) =	vpush v2, $0xF  }
0x1e7: {  	(xrf0) =	vadd.scan.msk.s32 $0xffff, v3;
	_ =	sdelay $0x5  }
0x1e8: {  	v2, _, _ =	vpop (xrf0)  }
0x1e9: {  	v3 =	vsel vm2, $0x0, v1;
	(v2sf) =	vpush v2, $0xF  }
0x1ea: {  	(xrf0) =	vadd.scan.msk.s32 $0xffff, v3  }
0x1eb: {  	s21 =	simm.s32 $0x0  }
0x1ec: {  	v2 =	vld [tilespmem:s21+$0xA040];
	_ =	sdelay $0x1  }
0x1ed: {  	s30 =	rddreg [dreg:$0x2]  }
0x1ee: {  	s22 =	simm.f32 $1.000000000e+00;
	p0 =	slt.u32 s16, s30  }
0x1ef: {  	s22 =	simm.s32 @!p0 $0x0;
	v3, _, _ =	vpop (xrf0);
	s31 =	spop (v2sf)  }
0x1f0: {  	v4 =	vsel vm15, $0x0, v1;
	v2 =	vmul.f32 s22, v2;
	(v2sf) =	vpush v3, $0xF;
	s0 =	sshll.u32 s31, $0x6  }
0x1f1: {  	(xrf0) =	vadd.scan.msk.s32 $0xffff, v4;
	s0 =	sshra.s32 s0, $0x2  }
0x1f2: {  	[tilespmem:s0+$0x0] =	vst.add.f32.msk $0xffff, v2  }
0x1f3: {  	v2 =	vld [tilespmem:s21+$0xA050];
	_ =	sdelay $0x3  }
0x1f4: {  	v3, _, _ =	vpop (xrf0);
	s1 =	spop (v2sf)  }
0x1f5: {  	v53 =	vsel vm5, $0x0, v1;
	(v2sf) =	vpush v3, $0xF;
	s0 =	sshll.u32 s1, $0x6;
	v2 =	vmul.f32 s22, v2  }
0x1f6: {  	(xrf0) =	vadd.scan.msk.s32 $0xffff, v53;
	s0 =	sshra.s32 s0, $0x2  }
0x1f7: {  	[tilespmem:s0+$0x0] =	vst.add.f32.msk $0xffff, v2  }
0x1f8: {  	v2 =	vld [tilespmem:s21+$0xA060];
	_ =	sdelay $0x3  }
0x1f9: {  	v3, _, _ =	vpop (xrf0);
	s2 =	spop (v2sf)  }
0x1fa: {  	v54 =	vsel vm6, $0x0, v1;
	(v2sf) =	vpush v3, $0xF;
	s0 =	sshll.u32 s2, $0x6;
	v2 =	vmul.f32 s22, v2  }
0x1fb: {  	(xrf0) =	vadd.scan.msk.s32 $0xffff, v54;
	s0 =	sshra.s32 s0, $0x2  }
0x1fc: {  	[tilespmem:s0+$0x0] =	vst.add.f32.msk $0xffff, v2  }
0x1fd: {  	v2 =	vld [tilespmem:s21+$0xA070];
	_ =	sdelay $0x3  }
0x1fe: {  	v3, _, _ =	vpop (xrf0);
	s5 =	spop (v2sf)  }
0x1ff: {  	v55 =	vsel vm7, $0x0, v1;
	(v2sf) =	vpush v3, $0xF;
	s0 =	sshll.u32 s5, $0x6;
	v2 =	vmul.f32 s22, v2  }
0x200: {  	(xrf0) =	vadd.scan.msk.s32 $0xffff, v55;
	s0 =	sshra.s32 s0, $0x2  }
0x201: {  	[tilespmem:s0+$0x0] =	vst.add.f32.msk $0xffff, v2  }
0x202: {  	v2 =	vld [tilespmem:s21+$0xA080];
	_ =	sdelay $0x3  }
0x203: {  	v3, _, _ =	vpop (xrf0);
	s6 =	spop (v2sf)  }
0x204: {  	v56 =	vsel vm8, $0x0, v1;
	(v2sf) =	vpush v3, $0xF;
	s0 =	sshll.u32 s6, $0x6;
	v2 =	vmul.f32 s22, v2  }
0x205: {  	(xrf0) =	vadd.scan.msk.s32 $0xffff, v56;
	s0 =	sshra.s32 s0, $0x2  }
0x206: {  	[tilespmem:s0+$0x0] =	vst.add.f32.msk $0xffff, v2  }
0x207: {  	v2 =	vld [tilespmem:s21+$0xA090];
	_ =	sdelay $0x3  }
0x208: {  	v3, _, _ =	vpop (xrf0);
	s7 =	spop (v2sf)  }
0x209: {  	v57 =	vsel vm9, $0x0, v1;
	(v2sf) =	vpush v3, $0xF;
	s0 =	sshll.u32 s7, $0x6;
	v2 =	vmul.f32 s22, v2  }
0x20a: {  	(xrf0) =	vadd.scan.msk.s32 $0xffff, v57;
	s0 =	sshra.s32 s0, $0x2  }
0x20b: {  	[tilespmem:s0+$0x0] =	vst.add.f32.msk $0xffff, v2  }
0x20c: {  	v2 =	vld [tilespmem:s21+$0xA0A0];
	_ =	sdelay $0x3  }
0x20d: {  	v3, _, _ =	vpop (xrf0);
	s8 =	spop (v2sf)  }
0x20e: {  	v58 =	vsel vm10, $0x0, v1;
	(v2sf) =	vpush v3, $0xF;
	s0 =	sshll.u32 s8, $0x6;
	v2 =	vmul.f32 s22, v2  }
0x20f: {  	(xrf0) =	vadd.scan.msk.s32 $0xffff, v58;
	s0 =	sshra.s32 s0, $0x2  }
0x210: {  	[tilespmem:s0+$0x0] =	vst.add.f32.msk $0xffff, v2  }
0x211: {  	v2 =	vld [tilespmem:s21+$0xA0B0];
	_ =	sdelay $0x3  }
0x212: {  	v3, _, _ =	vpop (xrf0);
	s9 =	spop (v2sf)  }
0x213: {  	v59 =	vsel vm11, $0x0, v1;
	(v2sf) =	vpush v3, $0xF;
	s0 =	sshll.u32 s9, $0x6;
	v2 =	vmul.f32 s22, v2  }
0x214: {  	(xrf0) =	vadd.scan.msk.s32 $0xffff, v59;
	s0 =	sshra.s32 s0, $0x2  }
0x215: {  	[tilespmem:s0+$0x0] =	vst.add.f32.msk $0xffff, v2  }
0x216: {  	v2 =	vld [tilespmem:s21+$0xA0C0];
	_ =	sdelay $0x3  }
0x217: {  	v3, _, _ =	vpop (xrf0);
	s23 =	spop (v2sf)  }
0x218: {  	v60 =	vsel vm12, $0x0, v1;
	(v2sf) =	vpush v3, $0xF;
	s0 =	sshll.u32 s23, $0x6;
	v2 =	vmul.f32 s22, v2  }
0x219: {  	(xrf0) =	vadd.scan.msk.s32 $0xffff, v60;
	s0 =	sshra.s32 s0, $0x2  }
0x21a: {  	[tilespmem:s0+$0x0] =	vst.add.f32.msk $0xffff, v2  }
0x21b: {  	v2 =	vld [tilespmem:s21+$0xA0D0];
	_ =	sdelay $0x3  }
0x21c: {  	v3, _, _ =	vpop (xrf0);
	s24 =	spop (v2sf)  }
0x21d: {  	v61 =	vsel vm13, $0x0, v1;
	(v2sf) =	vpush v3, $0xF;
	s0 =	sshll.u32 s24, $0x6;
	v2 =	vmul.f32 s22, v2  }
0x21e: {  	(xrf0) =	vadd.scan.msk.s32 $0xffff, v61;
	s0 =	sshra.s32 s0, $0x2  }
0x21f: {  	[tilespmem:s0+$0x0] =	vst.add.f32.msk $0xffff, v2  }
0x220: {  	v2 =	vld [tilespmem:s21+$0xA0E0];
	_ =	sdelay $0x3  }
0x221: {  	v3, _, _ =	vpop (xrf0);
	s25 =	spop (v2sf)  }
0x222: {  	v62 =	vsel vm14, $0x0, v1;
	(v2sf) =	vpush v3, $0xF;
	s0 =	sshll.u32 s25, $0x6;
	v2 =	vmul.f32 s22, v2  }
0x223: {  	(xrf0) =	vadd.scan.msk.s32 $0xffff, v62;
	s0 =	sshra.s32 s0, $0x2  }
0x224: {  	[tilespmem:s0+$0x0] =	vst.add.f32.msk $0xffff, v2  }
0x225: {  	v2 =	vld [tilespmem:s21+$0xA0F0];
	_ =	sdelay $0x3  }
0x226: {  	v3, _, _ =	vpop (xrf0);
	s26 =	spop (v2sf)  }
0x227: {  	v63 =	vsel vm3, $0x0, v1;
	(v2sf) =	vpush v3, $0xF;
	s0 =	sshll.u32 s26, $0x6;
	v2 =	vmul.f32 s22, v2  }
0x228: {  	(xrf0) =	vadd.scan.msk.s32 $0xffff, v63;
	s0 =	sshra.s32 s0, $0x2  }
0x229: {  	[tilespmem:s0+$0x0] =	vst.add.f32.msk $0xffff, v2  }
0x22a: {  	v2 =	vld [tilespmem:s21+$0xA100];
	_ =	sdelay $0x3  }
0x22b: {  	v1 =	vsel vm4, $0x0, v1;
	v3, _, _ =	vpop (xrf0);
	s28 =	spop (v2sf)  }
0x22c: {  	(xrf0) =	vadd.scan.msk.s32 $0xffff, v1;
	(v2sf) =	vpush v3, $0xF;
	s0 =	sshll.u32 s28, $0x6;
	v1 =	vmul.f32 s22, v2  }
0x22d: {  	s0 =	sshra.s32 s0, $0x2  }
0x22e: {  	[tilespmem:s0+$0x0] =	vst.add.f32.msk $0xffff, v1  }
0x22f: {  	v1 =	vld [tilespmem:s21+$0xA110];
	_ =	sdelay $0x2  }
0x230: {  	v2, _, _ =	vpop (xrf0)  }
0x231: {  	s29 =	spop (v2sf);
	(v2sf) =	vpush v2, $0xF  }
0x232: {  	s0 =	sshll.u32 s29, $0x6;
	v1 =	vmul.f32 s22, v1  }
0x233: {  	s0 =	sshra.s32 s0, $0x2  }
0x234: {  	[tilespmem:s0+$0x0] =	vst.add.f32.msk $0xffff, v1  }
0x235: {  	v1 =	vld [tilespmem:s21+$0xA120];
	_ =	sdelay $0x3  }
0x236: {  	s30 =	spop (v2sf)  }
0x237: {  	s0 =	sshll.u32 s30, $0x6;
	v1 =	vmul.f32 s22, v1  }
0x238: {  	s0 =	sshra.s32 s0, $0x2  }
0x239: {  	[tilespmem:s0+$0x0] =	vst.add.f32.msk $0xffff, v1  }
0x23a: {  	v1 =	vld [tilespmem:s21+$0xA130];
	_ =	sdelay $0x2  }
0x23b: {  	s31 =	spop (v2sf)  }
0x23c: {  	s0 =	sshll.u32 s31, $0x6  }
0x23d: {  	s21 =	simm.s32 $0x400;
	s0 =	sshra.s32 s0, $0x2;
	v1 =	vmul.f32 s22, v1;
	s22 =	smov.u32 s16  }
.LBB2_10:
0x23e: {  	_ = 	snop  }
0x23f: {  	s20 =	sadd.s32 $0x10, s20;
	[tilespmem:s0+$0x0] =	vst.add.f32.msk $0xffff, v1  }
0x240: {  	v1 =	vld [tilespmem:s20+$0x0];
	_ =	sdelay $0x4  }
0x241: {  	vm1 =	vlt.s32 v1, $0x3FF  }
0x242: {  	v1 =	vnsel vm1, $0x3FF, v1  }
0x243: {  	v2 =	vnsel vm0, $0x0, v1  }
0x244: {  	vm1 =	vcmask $0x308;
	(xrf0) =	vadd.scan.msk.s32 $0xffff, v2  }
0x245: {  	v3 =	vsel vm1, $0x0, v1  }
0x246: {  	v4 =	vsel vm2, $0x0, v1;
	(xrf0) =	vadd.scan.msk.s32 $0xffff, v3  }
0x247: {  	v5 =	vsel vm15, $0x0, v1;
	(xrf0) =	vadd.scan.msk.s32 $0xffff, v4  }
0x248: {  	v6 =	vsel vm5, $0x0, v1;
	(xrf0) =	vadd.scan.msk.s32 $0xffff, v5  }
0x249: {  	v7 =	vsel vm6, $0x0, v1;
	v2 =	vsel vm7, $0x0, v1;
	(xrf0) =	vadd.scan.msk.s32 $0xffff, v6  }
0x24a: {  	(xrf0) =	vadd.scan.msk.s32 $0xffff, v7;
	v63, _, _ =	vpop (xrf0)  }
0x24b: {  	v8 =	vsel vm8, $0x0, v1;
	(xrf0) =	vadd.scan.msk.s32 $0xffff, v2;
	(v2sf) =	vpush v63, $0xF  }
0x24c: {  	v9 =	vsel vm9, $0x0, v1;
	v2, _, _ =	vpop (xrf0);
	(xrf0) =	vadd.scan.msk.s32 $0xffff, v8  }
0x24d: {  	v3 =	vsel vm10, $0x0, v1;
	(v2sf) =	vpush v2, $0xF;
	v2, _, _ =	vpop (xrf0);
	(xrf0) =	vadd.scan.msk.s32 $0xffff, v9  }
0x24e: {  	v10 =	vsel vm11, $0x0, v1;
	(v2sf) =	vpush v2, $0xF;
	v2, _, _ =	vpop (xrf0);
	(xrf0) =	vadd.scan.msk.s32 $0xffff, v3  }
0x24f: {  	v11 =	vsel vm12, $0x0, v1;
	(v2sf) =	vpush v2, $0xF;
	v2, _, _ =	vpop (xrf0);
	(xrf0) =	vadd.scan.msk.s32 $0xffff, v10  }
0x250: {  	v62 =	vsel vm13, $0x0, v1;
	(v2sf) =	vpush v2, $0xF;
	v2, _, _ =	vpop (xrf0);
	(xrf0) =	vadd.scan.msk.s32 $0xffff, v11  }
0x251: {  	v12 =	vsel vm14, $0x0, v1;
	(v2sf) =	vpush v2, $0xF;
	v2, _, _ =	vpop (xrf0);
	(xrf0) =	vadd.scan.msk.s32 $0xffff, v62  }
0x252: {  	v13 =	vsel vm3, $0x0, v1;
	v1 =	vsel vm4, $0x0, v1;
	(v2sf) =	vpush v2, $0xF;
	v2, _, _ =	vpop (xrf0);
	(xrf0) =	vadd.scan.msk.s32 $0xffff, v12  }
0x253: {  	(v2sf) =	vpush v2, $0xF;
	v2, _, _ =	vpop (xrf0);
	(xrf0) =	vadd.scan.msk.s32 $0xffff, v13  }
0x254: {  	s30 =	smov.u32 s21;
	(v2sf) =	vpush v2, $0xF;
	v2, _, _ =	vpop (xrf0);
	(xrf0) =	vadd.scan.msk.s32 $0xffff, v1  }
0x255: {  	s23 =	sshra.s32 s30, $0x2;
	(v2sf) =	vpush v2, $0xF;
	v1, _, _ =	vpop (xrf0)  }
0x256: {  	v2 =	vld [tilespmem:s23+$0xA040];
	(v2sf) =	vpush v1, $0xF;
	v1, _, _ =	vpop (xrf0)  }
0x257: {  	(v2sf) =	vpush v1, $0xF;
	v1, _, _ =	vpop (xrf0)  }
0x258: {  	s22 =	sadd.s32 $0x1, s22;
	s31 =	rddreg [dreg:$0x2];
	(v2sf) =	vpush v1, $0xF;
	v1, _, _ =	vpop (xrf0)  }
0x259: {  	s24 =	simm.f32 $1.000000000e+00;
	p1 =	slt.u32 s22, s31;
	(v2sf) =	vpush v1, $0xF;
	v1, _, _ =	vpop (xrf0)  }
0x25a: {  	s24 =	simm.s32 @!p1 $0x0;
	(v2sf) =	vpush v1, $0xF;
	v1, _, _ =	vpop (xrf0);
	s1 =	spop (v2sf)  }
0x25b: {  	(v2sf) =	vpush v1, $0xF;
	v1 =	vmul.f32 s24, v2;
	s0 =	sshll.u32 s1, $0x6  }
0x25c: {  	s0 =	sshra.s32 s0, $0x2  }
0x25d: {  	s1 =	spop (v2sf);
	[tilespmem:s0+$0x0] =	vst.add.f32.msk $0xffff, v1  }
0x25e: {  	s2 =	spop (v2sf);
	v1 =	vld [tilespmem:s23+$0xA050]  }
0x25f: {  	s8 =	sshll.u32 s2, $0x6;
	s2 =	spop (v2sf)  }
0x260: {  	s5 =	spop (v2sf)  }
0x261: {  	s6 =	spop (v2sf)  }
0x262: {  	s25 =	spop (v2sf)  }
0x263: {  	s1 =	sshll.u32 s1, $0x6;
	s26 =	spop (v2sf);
	v1 =	vmul.f32 s24, v1  }
0x264: {  	s9 =	sshll.u32 s2, $0x6;
	s2 =	sshll.u32 s26, $0x6;
	s26 =	sshra.s32 s1, $0x2  }
0x265: {  	[tilespmem:s26+$0x0] =	vst.add.f32.msk $0xffff, v1  }
0x266: {  	v1 =	vld [tilespmem:s23+$0xA060];
	_ =	sdelay $0x4  }
0x267: {  	v1 =	vmul.f32 s24, v1  }
0x268: {  	s8 =	sshra.s32 s8, $0x2  }
0x269: {  	[tilespmem:s8+$0x0] =	vst.add.f32.msk $0xffff, v1  }
0x26a: {  	v1 =	vld [tilespmem:s23+$0xA070];
	_ =	sdelay $0x4  }
0x26b: {  	v1 =	vmul.f32 s24, v1  }
0x26c: {  	s9 =	sshra.s32 s9, $0x2  }
0x26d: {  	[tilespmem:s9+$0x0] =	vst.add.f32.msk $0xffff, v1  }
0x26e: {  	v1 =	vld [tilespmem:s23+$0xA080];
	_ =	sdelay $0x4  }
0x26f: {  	s7 =	sshll.u32 s5, $0x6;
	v1 =	vmul.f32 s24, v1  }
0x270: {  	s7 =	sshra.s32 s7, $0x2  }
0x271: {  	[tilespmem:s7+$0x0] =	vst.add.f32.msk $0xffff, v1  }
0x272: {  	v1 =	vld [tilespmem:s23+$0xA090];
	_ =	sdelay $0x4  }
0x273: {  	s6 =	sshll.u32 s6, $0x6;
	v1 =	vmul.f32 s24, v1  }
0x274: {  	s6 =	sshra.s32 s6, $0x2  }
0x275: {  	[tilespmem:s6+$0x0] =	vst.add.f32.msk $0xffff, v1  }
0x276: {  	v1 =	vld [tilespmem:s23+$0xA0A0];
	_ =	sdelay $0x4  }
0x277: {  	s5 =	sshll.u32 s25, $0x6;
	v1 =	vmul.f32 s24, v1  }
0x278: {  	s5 =	sshra.s32 s5, $0x2  }
0x279: {  	[tilespmem:s5+$0x0] =	vst.add.f32.msk $0xffff, v1  }
0x27a: {  	v1 =	vld [tilespmem:s23+$0xA0B0];
	_ =	sdelay $0x4  }
0x27b: {  	v1 =	vmul.f32 s24, v1  }
0x27c: {  	s2 =	sshra.s32 s2, $0x2  }
0x27d: {  	[tilespmem:s2+$0x0] =	vst.add.f32.msk $0xffff, v1  }
0x27e: {  	v1 =	vld [tilespmem:s23+$0xA0C0];
	_ =	sdelay $0x3  }
0x27f: {  	s28 =	spop (v2sf)  }
0x280: {  	s0 =	sshll.u32 s28, $0x6;
	v1 =	vmul.f32 s24, v1  }
0x281: {  	s0 =	sshra.s32 s0, $0x2  }
0x282: {  	[tilespmem:s0+$0x0] =	vst.add.f32.msk $0xffff, v1  }
0x283: {  	v1 =	vld [tilespmem:s23+$0xA0D0];
	_ =	sdelay $0x3  }
0x284: {  	s25 =	spop (v2sf)  }
0x285: {  	s1 =	sshll.u32 s25, $0x6;
	v1 =	vmul.f32 s24, v1  }
0x286: {  	s7 =	sshra.s32 s1, $0x2  }
0x287: {  	[tilespmem:s7+$0x0] =	vst.add.f32.msk $0xffff, v1  }
0x288: {  	v1 =	vld [tilespmem:s23+$0xA0E0];
	_ =	sdelay $0x3  }
0x289: {  	s29 =	spop (v2sf)  }
0x28a: {  	s31 =	sshll.u32 s29, $0x6;
	v1 =	vmul.f32 s24, v1  }
0x28b: {  	s8 =	sshra.s32 s31, $0x2  }
0x28c: {  	[tilespmem:s8+$0x0] =	vst.add.f32.msk $0xffff, v1  }
0x28d: {  	v1 =	vld [tilespmem:s23+$0xA0F0];
	_ =	sdelay $0x3  }
0x28e: {  	s30 =	spop (v2sf)  }
0x28f: {  	s30 =	sshll.u32 s30, $0x6;
	v1 =	vmul.f32 s24, v1  }
0x290: {  	s9 =	sshra.s32 s30, $0x2  }
0x291: {  	[tilespmem:s9+$0x0] =	vst.add.f32.msk $0xffff, v1  }
0x292: {  	v1 =	vld [tilespmem:s23+$0xA100];
	_ =	sdelay $0x3  }
0x293: {  	s26 =	spop (v2sf)  }
0x294: {  	s29 =	sshll.u32 s26, $0x6;
	v1 =	vmul.f32 s24, v1  }
0x295: {  	s29 =	sshra.s32 s29, $0x2  }
0x296: {  	[tilespmem:s29+$0x0] =	vst.add.f32.msk $0xffff, v1  }
0x297: {  	v1 =	vld [tilespmem:s23+$0xA110];
	_ =	sdelay $0x3  }
0x298: {  	s28 =	spop (v2sf)  }
0x299: {  	s28 =	sshll.u32 s28, $0x6;
	v1 =	vmul.f32 s24, v1  }
0x29a: {  	s30 =	sshra.s32 s28, $0x2  }
0x29b: {  	[tilespmem:s30+$0x0] =	vst.add.f32.msk $0xffff, v1  }
0x29c: {  	v1 =	vld [tilespmem:s23+$0xA120];
	_ =	sdelay $0x3  }
0x29d: {  	s26 =	spop (v2sf)  }
0x29e: {  	s26 =	sshll.u32 s26, $0x6;
	v1 =	vmul.f32 s24, v1  }
0x29f: {  	s31 =	sshra.s32 s26, $0x2  }
0x2a0: {  	[tilespmem:s31+$0x0] =	vst.add.f32.msk $0xffff, v1  }
0x2a1: {  	p0 =	sne.s32 s21, $0x13800;
	v1 =	vld [tilespmem:s23+$0xA130]  }
.Ltmp4:
0x2a2: {  	_ = 	snop;
	(pc) =	sbr.rel @p0 .LBB2_10-.Ltmp4, $4  }
0x2a3: {  	_ = 	snop  }
0x2a4: {  	s25 =	spop (v2sf)  }
0x2a5: {  	s25 =	sshll.u32 s25, $0x6  }
0x2a6: {  	s21 =	sadd.s32 $0x400, s21;
	s0 =	sshra.s32 s25, $0x2;
	v1 =	vmul.f32 s24, v1  }
0x2a7: {  	s19 =	sadd.s32 $0x1, s19  }
0x2a8: {  	p0 =	sne.s32 s19, s14  }
.Ltmp5:
0x2a9: {  	s20 =	simm.s32 $0x0;
	[tilespmem:s0+$0x0] =	vst.add.f32.msk $0xffff, v1;
	(pc) =	sbr.rel @p0 .LBB2_1-.Ltmp5, $4  }
0x2aa: {  	[hbm4b:s13+s20] =	stream.linear.scatter [tilespmem:s20], [sflag:$0x1], $0x4000, $0x38;
	[tilespmem:$0x14780] =	vst v63  }
0x2ab: {  	_ =	swait.ge [sflag:s17], $0x4000  }
0x2ac: {  	[sflag:s17] =	ssyncset.done $0x0  }
0x2ad: {  	[sflag:s17] =	ssyncadd.s32 $0xFFFFC000  }
0x2ae: {  	_ =	sfence.sel $0x180000  }
0x2af: {  	[bflag:$0x0] =	sbarrier.arrive $0xFFFF  }
0x2b0: {  	_ =	strace $0x9000004A  }
0x2b1: {  	s0 =	stileid.u32;
	[bflag:$0x2] =	sbarrier.arrive $0xFFFF  }
0x2b2: {  	p0 =	sne.s32 s0, $0x0;
	s0 =	rddreg [dreg:$0x1]  }
0x2b3: {  	s0 =	sadd.s32 @!p0 $0x100000, s0  }
0x2b4: {  	[sflag:s0] =	ssyncadd.tile.s32 @!p0 $0x1;
	_ =	shalt  }
.Lfunc_end2:
_tile_overlayer_lowered:
.L_overlay_start_2:
0x2b5: {  	(tag) =	ssettag $0x2  }
0x2b6: {  	s0 =	rddreg [dreg:$0x0];
	s2 =	stileid.u32  }
0x2b7: {  	s1 =	rddreg [dreg:$0x1];
	p0 =	sne.s32 s2, $0x0  }
0x2b8: {  	s3 =	rddreg [dreg:$0x2];
	[bflag:$0x3] =	sbarrier.arrive $0xFFFF;
	s2 =	simm.s32 @!p0 $0x1C01  }
0x2b9: {  	[timem:s3], [sflag:s2] =	dma.local @!p0 [hbm:s0], s1  }
0x2ba: {  	s0 =	simm.s32 @!p0 $0x1  }
0x2bb: {  	_ =	swait.ge @!p0 [sflag:s0], s1  }
0x2bc: {  	s1 =	ssub.s32 @!p0 $0x0, s1;
	[sflag:s0] =	ssyncset.done @!p0 $0x0  }
0x2bd: {  	[sflag:s0] =	ssyncadd.s32 @!p0 s1  }
0x2be: {  	[bflag:$0x3] =	sbarrier.arrive $0xFFFF  }
0x2bf: {  	_ =	shalt  }

// kernel: kernel.9.cloned.1.call-start
scs
__scs_entry_jumppad:
0x0: {  	(pc) =	sbr.rel $0x88, $3  }
0x1: {  	(tag) =	ssettag $0x0;
	lr =	simm.s32 $0x1  }
0x2: {  	[smem:$0x3F94] =	sst lr;
	_ =	strace $0xD0000000  }
0x3: {  	_ = 	snop  }
0x4: {  	_ = 	snop  }
0x5: {  	_ = 	snop  }
0x6: {  	_ = 	snop  }
0x7: {  	_ = 	snop  }
__scs_overlays_trampoline_lowered:
0x8: {  	[smem:$0x3FA3] =	sst s0  }
0x9: {  	[smem:$0x3FA4] =	sst s1  }
0xa: {  	[smem:$0x3FA5] =	sst s2  }
0xb: {  	[smem:$0x3FA6] =	sst s3  }
0xc: {  	[smem:$0x3FA7] =	sst s4  }
0xd: {  	[smem:$0x3FA8] =	sst s5  }
0xe: {  	[smem:$0x3FA9] =	sst s6  }
0xf: {  	[smem:$0x3FAA] =	sst s7  }
0x10: {  	[smem:$0x3FAB] =	sst s8  }
0x11: {  	[smem:$0x3FAC] =	sst s9;
	s0 =	simm.s32 @!p0 $0x0  }
0x12: {  	s1 =	sld [smem:$0x3F92];
	s0 =	simm.s32 @p0 $0x1  }
0x13: {  	[smem:$0x3FAD] =	sst s0;
	s0 =	simm.s32 @!p1 $0x0  }
0x14: {  	s2 =	sld [smem:$0x3F91];
	s0 =	simm.s32 @p1 $0x1  }
0x15: {  	[smem:$0x3FAE] =	sst s0;
	s0 =	simm.s32 @!p2 $0x0  }
0x16: {  	s3 =	sld [smem:$0x3FDB];
	s0 =	simm.s32 @p2 $0x1  }
0x17: {  	s4 =	simm.s32 $0x1BF5;
	[smem:$0x3FB0] =	sst s0  }
0x18: {  	s0 =	sld [smem:$0x3F93];
	_ =	swait.ge [sflag:s4], $0x0  }
0x19: {  	s7 =	sld [smem:$0x3F94]  }
0x1a: {  	s8 =	sadd.s32 $0xFFFFE003, lr  }
0x1b: {  	s9 =	sadd.s32 $0xFFFFFEF7, lr;
	s5 =	simm.s32 $0xFFFFFFFF;
	p2 =	slt.u32 s8, $0xFFFFF086  }
0x1c: {  	p1 =	slt.u32 s9, $0xF7A;
	s5 =	simm.s32 @!p2 $0x0  }
0x1d: {  	s5 =	simm.s32 @p1 $0x1;
	p0 =	seq.s32 s7, s2  }
0x1e: {  	s7 =	smul.u32 @!p0 $0xF7A, s2;
	p2 =	seq.s32 @!p0 s5, $0x0  }
0x1f: {  	s9 =	smul.u32 $0xF7A, s1;
	s8 =	simm.s32 @!p0 $0x1BF5;
	p2 =	por !p2, p0  }
0x20: {  	[sflag:s8] =	ssyncset.s32 @!p0 $0xFFFFF086;
	s6 =	sadd.s32 @!p0 s3, s7;
	s7 =	simm.s32 @!p0 $0x108  }
0x21: {  	s3 =	sadd.s32 s3, s9;
	s6 =	sadd.s32 @!p0 $0x88, s6;
	s7 =	simm.s32 @p2 $0x1082  }
0x22: {  	[simem:s7], [sflag:s8] =	dma.local @!p0 [hbm:s6], $0xF7A  }
0x23: {  	s9 =	sor.u32 $0xD0000000, s2;
	s6 =	simm.s32 $0x108;
	_ =	swait.ge @!p0 [sflag:s8], $0x0  }
0x24: {  	s3 =	sadd.s32 $0x88, s3;
	s6 =	simm.s32 @!p1 $0x1082;
	[sflag:s4] =	ssyncset.s32 $0xFFFFF086  }
0x25: {  	[simem:s6], [sflag:s4] =	dma.local [hbm:s3], $0xF7A  }
0x26: {  	[smem:$0x3F94] =	sst s1;
	(tag) =	ssettag s2;
	_ =	strace s9  }
0x27: {  	s1 =	sld [smem:$0x3FA4]  }
0x28: {  	s2 =	sld [smem:$0x3FA5]  }
0x29: {  	s4 =	sld [smem:$0x3FA7]  }
0x2a: {  	p0 =	seq.s32 s5, $0x0;
	s5 =	sld [smem:$0x3FA8]  }
0x2b: {  	s6 =	sld [smem:$0x3FA9]  }
0x2c: {  	s7 =	sld [smem:$0x3FAA]  }
0x2d: {  	s3 =	simm.s32 $0x108;
	s8 =	sld [smem:$0x3FAB]  }
0x2e: {  	s3 =	simm.s32 @!p0 $0x1082;
	s9 =	sld [smem:$0x3FAC]  }
0x2f: {  	lr =	sadd.s32 s0, s3;
	s0 =	sld [smem:$0x3FA3]  }
0x30: {  	s3 =	sld [smem:$0x3FA6]  }
0x31: {  	[smem:$0x3FAF] =	sst s10  }
0x32: {  	s10 =	sld [smem:$0x3FAD];
	_ =	sdelay $0x3  }
0x33: {  	p0 =	seq.s32 s10, $0x1;
	s10 =	sld [smem:$0x3FAF];
	_ =	sdelay $0x3  }
0x34: {  	[smem:$0x3FAF] =	sst s10  }
0x35: {  	s10 =	sld [smem:$0x3FAE];
	_ =	sdelay $0x3  }
0x36: {  	p1 =	seq.s32 s10, $0x1;
	s10 =	sld [smem:$0x3FAF];
	_ =	sdelay $0x3  }
0x37: {  	[smem:$0x3FAF] =	sst s10  }
0x38: {  	s10 =	sld [smem:$0x3FB0]  }
0x39: {  	_ = 	snop;
	(pc) =	sbr.ind lr, $3  }
0x3a: {  	_ = 	snop  }
0x3b: {  	_ = 	snop  }
0x3c: {  	p2 =	seq.s32 s10, $0x1;
	s10 =	sld [smem:$0x3FAF]  }
0x3d: {  	_ =	shalt  }
0x3e: {  	_ =	shalt  }
0x3f: {  	_ =	shalt  }
0x40: {  	_ =	shalt  }
0x41: {  	_ =	shalt  }
0x42: {  	_ =	shalt  }
0x43: {  	_ =	shalt  }
0x44: {  	_ =	shalt  }
0x45: {  	_ =	shalt  }
0x46: {  	_ =	shalt  }
0x47: {  	_ =	shalt  }
0x48: {  	_ =	shalt  }
0x49: {  	_ =	shalt  }
0x4a: {  	_ =	shalt  }
0x4b: {  	_ =	shalt  }
0x4c: {  	_ =	shalt  }
0x4d: {  	_ =	shalt  }
0x4e: {  	_ =	shalt  }
0x4f: {  	_ =	shalt  }
0x50: {  	_ =	shalt  }
0x51: {  	_ =	shalt  }
0x52: {  	_ =	shalt  }
0x53: {  	_ =	shalt  }
0x54: {  	_ =	shalt  }
0x55: {  	_ =	shalt  }
0x56: {  	_ =	shalt  }
0x57: {  	_ =	shalt  }
0x58: {  	_ =	shalt  }
0x59: {  	_ =	shalt  }
0x5a: {  	_ =	shalt  }
0x5b: {  	_ =	shalt  }
0x5c: {  	_ =	shalt  }
0x5d: {  	_ =	shalt  }
0x5e: {  	_ =	shalt  }
0x5f: {  	_ =	shalt  }
0x60: {  	_ =	shalt  }
0x61: {  	_ =	shalt  }
0x62: {  	_ =	shalt  }
0x63: {  	_ =	shalt  }
0x64: {  	_ =	shalt  }
0x65: {  	_ =	shalt  }
0x66: {  	_ =	shalt  }
0x67: {  	_ =	shalt  }
0x68: {  	_ =	shalt  }
0x69: {  	_ =	shalt  }
0x6a: {  	_ =	shalt  }
0x6b: {  	_ =	shalt  }
0x6c: {  	_ =	shalt  }
0x6d: {  	_ =	shalt  }
0x6e: {  	_ =	shalt  }
0x6f: {  	_ =	shalt  }
0x70: {  	_ =	shalt  }
0x71: {  	_ =	shalt  }
0x72: {  	_ =	shalt  }
0x73: {  	_ =	shalt  }
0x74: {  	_ =	shalt  }
0x75: {  	_ =	shalt  }
0x76: {  	_ =	shalt  }
0x77: {  	_ =	shalt  }
0x78: {  	_ =	shalt  }
0x79: {  	_ =	shalt  }
0x7a: {  	_ =	shalt  }
0x7b: {  	_ =	shalt  }
0x7c: {  	_ =	shalt  }
0x7d: {  	_ =	shalt  }
0x7e: {  	_ =	shalt  }
0x7f: {  	_ =	shalt  }
0x80: {  	_ =	shalt  }
0x81: {  	_ =	shalt  }
0x82: {  	_ =	shalt  }
0x83: {  	_ =	shalt  }
0x84: {  	_ =	shalt  }
0x85: {  	_ =	shalt  }
0x86: {  	_ =	shalt  }
0x87: {  	_ =	shalt  }
.Lfunc_end0:
.L_simem_size_0:
called_computation_lowered:
.L_overlay_start_0:
0x88: {  	s2 =	sld [smem:$0x3FD9]  }
0x89: {  	s3 =	sld [smem:$0x3FFE];
	_ =	sdelay $0x1  }
0x8a: {  	s1 =	srdreg.scid  }
0x8b: {  	s0 =	sand.u32 $0x1, s1  }
0x8c: {  	s17 =	sshll.u32 s0, $0xA;
	s2 =	sadd.s32 s3, s2  }
0x8d: {  	s2 =	sadd.s32 s2, s17  }
0x8e: {  	[smem:$0x3FBB] =	sst s2  }
0x8f: {  	_ = 	snop  }
0x90: {  	s2 =	sld [smem:$0x3FD0];
	(tm) =	ssettm $0x1  }
0x91: {  	s18 =	sld [smem:$0x3FFB];
	_ =	sdelay $0x3  }
0x92: {  	_ =	strace s18  }
0x93: {  	s3 =	sld [smem:$0x3FFC];
	_ =	sdelay $0x3  }
0x94: {  	_ =	strace s3  }
0x95: {  	s3 =	sld [smem:$0x3FFD];
	_ =	sdelay $0x3  }
0x96: {  	_ =	strace s3  }
0x97: {  	_ =	strace $0x8FFFFFFF  }
0x98: {  	s19 =	sld [smem:$0x3FDB];
	_ =	sdelay $0x1  }
0x99: {  	s4 =	simm.s32 $_scs_section_size  }
0x9a: {  	s5 =	simm.s32 $_size__tile_overlayer_lowered;
	s6 =	simm.s32 $_tile_overlayer_lowered  }
0x9b: {  	s22 =	simm.s32 $0x1BFF;
	s21 =	sshll.u32 s6, $0x1;
	s3 =	sadd.s32 s4, s19  }
0x9c: {  	s7 =	simm.s32 $0x0;
	s20 =	sshll.u32 s5, $0x1;
	s5 =	sadd.s32 s21, s3  }
0x9d: {  	[timem:s7], [sflag:s22] =	dma.local [hbm:s5], s20  }
0x9e: {  	_ =	swait.ge [sflag:s22], s20  }
0x9f: {  	s4 =	ssub.s32 $0x0, s20;
	[sflag:s22] =	ssyncset.done $0x0  }
0xa0: {  	[sflag:s22] =	ssyncadd.s32 s4;
	_ =	sdelay $0x1  }
0xa1: {  	s23 =	simm.s32 $0x1B8B  }
0xa2: {  	_ =	swait.ge [sflag:s23], $0x1  }
0xa3: {  	[sflag:s23] =	ssyncset.done $0x0  }
0xa4: {  	s25 =	simm.s32 $0x1B8E;
	s24 =	sld [smem:$0x3FFE];
	[sflag:s23] =	ssyncadd.s32 $0xFFFFFFFF  }
0xa5: {  	s26 =	simm.s32 $execute0_lowered;
	[smem:$0x3FD2] =	sst s25  }
0xa6: {  	s5 =	sshll.u32 s26, $0x1;
	_ =	strace $0x80000046;
	[dreg:$0x1] =	wrdreg $0xFFFFFFFF  }
0xa7: {  	s28 =	simm.s32 $_size_execute0_lowered;
	s3 =	sadd.s32 s3, s5;
	[dreg:$0x0] =	wrdreg $0x0  }
0xa8: {  	s5 =	sshll.u32 s28, $0x1;
	[dreg:$0x2] =	wrdreg s3  }
0xa9: {  	[dreg:$0x3] =	wrdreg s5  }
0xaa: {  	[dreg:$0x4] =	wrdreg $0xC0  }
0xab: {  	_ =	task [dreg:s7], $0x5FFFF  }
0xac: {  	[dreg:$0x1] =	wrdreg $0xFFFFFFFF  }
0xad: {  	[dreg:$0x0] =	wrdreg $0x60  }
0xae: {  	[dreg:$0x2] =	wrdreg s24  }
0xaf: {  	[dreg:$0x3] =	wrdreg s2  }
0xb0: {  	[dreg:$0x4] =	wrdreg $0x6F000  }
0xb1: {  	[dreg:$0x5] =	wrdreg $0x9  }
0xb2: {  	_ =	task.clear_ibuf [dreg:s7], $0x6FFFF;
	_ =	strace $0x90000046  }
0xb3: {  	s29 =	simm.s32 $0x9;
	_ =	strace $0x80000048  }
0xb4: {  	_ =	swait.ge [sflag:s29], $0x1  }
0xb5: {  	[sflag:s29] =	ssyncadd.s32 $0xFFFFFFFF  }
0xb6: {  	_ =	strace $0x90000048  }
0xb7: {  	_ =	sfence  }
0xb8: {  	s30 =	sld [smem:$0x0];
	_ =	sdelay $0x2  }
0xb9: {  	s31 =	sshll.u32 s1, $0xD;
	s1 =	sshrl.u32 s1, $0x2  }
0xba: {  	s3 =	sand.u32 $0x4000, s31;
	s1 =	sadd.s32 s1, s30  }
0xbb: {  	s0 =	sor.u32 s3, s0;
	s1 =	sshll.u32 s1, $0x11  }
0xbc: {  	s0 =	sor.u32 s1, s0  }
0xbd: {  	s0 =	sadd.s32 $0x8F2B, s0  }
0xbe: {  	[sflag:s0] =	ssyncadd.remote.s32 $0x1  }
0xbf: {  	_ =	sfence.sel $0xFFFF  }
0xc0: {  	[dreg:$0x0] =	wrdreg $0xFFFFFFFF;
	(pc) =	sbr.abs _section_cstart, $3  }
0xc1: {  	[dreg:$0x1] =	wrdreg $0xFFFFFFFF  }
0xc2: {  	_ =	task.clear_ibuf [dreg:s7], $0x2FFFF;
	_ =	strace $0x9FFFFFFF  }
0xc3: {  	(tm) =	ssettm $0x7FFFFFFF  }
tec
execute0_lowered:
.L_overlay_start_1:
0x0: {  	(tag) =	ssettag $0x1  }
0x1: {  	s0 =	rddreg [dreg:$0x0]  }
0x2: {  	s2 =	rddreg [dreg:$0x1]  }
0x3: {  	s1 =	rddreg [dreg:$0x2]  }
0x4: {  	s3 =	simm.s32 $0x0;
	s15 =	srdreg.scid;
	s19 =	stileid.u32  }
0x5: {  	[smem:$0x7FF] =	sst s3;
	s4 =	sadd.s32 $0x1C00, s0;
	s16 =	smul.u32 $0x61D00, s19  }
0x6: {  	s5 =	sadd.s32 $0x6C00, s0;
	s6 =	sadd.s32 $0xBC00, s0;
	s9 =	smul.u32 $0x7D00, s19  }
0x7: {  	s11 =	sand.u32 $0x1, s15;
	s7 =	sadd.s32 $0xDC00, s0;
	s14 =	smul.u32 $0xFA0, s19  }
0x8: {  	s0 =	sadd.s32 $0xD1200, s0;
	s30 =	smul.u32 $0x2710, s19;
	_ =	strace $0x80000047  }
0x9: {  	s8 =	ssub.s32 $0x2, s11;
	[dreg:$0x4] =	wrdreg s11;
	s12 =	smul.u32 $0x7D000, s11  }
0xa: {  	s10 =	sshrl.u32 s8, $0x1;
	s3 =	sshrl.u32 s16, $0x2;
	s11 =	sadd.s32 $0x1900, s9  }
0xb: {  	s20 =	sadd.s32 $0x3200, s9;
	s15 =	sadd.s32 $0x4B00, s9;
	s16 =	sadd.s32 $0x6400, s9  }
0xc: {  	s24 =	sshrl.u32 s14, $0x3;
	s14 =	sadd.s32 s9, s1;
	s10 =	ssub.s32 s8, s10  }
0xd: {  	s8 =	sadd.s32 s3, s1;
	s17 =	sadd.s32 s9, s12;
	s13 =	sadd.s32 s12, s11  }
0xe: {  	s21 =	sadd.s32 s12, s20;
	s25 =	sadd.s32 s2, s24;
	s26 =	sadd.s32 s6, s24  }
0xf: {  	[dreg:$0xe] =	wrdreg s14;
	s14 =	simm.s32 $0x1;
	s3 =	sshrl.u32 s17, $0x3  }
0x10: {  	s13 =	sshrl.u32 s13, $0x3;
	s17 =	sadd.s32 s12, s15;
	[dreg:$0xa] =	wrdreg s25  }
0x11: {  	[dreg:$0xb] =	wrdreg s26;
	s25 =	sadd.s32 $0x4E40, s8;
	s26 =	sadd.s32 $0x9C80, s8  }
0x12: {  	s28 =	sadd.s32 $0xEAC0, s8;
	s29 =	sadd.s32 $0x13900, s8;
	s3 =	sadd.s32 s0, s3  }
0x13: {  	s18 =	sadd.s32 s0, s13;
	s13 =	sshrl.u32 s21, $0x3;
	[dreg:$0x5] =	wrdreg s3  }
0x14: {  	s22 =	sshrl.u32 s17, $0x3;
	s17 =	sadd.s32 s11, s1;
	[dreg:$0x6] =	wrdreg s18  }
0x15: {  	s21 =	sadd.s32 s16, s1;
	s18 =	sadd.s32 s12, s16;
	[dreg:$0xf] =	wrdreg s17  }
0x16: {  	s13 =	sadd.s32 s0, s13;
	[dreg:$0x12] =	wrdreg s21;
	s16 =	simm.s32 $0x5700  }
0x17: {  	s17 =	simm.s32 $0x7D0;
	[dreg:$0x7] =	wrdreg s13;
	s13 =	sadd.s32 s0, s22  }
0x18: {  	s23 =	sshrl.u32 s18, $0x3;
	s18 =	sadd.s32 s20, s1;
	[dreg:$0x8] =	wrdreg s13  }
0x19: {  	s20 =	sadd.s32 s15, s1;
	s22 =	smax.u32 s10, $0x1;
	[dreg:$0x10] =	wrdreg s18  }
0x1a: {  	s15 =	simm.s32 $0x4F00;
	s0 =	sadd.s32 s0, s23;
	[dreg:$0x11] =	wrdreg s20  }
0x1b: {  	s13 =	smul.u32 $0x186A0, s19;
	[dreg:$0x13] =	wrdreg s22;
	s18 =	smov.u32 s8  }
0x1c: {  	s19 =	simm.s32 $0x5F00;
	[dreg:$0x9] =	wrdreg s0;
	s0 =	sadd.s32 $0xFA, s24  }
0x1d: {  	s20 =	simm.s32 $0x6700;
	s8 =	simm.s32 $0x0;
	s2 =	sadd.s32 s2, s0  }
0x1e: {  	s0 =	sadd.s32 s6, s0;
	s23 =	sadd.s32 $0x4E20, s13;
	[dreg:$0xc] =	wrdreg s2  }
0x1f: {  	s24 =	sadd.s32 s13, s1;
	s10 =	sadd.s32 $0xEA60, s13;
	[dreg:$0xd] =	wrdreg s0  }
0x20: {  	v0 =	vmov s12;
	s31 =	smov.u32 s13;
	s11 =	sadd.s32 $0x13880, s13;
	[dreg:$0x14] =	wrdreg s24  }
0x21: {  	v0 =	vsub.s32 $0x0, v0;
	s0 =	smov.u32 s23;
	s3 =	sadd.s32 s23, s1;
	s2 =	sadd.s32 $0x9C40, s13  }
0x22: {  	v1 =	vimm.f32 $0.0e+00;
	v2 =	vimm.f32 $1.000000000e+00;
	v0 =	vbroadcast v0, $0x0;
	s12 =	sadd.s32 s10, s1;
	s13 =	sadd.s32 s11, s1;
	s9 =	sadd.s32 s2, s1  }
.LBB2_1:
0x23: {  	s22 =	simm.s32 $0x50  }
0x24: {  	[tilespmem:s22+$0xFFFFFFC0] =	vst v1  }
0x25: {  	[tilespmem:s22+$0xFFFFFFD0] =	vst v1  }
0x26: {  	[tilespmem:s22+$0xFFFFFFE0] =	vst v1  }
0x27: {  	[tilespmem:s22+$0xFFFFFFF0] =	vst v1  }
0x28: {  	[tilespmem:s22+$0x0] =	vst v1  }
0x29: {  	[tilespmem:s22+$0x10] =	vst v1  }
0x2a: {  	s6 =	simm.s32 $0x0;
	[tilespmem:s22+$0x20] =	vst v1  }
0x2b: {  	s21 =	simm.s32 $0xA0;
	[tilespmem:s22+$0xFFFFFFB0] =	vst v1;
	s6 =	sand.u32 $0x7FE0, s6  }
.LBB2_2:
0x2c: {  	p0 =	sne.s32 s21, $0x4E20;
	[tilespmem:s6+$0x80] =	vst v1  }
0x2d: {  	[tilespmem:s22+$0x40] =	vst v1;
	s22 =	sadd.s32 $0xA0, s22  }
0x2e: {  	[tilespmem:s22+$0xFFFFFFC0] =	vst v1  }
0x2f: {  	[tilespmem:s22+$0xFFFFFFD0] =	vst v1  }
0x30: {  	[tilespmem:s22+$0xFFFFFFE0] =	vst v1  }
.Ltmp0:
0x31: {  	[tilespmem:s22+$0xFFFFFFF0] =	vst v1;
	(pc) =	sbr.rel @p0 .LBB2_2-.Ltmp0, $4  }
0x32: {  	[tilespmem:s22+$0x0] =	vst v1  }
0x33: {  	[tilespmem:s22+$0x10] =	vst v1  }
0x34: {  	[tilespmem:s22+$0x20] =	vst v1  }
0x35: {  	s6 =	sand.u32 $0x7FE0, s21;
	s21 =	sadd.s32 $0xA0, s21;
	[tilespmem:s22+$0xFFFFFFB0] =	vst v1  }
0x36: {  	[tilespmem:s6+$0x80] =	vst v1  }
0x37: {  	[dreg:$0x15] =	wrdreg s8;
	s21 =	simm.s32 $0x0;
	s6 =	simm.s32 $0x0;
	[tilespmem:s22+$0x40] =	vst v1  }
.LBB2_4:
0x38: {  	p0 =	sne.s32 s6, $0x1F00  }
.Ltmp1:
0x39: {  	_ = 	snop;
	(pc) =	sbr.rel @p0 .LBB2_4-.Ltmp1, $3  }
0x3a: {  	_ =	sdelay $0x1  }
0x3b: {  	s22 =	sshra.s32 s6, $0x2  }
0x3c: {  	s6 =	sadd.s32 $0x40, s6;
	[tilespmem:s22+$0x6700] =	vst v2  }
0x3d: {  	p1 =	por $0x1, $0x1  }
.LBB2_6:
0x3e: {  	s23 =	simm.s32 $0x0  }
0x3f: {  	[spmem:s18] =	stream.linear.scatter [tilespmem:s23], [sflag:$0x1], $0x4E40, $0x38;
	[tilespmem:$0x1F640] =	vst v63  }
0x40: {  	_ =	swait.ge [sflag:s14], $0x4E40  }
0x41: {  	[sflag:s14] =	ssyncset.done $0x0  }
0x42: {  	[sflag:s14] =	ssyncadd.s32 $0xFFFFB1C0  }
0x43: {  	[spmem:s25] =	stream.linear.scatter [tilespmem:s23], [sflag:$0x1], $0x4E40, $0x38;
	[tilespmem:$0x1F640] =	vst v63  }
0x44: {  	_ =	swait.ge [sflag:s14], $0x4E40  }
0x45: {  	[sflag:s14] =	ssyncset.done $0x0  }
0x46: {  	[sflag:s14] =	ssyncadd.s32 $0xFFFFB1C0  }
0x47: {  	[spmem:s26] =	stream.linear.scatter [tilespmem:s23], [sflag:$0x1], $0x4E40, $0x38;
	[tilespmem:$0x1F640] =	vst v63  }
0x48: {  	_ =	swait.ge [sflag:s14], $0x4E40  }
0x49: {  	[sflag:s14] =	ssyncset.done $0x0  }
0x4a: {  	[sflag:s14] =	ssyncadd.s32 $0xFFFFB1C0  }
0x4b: {  	[spmem:s28] =	stream.linear.scatter [tilespmem:s23], [sflag:$0x1], $0x4E40, $0x38;
	[tilespmem:$0x1F640] =	vst v63  }
0x4c: {  	_ =	swait.ge [sflag:s14], $0x4E40  }
0x4d: {  	s6 =	rddreg [dreg:$0x4]  }
0x4e: {  	[sflag:s14] =	ssyncset.done $0x0;
	s6 =	sor.u32 s6, s21  }
0x4f: {  	[sflag:s14] =	ssyncadd.s32 $0xFFFFB1C0;
	s22 =	smul.u32 $0x186A00, s6  }
0x50: {  	[spmem:s29] =	stream.linear.scatter [tilespmem:s23], [sflag:$0x1], $0x4E40, $0x38;
	[tilespmem:$0x1F640] =	vst v63  }
0x51: {  	_ =	swait.ge [sflag:s14], $0x4E40  }
0x52: {  	[sflag:s14] =	ssyncset.done $0x0;
	v3 =	vmov s22  }
0x53: {  	[sflag:s14] =	ssyncadd.s32 $0xFFFFB1C0;
	v3 =	vsub.s32 $0x0, v3  }
0x54: {  	p0 =	por p1, p1;
	s24 =	simm.s32 $0x0;
	[bflag:$0x0] =	sbarrier.arrive $0xFFFF;
	v3 =	vbroadcast v3, $0x0  }
.LBB2_7:
0x55: {  	s6 =	smul.u32 $0x7D0, s24;
	_ =	sdelay $0x1  }
0x56: {  	s6 =	sadd.s32 s30, s6  }
0x57: {  	s6 =	sshrl.u32 s6, $0x3  }
0x58: {  	s21 =	sadd.s32 s4, s6  }
0x59: {  	[tilespmem:s15], [sflag:$0x1] =	stream.linear.gather [hbm4b:s21+s23], $0x7D0, $0x38;
	[tilespmem:$0x1F640] =	vst v63  }
0x5a: {  	_ =	swait.ge [sflag:s14], $0x7D0  }
0x5b: {  	[sflag:s14] =	ssyncset.done $0x0  }
0x5c: {  	s6 =	sadd.s32 s5, s6;
	[sflag:s14] =	ssyncadd.s32 $0xFFFFF830  }
0x5d: {  	[tilespmem:s16], [sflag:$0x1] =	stream.linear.gather [hbm4b:s6+s23], $0x7D0, $0x38;
	[tilespmem:$0x1F640] =	vst v63  }
0x5e: {  	_ =	swait.ge [sflag:s14], $0x7D0  }
0x5f: {  	[sflag:s14] =	ssyncset.done $0x0  }
0x60: {  	s21 =	simm.s32 $0x0;
	[sflag:s14] =	ssyncadd.s32 $0xFFFFF830  }
0x61: {  	v5 =	vld [tilespmem:s21+$0x5700]  }
0x62: {  	v4 =	vld [tilespmem:s21+$0x4F00];
	_ =	sdelay $0x2  }
0x63: {  	s6 =	simm.s32 $0x40  }
.LBB2_8:
0x64: {  	s8 =	sshra.s32 s6, $0x2;
	p1 =	sne.s32 s6, $0x1F00;
	s6 =	sadd.s32 $0x40, s6;
	v6 =	vmul.u32 $0x9C4, v5  }
.Ltmp2:
0x65: {  	v5 =	vld [tilespmem:s8+$0x5700];
	v7 =	vadd.s32 v3, v4;
	v8 =	vmov v4;
	(pc) =	sbr.rel @p1 .LBB2_8-.Ltmp2, $4  }
0x66: {  	v4 =	vld [tilespmem:s8+$0x4F00];
	v6 =	vadd.s32 v6, v7  }
0x67: {  	v7 =	vadd.s32 $0x186A00, v8;
	vm0 =	vlt.u32 v6, $0x186A00  }
0x68: {  	v6 =	vsel vm0, v6, v7  }
0x69: {  	[tilespmem:s21+$0x5F00] =	vst v6;
	s21 =	smov.u32 s8  }
0x6a: {  	v5 =	vmul.u32 $0x9C4, v5  }
0x6b: {  	v6 =	vadd.s32 v3, v4  }
0x6c: {  	v5 =	vadd.s32 v5, v6  }
0x6d: {  	s24 =	sadd.s32 $0x1, s24;
	v4 =	vadd.s32 $0x186A00, v4;
	vm0 =	vlt.u32 v5, $0x186A00  }
0x6e: {  	p1 =	sne.s32 s24, $0x5;
	v4 =	vsel vm0, v5, v4  }
.Ltmp3:
0x6f: {  	[tilespmem:s21+$0x5F00] =	vst v4;
	(pc) =	sbr.rel @p1 .LBB2_7-.Ltmp3, $4  }
0x70: {  	[spmem:s1] =	stream.indirect.scatter.add.f32 [tilespmem:s20], [sflag:$0x1], $0x1, s19, s17, $0xb8;
	[tilespmem:$0x1F640] =	vst v63  }
0x71: {  	_ =	swait.ge [sflag:s14], $0x7D0  }
0x72: {  	[sflag:s14] =	ssyncset.done $0x0  }
0x73: {  	[sflag:s14] =	ssyncadd.s32 $0xFFFFF830  }
0x74: {  	[bflag:$0x0] =	sbarrier.arrive $0xFFFF  }
0x75: {  	s23 =	simm.s32 $0x0;
	s6 =	rddreg [dreg:$0x14]  }
0x76: {  	[tilespmem:s23], [sflag:$0x1] =	stream.linear.gather [spmem:s6], $0x4E20, $0x38;
	[tilespmem:$0x1F640] =	vst v63  }
0x77: {  	s21 =	sadd.s32 s31, s22;
	_ =	swait.ge [sflag:s14], $0x4E20  }
0x78: {  	s6 =	sshrl.u32 s21, $0x3;
	[sflag:s14] =	ssyncset.done $0x0  }
0x79: {  	s6 =	sadd.s32 s7, s6;
	[sflag:s14] =	ssyncadd.s32 $0xFFFFB1E0  }
0x7a: {  	[hbm4b:s6+s23] =	stream.linear.scatter [tilespmem:s23], [sflag:$0x1], $0x4E20, $0x38;
	[tilespmem:$0x1F640] =	vst v63  }
0x7b: {  	_ =	swait.ge [sflag:s14], $0x4E20  }
0x7c: {  	[sflag:s14] =	ssyncset.done $0x0  }
0x7d: {  	[sflag:s14] =	ssyncadd.s32 $0xFFFFB1E0  }
0x7e: {  	[tilespmem:s23], [sflag:$0x1] =	stream.linear.gather [spmem:s3], $0x4E20, $0x38;
	[tilespmem:$0x1F640] =	vst v63  }
0x7f: {  	s24 =	sadd.s32 s0, s22;
	_ =	swait.ge [sflag:s14], $0x4E20  }
0x80: {  	s6 =	sshrl.u32 s24, $0x3;
	[sflag:s14] =	ssyncset.done $0x0  }
0x81: {  	s6 =	sadd.s32 s7, s6;
	[sflag:s14] =	ssyncadd.s32 $0xFFFFB1E0  }
0x82: {  	[hbm4b:s6+s23] =	stream.linear.scatter [tilespmem:s23], [sflag:$0x1], $0x4E20, $0x38;
	[tilespmem:$0x1F640] =	vst v63  }
0x83: {  	_ =	swait.ge [sflag:s14], $0x4E20  }
0x84: {  	[sflag:s14] =	ssyncset.done $0x0  }
0x85: {  	[sflag:s14] =	ssyncadd.s32 $0xFFFFB1E0  }
0x86: {  	[tilespmem:s23], [sflag:$0x1] =	stream.linear.gather [spmem:s9], $0x4E20, $0x38;
	[tilespmem:$0x1F640] =	vst v63  }
0x87: {  	s8 =	sadd.s32 s2, s22;
	_ =	swait.ge [sflag:s14], $0x4E20  }
0x88: {  	s6 =	sshrl.u32 s8, $0x3;
	[sflag:s14] =	ssyncset.done $0x0  }
0x89: {  	s6 =	sadd.s32 s7, s6;
	[sflag:s14] =	ssyncadd.s32 $0xFFFFB1E0  }
0x8a: {  	[hbm4b:s6+s23] =	stream.linear.scatter [tilespmem:s23], [sflag:$0x1], $0x4E20, $0x38;
	[tilespmem:$0x1F640] =	vst v63  }
0x8b: {  	_ =	swait.ge [sflag:s14], $0x4E20  }
0x8c: {  	[sflag:s14] =	ssyncset.done $0x0  }
0x8d: {  	[sflag:s14] =	ssyncadd.s32 $0xFFFFB1E0  }
0x8e: {  	[tilespmem:s23], [sflag:$0x1] =	stream.linear.gather [spmem:s12], $0x4E20, $0x38;
	[tilespmem:$0x1F640] =	vst v63  }
0x8f: {  	s21 =	sadd.s32 s10, s22;
	_ =	swait.ge [sflag:s14], $0x4E20  }
0x90: {  	s6 =	sshrl.u32 s21, $0x3;
	[sflag:s14] =	ssyncset.done $0x0  }
0x91: {  	s6 =	sadd.s32 s7, s6;
	[sflag:s14] =	ssyncadd.s32 $0xFFFFB1E0  }
0x92: {  	[hbm4b:s6+s23] =	stream.linear.scatter [tilespmem:s23], [sflag:$0x1], $0x4E20, $0x38;
	[tilespmem:$0x1F640] =	vst v63  }
0x93: {  	_ =	swait.ge [sflag:s14], $0x4E20  }
0x94: {  	[sflag:s14] =	ssyncset.done $0x0  }
0x95: {  	[sflag:s14] =	ssyncadd.s32 $0xFFFFB1E0  }
0x96: {  	[tilespmem:s23], [sflag:$0x1] =	stream.linear.gather [spmem:s13], $0x4E20, $0x38;
	[tilespmem:$0x1F640] =	vst v63  }
0x97: {  	s24 =	sadd.s32 s11, s22;
	_ =	swait.ge [sflag:s14], $0x4E20  }
0x98: {  	s6 =	sshrl.u32 s24, $0x3;
	[sflag:s14] =	ssyncset.done $0x0  }
0x99: {  	s6 =	sadd.s32 s7, s6;
	[sflag:s14] =	ssyncadd.s32 $0xFFFFB1E0  }
0x9a: {  	[hbm4b:s6+s23] =	stream.linear.scatter [tilespmem:s23], [sflag:$0x1], $0x4E20, $0x38;
	[tilespmem:$0x1F640] =	vst v63  }
0x9b: {  	_ =	swait.ge [sflag:s14], $0x4E20  }
0x9c: {  	[sflag:s14] =	ssyncset.done $0x0  }
0x9d: {  	s22 =	simm.s32 $0x50;
	[sflag:s14] =	ssyncadd.s32 $0xFFFFB1E0  }
0x9e: {  	[tilespmem:s22+$0xFFFFFFC0] =	vst v1  }
0x9f: {  	[tilespmem:s22+$0xFFFFFFD0] =	vst v1  }
0xa0: {  	[tilespmem:s22+$0xFFFFFFE0] =	vst v1  }
0xa1: {  	[tilespmem:s22+$0xFFFFFFF0] =	vst v1  }
0xa2: {  	[tilespmem:s22+$0x0] =	vst v1  }
0xa3: {  	[tilespmem:s22+$0x10] =	vst v1  }
0xa4: {  	[tilespmem:s22+$0x20] =	vst v1  }
0xa5: {  	s21 =	simm.s32 $0xA0;
	s6 =	sand.u32 $0x7FE0, s23;
	[tilespmem:s22+$0xFFFFFFB0] =	vst v1  }
.LBB2_11:
0xa6: {  	p1 =	sne.s32 s21, $0x4E20;
	[tilespmem:s6+$0x80] =	vst v1  }
0xa7: {  	[tilespmem:s22+$0x40] =	vst v1;
	s22 =	sadd.s32 $0xA0, s22  }
0xa8: {  	[tilespmem:s22+$0xFFFFFFC0] =	vst v1  }
0xa9: {  	[tilespmem:s22+$0xFFFFFFD0] =	vst v1  }
0xaa: {  	[tilespmem:s22+$0xFFFFFFE0] =	vst v1  }
.Ltmp4:
0xab: {  	[tilespmem:s22+$0xFFFFFFF0] =	vst v1;
	(pc) =	sbr.rel @p1 .LBB2_11-.Ltmp4, $4  }
0xac: {  	[tilespmem:s22+$0x0] =	vst v1  }
0xad: {  	[tilespmem:s22+$0x10] =	vst v1  }
0xae: {  	[tilespmem:s22+$0x20] =	vst v1  }
0xaf: {  	s6 =	sand.u32 $0x7FE0, s21;
	s21 =	sadd.s32 $0xA0, s21;
	[tilespmem:s22+$0xFFFFFFB0] =	vst v1  }
.Ltmp5:
0xb0: {  	(pc) =	sbr.rel @p0 .LBB2_6-.Ltmp5, $4  }
0xb1: {  	[tilespmem:s6+$0x80] =	vst v1  }
0xb2: {  	[tilespmem:s22+$0x40] =	vst v1  }
0xb3: {  	[bflag:$0x0] =	sbarrier.arrive $0xFFFF  }
0xb4: {  	s21 =	simm.s32 $0x2;
	p1 =	por $0x0, $0x0  }
0xb5: {  	s6 =	simm.s32 $0x0  }
0xb6: {  	[spmem:s18] =	stream.linear.scatter [tilespmem:s6], [sflag:$0x1], $0x4E40, $0x38;
	[tilespmem:$0x1F640] =	vst v63  }
0xb7: {  	_ =	swait.ge [sflag:s14], $0x4E40  }
0xb8: {  	[sflag:s14] =	ssyncset.done $0x0  }
0xb9: {  	[sflag:s14] =	ssyncadd.s32 $0xFFFFB1C0  }
0xba: {  	[spmem:s25] =	stream.linear.scatter [tilespmem:s6], [sflag:$0x1], $0x4E40, $0x38;
	[tilespmem:$0x1F640] =	vst v63  }
0xbb: {  	_ =	swait.ge [sflag:s14], $0x4E40  }
0xbc: {  	[sflag:s14] =	ssyncset.done $0x0  }
0xbd: {  	[sflag:s14] =	ssyncadd.s32 $0xFFFFB1C0  }
0xbe: {  	[spmem:s26] =	stream.linear.scatter [tilespmem:s6], [sflag:$0x1], $0x4E40, $0x38;
	[tilespmem:$0x1F640] =	vst v63  }
0xbf: {  	_ =	swait.ge [sflag:s14], $0x4E40  }
0xc0: {  	[sflag:s14] =	ssyncset.done $0x0  }
0xc1: {  	[sflag:s14] =	ssyncadd.s32 $0xFFFFB1C0  }
0xc2: {  	[spmem:s28] =	stream.linear.scatter [tilespmem:s6], [sflag:$0x1], $0x4E40, $0x38;
	[tilespmem:$0x1F640] =	vst v63  }
0xc3: {  	_ =	swait.ge [sflag:s14], $0x4E40  }
0xc4: {  	[sflag:s14] =	ssyncset.done $0x0  }
0xc5: {  	[sflag:s14] =	ssyncadd.s32 $0xFFFFB1C0  }
0xc6: {  	[spmem:s29] =	stream.linear.scatter [tilespmem:s6], [sflag:$0x1], $0x4E40, $0x38;
	[tilespmem:$0x1F640] =	vst v63  }
0xc7: {  	_ =	swait.ge [sflag:s14], $0x4E40  }
0xc8: {  	[sflag:s14] =	ssyncset.done $0x0  }
0xc9: {  	[sflag:s14] =	ssyncadd.s32 $0xFFFFB1C0  }
0xca: {  	[bflag:$0x0] =	sbarrier.arrive $0xFFFF  }
0xcb: {  	s8 =	rddreg [dreg:$0xa]  }
0xcc: {  	[tilespmem:s15], [sflag:$0x1] =	stream.linear.gather [hbm4b:s8+s6], $0x7D0, $0x38;
	[tilespmem:$0x1F640] =	vst v63  }
0xcd: {  	_ =	swait.ge [sflag:s14], $0x7D0  }
0xce: {  	[sflag:s14] =	ssyncset.done $0x0  }
0xcf: {  	s24 =	rddreg [dreg:$0xb];
	[sflag:s14] =	ssyncadd.s32 $0xFFFFF830  }
0xd0: {  	[tilespmem:s16], [sflag:$0x1] =	stream.linear.gather [hbm4b:s24+s6], $0x7D0, $0x38;
	[tilespmem:$0x1F640] =	vst v63  }
0xd1: {  	_ =	swait.ge [sflag:s14], $0x7D0  }
0xd2: {  	[sflag:s14] =	ssyncset.done $0x0  }
0xd3: {  	s21 =	simm.s32 $0x0;
	[sflag:s14] =	ssyncadd.s32 $0xFFFFF830  }
0xd4: {  	v4 =	vld [tilespmem:s21+$0x5700]  }
0xd5: {  	v3 =	vld [tilespmem:s21+$0x4F00];
	_ =	sdelay $0x2  }
0xd6: {  	s6 =	simm.s32 $0x40  }
.LBB2_14:
0xd7: {  	s8 =	sshra.s32 s6, $0x2;
	p0 =	sne.s32 s6, $0x1F00;
	s6 =	sadd.s32 $0x40, s6;
	v5 =	vmul.u32 $0x3E8, v4  }
.Ltmp6:
0xd8: {  	v4 =	vld [tilespmem:s8+$0x5700];
	v6 =	vadd.s32 v0, v3;
	v7 =	vmov v3;
	(pc) =	sbr.rel @p0 .LBB2_14-.Ltmp6, $4  }
0xd9: {  	v3 =	vld [tilespmem:s8+$0x4F00];
	v5 =	vadd.s32 v5, v6  }
0xda: {  	v6 =	vadd.s32 $0x7D000, v7;
	vm0 =	vlt.u32 v5, $0x7D000  }
0xdb: {  	v5 =	vsel vm0, v5, v6  }
0xdc: {  	[tilespmem:s21+$0x5F00] =	vst v5;
	s21 =	smov.u32 s8  }
0xdd: {  	v4 =	vmul.u32 $0x3E8, v4  }
0xde: {  	v5 =	vadd.s32 v0, v3  }
0xdf: {  	v4 =	vadd.s32 v4, v5  }
0xe0: {  	v3 =	vadd.s32 $0x7D000, v3;
	vm0 =	vlt.u32 v4, $0x7D000  }
0xe1: {  	v3 =	vsel vm0, v4, v3  }
0xe2: {  	[tilespmem:s21+$0x5F00] =	vst v3  }
0xe3: {  	[spmem:s1] =	stream.indirect.scatter.add.f32 [tilespmem:s20], [sflag:$0x1], $0x1, s19, s17, $0xb8;
	[tilespmem:$0x1F640] =	vst v63  }
0xe4: {  	_ =	swait.ge [sflag:s14], $0x7D0  }
0xe5: {  	[sflag:s14] =	ssyncset.done $0x0  }
0xe6: {  	s6 =	simm.s32 $0x0;
	s8 =	rddreg [dreg:$0xc];
	[sflag:s14] =	ssyncadd.s32 $0xFFFFF830  }
0xe7: {  	[tilespmem:s15], [sflag:$0x1] =	stream.linear.gather [hbm4b:s8+s6], $0x7D0, $0x38;
	[tilespmem:$0x1F640] =	vst v63  }
0xe8: {  	_ =	swait.ge [sflag:s14], $0x7D0  }
0xe9: {  	[sflag:s14] =	ssyncset.done $0x0  }
0xea: {  	s24 =	rddreg [dreg:$0xd];
	[sflag:s14] =	ssyncadd.s32 $0xFFFFF830  }
0xeb: {  	[tilespmem:s16], [sflag:$0x1] =	stream.linear.gather [hbm4b:s24+s6], $0x7D0, $0x38;
	[tilespmem:$0x1F640] =	vst v63  }
0xec: {  	_ =	swait.ge [sflag:s14], $0x7D0  }
0xed: {  	[sflag:s14] =	ssyncset.done $0x0  }
0xee: {  	s21 =	simm.s32 $0x0;
	[sflag:s14] =	ssyncadd.s32 $0xFFFFF830  }
0xef: {  	v4 =	vld [tilespmem:s21+$0x5700]  }
0xf0: {  	v3 =	vld [tilespmem:s21+$0x4F00];
	_ =	sdelay $0x2  }
0xf1: {  	s6 =	simm.s32 $0x40  }
.LBB2_16:
0xf2: {  	s8 =	sshra.s32 s6, $0x2;
	p0 =	sne.s32 s6, $0x1F00;
	s6 =	sadd.s32 $0x40, s6;
	v5 =	vmul.u32 $0x3E8, v4  }
.Ltmp7:
0xf3: {  	v4 =	vld [tilespmem:s8+$0x5700];
	v6 =	vadd.s32 v0, v3;
	v7 =	vmov v3;
	(pc) =	sbr.rel @p0 .LBB2_16-.Ltmp7, $4  }
0xf4: {  	v3 =	vld [tilespmem:s8+$0x4F00];
	v5 =	vadd.s32 v5, v6  }
0xf5: {  	v6 =	vadd.s32 $0x7D000, v7;
	vm0 =	vlt.u32 v5, $0x7D000  }
0xf6: {  	v5 =	vsel vm0, v5, v6  }
0xf7: {  	[tilespmem:s21+$0x5F00] =	vst v5;
	s21 =	smov.u32 s8  }
0xf8: {  	v4 =	vmul.u32 $0x3E8, v4  }
0xf9: {  	v5 =	vadd.s32 v0, v3  }
0xfa: {  	v4 =	vadd.s32 v4, v5  }
0xfb: {  	v3 =	vadd.s32 $0x7D000, v3;
	vm0 =	vlt.u32 v4, $0x7D000  }
0xfc: {  	v3 =	vsel vm0, v4, v3  }
0xfd: {  	[tilespmem:s21+$0x5F00] =	vst v3  }
0xfe: {  	[spmem:s1] =	stream.indirect.scatter.add.f32 [tilespmem:s20], [sflag:$0x1], $0x1, s19, s17, $0xb8;
	[tilespmem:$0x1F640] =	vst v63  }
0xff: {  	_ =	swait.ge [sflag:s14], $0x7D0  }
0x100: {  	[sflag:s14] =	ssyncset.done $0x0  }
0x101: {  	[sflag:s14] =	ssyncadd.s32 $0xFFFFF830  }
0x102: {  	[bflag:$0x0] =	sbarrier.arrive $0xFFFF  }
0x103: {  	s6 =	simm.s32 $0x0;
	s8 =	rddreg [dreg:$0xe]  }
0x104: {  	[tilespmem:s6], [sflag:$0x1] =	stream.linear.gather [spmem:s8], $0x1900, $0x38;
	[tilespmem:$0x1F640] =	vst v63  }
0x105: {  	_ =	swait.ge [sflag:s14], $0x1900  }
0x106: {  	[sflag:s14] =	ssyncset.done $0x0  }
0x107: {  	s24 =	rddreg [dreg:$0x5];
	[sflag:s14] =	ssyncadd.s32 $0xFFFFE700  }
0x108: {  	[hbm4b:s24+s6] =	stream.linear.scatter [tilespmem:s6], [sflag:$0x1], $0x1900, $0x38;
	[tilespmem:$0x1F640] =	vst v63  }
0x109: {  	_ =	swait.ge [sflag:s14], $0x1900  }
0x10a: {  	[sflag:s14] =	ssyncset.done $0x0  }
0x10b: {  	s21 =	rddreg [dreg:$0xf];
	[sflag:s14] =	ssyncadd.s32 $0xFFFFE700  }
0x10c: {  	[tilespmem:s6], [sflag:$0x1] =	stream.linear.gather [spmem:s21], $0x1900, $0x38;
	[tilespmem:$0x1F640] =	vst v63  }
0x10d: {  	_ =	swait.ge [sflag:s14], $0x1900  }
0x10e: {  	[sflag:s14] =	ssyncset.done $0x0  }
0x10f: {  	s22 =	rddreg [dreg:$0x6];
	[sflag:s14] =	ssyncadd.s32 $0xFFFFE700  }
0x110: {  	[hbm4b:s22+s6] =	stream.linear.scatter [tilespmem:s6], [sflag:$0x1], $0x1900, $0x38;
	[tilespmem:$0x1F640] =	vst v63  }
0x111: {  	_ =	swait.ge [sflag:s14], $0x1900  }
0x112: {  	[sflag:s14] =	ssyncset.done $0x0  }
0x113: {  	s23 =	rddreg [dreg:$0x10];
	[sflag:s14] =	ssyncadd.s32 $0xFFFFE700  }
0x114: {  	[tilespmem:s6], [sflag:$0x1] =	stream.linear.gather [spmem:s23], $0x1900, $0x38;
	[tilespmem:$0x1F640] =	vst v63  }
0x115: {  	_ =	swait.ge [sflag:s14], $0x1900  }
0x116: {  	[sflag:s14] =	ssyncset.done $0x0  }
0x117: {  	s24 =	rddreg [dreg:$0x7];
	[sflag:s14] =	ssyncadd.s32 $0xFFFFE700  }
0x118: {  	[hbm4b:s24+s6] =	stream.linear.scatter [tilespmem:s6], [sflag:$0x1], $0x1900, $0x38;
	[tilespmem:$0x1F640] =	vst v63  }
0x119: {  	_ =	swait.ge [sflag:s14], $0x1900  }
0x11a: {  	[sflag:s14] =	ssyncset.done $0x0  }
0x11b: {  	s21 =	rddreg [dreg:$0x11];
	[sflag:s14] =	ssyncadd.s32 $0xFFFFE700  }
0x11c: {  	[tilespmem:s6], [sflag:$0x1] =	stream.linear.gather [spmem:s21], $0x1900, $0x38;
	[tilespmem:$0x1F640] =	vst v63  }
0x11d: {  	_ =	swait.ge [sflag:s14], $0x1900  }
0x11e: {  	[sflag:s14] =	ssyncset.done $0x0  }
0x11f: {  	s22 =	rddreg [dreg:$0x8];
	[sflag:s14] =	ssyncadd.s32 $0xFFFFE700  }
0x120: {  	[hbm4b:s22+s6] =	stream.linear.scatter [tilespmem:s6], [sflag:$0x1], $0x1900, $0x38;
	[tilespmem:$0x1F640] =	vst v63  }
0x121: {  	_ =	swait.ge [sflag:s14], $0x1900  }
0x122: {  	[sflag:s14] =	ssyncset.done $0x0  }
0x123: {  	s23 =	rddreg [dreg:$0x12];
	[sflag:s14] =	ssyncadd.s32 $0xFFFFE700  }
0x124: {  	[tilespmem:s6], [sflag:$0x1] =	stream.linear.gather [spmem:s23], $0x1900, $0x38;
	[tilespmem:$0x1F640] =	vst v63  }
0x125: {  	_ =	swait.ge [sflag:s14], $0x1900  }
0x126: {  	[sflag:s14] =	ssyncset.done $0x0  }
0x127: {  	s24 =	rddreg [dreg:$0x9];
	[sflag:s14] =	ssyncadd.s32 $0xFFFFE700  }
0x128: {  	[hbm4b:s24+s6] =	stream.linear.scatter [tilespmem:s6], [sflag:$0x1], $0x1900, $0x38;
	[tilespmem:$0x1F640] =	vst v63  }
0x129: {  	_ =	swait.ge [sflag:s14], $0x1900  }
0x12a: {  	[sflag:s14] =	ssyncset.done $0x0  }
0x12b: {  	s22 =	simm.s32 $0x50;
	[sflag:s14] =	ssyncadd.s32 $0xFFFFE700  }
0x12c: {  	[tilespmem:s22+$0xFFFFFFC0] =	vst v1  }
0x12d: {  	[tilespmem:s22+$0xFFFFFFD0] =	vst v1  }
0x12e: {  	[tilespmem:s22+$0xFFFFFFE0] =	vst v1  }
0x12f: {  	[tilespmem:s22+$0xFFFFFFF0] =	vst v1  }
0x130: {  	[tilespmem:s22+$0x0] =	vst v1  }
0x131: {  	[tilespmem:s22+$0x10] =	vst v1  }
0x132: {  	[tilespmem:s22+$0x20] =	vst v1  }
0x133: {  	s21 =	simm.s32 $0xA0;
	s6 =	sand.u32 $0x7FE0, s6;
	[tilespmem:s22+$0xFFFFFFB0] =	vst v1  }
.LBB2_18:
0x134: {  	p0 =	sne.s32 s21, $0x4E20;
	[tilespmem:s6+$0x80] =	vst v1  }
0x135: {  	[tilespmem:s22+$0x40] =	vst v1;
	s22 =	sadd.s32 $0xA0, s22  }
0x136: {  	[tilespmem:s22+$0xFFFFFFC0] =	vst v1  }
0x137: {  	[tilespmem:s22+$0xFFFFFFD0] =	vst v1  }
0x138: {  	[tilespmem:s22+$0xFFFFFFE0] =	vst v1  }
.Ltmp8:
0x139: {  	[tilespmem:s22+$0xFFFFFFF0] =	vst v1;
	(pc) =	sbr.rel @p0 .LBB2_18-.Ltmp8, $4  }
0x13a: {  	[tilespmem:s22+$0x0] =	vst v1  }
0x13b: {  	[tilespmem:s22+$0x10] =	vst v1  }
0x13c: {  	[tilespmem:s22+$0x20] =	vst v1  }
0x13d: {  	s6 =	sand.u32 $0x7FE0, s21;
	s21 =	sadd.s32 $0xA0, s21;
	[tilespmem:s22+$0xFFFFFFB0] =	vst v1  }
0x13e: {  	s8 =	rddreg [dreg:$0x15]  }
0x13f: {  	s24 =	rddreg [dreg:$0x13];
	s8 =	sadd.s32 $0x1, s8  }
0x140: {  	p0 =	sne.s32 s8, s24  }
.Ltmp9:
0x141: {  	_ = 	snop;
	(pc) =	sbr.rel @p0 .LBB2_1-.Ltmp9, $3  }
0x142: {  	[tilespmem:s6+$0x80] =	vst v1  }
0x143: {  	[tilespmem:s22+$0x40] =	vst v1  }
0x144: {  	[bflag:$0x0] =	sbarrier.arrive $0xFFFF;
	_ =	sdelay $0x1  }
0x145: {  	_ =	sfence.sel $0x180000  }
0x146: {  	[bflag:$0x0] =	sbarrier.arrive $0xFFFF  }
0x147: {  	_ =	strace $0x90000047  }
0x148: {  	s0 =	stileid.u32;
	[bflag:$0x2] =	sbarrier.arrive $0xFFFF  }
0x149: {  	p0 =	sne.s32 s0, $0x0;
	s0 =	rddreg [dreg:$0x3]  }
0x14a: {  	s0 =	sadd.s32 @!p0 $0x100000, s0  }
0x14b: {  	[sflag:s0] =	ssyncadd.tile.s32 @!p0 $0x1;
	_ =	shalt  }
.Lfunc_end2:
_tile_overlayer_lowered:
.L_overlay_start_2:
0x14c: {  	(tag) =	ssettag $0x2  }
0x14d: {  	s0 =	rddreg [dreg:$0x0];
	s2 =	stileid.u32  }
0x14e: {  	s1 =	rddreg [dreg:$0x1];
	p0 =	sne.s32 s2, $0x0  }
0x14f: {  	s3 =	rddreg [dreg:$0x2];
	[bflag:$0x3] =	sbarrier.arrive $0xFFFF;
	s2 =	simm.s32 @!p0 $0x1C01  }
0x150: {  	[timem:s3], [sflag:s2] =	dma.local @!p0 [hbm:s0], s1  }
0x151: {  	s0 =	simm.s32 @!p0 $0x1  }
0x152: {  	_ =	swait.ge @!p0 [sflag:s0], s1  }
0x153: {  	s1 =	ssub.s32 @!p0 $0x0, s1;
	[sflag:s0] =	ssyncset.done @!p0 $0x0  }
0x154: {  	[sflag:s0] =	ssyncadd.s32 @!p0 s1  }
0x155: {  	[bflag:$0x3] =	sbarrier.arrive $0xFFFF  }
0x156: {  	_ =	shalt  }

</sc_bundles>
